<compile_context>
chip_gen: v7x
topology: tpu7x:2x2x1
jax: 0.10.2.dev20260603
libtpu: 0.0.44.dev20260713+nightly
codegen_flags: <defaults>
</compile_context>

<pallas_src>
import functools

import jax
import jax.numpy as jnp
from jax import lax
from jax.experimental import pallas as pl
from jax.experimental.pallas import tpu as pltpu
from jax.experimental.pallas import tpu_sc as plsc

_NC = 2
_NS = 16


def _shuffle(img, inds, *, C, H, W, npairs):
    HW = H * W
    cpc = C // _NC
    ppt = npairs // _NS
    hpt = ppt // 2
    rpt = H // _NS
    slw = HW // _NS

    mesh = plsc.VectorSubcoreMesh(core_axis_name="c", subcore_axis_name="s")

    @functools.partial(
        pl.kernel,
        out_type=jax.ShapeDtypeStruct((C, H, W), jnp.float32),
        mesh=mesh,
        scratch_types=[
            pltpu.VMEM((ppt,), jnp.int32),
            pltpu.VMEM((ppt,), jnp.int32),
            pltpu.VMEM((ppt,), jnp.int32),
            pltpu.VMEM((ppt,), jnp.int32),
            pltpu.VMEM((ppt,), jnp.float32),
            pltpu.VMEM((ppt,), jnp.float32),
            pltpu.VMEM((rpt, W), jnp.float32),
            pltpu.VMEM((slw,), jnp.float32),
            pltpu.VMEM((slw,), jnp.float32),
            pltpu.VMEM((rpt, W), jnp.float32),
            pltpu.VMEM_SHARED((HW,), jnp.float32),
            pltpu.VMEM_SHARED((HW,), jnp.float32),
            pltpu.SemaphoreType.DMA,
            pltpu.SemaphoreType.DMA,
            pltpu.SemaphoreType.DMA,
            pltpu.SemaphoreType.DMA,
            pltpu.SemaphoreType.DMA,
            pltpu.SemaphoreType.DMA,
            pltpu.SemaphoreType.DMA,
        ],
    )
    def run(img_hbm, inds_hbm, out_hbm, g0i, g1i, s0i, s1i, v0, v1,
            v2d_s, v1d_s, v1d_w, v2d_w, rowA, rowB,
            ssg, sst, srw, swb, sg0, sg1, ss):
        sc = lax.axis_index("c")
        t = lax.axis_index("s")
        ch0 = sc * cpc
        band = pl.ds(t * rpt, rpt)
        sl = pl.ds(t * slw, slw)
        for gi, si, c in ((g0i, s0i, 0), (g1i, s1i, 1)):
            pltpu.sync_copy(inds_hbm.at[pl.ds(npairs + t * ppt + c * hpt, hpt)],
                            gi.at[pl.ds(0, hpt)])
            pltpu.sync_copy(inds_hbm.at[pl.ds(t * ppt + c * hpt, hpt)],
                            gi.at[pl.ds(hpt, hpt)])
            pltpu.sync_copy(inds_hbm.at[pl.ds(t * ppt + c * hpt, hpt)],
                            si.at[pl.ds(0, hpt)])
            pltpu.sync_copy(inds_hbm.at[pl.ds(npairs + t * ppt + c * hpt, hpt)],
                            si.at[pl.ds(hpt, hpt)])

        nW = W // 16

        def reshape_in(r, carry):
            vals = [v2d_s[r, pl.ds(u * 16, 16)] for u in range(nW)]
            for u in range(nW):
                v1d_s[pl.ds(r * W + u * 16, 16)] = vals[u]
            return carry

        def reshape_out(r, carry):
            vals = [v1d_w[pl.ds(r * W + u * 16, 16)] for u in range(nW)]
            for u in range(nW):
                v2d_w[r, pl.ds(u * 16, 16)] = vals[u]
            return carry

        def stage_start(k):
            pltpu.async_copy(img_hbm.at[ch0 + k, band, :], v2d_s, ssg)

        def stage_finish(k, row):
            pltpu.make_async_copy(img_hbm.at[ch0 + k, band, :], v2d_s,
                                  ssg).wait()
            lax.fori_loop(0, rpt, reshape_in, 0)
            pltpu.async_copy(v1d_s, row.at[sl], sst)
            pltpu.make_async_copy(v1d_s, row.at[sl], sst).wait()

        def gathers(row):
            pltpu.async_copy(row.at[g0i], v0, sg0)
            pltpu.async_copy(row.at[g1i], v1, sg1)

        def phase(k, X, Y):
            @pl.when(k + 1 < cpc)
            def _():
                stage_start(k + 1)

            pltpu.make_async_copy(X.at[g0i], v0, sg0).wait()
            pltpu.async_copy(v0, X.at[s0i], ss)
            pltpu.make_async_copy(X.at[g1i], v1, sg1).wait()
            pltpu.async_copy(v1, X.at[s1i], ss)

            @pl.when(k >= 1)
            def _():
                pltpu.make_async_copy(Y.at[sl], v1d_w, srw).wait()

            @pl.when(k + 1 < cpc)
            def _():
                stage_finish(k + 1, Y)

            pltpu.make_async_copy(v0, X.at[s0i], ss).wait()
            pltpu.make_async_copy(v1, X.at[s1i], ss).wait()
            plsc.subcore_barrier()

            @pl.when(k + 1 < cpc)
            def _():
                gathers(Y)

            @pl.when(k >= 2)
            def _():
                pltpu.make_async_copy(v2d_w, out_hbm.at[ch0 + k - 2, band, :],
                                      swb).wait()

            @pl.when(k >= 1)
            def _():
                lax.fori_loop(0, rpt, reshape_out, 0)
                pltpu.async_copy(v2d_w, out_hbm.at[ch0 + k - 1, band, :], swb)

            pltpu.async_copy(X.at[sl], v1d_w, srw)

        stage_start(0)
        stage_finish(0, rowA)
        plsc.subcore_barrier()
        gathers(rowA)

        def body(k2, carry):
            k = 2 * k2
            phase(k, rowA, rowB)
            phase(k + 1, rowB, rowA)
            return carry

        lax.fori_loop(0, cpc // 2, body, 0)
        pltpu.make_async_copy(rowB.at[sl], v1d_w, srw).wait()
        pltpu.make_async_copy(v2d_w, out_hbm.at[ch0 + cpc - 2, band, :],
                              swb).wait()
        lax.fori_loop(0, rpt, reshape_out, 0)
        pltpu.async_copy(v2d_w, out_hbm.at[ch0 + cpc - 1, band, :], swb)
        pltpu.make_async_copy(v2d_w, out_hbm.at[ch0 + cpc - 1, band, :],
                              swb).wait()

    return run(img, inds)


def kernel(img, inds):
    C, H, W = img.shape
    npairs = inds.shape[0] // 2
    return _shuffle(img, inds, C=C, H=H, W=W, npairs=npairs)

# --- scband reference (transcript-rebuilt; emitter-appended) ---
"""Pipeline reference for scband-shuffle-pixels-55783035240771 (READ-ONLY COPY).

The authoritative reference and input builder live on the scoring server;
editing this copy changes nothing except your own understanding.
"""

import jax, jax.numpy as jnp
import numpy as np

C, H, W = 384, 512, 512
NUM_TO_SHUFFLE = 131072  # even -> half_num_to_shuffle = 65536
HALF = NUM_TO_SHUFFLE // 2


def setup_inputs(seed: int = 0) -> dict:
    key = jax.random.key(seed)
    k_img, k_perm = jax.random.split(key)
    img = jax.random.normal(k_img, (C, H, W), dtype=jnp.float32)
    # torch.randperm over the H*W flat pixel indices, take first 2*HALF
    inds = jax.random.permutation(k_perm, H * W)[: HALF * 2].astype(jnp.int32)
    return {"img": img, "inds": inds}


def reference(img, inds):
    # Faithful to the original: unflatten with num_rows = img.shape[1] (H)
    num_rows = img.shape[1]
    row_inds = inds // num_rows
    col_inds = inds % num_rows
    first_half_row = row_inds[:HALF]
    second_half_row = row_inds[HALF: HALF * 2]
    first_half_col = col_inds[:HALF]
    second_half_col = col_inds[HALF: HALF * 2]
    tmp = img[:, first_half_row, first_half_col]
    img = img.at[:, first_half_row, first_half_col].set(
        img[:, second_half_row, second_half_col]
    )
    img = img.at[:, second_half_row, second_half_col].set(tmp)
    return img

if __name__ == "__main__":
    import jax
    _d = setup_inputs()
    print(jax.jit(kernel)(*tuple(_d.values())))

</pallas_src>

<mosaic_0001>
#map = affine_map<(d0, d1) -> (0, 0, 0)>
#map1 = affine_map<(d0, d1) -> (0)>
module attributes {stable_mosaic.version = 14 : i64} {
  func.func @run(%arg0: i32, %arg1: i32, %arg2: memref<384x512x512xf32, #tpu.memory_space<hbm>>, %arg3: memref<131072xi32, #tpu.memory_space<hbm>>, %arg4: memref<384x512x512xf32, #tpu.memory_space<hbm>>, %arg5: memref<4096xi32, #tpu.memory_space<vmem>>, %arg6: memref<4096xi32, #tpu.memory_space<vmem>>, %arg7: memref<4096xi32, #tpu.memory_space<vmem>>, %arg8: memref<4096xi32, #tpu.memory_space<vmem>>, %arg9: memref<4096xf32, #tpu.memory_space<vmem>>, %arg10: memref<4096xf32, #tpu.memory_space<vmem>>, %arg11: memref<32x512xf32, #tpu.memory_space<vmem>>, %arg12: memref<16384xf32, #tpu.memory_space<vmem>>, %arg13: memref<16384xf32, #tpu.memory_space<vmem>>, %arg14: memref<32x512xf32, #tpu.memory_space<vmem>>, %arg15: memref<262144xf32, #tpu.memory_space<vmem_shared>>, %arg16: memref<262144xf32, #tpu.memory_space<vmem_shared>>, %arg17: memref<!tpu.dma_semaphore, #tpu.memory_space<semaphore_mem>>, %arg18: memref<!tpu.dma_semaphore, #tpu.memory_space<semaphore_mem>>, %arg19: memref<!tpu.dma_semaphore, #tpu.memory_space<semaphore_mem>>, %arg20: memref<!tpu.dma_semaphore, #tpu.memory_space<semaphore_mem>>, %arg21: memref<!tpu.dma_semaphore, #tpu.memory_space<semaphore_mem>>, %arg22: memref<!tpu.dma_semaphore, #tpu.memory_space<semaphore_mem>>, %arg23: memref<!tpu.dma_semaphore, #tpu.memory_space<semaphore_mem>>) attributes {dimension_semantics = [#tpu.dimension_semantics<core_parallel>, #tpu.dimension_semantics<subcore_parallel>], iteration_bounds = array<i64: 2, 16>, scalar_prefetch = 0 : i64, scratch_operands = 19 : i64, tpu.core_type = #tpu.core_type<sc_vector_subcore>, window_params = [{transform_indices = #map}, {transform_indices = #map1}, {transform_indices = #map}]} {
    %mul3A = arith.constant 192 : i32
    %mul3A_0 = arith.muli %arg0, %mul3A : i32
    %mul3A_1 = arith.constant 32 : i32
    %mul3A_2 = arith.muli %arg1, %mul3A_1 : i32
    %mul3A_3 = arith.constant 16384 : i32
    %mul3A_4 = arith.muli %arg1, %mul3A_3 : i32
    %mul3A_5 = arith.constant 4096 : i32
    %mul3A_6 = arith.muli %arg1, %mul3A_5 : i32
    %add3A = arith.constant 65536 : i32
    %add3A_7 = arith.addi %add3A, %mul3A_6 : i32
    %add3A_8 = arith.constant 0 : i32
    %add3A_9 = arith.addi %add3A_7, %add3A_8 : i32
    "tpu.region"() ({
      %run_scoped3A = tpu.sem_alloc : memref<!tpu.dma_semaphore, #tpu.memory_space<semaphore_mem>>
      %dma_start3A_114 = arith.constant 0 : i32
      %dma_start3A_115 = tpu.memref_slice %arg5[%dma_start3A_114] : memref<4096xi32, #tpu.memory_space<vmem>> -> memref<2048xi32, #tpu.memory_space<vmem>>
      %dma_start3A_116 = tpu.memref_slice %arg3[%add3A_9] : memref<131072xi32, #tpu.memory_space<hbm>> -> memref<2048xi32, #tpu.memory_space<hbm>>
      %dma_start3A_117 = arith.constant 0 : i32
      %dma_start3A_118 = tpu.memref_slice %arg5[%dma_start3A_117] : memref<4096xi32, #tpu.memory_space<vmem>> -> memref<2048xi32, #tpu.memory_space<vmem>>
      %dma_start3A_119 = tpu.memref_slice %arg3[%add3A_9] : memref<131072xi32, #tpu.memory_space<hbm>> -> memref<2048xi32, #tpu.memory_space<hbm>>
      tpu.enqueue_dma source(%dma_start3A_119 : memref<2048xi32, #tpu.memory_space<hbm>>) target(%dma_start3A_118 : memref<2048xi32, #tpu.memory_space<vmem>>) target_semaphore(%run_scoped3A : memref<!tpu.dma_semaphore, #tpu.memory_space<semaphore_mem>>)
      %dma_wait3A_120 = arith.constant 0 : i32
      %dma_wait3A_121 = tpu.memref_slice %arg5[%dma_wait3A_120] : memref<4096xi32, #tpu.memory_space<vmem>> -> memref<2048xi32, #tpu.memory_space<vmem>>
      %dma_wait3A_122 = tpu.memref_slice %arg3[%add3A_9] : memref<131072xi32, #tpu.memory_space<hbm>> -> memref<2048xi32, #tpu.memory_space<hbm>>
      %dma_wait3A_123 = arith.constant 0 : i32
      %dma_wait3A_124 = tpu.memref_slice %arg5[%dma_wait3A_123] : memref<4096xi32, #tpu.memory_space<vmem>> -> memref<2048xi32, #tpu.memory_space<vmem>>
      %dma_wait3A_125 = tpu.memref_slice %arg3[%add3A_9] : memref<131072xi32, #tpu.memory_space<hbm>> -> memref<2048xi32, #tpu.memory_space<hbm>>
      tpu.wait_dma2 semaphore(%run_scoped3A : memref<!tpu.dma_semaphore, #tpu.memory_space<semaphore_mem>>) src(%dma_wait3A_125 : memref<2048xi32, #tpu.memory_space<hbm>>) dst(%dma_wait3A_124 : memref<2048xi32, #tpu.memory_space<vmem>>)
      tpu.yield
    }) : () -> ()
    %mul3A_10 = arith.constant 4096 : i32
    %mul3A_11 = arith.muli %arg1, %mul3A_10 : i32
    %add3A_12 = arith.constant 0 : i32
    %add3A_13 = arith.addi %mul3A_11, %add3A_12 : i32
    "tpu.region"() ({
      %run_scoped3A = tpu.sem_alloc : memref<!tpu.dma_semaphore, #tpu.memory_space<semaphore_mem>>
      %dma_start3A_114 = arith.constant 2048 : i32
      %dma_start3A_115 = tpu.memref_slice %arg5[%dma_start3A_114] : memref<4096xi32, #tpu.memory_space<vmem>> -> memref<2048xi32, #tpu.memory_space<vmem>>
      %dma_start3A_116 = tpu.memref_slice %arg3[%add3A_13] : memref<131072xi32, #tpu.memory_space<hbm>> -> memref<2048xi32, #tpu.memory_space<hbm>>
      %dma_start3A_117 = arith.constant 2048 : i32
      %dma_start3A_118 = tpu.memref_slice %arg5[%dma_start3A_117] : memref<4096xi32, #tpu.memory_space<vmem>> -> memref<2048xi32, #tpu.memory_space<vmem>>
      %dma_start3A_119 = tpu.memref_slice %arg3[%add3A_13] : memref<131072xi32, #tpu.memory_space<hbm>> -> memref<2048xi32, #tpu.memory_space<hbm>>
      tpu.enqueue_dma source(%dma_start3A_119 : memref<2048xi32, #tpu.memory_space<hbm>>) target(%dma_start3A_118 : memref<2048xi32, #tpu.memory_space<vmem>>) target_semaphore(%run_scoped3A : memref<!tpu.dma_semaphore, #tpu.memory_space<semaphore_mem>>)
      %dma_wait3A_120 = arith.constant 2048 : i32
      %dma_wait3A_121 = tpu.memref_slice %arg5[%dma_wait3A_120] : memref<4096xi32, #tpu.memory_space<vmem>> -> memref<2048xi32, #tpu.memory_space<vmem>>
      %dma_wait3A_122 = tpu.memref_slice %arg3[%add3A_13] : memref<131072xi32, #tpu.memory_space<hbm>> -> memref<2048xi32, #tpu.memory_space<hbm>>
      %dma_wait3A_123 = arith.constant 2048 : i32
      %dma_wait3A_124 = tpu.memref_slice %arg5[%dma_wait3A_123] : memref<4096xi32, #tpu.memory_space<vmem>> -> memref<2048xi32, #tpu.memory_space<vmem>>
      %dma_wait3A_125 = tpu.memref_slice %arg3[%add3A_13] : memref<131072xi32, #tpu.memory_space<hbm>> -> memref<2048xi32, #tpu.memory_space<hbm>>
      tpu.wait_dma2 semaphore(%run_scoped3A : memref<!tpu.dma_semaphore, #tpu.memory_space<semaphore_mem>>) src(%dma_wait3A_125 : memref<2048xi32, #tpu.memory_space<hbm>>) dst(%dma_wait3A_124 : memref<2048xi32, #tpu.memory_space<vmem>>)
      tpu.yield
    }) : () -> ()
    %mul3A_14 = arith.constant 4096 : i32
    %mul3A_15 = arith.muli %arg1, %mul3A_14 : i32
    %add3A_16 = arith.constant 0 : i32
    %add3A_17 = arith.addi %mul3A_15, %add3A_16 : i32
    "tpu.region"() ({
      %run_scoped3A = tpu.sem_alloc : memref<!tpu.dma_semaphore, #tpu.memory_space<semaphore_mem>>
      %dma_start3A_114 = arith.constant 0 : i32
      %dma_start3A_115 = tpu.memref_slice %arg7[%dma_start3A_114] : memref<4096xi32, #tpu.memory_space<vmem>> -> memref<2048xi32, #tpu.memory_space<vmem>>
      %dma_start3A_116 = tpu.memref_slice %arg3[%add3A_17] : memref<131072xi32, #tpu.memory_space<hbm>> -> memref<2048xi32, #tpu.memory_space<hbm>>
      %dma_start3A_117 = arith.constant 0 : i32
      %dma_start3A_118 = tpu.memref_slice %arg7[%dma_start3A_117] : memref<4096xi32, #tpu.memory_space<vmem>> -> memref<2048xi32, #tpu.memory_space<vmem>>
      %dma_start3A_119 = tpu.memref_slice %arg3[%add3A_17] : memref<131072xi32, #tpu.memory_space<hbm>> -> memref<2048xi32, #tpu.memory_space<hbm>>
      tpu.enqueue_dma source(%dma_start3A_119 : memref<2048xi32, #tpu.memory_space<hbm>>) target(%dma_start3A_118 : memref<2048xi32, #tpu.memory_space<vmem>>) target_semaphore(%run_scoped3A : memref<!tpu.dma_semaphore, #tpu.memory_space<semaphore_mem>>)
      %dma_wait3A_120 = arith.constant 0 : i32
      %dma_wait3A_121 = tpu.memref_slice %arg7[%dma_wait3A_120] : memref<4096xi32, #tpu.memory_space<vmem>> -> memref<2048xi32, #tpu.memory_space<vmem>>
      %dma_wait3A_122 = tpu.memref_slice %arg3[%add3A_17] : memref<131072xi32, #tpu.memory_space<hbm>> -> memref<2048xi32, #tpu.memory_space<hbm>>
      %dma_wait3A_123 = arith.constant 0 : i32
      %dma_wait3A_124 = tpu.memref_slice %arg7[%dma_wait3A_123] : memref<4096xi32, #tpu.memory_space<vmem>> -> memref<2048xi32, #tpu.memory_space<vmem>>
      %dma_wait3A_125 = tpu.memref_slice %arg3[%add3A_17] : memref<131072xi32, #tpu.memory_space<hbm>> -> memref<2048xi32, #tpu.memory_space<hbm>>
      tpu.wait_dma2 semaphore(%run_scoped3A : memref<!tpu.dma_semaphore, #tpu.memory_space<semaphore_mem>>) src(%dma_wait3A_125 : memref<2048xi32, #tpu.memory_space<hbm>>) dst(%dma_wait3A_124 : memref<2048xi32, #tpu.memory_space<vmem>>)
      tpu.yield
    }) : () -> ()
    %mul3A_18 = arith.constant 4096 : i32
    %mul3A_19 = arith.muli %arg1, %mul3A_18 : i32
    %add3A_20 = arith.constant 65536 : i32
    %add3A_21 = arith.addi %add3A_20, %mul3A_19 : i32
    %add3A_22 = arith.constant 0 : i32
    %add3A_23 = arith.addi %add3A_21, %add3A_22 : i32
    "tpu.region"() ({
      %run_scoped3A = tpu.sem_alloc : memref<!tpu.dma_semaphore, #tpu.memory_space<semaphore_mem>>
      %dma_start3A_114 = arith.constant 2048 : i32
      %dma_start3A_115 = tpu.memref_slice %arg7[%dma_start3A_114] : memref<4096xi32, #tpu.memory_space<vmem>> -> memref<2048xi32, #tpu.memory_space<vmem>>
      %dma_start3A_116 = tpu.memref_slice %arg3[%add3A_23] : memref<131072xi32, #tpu.memory_space<hbm>> -> memref<2048xi32, #tpu.memory_space<hbm>>
      %dma_start3A_117 = arith.constant 2048 : i32
      %dma_start3A_118 = tpu.memref_slice %arg7[%dma_start3A_117] : memref<4096xi32, #tpu.memory_space<vmem>> -> memref<2048xi32, #tpu.memory_space<vmem>>
      %dma_start3A_119 = tpu.memref_slice %arg3[%add3A_23] : memref<131072xi32, #tpu.memory_space<hbm>> -> memref<2048xi32, #tpu.memory_space<hbm>>
      tpu.enqueue_dma source(%dma_start3A_119 : memref<2048xi32, #tpu.memory_space<hbm>>) target(%dma_start3A_118 : memref<2048xi32, #tpu.memory_space<vmem>>) target_semaphore(%run_scoped3A : memref<!tpu.dma_semaphore, #tpu.memory_space<semaphore_mem>>)
      %dma_wait3A_120 = arith.constant 2048 : i32
      %dma_wait3A_121 = tpu.memref_slice %arg7[%dma_wait3A_120] : memref<4096xi32, #tpu.memory_space<vmem>> -> memref<2048xi32, #tpu.memory_space<vmem>>
      %dma_wait3A_122 = tpu.memref_slice %arg3[%add3A_23] : memref<131072xi32, #tpu.memory_space<hbm>> -> memref<2048xi32, #tpu.memory_space<hbm>>
      %dma_wait3A_123 = arith.constant 2048 : i32
      %dma_wait3A_124 = tpu.memref_slice %arg7[%dma_wait3A_123] : memref<4096xi32, #tpu.memory_space<vmem>> -> memref<2048xi32, #tpu.memory_space<vmem>>
      %dma_wait3A_125 = tpu.memref_slice %arg3[%add3A_23] : memref<131072xi32, #tpu.memory_space<hbm>> -> memref<2048xi32, #tpu.memory_space<hbm>>
      tpu.wait_dma2 semaphore(%run_scoped3A : memref<!tpu.dma_semaphore, #tpu.memory_space<semaphore_mem>>) src(%dma_wait3A_125 : memref<2048xi32, #tpu.memory_space<hbm>>) dst(%dma_wait3A_124 : memref<2048xi32, #tpu.memory_space<vmem>>)
      tpu.yield
    }) : () -> ()
    %mul3A_24 = arith.constant 4096 : i32
    %mul3A_25 = arith.muli %arg1, %mul3A_24 : i32
    %add3A_26 = arith.constant 65536 : i32
    %add3A_27 = arith.addi %add3A_26, %mul3A_25 : i32
    %add3A_28 = arith.constant 2048 : i32
    %add3A_29 = arith.addi %add3A_27, %add3A_28 : i32
    "tpu.region"() ({
      %run_scoped3A = tpu.sem_alloc : memref<!tpu.dma_semaphore, #tpu.memory_space<semaphore_mem>>
      %dma_start3A_114 = arith.constant 0 : i32
      %dma_start3A_115 = tpu.memref_slice %arg6[%dma_start3A_114] : memref<4096xi32, #tpu.memory_space<vmem>> -> memref<2048xi32, #tpu.memory_space<vmem>>
      %dma_start3A_116 = tpu.memref_slice %arg3[%add3A_29] : memref<131072xi32, #tpu.memory_space<hbm>> -> memref<2048xi32, #tpu.memory_space<hbm>>
      %dma_start3A_117 = arith.constant 0 : i32
      %dma_start3A_118 = tpu.memref_slice %arg6[%dma_start3A_117] : memref<4096xi32, #tpu.memory_space<vmem>> -> memref<2048xi32, #tpu.memory_space<vmem>>
      %dma_start3A_119 = tpu.memref_slice %arg3[%add3A_29] : memref<131072xi32, #tpu.memory_space<hbm>> -> memref<2048xi32, #tpu.memory_space<hbm>>
      tpu.enqueue_dma source(%dma_start3A_119 : memref<2048xi32, #tpu.memory_space<hbm>>) target(%dma_start3A_118 : memref<2048xi32, #tpu.memory_space<vmem>>) target_semaphore(%run_scoped3A : memref<!tpu.dma_semaphore, #tpu.memory_space<semaphore_mem>>)
      %dma_wait3A_120 = arith.constant 0 : i32
      %dma_wait3A_121 = tpu.memref_slice %arg6[%dma_wait3A_120] : memref<4096xi32, #tpu.memory_space<vmem>> -> memref<2048xi32, #tpu.memory_space<vmem>>
      %dma_wait3A_122 = tpu.memref_slice %arg3[%add3A_29] : memref<131072xi32, #tpu.memory_space<hbm>> -> memref<2048xi32, #tpu.memory_space<hbm>>
      %dma_wait3A_123 = arith.constant 0 : i32
      %dma_wait3A_124 = tpu.memref_slice %arg6[%dma_wait3A_123] : memref<4096xi32, #tpu.memory_space<vmem>> -> memref<2048xi32, #tpu.memory_space<vmem>>
      %dma_wait3A_125 = tpu.memref_slice %arg3[%add3A_29] : memref<131072xi32, #tpu.memory_space<hbm>> -> memref<2048xi32, #tpu.memory_space<hbm>>
      tpu.wait_dma2 semaphore(%run_scoped3A : memref<!tpu.dma_semaphore, #tpu.memory_space<semaphore_mem>>) src(%dma_wait3A_125 : memref<2048xi32, #tpu.memory_space<hbm>>) dst(%dma_wait3A_124 : memref<2048xi32, #tpu.memory_space<vmem>>)
      tpu.yield
    }) : () -> ()
    %mul3A_30 = arith.constant 4096 : i32
    %mul3A_31 = arith.muli %arg1, %mul3A_30 : i32
    %add3A_32 = arith.constant 2048 : i32
    %add3A_33 = arith.addi %mul3A_31, %add3A_32 : i32
    "tpu.region"() ({
      %run_scoped3A = tpu.sem_alloc : memref<!tpu.dma_semaphore, #tpu.memory_space<semaphore_mem>>
      %dma_start3A_114 = arith.constant 2048 : i32
      %dma_start3A_115 = tpu.memref_slice %arg6[%dma_start3A_114] : memref<4096xi32, #tpu.memory_space<vmem>> -> memref<2048xi32, #tpu.memory_space<vmem>>
      %dma_start3A_116 = tpu.memref_slice %arg3[%add3A_33] : memref<131072xi32, #tpu.memory_space<hbm>> -> memref<2048xi32, #tpu.memory_space<hbm>>
      %dma_start3A_117 = arith.constant 2048 : i32
      %dma_start3A_118 = tpu.memref_slice %arg6[%dma_start3A_117] : memref<4096xi32, #tpu.memory_space<vmem>> -> memref<2048xi32, #tpu.memory_space<vmem>>
      %dma_start3A_119 = tpu.memref_slice %arg3[%add3A_33] : memref<131072xi32, #tpu.memory_space<hbm>> -> memref<2048xi32, #tpu.memory_space<hbm>>
      tpu.enqueue_dma source(%dma_start3A_119 : memref<2048xi32, #tpu.memory_space<hbm>>) target(%dma_start3A_118 : memref<2048xi32, #tpu.memory_space<vmem>>) target_semaphore(%run_scoped3A : memref<!tpu.dma_semaphore, #tpu.memory_space<semaphore_mem>>)
      %dma_wait3A_120 = arith.constant 2048 : i32
      %dma_wait3A_121 = tpu.memref_slice %arg6[%dma_wait3A_120] : memref<4096xi32, #tpu.memory_space<vmem>> -> memref<2048xi32, #tpu.memory_space<vmem>>
      %dma_wait3A_122 = tpu.memref_slice %arg3[%add3A_33] : memref<131072xi32, #tpu.memory_space<hbm>> -> memref<2048xi32, #tpu.memory_space<hbm>>
      %dma_wait3A_123 = arith.constant 2048 : i32
      %dma_wait3A_124 = tpu.memref_slice %arg6[%dma_wait3A_123] : memref<4096xi32, #tpu.memory_space<vmem>> -> memref<2048xi32, #tpu.memory_space<vmem>>
      %dma_wait3A_125 = tpu.memref_slice %arg3[%add3A_33] : memref<131072xi32, #tpu.memory_space<hbm>> -> memref<2048xi32, #tpu.memory_space<hbm>>
      tpu.wait_dma2 semaphore(%run_scoped3A : memref<!tpu.dma_semaphore, #tpu.memory_space<semaphore_mem>>) src(%dma_wait3A_125 : memref<2048xi32, #tpu.memory_space<hbm>>) dst(%dma_wait3A_124 : memref<2048xi32, #tpu.memory_space<vmem>>)
      tpu.yield
    }) : () -> ()
    %mul3A_34 = arith.constant 4096 : i32
    %mul3A_35 = arith.muli %arg1, %mul3A_34 : i32
    %add3A_36 = arith.constant 2048 : i32
    %add3A_37 = arith.addi %mul3A_35, %add3A_36 : i32
    "tpu.region"() ({
      %run_scoped3A = tpu.sem_alloc : memref<!tpu.dma_semaphore, #tpu.memory_space<semaphore_mem>>
      %dma_start3A_114 = arith.constant 0 : i32
      %dma_start3A_115 = tpu.memref_slice %arg8[%dma_start3A_114] : memref<4096xi32, #tpu.memory_space<vmem>> -> memref<2048xi32, #tpu.memory_space<vmem>>
      %dma_start3A_116 = tpu.memref_slice %arg3[%add3A_37] : memref<131072xi32, #tpu.memory_space<hbm>> -> memref<2048xi32, #tpu.memory_space<hbm>>
      %dma_start3A_117 = arith.constant 0 : i32
      %dma_start3A_118 = tpu.memref_slice %arg8[%dma_start3A_117] : memref<4096xi32, #tpu.memory_space<vmem>> -> memref<2048xi32, #tpu.memory_space<vmem>>
      %dma_start3A_119 = tpu.memref_slice %arg3[%add3A_37] : memref<131072xi32, #tpu.memory_space<hbm>> -> memref<2048xi32, #tpu.memory_space<hbm>>
      tpu.enqueue_dma source(%dma_start3A_119 : memref<2048xi32, #tpu.memory_space<hbm>>) target(%dma_start3A_118 : memref<2048xi32, #tpu.memory_space<vmem>>) target_semaphore(%run_scoped3A : memref<!tpu.dma_semaphore, #tpu.memory_space<semaphore_mem>>)
      %dma_wait3A_120 = arith.constant 0 : i32
      %dma_wait3A_121 = tpu.memref_slice %arg8[%dma_wait3A_120] : memref<4096xi32, #tpu.memory_space<vmem>> -> memref<2048xi32, #tpu.memory_space<vmem>>
      %dma_wait3A_122 = tpu.memref_slice %arg3[%add3A_37] : memref<131072xi32, #tpu.memory_space<hbm>> -> memref<2048xi32, #tpu.memory_space<hbm>>
      %dma_wait3A_123 = arith.constant 0 : i32
      %dma_wait3A_124 = tpu.memref_slice %arg8[%dma_wait3A_123] : memref<4096xi32, #tpu.memory_space<vmem>> -> memref<2048xi32, #tpu.memory_space<vmem>>
      %dma_wait3A_125 = tpu.memref_slice %arg3[%add3A_37] : memref<131072xi32, #tpu.memory_space<hbm>> -> memref<2048xi32, #tpu.memory_space<hbm>>
      tpu.wait_dma2 semaphore(%run_scoped3A : memref<!tpu.dma_semaphore, #tpu.memory_space<semaphore_mem>>) src(%dma_wait3A_125 : memref<2048xi32, #tpu.memory_space<hbm>>) dst(%dma_wait3A_124 : memref<2048xi32, #tpu.memory_space<vmem>>)
      tpu.yield
    }) : () -> ()
    %mul3A_38 = arith.constant 4096 : i32
    %mul3A_39 = arith.muli %arg1, %mul3A_38 : i32
    %add3A_40 = arith.constant 65536 : i32
    %add3A_41 = arith.addi %add3A_40, %mul3A_39 : i32
    %add3A_42 = arith.constant 2048 : i32
    %add3A_43 = arith.addi %add3A_41, %add3A_42 : i32
    "tpu.region"() ({
      %run_scoped3A = tpu.sem_alloc : memref<!tpu.dma_semaphore, #tpu.memory_space<semaphore_mem>>
      %dma_start3A_114 = arith.constant 2048 : i32
      %dma_start3A_115 = tpu.memref_slice %arg8[%dma_start3A_114] : memref<4096xi32, #tpu.memory_space<vmem>> -> memref<2048xi32, #tpu.memory_space<vmem>>
      %dma_start3A_116 = tpu.memref_slice %arg3[%add3A_43] : memref<131072xi32, #tpu.memory_space<hbm>> -> memref<2048xi32, #tpu.memory_space<hbm>>
      %dma_start3A_117 = arith.constant 2048 : i32
      %dma_start3A_118 = tpu.memref_slice %arg8[%dma_start3A_117] : memref<4096xi32, #tpu.memory_space<vmem>> -> memref<2048xi32, #tpu.memory_space<vmem>>
      %dma_start3A_119 = tpu.memref_slice %arg3[%add3A_43] : memref<131072xi32, #tpu.memory_space<hbm>> -> memref<2048xi32, #tpu.memory_space<hbm>>
      tpu.enqueue_dma source(%dma_start3A_119 : memref<2048xi32, #tpu.memory_space<hbm>>) target(%dma_start3A_118 : memref<2048xi32, #tpu.memory_space<vmem>>) target_semaphore(%run_scoped3A : memref<!tpu.dma_semaphore, #tpu.memory_space<semaphore_mem>>)
      %dma_wait3A_120 = arith.constant 2048 : i32
      %dma_wait3A_121 = tpu.memref_slice %arg8[%dma_wait3A_120] : memref<4096xi32, #tpu.memory_space<vmem>> -> memref<2048xi32, #tpu.memory_space<vmem>>
      %dma_wait3A_122 = tpu.memref_slice %arg3[%add3A_43] : memref<131072xi32, #tpu.memory_space<hbm>> -> memref<2048xi32, #tpu.memory_space<hbm>>
      %dma_wait3A_123 = arith.constant 2048 : i32
      %dma_wait3A_124 = tpu.memref_slice %arg8[%dma_wait3A_123] : memref<4096xi32, #tpu.memory_space<vmem>> -> memref<2048xi32, #tpu.memory_space<vmem>>
      %dma_wait3A_125 = tpu.memref_slice %arg3[%add3A_43] : memref<131072xi32, #tpu.memory_space<hbm>> -> memref<2048xi32, #tpu.memory_space<hbm>>
      tpu.wait_dma2 semaphore(%run_scoped3A : memref<!tpu.dma_semaphore, #tpu.memory_space<semaphore_mem>>) src(%dma_wait3A_125 : memref<2048xi32, #tpu.memory_space<hbm>>) dst(%dma_wait3A_124 : memref<2048xi32, #tpu.memory_space<vmem>>)
      tpu.yield
    }) : () -> ()
    %add3A_44 = arith.constant 0 : i32
    %add3A_45 = arith.addi %mul3A_0, %add3A_44 : i32
    %dma_start3A = arith.constant 0 : i32
    %dma_start3A_46 = tpu.memref_slice %arg2[%add3A_45, %mul3A_2, %dma_start3A] : memref<384x512x512xf32, #tpu.memory_space<hbm>> -> memref<1x32x512xf32, #tpu.memory_space<hbm>>
    %dma_start3A_47 = tpu.memref_squeeze %dma_start3A_46 : memref<1x32x512xf32, #tpu.memory_space<hbm>> -> memref<32x512xf32, #tpu.memory_space<hbm>>
    %dma_start3A_48 = arith.constant 0 : i32
    %dma_start3A_49 = tpu.memref_slice %arg2[%add3A_45, %mul3A_2, %dma_start3A_48] : memref<384x512x512xf32, #tpu.memory_space<hbm>> -> memref<1x32x512xf32, #tpu.memory_space<hbm>>
    %dma_start3A_50 = tpu.memref_squeeze %dma_start3A_49 : memref<1x32x512xf32, #tpu.memory_space<hbm>> -> memref<32x512xf32, #tpu.memory_space<hbm>>
    tpu.enqueue_dma source(%dma_start3A_50 : memref<32x512xf32, #tpu.memory_space<hbm>>) target(%arg11 : memref<32x512xf32, #tpu.memory_space<vmem>>) target_semaphore(%arg17 : memref<!tpu.dma_semaphore, #tpu.memory_space<semaphore_mem>>)
    %add3A_51 = arith.constant 0 : i32
    %add3A_52 = arith.addi %mul3A_0, %add3A_51 : i32
    %dma_wait3A = arith.constant 0 : i32
    %dma_wait3A_53 = tpu.memref_slice %arg2[%add3A_52, %mul3A_2, %dma_wait3A] : memref<384x512x512xf32, #tpu.memory_space<hbm>> -> memref<1x32x512xf32, #tpu.memory_space<hbm>>
    %dma_wait3A_54 = tpu.memref_squeeze %dma_wait3A_53 : memref<1x32x512xf32, #tpu.memory_space<hbm>> -> memref<32x512xf32, #tpu.memory_space<hbm>>
    %dma_wait3A_55 = arith.constant 0 : i32
    %dma_wait3A_56 = tpu.memref_slice %arg2[%add3A_52, %mul3A_2, %dma_wait3A_55] : memref<384x512x512xf32, #tpu.memory_space<hbm>> -> memref<1x32x512xf32, #tpu.memory_space<hbm>>
    %dma_wait3A_57 = tpu.memref_squeeze %dma_wait3A_56 : memref<1x32x512xf32, #tpu.memory_space<hbm>> -> memref<32x512xf32, #tpu.memory_space<hbm>>
    tpu.wait_dma2 semaphore(%arg17 : memref<!tpu.dma_semaphore, #tpu.memory_space<semaphore_mem>>) src(%dma_wait3A_57 : memref<32x512xf32, #tpu.memory_space<hbm>>) dst(%arg11 : memref<32x512xf32, #tpu.memory_space<vmem>>)
    %scan3A = arith.constant 0 : i32
    %scan3A_58 = arith.constant 0 : i32
    %scan3A_59 = arith.constant 32 : i32
    %scan3A_60 = arith.addi %scan3A_58, %scan3A_59 : i32
    %scan3A_61 = arith.constant 1 : i32
    scf.for %scan3A_114 = %scan3A_58 to %scan3A_60 step %scan3A_61  : i32 {
      %get3A = arith.index_cast %scan3A_114 : i32 to index
      %get3A_115 = arith.constant 0 : index
      %get3A_116 = tpu.vector_load %arg11[%get3A, %get3A_115] {strides = array<i32>} : memref<32x512xf32, #tpu.memory_space<vmem>>, vector<1x16xf32>,
      %get3A_117 = vector.shape_cast %get3A_116 : vector<1x16xf32> to vector<16xf32>
      %get3A_118 = arith.index_cast %scan3A_114 : i32 to index
      %get3A_119 = arith.constant 16 : index
      %get3A_120 = tpu.vector_load %arg11[%get3A_118, %get3A_119] {strides = array<i32>} : memref<32x512xf32, #tpu.memory_space<vmem>>, vector<1x16xf32>,
      %get3A_121 = vector.shape_cast %get3A_120 : vector<1x16xf32> to vector<16xf32>
      %get3A_122 = arith.index_cast %scan3A_114 : i32 to index
      %get3A_123 = arith.constant 32 : index
      %get3A_124 = tpu.vector_load %arg11[%get3A_122, %get3A_123] {strides = array<i32>} : memref<32x512xf32, #tpu.memory_space<vmem>>, vector<1x16xf32>,
      %get3A_125 = vector.shape_cast %get3A_124 : vector<1x16xf32> to vector<16xf32>
      %get3A_126 = arith.index_cast %scan3A_114 : i32 to index
      %get3A_127 = arith.constant 48 : index
      %get3A_128 = tpu.vector_load %arg11[%get3A_126, %get3A_127] {strides = array<i32>} : memref<32x512xf32, #tpu.memory_space<vmem>>, vector<1x16xf32>,
      %get3A_129 = vector.shape_cast %get3A_128 : vector<1x16xf32> to vector<16xf32>
      %get3A_130 = arith.index_cast %scan3A_114 : i32 to index
      %get3A_131 = arith.constant 64 : index
      %get3A_132 = tpu.vector_load %arg11[%get3A_130, %get3A_131] {strides = array<i32>} : memref<32x512xf32, #tpu.memory_space<vmem>>, vector<1x16xf32>,
      %get3A_133 = vector.shape_cast %get3A_132 : vector<1x16xf32> to vector<16xf32>
      %get3A_134 = arith.index_cast %scan3A_114 : i32 to index
      %get3A_135 = arith.constant 80 : index
      %get3A_136 = tpu.vector_load %arg11[%get3A_134, %get3A_135] {strides = array<i32>} : memref<32x512xf32, #tpu.memory_space<vmem>>, vector<1x16xf32>,
      %get3A_137 = vector.shape_cast %get3A_136 : vector<1x16xf32> to vector<16xf32>
      %get3A_138 = arith.index_cast %scan3A_114 : i32 to index
      %get3A_139 = arith.constant 96 : index
      %get3A_140 = tpu.vector_load %arg11[%get3A_138, %get3A_139] {strides = array<i32>} : memref<32x512xf32, #tpu.memory_space<vmem>>, vector<1x16xf32>,
      %get3A_141 = vector.shape_cast %get3A_140 : vector<1x16xf32> to vector<16xf32>
      %get3A_142 = arith.index_cast %scan3A_114 : i32 to index
      %get3A_143 = arith.constant 112 : index
      %get3A_144 = tpu.vector_load %arg11[%get3A_142, %get3A_143] {strides = array<i32>} : memref<32x512xf32, #tpu.memory_space<vmem>>, vector<1x16xf32>,
      %get3A_145 = vector.shape_cast %get3A_144 : vector<1x16xf32> to vector<16xf32>
      %get3A_146 = arith.index_cast %scan3A_114 : i32 to index
      %get3A_147 = arith.constant 128 : index
      %get3A_148 = tpu.vector_load %arg11[%get3A_146, %get3A_147] {strides = array<i32>} : memref<32x512xf32, #tpu.memory_space<vmem>>, vector<1x16xf32>,
      %get3A_149 = vector.shape_cast %get3A_148 : vector<1x16xf32> to vector<16xf32>
      %get3A_150 = arith.index_cast %scan3A_114 : i32 to index
      %get3A_151 = arith.constant 144 : index
      %get3A_152 = tpu.vector_load %arg11[%get3A_150, %get3A_151] {strides = array<i32>} : memref<32x512xf32, #tpu.memory_space<vmem>>, vector<1x16xf32>,
      %get3A_153 = vector.shape_cast %get3A_152 : vector<1x16xf32> to vector<16xf32>
      %get3A_154 = arith.index_cast %scan3A_114 : i32 to index
      %get3A_155 = arith.constant 160 : index
      %get3A_156 = tpu.vector_load %arg11[%get3A_154, %get3A_155] {strides = array<i32>} : memref<32x512xf32, #tpu.memory_space<vmem>>, vector<1x16xf32>,
      %get3A_157 = vector.shape_cast %get3A_156 : vector<1x16xf32> to vector<16xf32>
      %get3A_158 = arith.index_cast %scan3A_114 : i32 to index
      %get3A_159 = arith.constant 176 : index
      %get3A_160 = tpu.vector_load %arg11[%get3A_158, %get3A_159] {strides = array<i32>} : memref<32x512xf32, #tpu.memory_space<vmem>>, vector<1x16xf32>,
      %get3A_161 = vector.shape_cast %get3A_160 : vector<1x16xf32> to vector<16xf32>
      %get3A_162 = arith.index_cast %scan3A_114 : i32 to index
      %get3A_163 = arith.constant 192 : index
      %get3A_164 = tpu.vector_load %arg11[%get3A_162, %get3A_163] {strides = array<i32>} : memref<32x512xf32, #tpu.memory_space<vmem>>, vector<1x16xf32>,
      %get3A_165 = vector.shape_cast %get3A_164 : vector<1x16xf32> to vector<16xf32>
      %get3A_166 = arith.index_cast %scan3A_114 : i32 to index
      %get3A_167 = arith.constant 208 : index
      %get3A_168 = tpu.vector_load %arg11[%get3A_166, %get3A_167] {strides = array<i32>} : memref<32x512xf32, #tpu.memory_space<vmem>>, vector<1x16xf32>,
      %get3A_169 = vector.shape_cast %get3A_168 : vector<1x16xf32> to vector<16xf32>
      %get3A_170 = arith.index_cast %scan3A_114 : i32 to index
      %get3A_171 = arith.constant 224 : index
      %get3A_172 = tpu.vector_load %arg11[%get3A_170, %get3A_171] {strides = array<i32>} : memref<32x512xf32, #tpu.memory_space<vmem>>, vector<1x16xf32>,
      %get3A_173 = vector.shape_cast %get3A_172 : vector<1x16xf32> to vector<16xf32>
      %get3A_174 = arith.index_cast %scan3A_114 : i32 to index
      %get3A_175 = arith.constant 240 : index
      %get3A_176 = tpu.vector_load %arg11[%get3A_174, %get3A_175] {strides = array<i32>} : memref<32x512xf32, #tpu.memory_space<vmem>>, vector<1x16xf32>,
      %get3A_177 = vector.shape_cast %get3A_176 : vector<1x16xf32> to vector<16xf32>
      %get3A_178 = arith.index_cast %scan3A_114 : i32 to index
      %get3A_179 = arith.constant 256 : index
      %get3A_180 = tpu.vector_load %arg11[%get3A_178, %get3A_179] {strides = array<i32>} : memref<32x512xf32, #tpu.memory_space<vmem>>, vector<1x16xf32>,
      %get3A_181 = vector.shape_cast %get3A_180 : vector<1x16xf32> to vector<16xf32>
      %get3A_182 = arith.index_cast %scan3A_114 : i32 to index
      %get3A_183 = arith.constant 272 : index
      %get3A_184 = tpu.vector_load %arg11[%get3A_182, %get3A_183] {strides = array<i32>} : memref<32x512xf32, #tpu.memory_space<vmem>>, vector<1x16xf32>,
      %get3A_185 = vector.shape_cast %get3A_184 : vector<1x16xf32> to vector<16xf32>
      %get3A_186 = arith.index_cast %scan3A_114 : i32 to index
      %get3A_187 = arith.constant 288 : index
      %get3A_188 = tpu.vector_load %arg11[%get3A_186, %get3A_187] {strides = array<i32>} : memref<32x512xf32, #tpu.memory_space<vmem>>, vector<1x16xf32>,
      %get3A_189 = vector.shape_cast %get3A_188 : vector<1x16xf32> to vector<16xf32>
      %get3A_190 = arith.index_cast %scan3A_114 : i32 to index
      %get3A_191 = arith.constant 304 : index
      %get3A_192 = tpu.vector_load %arg11[%get3A_190, %get3A_191] {strides = array<i32>} : memref<32x512xf32, #tpu.memory_space<vmem>>, vector<1x16xf32>,
      %get3A_193 = vector.shape_cast %get3A_192 : vector<1x16xf32> to vector<16xf32>
      %get3A_194 = arith.index_cast %scan3A_114 : i32 to index
      %get3A_195 = arith.constant 320 : index
      %get3A_196 = tpu.vector_load %arg11[%get3A_194, %get3A_195] {strides = array<i32>} : memref<32x512xf32, #tpu.memory_space<vmem>>, vector<1x16xf32>,
      %get3A_197 = vector.shape_cast %get3A_196 : vector<1x16xf32> to vector<16xf32>
      %get3A_198 = arith.index_cast %scan3A_114 : i32 to index
      %get3A_199 = arith.constant 336 : index
      %get3A_200 = tpu.vector_load %arg11[%get3A_198, %get3A_199] {strides = array<i32>} : memref<32x512xf32, #tpu.memory_space<vmem>>, vector<1x16xf32>,
      %get3A_201 = vector.shape_cast %get3A_200 : vector<1x16xf32> to vector<16xf32>
      %get3A_202 = arith.index_cast %scan3A_114 : i32 to index
      %get3A_203 = arith.constant 352 : index
      %get3A_204 = tpu.vector_load %arg11[%get3A_202, %get3A_203] {strides = array<i32>} : memref<32x512xf32, #tpu.memory_space<vmem>>, vector<1x16xf32>,
      %get3A_205 = vector.shape_cast %get3A_204 : vector<1x16xf32> to vector<16xf32>
      %get3A_206 = arith.index_cast %scan3A_114 : i32 to index
      %get3A_207 = arith.constant 368 : index
      %get3A_208 = tpu.vector_load %arg11[%get3A_206, %get3A_207] {strides = array<i32>} : memref<32x512xf32, #tpu.memory_space<vmem>>, vector<1x16xf32>,
      %get3A_209 = vector.shape_cast %get3A_208 : vector<1x16xf32> to vector<16xf32>
      %get3A_210 = arith.index_cast %scan3A_114 : i32 to index
      %get3A_211 = arith.constant 384 : index
      %get3A_212 = tpu.vector_load %arg11[%get3A_210, %get3A_211] {strides = array<i32>} : memref<32x512xf32, #tpu.memory_space<vmem>>, vector<1x16xf32>,
      %get3A_213 = vector.shape_cast %get3A_212 : vector<1x16xf32> to vector<16xf32>
      %get3A_214 = arith.index_cast %scan3A_114 : i32 to index
      %get3A_215 = arith.constant 400 : index
      %get3A_216 = tpu.vector_load %arg11[%get3A_214, %get3A_215] {strides = array<i32>} : memref<32x512xf32, #tpu.memory_space<vmem>>, vector<1x16xf32>,
      %get3A_217 = vector.shape_cast %get3A_216 : vector<1x16xf32> to vector<16xf32>
      %get3A_218 = arith.index_cast %scan3A_114 : i32 to index
      %get3A_219 = arith.constant 416 : index
      %get3A_220 = tpu.vector_load %arg11[%get3A_218, %get3A_219] {strides = array<i32>} : memref<32x512xf32, #tpu.memory_space<vmem>>, vector<1x16xf32>,
      %get3A_221 = vector.shape_cast %get3A_220 : vector<1x16xf32> to vector<16xf32>
      %get3A_222 = arith.index_cast %scan3A_114 : i32 to index
      %get3A_223 = arith.constant 432 : index
      %get3A_224 = tpu.vector_load %arg11[%get3A_222, %get3A_223] {strides = array<i32>} : memref<32x512xf32, #tpu.memory_space<vmem>>, vector<1x16xf32>,
      %get3A_225 = vector.shape_cast %get3A_224 : vector<1x16xf32> to vector<16xf32>
      %get3A_226 = arith.index_cast %scan3A_114 : i32 to index
      %get3A_227 = arith.constant 448 : index
      %get3A_228 = tpu.vector_load %arg11[%get3A_226, %get3A_227] {strides = array<i32>} : memref<32x512xf32, #tpu.memory_space<vmem>>, vector<1x16xf32>,
      %get3A_229 = vector.shape_cast %get3A_228 : vector<1x16xf32> to vector<16xf32>
      %get3A_230 = arith.index_cast %scan3A_114 : i32 to index
      %get3A_231 = arith.constant 464 : index
      %get3A_232 = tpu.vector_load %arg11[%get3A_230, %get3A_231] {strides = array<i32>} : memref<32x512xf32, #tpu.memory_space<vmem>>, vector<1x16xf32>,
      %get3A_233 = vector.shape_cast %get3A_232 : vector<1x16xf32> to vector<16xf32>
      %get3A_234 = arith.index_cast %scan3A_114 : i32 to index
      %get3A_235 = arith.constant 480 : index
      %get3A_236 = tpu.vector_load %arg11[%get3A_234, %get3A_235] {strides = array<i32>} : memref<32x512xf32, #tpu.memory_space<vmem>>, vector<1x16xf32>,
      %get3A_237 = vector.shape_cast %get3A_236 : vector<1x16xf32> to vector<16xf32>
      %get3A_238 = arith.index_cast %scan3A_114 : i32 to index
      %get3A_239 = arith.constant 496 : index
      %get3A_240 = tpu.vector_load %arg11[%get3A_238, %get3A_239] {strides = array<i32>} : memref<32x512xf32, #tpu.memory_space<vmem>>, vector<1x16xf32>,
      %get3A_241 = vector.shape_cast %get3A_240 : vector<1x16xf32> to vector<16xf32>
      %mul3A_242 = arith.constant 512 : i32
      %mul3A_243 = arith.muli %scan3A_114, %mul3A_242 : i32
      %add3A_244 = arith.constant 0 : i32
      %add3A_245 = arith.addi %mul3A_243, %add3A_244 : i32
      %swap3A = arith.index_cast %add3A_245 : i32 to index
      %swap3A_246 = tpu.vector_load %arg12[%swap3A] {strides = array<i32>} : memref<16384xf32, #tpu.memory_space<vmem>>, vector<16xf32>,
      %swap3A_247 = vector.shape_cast %swap3A_246 : vector<16xf32> to vector<16xf32>
      %swap3A_248 = vector.shape_cast %get3A_117 : vector<16xf32> to vector<16xf32>
      tpu.vector_store %arg12[%swap3A], %swap3A_248 {strides = array<i32>} : memref<16384xf32, #tpu.memory_space<vmem>>, vector<16xf32>,
      %mul3A_249 = arith.constant 512 : i32
      %mul3A_250 = arith.muli %scan3A_114, %mul3A_249 : i32
      %add3A_251 = arith.constant 16 : i32
      %add3A_252 = arith.addi %mul3A_250, %add3A_251 : i32
      %swap3A_253 = arith.index_cast %add3A_252 : i32 to index
      %swap3A_254 = tpu.vector_load %arg12[%swap3A_253] {strides = array<i32>} : memref<16384xf32, #tpu.memory_space<vmem>>, vector<16xf32>,
      %swap3A_255 = vector.shape_cast %swap3A_254 : vector<16xf32> to vector<16xf32>
      %swap3A_256 = vector.shape_cast %get3A_121 : vector<16xf32> to vector<16xf32>
      tpu.vector_store %arg12[%swap3A_253], %swap3A_256 {strides = array<i32>} : memref<16384xf32, #tpu.memory_space<vmem>>, vector<16xf32>,
      %mul3A_257 = arith.constant 512 : i32
      %mul3A_258 = arith.muli %scan3A_114, %mul3A_257 : i32
      %add3A_259 = arith.constant 32 : i32
      %add3A_260 = arith.addi %mul3A_258, %add3A_259 : i32
      %swap3A_261 = arith.index_cast %add3A_260 : i32 to index
      %swap3A_262 = tpu.vector_load %arg12[%swap3A_261] {strides = array<i32>} : memref<16384xf32, #tpu.memory_space<vmem>>, vector<16xf32>,
      %swap3A_263 = vector.shape_cast %swap3A_262 : vector<16xf32> to vector<16xf32>
      %swap3A_264 = vector.shape_cast %get3A_125 : vector<16xf32> to vector<16xf32>
      tpu.vector_store %arg12[%swap3A_261], %swap3A_264 {strides = array<i32>} : memref<16384xf32, #tpu.memory_space<vmem>>, vector<16xf32>,
      %mul3A_265 = arith.constant 512 : i32
      %mul3A_266 = arith.muli %scan3A_114, %mul3A_265 : i32
      %add3A_267 = arith.constant 48 : i32
      %add3A_268 = arith.addi %mul3A_266, %add3A_267 : i32
      %swap3A_269 = arith.index_cast %add3A_268 : i32 to index
      %swap3A_270 = tpu.vector_load %arg12[%swap3A_269] {strides = array<i32>} : memref<16384xf32, #tpu.memory_space<vmem>>, vector<16xf32>,
      %swap3A_271 = vector.shape_cast %swap3A_270 : vector<16xf32> to vector<16xf32>
      %swap3A_272 = vector.shape_cast %get3A_129 : vector<16xf32> to vector<16xf32>
      tpu.vector_store %arg12[%swap3A_269], %swap3A_272 {strides = array<i32>} : memref<16384xf32, #tpu.memory_space<vmem>>, vector<16xf32>,
      %mul3A_273 = arith.constant 512 : i32
      %mul3A_274 = arith.muli %scan3A_114, %mul3A_273 : i32
      %add3A_275 = arith.constant 64 : i32
      %add3A_276 = arith.addi %mul3A_274, %add3A_275 : i32
      %swap3A_277 = arith.index_cast %add3A_276 : i32 to index
      %swap3A_278 = tpu.vector_load %arg12[%swap3A_277] {strides = array<i32>} : memref<16384xf32, #tpu.memory_space<vmem>>, vector<16xf32>,
      %swap3A_279 = vector.shape_cast %swap3A_278 : vector<16xf32> to vector<16xf32>
      %swap3A_280 = vector.shape_cast %get3A_133 : vector<16xf32> to vector<16xf32>
      tpu.vector_store %arg12[%swap3A_277], %swap3A_280 {strides = array<i32>} : memref<16384xf32, #tpu.memory_space<vmem>>, vector<16xf32>,
      %mul3A_281 = arith.constant 512 : i32
      %mul3A_282 = arith.muli %scan3A_114, %mul3A_281 : i32
      %add3A_283 = arith.constant 80 : i32
      %add3A_284 = arith.addi %mul3A_282, %add3A_283 : i32
      %swap3A_285 = arith.index_cast %add3A_284 : i32 to index
      %swap3A_286 = tpu.vector_load %arg12[%swap3A_285] {strides = array<i32>} : memref<16384xf32, #tpu.memory_space<vmem>>, vector<16xf32>,
      %swap3A_287 = vector.shape_cast %swap3A_286 : vector<16xf32> to vector<16xf32>
      %swap3A_288 = vector.shape_cast %get3A_137 : vector<16xf32> to vector<16xf32>
      tpu.vector_store %arg12[%swap3A_285], %swap3A_288 {strides = array<i32>} : memref<16384xf32, #tpu.memory_space<vmem>>, vector<16xf32>,
      %mul3A_289 = arith.constant 512 : i32
      %mul3A_290 = arith.muli %scan3A_114, %mul3A_289 : i32
      %add3A_291 = arith.constant 96 : i32
      %add3A_292 = arith.addi %mul3A_290, %add3A_291 : i32
      %swap3A_293 = arith.index_cast %add3A_292 : i32 to index
      %swap3A_294 = tpu.vector_load %arg12[%swap3A_293] {strides = array<i32>} : memref<16384xf32, #tpu.memory_space<vmem>>, vector<16xf32>,
      %swap3A_295 = vector.shape_cast %swap3A_294 : vector<16xf32> to vector<16xf32>
      %swap3A_296 = vector.shape_cast %get3A_141 : vector<16xf32> to vector<16xf32>
      tpu.vector_store %arg12[%swap3A_293], %swap3A_296 {strides = array<i32>} : memref<16384xf32, #tpu.memory_space<vmem>>, vector<16xf32>,
      %mul3A_297 = arith.constant 512 : i32
      %mul3A_298 = arith.muli %scan3A_114, %mul3A_297 : i32
      %add3A_299 = arith.constant 112 : i32
      %add3A_300 = arith.addi %mul3A_298, %add3A_299 : i32
      %swap3A_301 = arith.index_cast %add3A_300 : i32 to index
      %swap3A_302 = tpu.vector_load %arg12[%swap3A_301] {strides = array<i32>} : memref<16384xf32, #tpu.memory_space<vmem>>, vector<16xf32>,
      %swap3A_303 = vector.shape_cast %swap3A_302 : vector<16xf32> to vector<16xf32>
      %swap3A_304 = vector.shape_cast %get3A_145 : vector<16xf32> to vector<16xf32>
      tpu.vector_store %arg12[%swap3A_301], %swap3A_304 {strides = array<i32>} : memref<16384xf32, #tpu.memory_space<vmem>>, vector<16xf32>,
      %mul3A_305 = arith.constant 512 : i32
      %mul3A_306 = arith.muli %scan3A_114, %mul3A_305 : i32
      %add3A_307 = arith.constant 128 : i32
      %add3A_308 = arith.addi %mul3A_306, %add3A_307 : i32
      %swap3A_309 = arith.index_cast %add3A_308 : i32 to index
      %swap3A_310 = tpu.vector_load %arg12[%swap3A_309] {strides = array<i32>} : memref<16384xf32, #tpu.memory_space<vmem>>, vector<16xf32>,
      %swap3A_311 = vector.shape_cast %swap3A_310 : vector<16xf32> to vector<16xf32>
      %swap3A_312 = vector.shape_cast %get3A_149 : vector<16xf32> to vector<16xf32>
      tpu.vector_store %arg12[%swap3A_309], %swap3A_312 {strides = array<i32>} : memref<16384xf32, #tpu.memory_space<vmem>>, vector<16xf32>,
      %mul3A_313 = arith.constant 512 : i32
      %mul3A_314 = arith.muli %scan3A_114, %mul3A_313 : i32
      %add3A_315 = arith.constant 144 : i32
      %add3A_316 = arith.addi %mul3A_314, %add3A_315 : i32
      %swap3A_317 = arith.index_cast %add3A_316 : i32 to index
      %swap3A_318 = tpu.vector_load %arg12[%swap3A_317] {strides = array<i32>} : memref<16384xf32, #tpu.memory_space<vmem>>, vector<16xf32>,
      %swap3A_319 = vector.shape_cast %swap3A_318 : vector<16xf32> to vector<16xf32>
      %swap3A_320 = vector.shape_cast %get3A_153 : vector<16xf32> to vector<16xf32>
      tpu.vector_store %arg12[%swap3A_317], %swap3A_320 {strides = array<i32>} : memref<16384xf32, #tpu.memory_space<vmem>>, vector<16xf32>,
      %mul3A_321 = arith.constant 512 : i32
      %mul3A_322 = arith.muli %scan3A_114, %mul3A_321 : i32
      %add3A_323 = arith.constant 160 : i32
      %add3A_324 = arith.addi %mul3A_322, %add3A_323 : i32
      %swap3A_325 = arith.index_cast %add3A_324 : i32 to index
      %swap3A_326 = tpu.vector_load %arg12[%swap3A_325] {strides = array<i32>} : memref<16384xf32, #tpu.memory_space<vmem>>, vector<16xf32>,
      %swap3A_327 = vector.shape_cast %swap3A_326 : vector<16xf32> to vector<16xf32>
      %swap3A_328 = vector.shape_cast %get3A_157 : vector<16xf32> to vector<16xf32>
      tpu.vector_store %arg12[%swap3A_325], %swap3A_328 {strides = array<i32>} : memref<16384xf32, #tpu.memory_space<vmem>>, vector<16xf32>,
      %mul3A_329 = arith.constant 512 : i32
      %mul3A_330 = arith.muli %scan3A_114, %mul3A_329 : i32
      %add3A_331 = arith.constant 176 : i32
      %add3A_332 = arith.addi %mul3A_330, %add3A_331 : i32
      %swap3A_333 = arith.index_cast %add3A_332 : i32 to index
      %swap3A_334 = tpu.vector_load %arg12[%swap3A_333] {strides = array<i32>} : memref<16384xf32, #tpu.memory_space<vmem>>, vector<16xf32>,
      %swap3A_335 = vector.shape_cast %swap3A_334 : vector<16xf32> to vector<16xf32>
      %swap3A_336 = vector.shape_cast %get3A_161 : vector<16xf32> to vector<16xf32>
      tpu.vector_store %arg12[%swap3A_333], %swap3A_336 {strides = array<i32>} : memref<16384xf32, #tpu.memory_space<vmem>>, vector<16xf32>,
      %mul3A_337 = arith.constant 512 : i32
      %mul3A_338 = arith.muli %scan3A_114, %mul3A_337 : i32
      %add3A_339 = arith.constant 192 : i32
      %add3A_340 = arith.addi %mul3A_338, %add3A_339 : i32
      %swap3A_341 = arith.index_cast %add3A_340 : i32 to index
      %swap3A_342 = tpu.vector_load %arg12[%swap3A_341] {strides = array<i32>} : memref<16384xf32, #tpu.memory_space<vmem>>, vector<16xf32>,
      %swap3A_343 = vector.shape_cast %swap3A_342 : vector<16xf32> to vector<16xf32>
      %swap3A_344 = vector.shape_cast %get3A_165 : vector<16xf32> to vector<16xf32>
      tpu.vector_store %arg12[%swap3A_341], %swap3A_344 {strides = array<i32>} : memref<16384xf32, #tpu.memory_space<vmem>>, vector<16xf32>,
      %mul3A_345 = arith.constant 512 : i32
      %mul3A_346 = arith.muli %scan3A_114, %mul3A_345 : i32
      %add3A_347 = arith.constant 208 : i32
      %add3A_348 = arith.addi %mul3A_346, %add3A_347 : i32
      %swap3A_349 = arith.index_cast %add3A_348 : i32 to index
      %swap3A_350 = tpu.vector_load %arg12[%swap3A_349] {strides = array<i32>} : memref<16384xf32, #tpu.memory_space<vmem>>, vector<16xf32>,
      %swap3A_351 = vector.shape_cast %swap3A_350 : vector<16xf32> to vector<16xf32>
      %swap3A_352 = vector.shape_cast %get3A_169 : vector<16xf32> to vector<16xf32>
      tpu.vector_store %arg12[%swap3A_349], %swap3A_352 {strides = array<i32>} : memref<16384xf32, #tpu.memory_space<vmem>>, vector<16xf32>,
      %mul3A_353 = arith.constant 512 : i32
      %mul3A_354 = arith.muli %scan3A_114, %mul3A_353 : i32
      %add3A_355 = arith.constant 224 : i32
      %add3A_356 = arith.addi %mul3A_354, %add3A_355 : i32
      %swap3A_357 = arith.index_cast %add3A_356 : i32 to index
      %swap3A_358 = tpu.vector_load %arg12[%swap3A_357] {strides = array<i32>} : memref<16384xf32, #tpu.memory_space<vmem>>, vector<16xf32>,
      %swap3A_359 = vector.shape_cast %swap3A_358 : vector<16xf32> to vector<16xf32>
      %swap3A_360 = vector.shape_cast %get3A_173 : vector<16xf32> to vector<16xf32>
      tpu.vector_store %arg12[%swap3A_357], %swap3A_360 {strides = array<i32>} : memref<16384xf32, #tpu.memory_space<vmem>>, vector<16xf32>,
      %mul3A_361 = arith.constant 512 : i32
      %mul3A_362 = arith.muli %scan3A_114, %mul3A_361 : i32
      %add3A_363 = arith.constant 240 : i32
      %add3A_364 = arith.addi %mul3A_362, %add3A_363 : i32
      %swap3A_365 = arith.index_cast %add3A_364 : i32 to index
      %swap3A_366 = tpu.vector_load %arg12[%swap3A_365] {strides = array<i32>} : memref<16384xf32, #tpu.memory_space<vmem>>, vector<16xf32>,
      %swap3A_367 = vector.shape_cast %swap3A_366 : vector<16xf32> to vector<16xf32>
      %swap3A_368 = vector.shape_cast %get3A_177 : vector<16xf32> to vector<16xf32>
      tpu.vector_store %arg12[%swap3A_365], %swap3A_368 {strides = array<i32>} : memref<16384xf32, #tpu.memory_space<vmem>>, vector<16xf32>,
      %mul3A_369 = arith.constant 512 : i32
      %mul3A_370 = arith.muli %scan3A_114, %mul3A_369 : i32
      %add3A_371 = arith.constant 256 : i32
      %add3A_372 = arith.addi %mul3A_370, %add3A_371 : i32
      %swap3A_373 = arith.index_cast %add3A_372 : i32 to index
      %swap3A_374 = tpu.vector_load %arg12[%swap3A_373] {strides = array<i32>} : memref<16384xf32, #tpu.memory_space<vmem>>, vector<16xf32>,
      %swap3A_375 = vector.shape_cast %swap3A_374 : vector<16xf32> to vector<16xf32>
      %swap3A_376 = vector.shape_cast %get3A_181 : vector<16xf32> to vector<16xf32>
      tpu.vector_store %arg12[%swap3A_373], %swap3A_376 {strides = array<i32>} : memref<16384xf32, #tpu.memory_space<vmem>>, vector<16xf32>,
      %mul3A_377 = arith.constant 512 : i32
      %mul3A_378 = arith.muli %scan3A_114, %mul3A_377 : i32
      %add3A_379 = arith.constant 272 : i32
      %add3A_380 = arith.addi %mul3A_378, %add3A_379 : i32
      %swap3A_381 = arith.index_cast %add3A_380 : i32 to index
      %swap3A_382 = tpu.vector_load %arg12[%swap3A_381] {strides = array<i32>} : memref<16384xf32, #tpu.memory_space<vmem>>, vector<16xf32>,
      %swap3A_383 = vector.shape_cast %swap3A_382 : vector<16xf32> to vector<16xf32>
      %swap3A_384 = vector.shape_cast %get3A_185 : vector<16xf32> to vector<16xf32>
      tpu.vector_store %arg12[%swap3A_381], %swap3A_384 {strides = array<i32>} : memref<16384xf32, #tpu.memory_space<vmem>>, vector<16xf32>,
      %mul3A_385 = arith.constant 512 : i32
      %mul3A_386 = arith.muli %scan3A_114, %mul3A_385 : i32
      %add3A_387 = arith.constant 288 : i32
      %add3A_388 = arith.addi %mul3A_386, %add3A_387 : i32
      %swap3A_389 = arith.index_cast %add3A_388 : i32 to index
      %swap3A_390 = tpu.vector_load %arg12[%swap3A_389] {strides = array<i32>} : memref<16384xf32, #tpu.memory_space<vmem>>, vector<16xf32>,
      %swap3A_391 = vector.shape_cast %swap3A_390 : vector<16xf32> to vector<16xf32>
      %swap3A_392 = vector.shape_cast %get3A_189 : vector<16xf32> to vector<16xf32>
      tpu.vector_store %arg12[%swap3A_389], %swap3A_392 {strides = array<i32>} : memref<16384xf32, #tpu.memory_space<vmem>>, vector<16xf32>,
      %mul3A_393 = arith.constant 512 : i32
      %mul3A_394 = arith.muli %scan3A_114, %mul3A_393 : i32
      %add3A_395 = arith.constant 304 : i32
      %add3A_396 = arith.addi %mul3A_394, %add3A_395 : i32
      %swap3A_397 = arith.index_cast %add3A_396 : i32 to index
      %swap3A_398 = tpu.vector_load %arg12[%swap3A_397] {strides = array<i32>} : memref<16384xf32, #tpu.memory_space<vmem>>, vector<16xf32>,
      %swap3A_399 = vector.shape_cast %swap3A_398 : vector<16xf32> to vector<16xf32>
      %swap3A_400 = vector.shape_cast %get3A_193 : vector<16xf32> to vector<16xf32>
      tpu.vector_store %arg12[%swap3A_397], %swap3A_400 {strides = array<i32>} : memref<16384xf32, #tpu.memory_space<vmem>>, vector<16xf32>,
      %mul3A_401 = arith.constant 512 : i32
      %mul3A_402 = arith.muli %scan3A_114, %mul3A_401 : i32
      %add3A_403 = arith.constant 320 : i32
      %add3A_404 = arith.addi %mul3A_402, %add3A_403 : i32
      %swap3A_405 = arith.index_cast %add3A_404 : i32 to index
      %swap3A_406 = tpu.vector_load %arg12[%swap3A_405] {strides = array<i32>} : memref<16384xf32, #tpu.memory_space<vmem>>, vector<16xf32>,
      %swap3A_407 = vector.shape_cast %swap3A_406 : vector<16xf32> to vector<16xf32>
      %swap3A_408 = vector.shape_cast %get3A_197 : vector<16xf32> to vector<16xf32>
      tpu.vector_store %arg12[%swap3A_405], %swap3A_408 {strides = array<i32>} : memref<16384xf32, #tpu.memory_space<vmem>>, vector<16xf32>,
      %mul3A_409 = arith.constant 512 : i32
      %mul3A_410 = arith.muli %scan3A_114, %mul3A_409 : i32
      %add3A_411 = arith.constant 336 : i32
      %add3A_412 = arith.addi %mul3A_410, %add3A_411 : i32
      %swap3A_413 = arith.index_cast %add3A_412 : i32 to index
      %swap3A_414 = tpu.vector_load %arg12[%swap3A_413] {strides = array<i32>} : memref<16384xf32, #tpu.memory_space<vmem>>, vector<16xf32>,
      %swap3A_415 = vector.shape_cast %swap3A_414 : vector<16xf32> to vector<16xf32>
      %swap3A_416 = vector.shape_cast %get3A_201 : vector<16xf32> to vector<16xf32>
      tpu.vector_store %arg12[%swap3A_413], %swap3A_416 {strides = array<i32>} : memref<16384xf32, #tpu.memory_space<vmem>>, vector<16xf32>,
      %mul3A_417 = arith.constant 512 : i32
      %mul3A_418 = arith.muli %scan3A_114, %mul3A_417 : i32
      %add3A_419 = arith.constant 352 : i32
      %add3A_420 = arith.addi %mul3A_418, %add3A_419 : i32
      %swap3A_421 = arith.index_cast %add3A_420 : i32 to index
      %swap3A_422 = tpu.vector_load %arg12[%swap3A_421] {strides = array<i32>} : memref<16384xf32, #tpu.memory_space<vmem>>, vector<16xf32>,
      %swap3A_423 = vector.shape_cast %swap3A_422 : vector<16xf32> to vector<16xf32>
      %swap3A_424 = vector.shape_cast %get3A_205 : vector<16xf32> to vector<16xf32>
      tpu.vector_store %arg12[%swap3A_421], %swap3A_424 {strides = array<i32>} : memref<16384xf32, #tpu.memory_space<vmem>>, vector<16xf32>,
      %mul3A_425 = arith.constant 512 : i32
      %mul3A_426 = arith.muli %scan3A_114, %mul3A_425 : i32
      %add3A_427 = arith.constant 368 : i32
      %add3A_428 = arith.addi %mul3A_426, %add3A_427 : i32
      %swap3A_429 = arith.index_cast %add3A_428 : i32 to index
      %swap3A_430 = tpu.vector_load %arg12[%swap3A_429] {strides = array<i32>} : memref<16384xf32, #tpu.memory_space<vmem>>, vector<16xf32>,
      %swap3A_431 = vector.shape_cast %swap3A_430 : vector<16xf32> to vector<16xf32>
      %swap3A_432 = vector.shape_cast %get3A_209 : vector<16xf32> to vector<16xf32>
      tpu.vector_store %arg12[%swap3A_429], %swap3A_432 {strides = array<i32>} : memref<16384xf32, #tpu.memory_space<vmem>>, vector<16xf32>,
      %mul3A_433 = arith.constant 512 : i32
      %mul3A_434 = arith.muli %scan3A_114, %mul3A_433 : i32
      %add3A_435 = arith.constant 384 : i32
      %add3A_436 = arith.addi %mul3A_434, %add3A_435 : i32
      %swap3A_437 = arith.index_cast %add3A_436 : i32 to index
      %swap3A_438 = tpu.vector_load %arg12[%swap3A_437] {strides = array<i32>} : memref<16384xf32, #tpu.memory_space<vmem>>, vector<16xf32>,
      %swap3A_439 = vector.shape_cast %swap3A_438 : vector<16xf32> to vector<16xf32>
      %swap3A_440 = vector.shape_cast %get3A_213 : vector<16xf32> to vector<16xf32>
      tpu.vector_store %arg12[%swap3A_437], %swap3A_440 {strides = array<i32>} : memref<16384xf32, #tpu.memory_space<vmem>>, vector<16xf32>,
      %mul3A_441 = arith.constant 512 : i32
      %mul3A_442 = arith.muli %scan3A_114, %mul3A_441 : i32
      %add3A_443 = arith.constant 400 : i32
      %add3A_444 = arith.addi %mul3A_442, %add3A_443 : i32
      %swap3A_445 = arith.index_cast %add3A_444 : i32 to index
      %swap3A_446 = tpu.vector_load %arg12[%swap3A_445] {strides = array<i32>} : memref<16384xf32, #tpu.memory_space<vmem>>, vector<16xf32>,
      %swap3A_447 = vector.shape_cast %swap3A_446 : vector<16xf32> to vector<16xf32>
      %swap3A_448 = vector.shape_cast %get3A_217 : vector<16xf32> to vector<16xf32>
      tpu.vector_store %arg12[%swap3A_445], %swap3A_448 {strides = array<i32>} : memref<16384xf32, #tpu.memory_space<vmem>>, vector<16xf32>,
      %mul3A_449 = arith.constant 512 : i32
      %mul3A_450 = arith.muli %scan3A_114, %mul3A_449 : i32
      %add3A_451 = arith.constant 416 : i32
      %add3A_452 = arith.addi %mul3A_450, %add3A_451 : i32
      %swap3A_453 = arith.index_cast %add3A_452 : i32 to index
      %swap3A_454 = tpu.vector_load %arg12[%swap3A_453] {strides = array<i32>} : memref<16384xf32, #tpu.memory_space<vmem>>, vector<16xf32>,
      %swap3A_455 = vector.shape_cast %swap3A_454 : vector<16xf32> to vector<16xf32>
      %swap3A_456 = vector.shape_cast %get3A_221 : vector<16xf32> to vector<16xf32>
      tpu.vector_store %arg12[%swap3A_453], %swap3A_456 {strides = array<i32>} : memref<16384xf32, #tpu.memory_space<vmem>>, vector<16xf32>,
      %mul3A_457 = arith.constant 512 : i32
      %mul3A_458 = arith.muli %scan3A_114, %mul3A_457 : i32
      %add3A_459 = arith.constant 432 : i32
      %add3A_460 = arith.addi %mul3A_458, %add3A_459 : i32
      %swap3A_461 = arith.index_cast %add3A_460 : i32 to index
      %swap3A_462 = tpu.vector_load %arg12[%swap3A_461] {strides = array<i32>} : memref<16384xf32, #tpu.memory_space<vmem>>, vector<16xf32>,
      %swap3A_463 = vector.shape_cast %swap3A_462 : vector<16xf32> to vector<16xf32>
      %swap3A_464 = vector.shape_cast %get3A_225 : vector<16xf32> to vector<16xf32>
      tpu.vector_store %arg12[%swap3A_461], %swap3A_464 {strides = array<i32>} : memref<16384xf32, #tpu.memory_space<vmem>>, vector<16xf32>,
      %mul3A_465 = arith.constant 512 : i32
      %mul3A_466 = arith.muli %scan3A_114, %mul3A_465 : i32
      %add3A_467 = arith.constant 448 : i32
      %add3A_468 = arith.addi %mul3A_466, %add3A_467 : i32
      %swap3A_469 = arith.index_cast %add3A_468 : i32 to index
      %swap3A_470 = tpu.vector_load %arg12[%swap3A_469] {strides = array<i32>} : memref<16384xf32, #tpu.memory_space<vmem>>, vector<16xf32>,
      %swap3A_471 = vector.shape_cast %swap3A_470 : vector<16xf32> to vector<16xf32>
      %swap3A_472 = vector.shape_cast %get3A_229 : vector<16xf32> to vector<16xf32>
      tpu.vector_store %arg12[%swap3A_469], %swap3A_472 {strides = array<i32>} : memref<16384xf32, #tpu.memory_space<vmem>>, vector<16xf32>,
      %mul3A_473 = arith.constant 512 : i32
      %mul3A_474 = arith.muli %scan3A_114, %mul3A_473 : i32
      %add3A_475 = arith.constant 464 : i32
      %add3A_476 = arith.addi %mul3A_474, %add3A_475 : i32
      %swap3A_477 = arith.index_cast %add3A_476 : i32 to index
      %swap3A_478 = tpu.vector_load %arg12[%swap3A_477] {strides = array<i32>} : memref<16384xf32, #tpu.memory_space<vmem>>, vector<16xf32>,
      %swap3A_479 = vector.shape_cast %swap3A_478 : vector<16xf32> to vector<16xf32>
      %swap3A_480 = vector.shape_cast %get3A_233 : vector<16xf32> to vector<16xf32>
      tpu.vector_store %arg12[%swap3A_477], %swap3A_480 {strides = array<i32>} : memref<16384xf32, #tpu.memory_space<vmem>>, vector<16xf32>,
      %mul3A_481 = arith.constant 512 : i32
      %mul3A_482 = arith.muli %scan3A_114, %mul3A_481 : i32
      %add3A_483 = arith.constant 480 : i32
      %add3A_484 = arith.addi %mul3A_482, %add3A_483 : i32
      %swap3A_485 = arith.index_cast %add3A_484 : i32 to index
      %swap3A_486 = tpu.vector_load %arg12[%swap3A_485] {strides = array<i32>} : memref<16384xf32, #tpu.memory_space<vmem>>, vector<16xf32>,
      %swap3A_487 = vector.shape_cast %swap3A_486 : vector<16xf32> to vector<16xf32>
      %swap3A_488 = vector.shape_cast %get3A_237 : vector<16xf32> to vector<16xf32>
      tpu.vector_store %arg12[%swap3A_485], %swap3A_488 {strides = array<i32>} : memref<16384xf32, #tpu.memory_space<vmem>>, vector<16xf32>,
      %mul3A_489 = arith.constant 512 : i32
      %mul3A_490 = arith.muli %scan3A_114, %mul3A_489 : i32
      %add3A_491 = arith.constant 496 : i32
      %add3A_492 = arith.addi %mul3A_490, %add3A_491 : i32
      %swap3A_493 = arith.index_cast %add3A_492 : i32 to index
      %swap3A_494 = tpu.vector_load %arg12[%swap3A_493] {strides = array<i32>} : memref<16384xf32, #tpu.memory_space<vmem>>, vector<16xf32>,
      %swap3A_495 = vector.shape_cast %swap3A_494 : vector<16xf32> to vector<16xf32>
      %swap3A_496 = vector.shape_cast %get3A_241 : vector<16xf32> to vector<16xf32>
      tpu.vector_store %arg12[%swap3A_493], %swap3A_496 {strides = array<i32>} : memref<16384xf32, #tpu.memory_space<vmem>>, vector<16xf32>,
    }
    %scan3A_62 = arith.constant 32 : i32
    %dma_start3A_63 = tpu.memref_slice %arg15[%mul3A_4] : memref<262144xf32, #tpu.memory_space<vmem_shared>> -> memref<16384xf32, #tpu.memory_space<vmem_shared>>
    %dma_start3A_64 = tpu.memref_slice %arg15[%mul3A_4] : memref<262144xf32, #tpu.memory_space<vmem_shared>> -> memref<16384xf32, #tpu.memory_space<vmem_shared>>
    tpu.enqueue_dma source(%arg12 : memref<16384xf32, #tpu.memory_space<vmem>>) target(%dma_start3A_64 : memref<16384xf32, #tpu.memory_space<vmem_shared>>) target_semaphore(%arg18 : memref<!tpu.dma_semaphore, #tpu.memory_space<semaphore_mem>>)
    %dma_wait3A_65 = tpu.memref_slice %arg15[%mul3A_4] : memref<262144xf32, #tpu.memory_space<vmem_shared>> -> memref<16384xf32, #tpu.memory_space<vmem_shared>>
    %dma_wait3A_66 = tpu.memref_slice %arg15[%mul3A_4] : memref<262144xf32, #tpu.memory_space<vmem_shared>> -> memref<16384xf32, #tpu.memory_space<vmem_shared>>
    tpu.wait_dma2 semaphore(%arg18 : memref<!tpu.dma_semaphore, #tpu.memory_space<semaphore_mem>>) src(%arg12 : memref<16384xf32, #tpu.memory_space<vmem>>) dst(%dma_wait3A_66 : memref<16384xf32, #tpu.memory_space<vmem_shared>>)
    %barrier3A = arith.constant 0 : index
    tpu.barrier barrier_id(%barrier3A)
    %dma_start3A_67 = arith.constant 0 : i32
    %dma_start3A_68 = tpu.memref_slice %arg15[%dma_start3A_67] : memref<262144xf32, #tpu.memory_space<vmem_shared>> -> memref<262144xf32, #tpu.memory_space<vmem_shared>>
    tpu.enqueue_indirect_dma source(%dma_start3A_68 : memref<262144xf32, #tpu.memory_space<vmem_shared>>) target(%arg9 : memref<4096xf32, #tpu.memory_space<vmem>>) offsets(%arg5 : memref<4096xi32, #tpu.memory_space<vmem>>) semaphore(%arg21 : memref<!tpu.dma_semaphore, #tpu.memory_space<semaphore_mem>>)
    %dma_start3A_69 = arith.constant 0 : i32
    %dma_start3A_70 = tpu.memref_slice %arg15[%dma_start3A_69] : memref<262144xf32, #tpu.memory_space<vmem_shared>> -> memref<262144xf32, #tpu.memory_space<vmem_shared>>
    tpu.enqueue_indirect_dma source(%dma_start3A_70 : memref<262144xf32, #tpu.memory_space<vmem_shared>>) target(%arg10 : memref<4096xf32, #tpu.memory_space<vmem>>) offsets(%arg6 : memref<4096xi32, #tpu.memory_space<vmem>>) semaphore(%arg22 : memref<!tpu.dma_semaphore, #tpu.memory_space<semaphore_mem>>)
    %scan3A_71 = arith.constant 0 : i32
    %scan3A_72 = arith.constant 0 : i32
    %scan3A_73 = arith.constant 96 : i32
    %scan3A_74 = arith.addi %scan3A_72, %scan3A_73 : i32
    %scan3A_75 = arith.constant 1 : i32
    scf.for %scan3A_114 = %scan3A_72 to %scan3A_74 step %scan3A_75  : i32 {
      %mul3A_115 = arith.constant 2 : i32
      %mul3A_116 = arith.muli %mul3A_115, %scan3A_114 : i32
      %add3A_117 = arith.constant 1 : i32
      %add3A_118 = arith.addi %mul3A_116, %add3A_117 : i32
      %lt3A = arith.constant 192 : i32
      %lt3A_119 = arith.cmpi slt, %add3A_118, %lt3A : i32
      %convert_element_type3A = arith.extui %lt3A_119 : i1 to i32
      %cond3A = arith.constant 0 : i32
      %cond3A_120 = arith.cmpi ne, %convert_element_type3A, %cond3A : i32
      scf.if %cond3A_120 {
        %add3A_217 = arith.constant 1 : i32
        %add3A_218 = arith.addi %mul3A_116, %add3A_217 : i32
        %add3A_219 = arith.addi %mul3A_0, %add3A_218 : i32
        %dma_start3A_220 = arith.constant 0 : i32
        %dma_start3A_221 = tpu.memref_slice %arg2[%add3A_219, %mul3A_2, %dma_start3A_220] : memref<384x512x512xf32, #tpu.memory_space<hbm>> -> memref<1x32x512xf32, #tpu.memory_space<hbm>>
        %dma_start3A_222 = tpu.memref_squeeze %dma_start3A_221 : memref<1x32x512xf32, #tpu.memory_space<hbm>> -> memref<32x512xf32, #tpu.memory_space<hbm>>
        %dma_start3A_223 = arith.constant 0 : i32
        %dma_start3A_224 = tpu.memref_slice %arg2[%add3A_219, %mul3A_2, %dma_start3A_223] : memref<384x512x512xf32, #tpu.memory_space<hbm>> -> memref<1x32x512xf32, #tpu.memory_space<hbm>>
        %dma_start3A_225 = tpu.memref_squeeze %dma_start3A_224 : memref<1x32x512xf32, #tpu.memory_space<hbm>> -> memref<32x512xf32, #tpu.memory_space<hbm>>
        tpu.enqueue_dma source(%dma_start3A_225 : memref<32x512xf32, #tpu.memory_space<hbm>>) target(%arg11 : memref<32x512xf32, #tpu.memory_space<vmem>>) target_semaphore(%arg17 : memref<!tpu.dma_semaphore, #tpu.memory_space<semaphore_mem>>)
      } else {
      }
      %dma_wait3A_121 = arith.constant 0 : i32
      %dma_wait3A_122 = tpu.memref_slice %arg15[%dma_wait3A_121] : memref<262144xf32, #tpu.memory_space<vmem_shared>> -> memref<262144xf32, #tpu.memory_space<vmem_shared>>
      tpu.wait_indirect_dma semaphore(%arg21 : memref<!tpu.dma_semaphore, #tpu.memory_space<semaphore_mem>>) src(%dma_wait3A_122 : memref<262144xf32, #tpu.memory_space<vmem_shared>>) dst(%arg9 : memref<4096xf32, #tpu.memory_space<vmem>>)
      %dma_start3A_123 = arith.constant 0 : i32
      %dma_start3A_124 = tpu.memref_slice %arg15[%dma_start3A_123] : memref<262144xf32, #tpu.memory_space<vmem_shared>> -> memref<262144xf32, #tpu.memory_space<vmem_shared>>
      tpu.enqueue_indirect_dma source(%arg9 : memref<4096xf32, #tpu.memory_space<vmem>>) target(%dma_start3A_124 : memref<262144xf32, #tpu.memory_space<vmem_shared>>) offsets(%arg7 : memref<4096xi32, #tpu.memory_space<vmem>>) semaphore(%arg23 : memref<!tpu.dma_semaphore, #tpu.memory_space<semaphore_mem>>)
      %dma_wait3A_125 = arith.constant 0 : i32
      %dma_wait3A_126 = tpu.memref_slice %arg15[%dma_wait3A_125] : memref<262144xf32, #tpu.memory_space<vmem_shared>> -> memref<262144xf32, #tpu.memory_space<vmem_shared>>
      tpu.wait_indirect_dma semaphore(%arg22 : memref<!tpu.dma_semaphore, #tpu.memory_space<semaphore_mem>>) src(%dma_wait3A_126 : memref<262144xf32, #tpu.memory_space<vmem_shared>>) dst(%arg10 : memref<4096xf32, #tpu.memory_space<vmem>>)
      %dma_start3A_127 = arith.constant 0 : i32
      %dma_start3A_128 = tpu.memref_slice %arg15[%dma_start3A_127] : memref<262144xf32, #tpu.memory_space<vmem_shared>> -> memref<262144xf32, #tpu.memory_space<vmem_shared>>
      tpu.enqueue_indirect_dma source(%arg10 : memref<4096xf32, #tpu.memory_space<vmem>>) target(%dma_start3A_128 : memref<262144xf32, #tpu.memory_space<vmem_shared>>) offsets(%arg8 : memref<4096xi32, #tpu.memory_space<vmem>>) semaphore(%arg23 : memref<!tpu.dma_semaphore, #tpu.memory_space<semaphore_mem>>)
      %ge3A = arith.constant 1 : i32
      %ge3A_129 = arith.cmpi sge, %mul3A_116, %ge3A : i32
      %convert_element_type3A_130 = arith.extui %ge3A_129 : i1 to i32
      %cond3A_131 = arith.constant 0 : i32
      %cond3A_132 = arith.cmpi ne, %convert_element_type3A_130, %cond3A_131 : i32
      scf.if %cond3A_132 {
        %dma_wait3A_217 = tpu.memref_slice %arg16[%mul3A_4] : memref<262144xf32, #tpu.memory_space<vmem_shared>> -> memref<16384xf32, #tpu.memory_space<vmem_shared>>
        %dma_wait3A_218 = tpu.memref_slice %arg16[%mul3A_4] : memref<262144xf32, #tpu.memory_space<vmem_shared>> -> memref<16384xf32, #tpu.memory_space<vmem_shared>>
        tpu.wait_dma2 semaphore(%arg19 : memref<!tpu.dma_semaphore, #tpu.memory_space<semaphore_mem>>) src(%dma_wait3A_218 : memref<16384xf32, #tpu.memory_space<vmem_shared>>) dst(%arg13 : memref<16384xf32, #tpu.memory_space<vmem>>)
      } else {
      }
      %add3A_133 = arith.constant 1 : i32
      %add3A_134 = arith.addi %mul3A_116, %add3A_133 : i32
      %lt3A_135 = arith.constant 192 : i32
      %lt3A_136 = arith.cmpi slt, %add3A_134, %lt3A_135 : i32
      %convert_element_type3A_137 = arith.extui %lt3A_136 : i1 to i32
      %cond3A_138 = arith.constant 0 : i32
      %cond3A_139 = arith.cmpi ne, %convert_element_type3A_137, %cond3A_138 : i32
      scf.if %cond3A_139 {
        %add3A_217 = arith.constant 1 : i32
        %add3A_218 = arith.addi %mul3A_116, %add3A_217 : i32
        %add3A_219 = arith.addi %mul3A_0, %add3A_218 : i32
        %dma_wait3A_220 = arith.constant 0 : i32
        %dma_wait3A_221 = tpu.memref_slice %arg2[%add3A_219, %mul3A_2, %dma_wait3A_220] : memref<384x512x512xf32, #tpu.memory_space<hbm>> -> memref<1x32x512xf32, #tpu.memory_space<hbm>>
        %dma_wait3A_222 = tpu.memref_squeeze %dma_wait3A_221 : memref<1x32x512xf32, #tpu.memory_space<hbm>> -> memref<32x512xf32, #tpu.memory_space<hbm>>
        %dma_wait3A_223 = arith.constant 0 : i32
        %dma_wait3A_224 = tpu.memref_slice %arg2[%add3A_219, %mul3A_2, %dma_wait3A_223] : memref<384x512x512xf32, #tpu.memory_space<hbm>> -> memref<1x32x512xf32, #tpu.memory_space<hbm>>
        %dma_wait3A_225 = tpu.memref_squeeze %dma_wait3A_224 : memref<1x32x512xf32, #tpu.memory_space<hbm>> -> memref<32x512xf32, #tpu.memory_space<hbm>>
        tpu.wait_dma2 semaphore(%arg17 : memref<!tpu.dma_semaphore, #tpu.memory_space<semaphore_mem>>) src(%dma_wait3A_225 : memref<32x512xf32, #tpu.memory_space<hbm>>) dst(%arg11 : memref<32x512xf32, #tpu.memory_space<vmem>>)
        %scan3A_226 = arith.constant 0 : i32
        %scan3A_227 = arith.constant 0 : i32
        %scan3A_228 = arith.constant 32 : i32
        %scan3A_229 = arith.addi %scan3A_227, %scan3A_228 : i32
        %scan3A_230 = arith.constant 1 : i32
        scf.for %scan3A_236 = %scan3A_227 to %scan3A_229 step %scan3A_230  : i32 {
          %get3A = arith.index_cast %scan3A_236 : i32 to index
          %get3A_237 = arith.constant 0 : index
          %get3A_238 = tpu.vector_load %arg11[%get3A, %get3A_237] {strides = array<i32>} : memref<32x512xf32, #tpu.memory_space<vmem>>, vector<1x16xf32>,
          %get3A_239 = vector.shape_cast %get3A_238 : vector<1x16xf32> to vector<16xf32>
          %get3A_240 = arith.index_cast %scan3A_236 : i32 to index
          %get3A_241 = arith.constant 16 : index
          %get3A_242 = tpu.vector_load %arg11[%get3A_240, %get3A_241] {strides = array<i32>} : memref<32x512xf32, #tpu.memory_space<vmem>>, vector<1x16xf32>,
          %get3A_243 = vector.shape_cast %get3A_242 : vector<1x16xf32> to vector<16xf32>
          %get3A_244 = arith.index_cast %scan3A_236 : i32 to index
          %get3A_245 = arith.constant 32 : index
          %get3A_246 = tpu.vector_load %arg11[%get3A_244, %get3A_245] {strides = array<i32>} : memref<32x512xf32, #tpu.memory_space<vmem>>, vector<1x16xf32>,
          %get3A_247 = vector.shape_cast %get3A_246 : vector<1x16xf32> to vector<16xf32>
          %get3A_248 = arith.index_cast %scan3A_236 : i32 to index
          %get3A_249 = arith.constant 48 : index
          %get3A_250 = tpu.vector_load %arg11[%get3A_248, %get3A_249] {strides = array<i32>} : memref<32x512xf32, #tpu.memory_space<vmem>>, vector<1x16xf32>,
          %get3A_251 = vector.shape_cast %get3A_250 : vector<1x16xf32> to vector<16xf32>
          %get3A_252 = arith.index_cast %scan3A_236 : i32 to index
          %get3A_253 = arith.constant 64 : index
          %get3A_254 = tpu.vector_load %arg11[%get3A_252, %get3A_253] {strides = array<i32>} : memref<32x512xf32, #tpu.memory_space<vmem>>, vector<1x16xf32>,
          %get3A_255 = vector.shape_cast %get3A_254 : vector<1x16xf32> to vector<16xf32>
          %get3A_256 = arith.index_cast %scan3A_236 : i32 to index
          %get3A_257 = arith.constant 80 : index
          %get3A_258 = tpu.vector_load %arg11[%get3A_256, %get3A_257] {strides = array<i32>} : memref<32x512xf32, #tpu.memory_space<vmem>>, vector<1x16xf32>,
          %get3A_259 = vector.shape_cast %get3A_258 : vector<1x16xf32> to vector<16xf32>
          %get3A_260 = arith.index_cast %scan3A_236 : i32 to index
          %get3A_261 = arith.constant 96 : index
          %get3A_262 = tpu.vector_load %arg11[%get3A_260, %get3A_261] {strides = array<i32>} : memref<32x512xf32, #tpu.memory_space<vmem>>, vector<1x16xf32>,
          %get3A_263 = vector.shape_cast %get3A_262 : vector<1x16xf32> to vector<16xf32>
          %get3A_264 = arith.index_cast %scan3A_236 : i32 to index
          %get3A_265 = arith.constant 112 : index
          %get3A_266 = tpu.vector_load %arg11[%get3A_264, %get3A_265] {strides = array<i32>} : memref<32x512xf32, #tpu.memory_space<vmem>>, vector<1x16xf32>,
          %get3A_267 = vector.shape_cast %get3A_266 : vector<1x16xf32> to vector<16xf32>
          %get3A_268 = arith.index_cast %scan3A_236 : i32 to index
          %get3A_269 = arith.constant 128 : index
          %get3A_270 = tpu.vector_load %arg11[%get3A_268, %get3A_269] {strides = array<i32>} : memref<32x512xf32, #tpu.memory_space<vmem>>, vector<1x16xf32>,
          %get3A_271 = vector.shape_cast %get3A_270 : vector<1x16xf32> to vector<16xf32>
          %get3A_272 = arith.index_cast %scan3A_236 : i32 to index
          %get3A_273 = arith.constant 144 : index
          %get3A_274 = tpu.vector_load %arg11[%get3A_272, %get3A_273] {strides = array<i32>} : memref<32x512xf32, #tpu.memory_space<vmem>>, vector<1x16xf32>,
          %get3A_275 = vector.shape_cast %get3A_274 : vector<1x16xf32> to vector<16xf32>
          %get3A_276 = arith.index_cast %scan3A_236 : i32 to index
          %get3A_277 = arith.constant 160 : index
          %get3A_278 = tpu.vector_load %arg11[%get3A_276, %get3A_277] {strides = array<i32>} : memref<32x512xf32, #tpu.memory_space<vmem>>, vector<1x16xf32>,
          %get3A_279 = vector.shape_cast %get3A_278 : vector<1x16xf32> to vector<16xf32>
          %get3A_280 = arith.index_cast %scan3A_236 : i32 to index
          %get3A_281 = arith.constant 176 : index
          %get3A_282 = tpu.vector_load %arg11[%get3A_280, %get3A_281] {strides = array<i32>} : memref<32x512xf32, #tpu.memory_space<vmem>>, vector<1x16xf32>,
          %get3A_283 = vector.shape_cast %get3A_282 : vector<1x16xf32> to vector<16xf32>
          %get3A_284 = arith.index_cast %scan3A_236 : i32 to index
          %get3A_285 = arith.constant 192 : index
          %get3A_286 = tpu.vector_load %arg11[%get3A_284, %get3A_285] {strides = array<i32>} : memref<32x512xf32, #tpu.memory_space<vmem>>, vector<1x16xf32>,
          %get3A_287 = vector.shape_cast %get3A_286 : vector<1x16xf32> to vector<16xf32>
          %get3A_288 = arith.index_cast %scan3A_236 : i32 to index
          %get3A_289 = arith.constant 208 : index
          %get3A_290 = tpu.vector_load %arg11[%get3A_288, %get3A_289] {strides = array<i32>} : memref<32x512xf32, #tpu.memory_space<vmem>>, vector<1x16xf32>,
          %get3A_291 = vector.shape_cast %get3A_290 : vector<1x16xf32> to vector<16xf32>
          %get3A_292 = arith.index_cast %scan3A_236 : i32 to index
          %get3A_293 = arith.constant 224 : index
          %get3A_294 = tpu.vector_load %arg11[%get3A_292, %get3A_293] {strides = array<i32>} : memref<32x512xf32, #tpu.memory_space<vmem>>, vector<1x16xf32>,
          %get3A_295 = vector.shape_cast %get3A_294 : vector<1x16xf32> to vector<16xf32>
          %get3A_296 = arith.index_cast %scan3A_236 : i32 to index
          %get3A_297 = arith.constant 240 : index
          %get3A_298 = tpu.vector_load %arg11[%get3A_296, %get3A_297] {strides = array<i32>} : memref<32x512xf32, #tpu.memory_space<vmem>>, vector<1x16xf32>,
          %get3A_299 = vector.shape_cast %get3A_298 : vector<1x16xf32> to vector<16xf32>
          %get3A_300 = arith.index_cast %scan3A_236 : i32 to index
          %get3A_301 = arith.constant 256 : index
          %get3A_302 = tpu.vector_load %arg11[%get3A_300, %get3A_301] {strides = array<i32>} : memref<32x512xf32, #tpu.memory_space<vmem>>, vector<1x16xf32>,
          %get3A_303 = vector.shape_cast %get3A_302 : vector<1x16xf32> to vector<16xf32>
          %get3A_304 = arith.index_cast %scan3A_236 : i32 to index
          %get3A_305 = arith.constant 272 : index
          %get3A_306 = tpu.vector_load %arg11[%get3A_304, %get3A_305] {strides = array<i32>} : memref<32x512xf32, #tpu.memory_space<vmem>>, vector<1x16xf32>,
          %get3A_307 = vector.shape_cast %get3A_306 : vector<1x16xf32> to vector<16xf32>
          %get3A_308 = arith.index_cast %scan3A_236 : i32 to index
          %get3A_309 = arith.constant 288 : index
          %get3A_310 = tpu.vector_load %arg11[%get3A_308, %get3A_309] {strides = array<i32>} : memref<32x512xf32, #tpu.memory_space<vmem>>, vector<1x16xf32>,
          %get3A_311 = vector.shape_cast %get3A_310 : vector<1x16xf32> to vector<16xf32>
          %get3A_312 = arith.index_cast %scan3A_236 : i32 to index
          %get3A_313 = arith.constant 304 : index
          %get3A_314 = tpu.vector_load %arg11[%get3A_312, %get3A_313] {strides = array<i32>} : memref<32x512xf32, #tpu.memory_space<vmem>>, vector<1x16xf32>,
          %get3A_315 = vector.shape_cast %get3A_314 : vector<1x16xf32> to vector<16xf32>
          %get3A_316 = arith.index_cast %scan3A_236 : i32 to index
          %get3A_317 = arith.constant 320 : index
          %get3A_318 = tpu.vector_load %arg11[%get3A_316, %get3A_317] {strides = array<i32>} : memref<32x512xf32, #tpu.memory_space<vmem>>, vector<1x16xf32>,
          %get3A_319 = vector.shape_cast %get3A_318 : vector<1x16xf32> to vector<16xf32>
          %get3A_320 = arith.index_cast %scan3A_236 : i32 to index
          %get3A_321 = arith.constant 336 : index
          %get3A_322 = tpu.vector_load %arg11[%get3A_320, %get3A_321] {strides = array<i32>} : memref<32x512xf32, #tpu.memory_space<vmem>>, vector<1x16xf32>,
          %get3A_323 = vector.shape_cast %get3A_322 : vector<1x16xf32> to vector<16xf32>
          %get3A_324 = arith.index_cast %scan3A_236 : i32 to index
          %get3A_325 = arith.constant 352 : index
          %get3A_326 = tpu.vector_load %arg11[%get3A_324, %get3A_325] {strides = array<i32>} : memref<32x512xf32, #tpu.memory_space<vmem>>, vector<1x16xf32>,
          %get3A_327 = vector.shape_cast %get3A_326 : vector<1x16xf32> to vector<16xf32>
          %get3A_328 = arith.index_cast %scan3A_236 : i32 to index
          %get3A_329 = arith.constant 368 : index
          %get3A_330 = tpu.vector_load %arg11[%get3A_328, %get3A_329] {strides = array<i32>} : memref<32x512xf32, #tpu.memory_space<vmem>>, vector<1x16xf32>,
          %get3A_331 = vector.shape_cast %get3A_330 : vector<1x16xf32> to vector<16xf32>
          %get3A_332 = arith.index_cast %scan3A_236 : i32 to index
          %get3A_333 = arith.constant 384 : index
          %get3A_334 = tpu.vector_load %arg11[%get3A_332, %get3A_333] {strides = array<i32>} : memref<32x512xf32, #tpu.memory_space<vmem>>, vector<1x16xf32>,
          %get3A_335 = vector.shape_cast %get3A_334 : vector<1x16xf32> to vector<16xf32>
          %get3A_336 = arith.index_cast %scan3A_236 : i32 to index
          %get3A_337 = arith.constant 400 : index
          %get3A_338 = tpu.vector_load %arg11[%get3A_336, %get3A_337] {strides = array<i32>} : memref<32x512xf32, #tpu.memory_space<vmem>>, vector<1x16xf32>,
          %get3A_339 = vector.shape_cast %get3A_338 : vector<1x16xf32> to vector<16xf32>
          %get3A_340 = arith.index_cast %scan3A_236 : i32 to index
          %get3A_341 = arith.constant 416 : index
          %get3A_342 = tpu.vector_load %arg11[%get3A_340, %get3A_341] {strides = array<i32>} : memref<32x512xf32, #tpu.memory_space<vmem>>, vector<1x16xf32>,
          %get3A_343 = vector.shape_cast %get3A_342 : vector<1x16xf32> to vector<16xf32>
          %get3A_344 = arith.index_cast %scan3A_236 : i32 to index
          %get3A_345 = arith.constant 432 : index
          %get3A_346 = tpu.vector_load %arg11[%get3A_344, %get3A_345] {strides = array<i32>} : memref<32x512xf32, #tpu.memory_space<vmem>>, vector<1x16xf32>,
          %get3A_347 = vector.shape_cast %get3A_346 : vector<1x16xf32> to vector<16xf32>
          %get3A_348 = arith.index_cast %scan3A_236 : i32 to index
          %get3A_349 = arith.constant 448 : index
          %get3A_350 = tpu.vector_load %arg11[%get3A_348, %get3A_349] {strides = array<i32>} : memref<32x512xf32, #tpu.memory_space<vmem>>, vector<1x16xf32>,
          %get3A_351 = vector.shape_cast %get3A_350 : vector<1x16xf32> to vector<16xf32>
          %get3A_352 = arith.index_cast %scan3A_236 : i32 to index
          %get3A_353 = arith.constant 464 : index
          %get3A_354 = tpu.vector_load %arg11[%get3A_352, %get3A_353] {strides = array<i32>} : memref<32x512xf32, #tpu.memory_space<vmem>>, vector<1x16xf32>,
          %get3A_355 = vector.shape_cast %get3A_354 : vector<1x16xf32> to vector<16xf32>
          %get3A_356 = arith.index_cast %scan3A_236 : i32 to index
          %get3A_357 = arith.constant 480 : index
          %get3A_358 = tpu.vector_load %arg11[%get3A_356, %get3A_357] {strides = array<i32>} : memref<32x512xf32, #tpu.memory_space<vmem>>, vector<1x16xf32>,
          %get3A_359 = vector.shape_cast %get3A_358 : vector<1x16xf32> to vector<16xf32>
          %get3A_360 = arith.index_cast %scan3A_236 : i32 to index
          %get3A_361 = arith.constant 496 : index
          %get3A_362 = tpu.vector_load %arg11[%get3A_360, %get3A_361] {strides = array<i32>} : memref<32x512xf32, #tpu.memory_space<vmem>>, vector<1x16xf32>,
          %get3A_363 = vector.shape_cast %get3A_362 : vector<1x16xf32> to vector<16xf32>
          %mul3A_364 = arith.constant 512 : i32
          %mul3A_365 = arith.muli %scan3A_236, %mul3A_364 : i32
          %add3A_366 = arith.constant 0 : i32
          %add3A_367 = arith.addi %mul3A_365, %add3A_366 : i32
          %swap3A = arith.index_cast %add3A_367 : i32 to index
          %swap3A_368 = tpu.vector_load %arg12[%swap3A] {strides = array<i32>} : memref<16384xf32, #tpu.memory_space<vmem>>, vector<16xf32>,
          %swap3A_369 = vector.shape_cast %swap3A_368 : vector<16xf32> to vector<16xf32>
          %swap3A_370 = vector.shape_cast %get3A_239 : vector<16xf32> to vector<16xf32>
          tpu.vector_store %arg12[%swap3A], %swap3A_370 {strides = array<i32>} : memref<16384xf32, #tpu.memory_space<vmem>>, vector<16xf32>,
          %mul3A_371 = arith.constant 512 : i32
          %mul3A_372 = arith.muli %scan3A_236, %mul3A_371 : i32
          %add3A_373 = arith.constant 16 : i32
          %add3A_374 = arith.addi %mul3A_372, %add3A_373 : i32
          %swap3A_375 = arith.index_cast %add3A_374 : i32 to index
          %swap3A_376 = tpu.vector_load %arg12[%swap3A_375] {strides = array<i32>} : memref<16384xf32, #tpu.memory_space<vmem>>, vector<16xf32>,
          %swap3A_377 = vector.shape_cast %swap3A_376 : vector<16xf32> to vector<16xf32>
          %swap3A_378 = vector.shape_cast %get3A_243 : vector<16xf32> to vector<16xf32>
          tpu.vector_store %arg12[%swap3A_375], %swap3A_378 {strides = array<i32>} : memref<16384xf32, #tpu.memory_space<vmem>>, vector<16xf32>,
          %mul3A_379 = arith.constant 512 : i32
          %mul3A_380 = arith.muli %scan3A_236, %mul3A_379 : i32
          %add3A_381 = arith.constant 32 : i32
          %add3A_382 = arith.addi %mul3A_380, %add3A_381 : i32
          %swap3A_383 = arith.index_cast %add3A_382 : i32 to index
          %swap3A_384 = tpu.vector_load %arg12[%swap3A_383] {strides = array<i32>} : memref<16384xf32, #tpu.memory_space<vmem>>, vector<16xf32>,
          %swap3A_385 = vector.shape_cast %swap3A_384 : vector<16xf32> to vector<16xf32>
          %swap3A_386 = vector.shape_cast %get3A_247 : vector<16xf32> to vector<16xf32>
          tpu.vector_store %arg12[%swap3A_383], %swap3A_386 {strides = array<i32>} : memref<16384xf32, #tpu.memory_space<vmem>>, vector<16xf32>,
          %mul3A_387 = arith.constant 512 : i32
          %mul3A_388 = arith.muli %scan3A_236, %mul3A_387 : i32
          %add3A_389 = arith.constant 48 : i32
          %add3A_390 = arith.addi %mul3A_388, %add3A_389 : i32
          %swap3A_391 = arith.index_cast %add3A_390 : i32 to index
          %swap3A_392 = tpu.vector_load %arg12[%swap3A_391] {strides = array<i32>} : memref<16384xf32, #tpu.memory_space<vmem>>, vector<16xf32>,
          %swap3A_393 = vector.shape_cast %swap3A_392 : vector<16xf32> to vector<16xf32>
          %swap3A_394 = vector.shape_cast %get3A_251 : vector<16xf32> to vector<16xf32>
          tpu.vector_store %arg12[%swap3A_391], %swap3A_394 {strides = array<i32>} : memref<16384xf32, #tpu.memory_space<vmem>>, vector<16xf32>,
          %mul3A_395 = arith.constant 512 : i32
          %mul3A_396 = arith.muli %scan3A_236, %mul3A_395 : i32
          %add3A_397 = arith.constant 64 : i32
          %add3A_398 = arith.addi %mul3A_396, %add3A_397 : i32
          %swap3A_399 = arith.index_cast %add3A_398 : i32 to index
          %swap3A_400 = tpu.vector_load %arg12[%swap3A_399] {strides = array<i32>} : memref<16384xf32, #tpu.memory_space<vmem>>, vector<16xf32>,
          %swap3A_401 = vector.shape_cast %swap3A_400 : vector<16xf32> to vector<16xf32>
          %swap3A_402 = vector.shape_cast %get3A_255 : vector<16xf32> to vector<16xf32>
          tpu.vector_store %arg12[%swap3A_399], %swap3A_402 {strides = array<i32>} : memref<16384xf32, #tpu.memory_space<vmem>>, vector<16xf32>,
          %mul3A_403 = arith.constant 512 : i32
          %mul3A_404 = arith.muli %scan3A_236, %mul3A_403 : i32
          %add3A_405 = arith.constant 80 : i32
          %add3A_406 = arith.addi %mul3A_404, %add3A_405 : i32
          %swap3A_407 = arith.index_cast %add3A_406 : i32 to index
          %swap3A_408 = tpu.vector_load %arg12[%swap3A_407] {strides = array<i32>} : memref<16384xf32, #tpu.memory_space<vmem>>, vector<16xf32>,
          %swap3A_409 = vector.shape_cast %swap3A_408 : vector<16xf32> to vector<16xf32>
          %swap3A_410 = vector.shape_cast %get3A_259 : vector<16xf32> to vector<16xf32>
          tpu.vector_store %arg12[%swap3A_407], %swap3A_410 {strides = array<i32>} : memref<16384xf32, #tpu.memory_space<vmem>>, vector<16xf32>,
          %mul3A_411 = arith.constant 512 : i32
          %mul3A_412 = arith.muli %scan3A_236, %mul3A_411 : i32
          %add3A_413 = arith.constant 96 : i32
          %add3A_414 = arith.addi %mul3A_412, %add3A_413 : i32
          %swap3A_415 = arith.index_cast %add3A_414 : i32 to index
          %swap3A_416 = tpu.vector_load %arg12[%swap3A_415] {strides = array<i32>} : memref<16384xf32, #tpu.memory_space<vmem>>, vector<16xf32>,
          %swap3A_417 = vector.shape_cast %swap3A_416 : vector<16xf32> to vector<16xf32>
          %swap3A_418 = vector.shape_cast %get3A_263 : vector<16xf32> to vector<16xf32>
          tpu.vector_store %arg12[%swap3A_415], %swap3A_418 {strides = array<i32>} : memref<16384xf32, #tpu.memory_space<vmem>>, vector<16xf32>,
          %mul3A_419 = arith.constant 512 : i32
          %mul3A_420 = arith.muli %scan3A_236, %mul3A_419 : i32
          %add3A_421 = arith.constant 112 : i32
          %add3A_422 = arith.addi %mul3A_420, %add3A_421 : i32
          %swap3A_423 = arith.index_cast %add3A_422 : i32 to index
          %swap3A_424 = tpu.vector_load %arg12[%swap3A_423] {strides = array<i32>} : memref<16384xf32, #tpu.memory_space<vmem>>, vector<16xf32>,
          %swap3A_425 = vector.shape_cast %swap3A_424 : vector<16xf32> to vector<16xf32>
          %swap3A_426 = vector.shape_cast %get3A_267 : vector<16xf32> to vector<16xf32>
          tpu.vector_store %arg12[%swap3A_423], %swap3A_426 {strides = array<i32>} : memref<16384xf32, #tpu.memory_space<vmem>>, vector<16xf32>,
          %mul3A_427 = arith.constant 512 : i32
          %mul3A_428 = arith.muli %scan3A_236, %mul3A_427 : i32
          %add3A_429 = arith.constant 128 : i32
          %add3A_430 = arith.addi %mul3A_428, %add3A_429 : i32
          %swap3A_431 = arith.index_cast %add3A_430 : i32 to index
          %swap3A_432 = tpu.vector_load %arg12[%swap3A_431] {strides = array<i32>} : memref<16384xf32, #tpu.memory_space<vmem>>, vector<16xf32>,
          %swap3A_433 = vector.shape_cast %swap3A_432 : vector<16xf32> to vector<16xf32>
          %swap3A_434 = vector.shape_cast %get3A_271 : vector<16xf32> to vector<16xf32>
          tpu.vector_store %arg12[%swap3A_431], %swap3A_434 {strides = array<i32>} : memref<16384xf32, #tpu.memory_space<vmem>>, vector<16xf32>,
          %mul3A_435 = arith.constant 512 : i32
          %mul3A_436 = arith.muli %scan3A_236, %mul3A_435 : i32
          %add3A_437 = arith.constant 144 : i32
          %add3A_438 = arith.addi %mul3A_436, %add3A_437 : i32
          %swap3A_439 = arith.index_cast %add3A_438 : i32 to index
          %swap3A_440 = tpu.vector_load %arg12[%swap3A_439] {strides = array<i32>} : memref<16384xf32, #tpu.memory_space<vmem>>, vector<16xf32>,
          %swap3A_441 = vector.shape_cast %swap3A_440 : vector<16xf32> to vector<16xf32>
          %swap3A_442 = vector.shape_cast %get3A_275 : vector<16xf32> to vector<16xf32>
          tpu.vector_store %arg12[%swap3A_439], %swap3A_442 {strides = array<i32>} : memref<16384xf32, #tpu.memory_space<vmem>>, vector<16xf32>,
          %mul3A_443 = arith.constant 512 : i32
          %mul3A_444 = arith.muli %scan3A_236, %mul3A_443 : i32
          %add3A_445 = arith.constant 160 : i32
          %add3A_446 = arith.addi %mul3A_444, %add3A_445 : i32
          %swap3A_447 = arith.index_cast %add3A_446 : i32 to index
          %swap3A_448 = tpu.vector_load %arg12[%swap3A_447] {strides = array<i32>} : memref<16384xf32, #tpu.memory_space<vmem>>, vector<16xf32>,
          %swap3A_449 = vector.shape_cast %swap3A_448 : vector<16xf32> to vector<16xf32>
          %swap3A_450 = vector.shape_cast %get3A_279 : vector<16xf32> to vector<16xf32>
          tpu.vector_store %arg12[%swap3A_447], %swap3A_450 {strides = array<i32>} : memref<16384xf32, #tpu.memory_space<vmem>>, vector<16xf32>,
          %mul3A_451 = arith.constant 512 : i32
          %mul3A_452 = arith.muli %scan3A_236, %mul3A_451 : i32
          %add3A_453 = arith.constant 176 : i32
          %add3A_454 = arith.addi %mul3A_452, %add3A_453 : i32
          %swap3A_455 = arith.index_cast %add3A_454 : i32 to index
          %swap3A_456 = tpu.vector_load %arg12[%swap3A_455] {strides = array<i32>} : memref<16384xf32, #tpu.memory_space<vmem>>, vector<16xf32>,
          %swap3A_457 = vector.shape_cast %swap3A_456 : vector<16xf32> to vector<16xf32>
          %swap3A_458 = vector.shape_cast %get3A_283 : vector<16xf32> to vector<16xf32>
          tpu.vector_store %arg12[%swap3A_455], %swap3A_458 {strides = array<i32>} : memref<16384xf32, #tpu.memory_space<vmem>>, vector<16xf32>,
          %mul3A_459 = arith.constant 512 : i32
          %mul3A_460 = arith.muli %scan3A_236, %mul3A_459 : i32
          %add3A_461 = arith.constant 192 : i32
          %add3A_462 = arith.addi %mul3A_460, %add3A_461 : i32
          %swap3A_463 = arith.index_cast %add3A_462 : i32 to index
          %swap3A_464 = tpu.vector_load %arg12[%swap3A_463] {strides = array<i32>} : memref<16384xf32, #tpu.memory_space<vmem>>, vector<16xf32>,
          %swap3A_465 = vector.shape_cast %swap3A_464 : vector<16xf32> to vector<16xf32>
          %swap3A_466 = vector.shape_cast %get3A_287 : vector<16xf32> to vector<16xf32>
          tpu.vector_store %arg12[%swap3A_463], %swap3A_466 {strides = array<i32>} : memref<16384xf32, #tpu.memory_space<vmem>>, vector<16xf32>,
          %mul3A_467 = arith.constant 512 : i32
          %mul3A_468 = arith.muli %scan3A_236, %mul3A_467 : i32
          %add3A_469 = arith.constant 208 : i32
          %add3A_470 = arith.addi %mul3A_468, %add3A_469 : i32
          %swap3A_471 = arith.index_cast %add3A_470 : i32 to index
          %swap3A_472 = tpu.vector_load %arg12[%swap3A_471] {strides = array<i32>} : memref<16384xf32, #tpu.memory_space<vmem>>, vector<16xf32>,
          %swap3A_473 = vector.shape_cast %swap3A_472 : vector<16xf32> to vector<16xf32>
          %swap3A_474 = vector.shape_cast %get3A_291 : vector<16xf32> to vector<16xf32>
          tpu.vector_store %arg12[%swap3A_471], %swap3A_474 {strides = array<i32>} : memref<16384xf32, #tpu.memory_space<vmem>>, vector<16xf32>,
          %mul3A_475 = arith.constant 512 : i32
          %mul3A_476 = arith.muli %scan3A_236, %mul3A_475 : i32
          %add3A_477 = arith.constant 224 : i32
          %add3A_478 = arith.addi %mul3A_476, %add3A_477 : i32
          %swap3A_479 = arith.index_cast %add3A_478 : i32 to index
          %swap3A_480 = tpu.vector_load %arg12[%swap3A_479] {strides = array<i32>} : memref<16384xf32, #tpu.memory_space<vmem>>, vector<16xf32>,
          %swap3A_481 = vector.shape_cast %swap3A_480 : vector<16xf32> to vector<16xf32>
          %swap3A_482 = vector.shape_cast %get3A_295 : vector<16xf32> to vector<16xf32>
          tpu.vector_store %arg12[%swap3A_479], %swap3A_482 {strides = array<i32>} : memref<16384xf32, #tpu.memory_space<vmem>>, vector<16xf32>,
          %mul3A_483 = arith.constant 512 : i32
          %mul3A_484 = arith.muli %scan3A_236, %mul3A_483 : i32
          %add3A_485 = arith.constant 240 : i32
          %add3A_486 = arith.addi %mul3A_484, %add3A_485 : i32
          %swap3A_487 = arith.index_cast %add3A_486 : i32 to index
          %swap3A_488 = tpu.vector_load %arg12[%swap3A_487] {strides = array<i32>} : memref<16384xf32, #tpu.memory_space<vmem>>, vector<16xf32>,
          %swap3A_489 = vector.shape_cast %swap3A_488 : vector<16xf32> to vector<16xf32>
          %swap3A_490 = vector.shape_cast %get3A_299 : vector<16xf32> to vector<16xf32>
          tpu.vector_store %arg12[%swap3A_487], %swap3A_490 {strides = array<i32>} : memref<16384xf32, #tpu.memory_space<vmem>>, vector<16xf32>,
          %mul3A_491 = arith.constant 512 : i32
          %mul3A_492 = arith.muli %scan3A_236, %mul3A_491 : i32
          %add3A_493 = arith.constant 256 : i32
          %add3A_494 = arith.addi %mul3A_492, %add3A_493 : i32
          %swap3A_495 = arith.index_cast %add3A_494 : i32 to index
          %swap3A_496 = tpu.vector_load %arg12[%swap3A_495] {strides = array<i32>} : memref<16384xf32, #tpu.memory_space<vmem>>, vector<16xf32>,
          %swap3A_497 = vector.shape_cast %swap3A_496 : vector<16xf32> to vector<16xf32>
          %swap3A_498 = vector.shape_cast %get3A_303 : vector<16xf32> to vector<16xf32>
          tpu.vector_store %arg12[%swap3A_495], %swap3A_498 {strides = array<i32>} : memref<16384xf32, #tpu.memory_space<vmem>>, vector<16xf32>,
          %mul3A_499 = arith.constant 512 : i32
          %mul3A_500 = arith.muli %scan3A_236, %mul3A_499 : i32
          %add3A_501 = arith.constant 272 : i32
          %add3A_502 = arith.addi %mul3A_500, %add3A_501 : i32
          %swap3A_503 = arith.index_cast %add3A_502 : i32 to index
          %swap3A_504 = tpu.vector_load %arg12[%swap3A_503] {strides = array<i32>} : memref<16384xf32, #tpu.memory_space<vmem>>, vector<16xf32>,
          %swap3A_505 = vector.shape_cast %swap3A_504 : vector<16xf32> to vector<16xf32>
          %swap3A_506 = vector.shape_cast %get3A_307 : vector<16xf32> to vector<16xf32>
          tpu.vector_store %arg12[%swap3A_503], %swap3A_506 {strides = array<i32>} : memref<16384xf32, #tpu.memory_space<vmem>>, vector<16xf32>,
          %mul3A_507 = arith.constant 512 : i32
          %mul3A_508 = arith.muli %scan3A_236, %mul3A_507 : i32
          %add3A_509 = arith.constant 288 : i32
          %add3A_510 = arith.addi %mul3A_508, %add3A_509 : i32
          %swap3A_511 = arith.index_cast %add3A_510 : i32 to index
          %swap3A_512 = tpu.vector_load %arg12[%swap3A_511] {strides = array<i32>} : memref<16384xf32, #tpu.memory_space<vmem>>, vector<16xf32>,
          %swap3A_513 = vector.shape_cast %swap3A_512 : vector<16xf32> to vector<16xf32>
          %swap3A_514 = vector.shape_cast %get3A_311 : vector<16xf32> to vector<16xf32>
          tpu.vector_store %arg12[%swap3A_511], %swap3A_514 {strides = array<i32>} : memref<16384xf32, #tpu.memory_space<vmem>>, vector<16xf32>,
          %mul3A_515 = arith.constant 512 : i32
          %mul3A_516 = arith.muli %scan3A_236, %mul3A_515 : i32
          %add3A_517 = arith.constant 304 : i32
          %add3A_518 = arith.addi %mul3A_516, %add3A_517 : i32
          %swap3A_519 = arith.index_cast %add3A_518 : i32 to index
          %swap3A_520 = tpu.vector_load %arg12[%swap3A_519] {strides = array<i32>} : memref<16384xf32, #tpu.memory_space<vmem>>, vector<16xf32>,
          %swap3A_521 = vector.shape_cast %swap3A_520 : vector<16xf32> to vector<16xf32>
          %swap3A_522 = vector.shape_cast %get3A_315 : vector<16xf32> to vector<16xf32>
          tpu.vector_store %arg12[%swap3A_519], %swap3A_522 {strides = array<i32>} : memref<16384xf32, #tpu.memory_space<vmem>>, vector<16xf32>,
          %mul3A_523 = arith.constant 512 : i32
          %mul3A_524 = arith.muli %scan3A_236, %mul3A_523 : i32
          %add3A_525 = arith.constant 320 : i32
          %add3A_526 = arith.addi %mul3A_524, %add3A_525 : i32
          %swap3A_527 = arith.index_cast %add3A_526 : i32 to index
          %swap3A_528 = tpu.vector_load %arg12[%swap3A_527] {strides = array<i32>} : memref<16384xf32, #tpu.memory_space<vmem>>, vector<16xf32>,
          %swap3A_529 = vector.shape_cast %swap3A_528 : vector<16xf32> to vector<16xf32>
          %swap3A_530 = vector.shape_cast %get3A_319 : vector<16xf32> to vector<16xf32>
          tpu.vector_store %arg12[%swap3A_527], %swap3A_530 {strides = array<i32>} : memref<16384xf32, #tpu.memory_space<vmem>>, vector<16xf32>,
          %mul3A_531 = arith.constant 512 : i32
          %mul3A_532 = arith.muli %scan3A_236, %mul3A_531 : i32
          %add3A_533 = arith.constant 336 : i32
          %add3A_534 = arith.addi %mul3A_532, %add3A_533 : i32
          %swap3A_535 = arith.index_cast %add3A_534 : i32 to index
          %swap3A_536 = tpu.vector_load %arg12[%swap3A_535] {strides = array<i32>} : memref<16384xf32, #tpu.memory_space<vmem>>, vector<16xf32>,
          %swap3A_537 = vector.shape_cast %swap3A_536 : vector<16xf32> to vector<16xf32>
          %swap3A_538 = vector.shape_cast %get3A_323 : vector<16xf32> to vector<16xf32>
          tpu.vector_store %arg12[%swap3A_535], %swap3A_538 {strides = array<i32>} : memref<16384xf32, #tpu.memory_space<vmem>>, vector<16xf32>,
          %mul3A_539 = arith.constant 512 : i32
          %mul3A_540 = arith.muli %scan3A_236, %mul3A_539 : i32
          %add3A_541 = arith.constant 352 : i32
          %add3A_542 = arith.addi %mul3A_540, %add3A_541 : i32
          %swap3A_543 = arith.index_cast %add3A_542 : i32 to index
          %swap3A_544 = tpu.vector_load %arg12[%swap3A_543] {strides = array<i32>} : memref<16384xf32, #tpu.memory_space<vmem>>, vector<16xf32>,
          %swap3A_545 = vector.shape_cast %swap3A_544 : vector<16xf32> to vector<16xf32>
          %swap3A_546 = vector.shape_cast %get3A_327 : vector<16xf32> to vector<16xf32>
          tpu.vector_store %arg12[%swap3A_543], %swap3A_546 {strides = array<i32>} : memref<16384xf32, #tpu.memory_space<vmem>>, vector<16xf32>,
          %mul3A_547 = arith.constant 512 : i32
          %mul3A_548 = arith.muli %scan3A_236, %mul3A_547 : i32
          %add3A_549 = arith.constant 368 : i32
          %add3A_550 = arith.addi %mul3A_548, %add3A_549 : i32
          %swap3A_551 = arith.index_cast %add3A_550 : i32 to index
          %swap3A_552 = tpu.vector_load %arg12[%swap3A_551] {strides = array<i32>} : memref<16384xf32, #tpu.memory_space<vmem>>, vector<16xf32>,
          %swap3A_553 = vector.shape_cast %swap3A_552 : vector<16xf32> to vector<16xf32>
          %swap3A_554 = vector.shape_cast %get3A_331 : vector<16xf32> to vector<16xf32>
          tpu.vector_store %arg12[%swap3A_551], %swap3A_554 {strides = array<i32>} : memref<16384xf32, #tpu.memory_space<vmem>>, vector<16xf32>,
          %mul3A_555 = arith.constant 512 : i32
          %mul3A_556 = arith.muli %scan3A_236, %mul3A_555 : i32
          %add3A_557 = arith.constant 384 : i32
          %add3A_558 = arith.addi %mul3A_556, %add3A_557 : i32
          %swap3A_559 = arith.index_cast %add3A_558 : i32 to index
          %swap3A_560 = tpu.vector_load %arg12[%swap3A_559] {strides = array<i32>} : memref<16384xf32, #tpu.memory_space<vmem>>, vector<16xf32>,
          %swap3A_561 = vector.shape_cast %swap3A_560 : vector<16xf32> to vector<16xf32>
          %swap3A_562 = vector.shape_cast %get3A_335 : vector<16xf32> to vector<16xf32>
          tpu.vector_store %arg12[%swap3A_559], %swap3A_562 {strides = array<i32>} : memref<16384xf32, #tpu.memory_space<vmem>>, vector<16xf32>,
          %mul3A_563 = arith.constant 512 : i32
          %mul3A_564 = arith.muli %scan3A_236, %mul3A_563 : i32
          %add3A_565 = arith.constant 400 : i32
          %add3A_566 = arith.addi %mul3A_564, %add3A_565 : i32
          %swap3A_567 = arith.index_cast %add3A_566 : i32 to index
          %swap3A_568 = tpu.vector_load %arg12[%swap3A_567] {strides = array<i32>} : memref<16384xf32, #tpu.memory_space<vmem>>, vector<16xf32>,
          %swap3A_569 = vector.shape_cast %swap3A_568 : vector<16xf32> to vector<16xf32>
          %swap3A_570 = vector.shape_cast %get3A_339 : vector<16xf32> to vector<16xf32>
          tpu.vector_store %arg12[%swap3A_567], %swap3A_570 {strides = array<i32>} : memref<16384xf32, #tpu.memory_space<vmem>>, vector<16xf32>,
          %mul3A_571 = arith.constant 512 : i32
          %mul3A_572 = arith.muli %scan3A_236, %mul3A_571 : i32
          %add3A_573 = arith.constant 416 : i32
          %add3A_574 = arith.addi %mul3A_572, %add3A_573 : i32
          %swap3A_575 = arith.index_cast %add3A_574 : i32 to index
          %swap3A_576 = tpu.vector_load %arg12[%swap3A_575] {strides = array<i32>} : memref<16384xf32, #tpu.memory_space<vmem>>, vector<16xf32>,
          %swap3A_577 = vector.shape_cast %swap3A_576 : vector<16xf32> to vector<16xf32>
          %swap3A_578 = vector.shape_cast %get3A_343 : vector<16xf32> to vector<16xf32>
          tpu.vector_store %arg12[%swap3A_575], %swap3A_578 {strides = array<i32>} : memref<16384xf32, #tpu.memory_space<vmem>>, vector<16xf32>,
          %mul3A_579 = arith.constant 512 : i32
          %mul3A_580 = arith.muli %scan3A_236, %mul3A_579 : i32
          %add3A_581 = arith.constant 432 : i32
          %add3A_582 = arith.addi %mul3A_580, %add3A_581 : i32
          %swap3A_583 = arith.index_cast %add3A_582 : i32 to index
          %swap3A_584 = tpu.vector_load %arg12[%swap3A_583] {strides = array<i32>} : memref<16384xf32, #tpu.memory_space<vmem>>, vector<16xf32>,
          %swap3A_585 = vector.shape_cast %swap3A_584 : vector<16xf32> to vector<16xf32>
          %swap3A_586 = vector.shape_cast %get3A_347 : vector<16xf32> to vector<16xf32>
          tpu.vector_store %arg12[%swap3A_583], %swap3A_586 {strides = array<i32>} : memref<16384xf32, #tpu.memory_space<vmem>>, vector<16xf32>,
          %mul3A_587 = arith.constant 512 : i32
          %mul3A_588 = arith.muli %scan3A_236, %mul3A_587 : i32
          %add3A_589 = arith.constant 448 : i32
          %add3A_590 = arith.addi %mul3A_588, %add3A_589 : i32
          %swap3A_591 = arith.index_cast %add3A_590 : i32 to index
          %swap3A_592 = tpu.vector_load %arg12[%swap3A_591] {strides = array<i32>} : memref<16384xf32, #tpu.memory_space<vmem>>, vector<16xf32>,
          %swap3A_593 = vector.shape_cast %swap3A_592 : vector<16xf32> to vector<16xf32>
          %swap3A_594 = vector.shape_cast %get3A_351 : vector<16xf32> to vector<16xf32>
          tpu.vector_store %arg12[%swap3A_591], %swap3A_594 {strides = array<i32>} : memref<16384xf32, #tpu.memory_space<vmem>>, vector<16xf32>,
          %mul3A_595 = arith.constant 512 : i32
          %mul3A_596 = arith.muli %scan3A_236, %mul3A_595 : i32
          %add3A_597 = arith.constant 464 : i32
          %add3A_598 = arith.addi %mul3A_596, %add3A_597 : i32
          %swap3A_599 = arith.index_cast %add3A_598 : i32 to index
          %swap3A_600 = tpu.vector_load %arg12[%swap3A_599] {strides = array<i32>} : memref<16384xf32, #tpu.memory_space<vmem>>, vector<16xf32>,
          %swap3A_601 = vector.shape_cast %swap3A_600 : vector<16xf32> to vector<16xf32>
          %swap3A_602 = vector.shape_cast %get3A_355 : vector<16xf32> to vector<16xf32>
          tpu.vector_store %arg12[%swap3A_599], %swap3A_602 {strides = array<i32>} : memref<16384xf32, #tpu.memory_space<vmem>>, vector<16xf32>,
          %mul3A_603 = arith.constant 512 : i32
          %mul3A_604 = arith.muli %scan3A_236, %mul3A_603 : i32
          %add3A_605 = arith.constant 480 : i32
          %add3A_606 = arith.addi %mul3A_604, %add3A_605 : i32
          %swap3A_607 = arith.index_cast %add3A_606 : i32 to index
          %swap3A_608 = tpu.vector_load %arg12[%swap3A_607] {strides = array<i32>} : memref<16384xf32, #tpu.memory_space<vmem>>, vector<16xf32>,
          %swap3A_609 = vector.shape_cast %swap3A_608 : vector<16xf32> to vector<16xf32>
          %swap3A_610 = vector.shape_cast %get3A_359 : vector<16xf32> to vector<16xf32>
          tpu.vector_store %arg12[%swap3A_607], %swap3A_610 {strides = array<i32>} : memref<16384xf32, #tpu.memory_space<vmem>>, vector<16xf32>,
          %mul3A_611 = arith.constant 512 : i32
          %mul3A_612 = arith.muli %scan3A_236, %mul3A_611 : i32
          %add3A_613 = arith.constant 496 : i32
          %add3A_614 = arith.addi %mul3A_612, %add3A_613 : i32
          %swap3A_615 = arith.index_cast %add3A_614 : i32 to index
          %swap3A_616 = tpu.vector_load %arg12[%swap3A_615] {strides = array<i32>} : memref<16384xf32, #tpu.memory_space<vmem>>, vector<16xf32>,
          %swap3A_617 = vector.shape_cast %swap3A_616 : vector<16xf32> to vector<16xf32>
          %swap3A_618 = vector.shape_cast %get3A_363 : vector<16xf32> to vector<16xf32>
          tpu.vector_store %arg12[%swap3A_615], %swap3A_618 {strides = array<i32>} : memref<16384xf32, #tpu.memory_space<vmem>>, vector<16xf32>,
        }
        %scan3A_231 = arith.constant 32 : i32
        %dma_start3A_232 = tpu.memref_slice %arg16[%mul3A_4] : memref<262144xf32, #tpu.memory_space<vmem_shared>> -> memref<16384xf32, #tpu.memory_space<vmem_shared>>
        %dma_start3A_233 = tpu.memref_slice %arg16[%mul3A_4] : memref<262144xf32, #tpu.memory_space<vmem_shared>> -> memref<16384xf32, #tpu.memory_space<vmem_shared>>
        tpu.enqueue_dma source(%arg12 : memref<16384xf32, #tpu.memory_space<vmem>>) target(%dma_start3A_233 : memref<16384xf32, #tpu.memory_space<vmem_shared>>) target_semaphore(%arg18 : memref<!tpu.dma_semaphore, #tpu.memory_space<semaphore_mem>>)
        %dma_wait3A_234 = tpu.memref_slice %arg16[%mul3A_4] : memref<262144xf32, #tpu.memory_space<vmem_shared>> -> memref<16384xf32, #tpu.memory_space<vmem_shared>>
        %dma_wait3A_235 = tpu.memref_slice %arg16[%mul3A_4] : memref<262144xf32, #tpu.memory_space<vmem_shared>> -> memref<16384xf32, #tpu.memory_space<vmem_shared>>
        tpu.wait_dma2 semaphore(%arg18 : memref<!tpu.dma_semaphore, #tpu.memory_space<semaphore_mem>>) src(%arg12 : memref<16384xf32, #tpu.memory_space<vmem>>) dst(%dma_wait3A_235 : memref<16384xf32, #tpu.memory_space<vmem_shared>>)
      } else {
      }
      %dma_wait3A_140 = arith.constant 0 : i32
      %dma_wait3A_141 = tpu.memref_slice %arg15[%dma_wait3A_140] : memref<262144xf32, #tpu.memory_space<vmem_shared>> -> memref<262144xf32, #tpu.memory_space<vmem_shared>>
      tpu.wait_indirect_dma semaphore(%arg23 : memref<!tpu.dma_semaphore, #tpu.memory_space<semaphore_mem>>) src(%arg9 : memref<4096xf32, #tpu.memory_space<vmem>>) dst(%dma_wait3A_141 : memref<262144xf32, #tpu.memory_space<vmem_shared>>)
      %dma_wait3A_142 = arith.constant 0 : i32
      %dma_wait3A_143 = tpu.memref_slice %arg15[%dma_wait3A_142] : memref<262144xf32, #tpu.memory_space<vmem_shared>> -> memref<262144xf32, #tpu.memory_space<vmem_shared>>
      tpu.wait_indirect_dma semaphore(%arg23 : memref<!tpu.dma_semaphore, #tpu.memory_space<semaphore_mem>>) src(%arg10 : memref<4096xf32, #tpu.memory_space<vmem>>) dst(%dma_wait3A_143 : memref<262144xf32, #tpu.memory_space<vmem_shared>>)
      %barrier3A_144 = arith.constant 0 : index
      tpu.barrier barrier_id(%barrier3A_144)
      %add3A_145 = arith.constant 1 : i32
      %add3A_146 = arith.addi %mul3A_116, %add3A_145 : i32
      %lt3A_147 = arith.constant 192 : i32
      %lt3A_148 = arith.cmpi slt, %add3A_146, %lt3A_147 : i32
      %convert_element_type3A_149 = arith.extui %lt3A_148 : i1 to i32
      %cond3A_150 = arith.constant 0 : i32
      %cond3A_151 = arith.cmpi ne, %convert_element_type3A_149, %cond3A_150 : i32
      scf.if %cond3A_151 {
        %dma_start3A_217 = arith.constant 0 : i32
        %dma_start3A_218 = tpu.memref_slice %arg16[%dma_start3A_217] : memref<262144xf32, #tpu.memory_space<vmem_shared>> -> memref<262144xf32, #tpu.memory_space<vmem_shared>>
        tpu.enqueue_indirect_dma source(%dma_start3A_218 : memref<262144xf32, #tpu.memory_space<vmem_shared>>) target(%arg9 : memref<4096xf32, #tpu.memory_space<vmem>>) offsets(%arg5 : memref<4096xi32, #tpu.memory_space<vmem>>) semaphore(%arg21 : memref<!tpu.dma_semaphore, #tpu.memory_space<semaphore_mem>>)
        %dma_start3A_219 = arith.constant 0 : i32
        %dma_start3A_220 = tpu.memref_slice %arg16[%dma_start3A_219] : memref<262144xf32, #tpu.memory_space<vmem_shared>> -> memref<262144xf32, #tpu.memory_space<vmem_shared>>
        tpu.enqueue_indirect_dma source(%dma_start3A_220 : memref<262144xf32, #tpu.memory_space<vmem_shared>>) target(%arg10 : memref<4096xf32, #tpu.memory_space<vmem>>) offsets(%arg6 : memref<4096xi32, #tpu.memory_space<vmem>>) semaphore(%arg22 : memref<!tpu.dma_semaphore, #tpu.memory_space<semaphore_mem>>)
      } else {
      }
      %ge3A_152 = arith.constant 2 : i32
      %ge3A_153 = arith.cmpi sge, %mul3A_116, %ge3A_152 : i32
      %convert_element_type3A_154 = arith.extui %ge3A_153 : i1 to i32
      %cond3A_155 = arith.constant 0 : i32
      %cond3A_156 = arith.cmpi ne, %convert_element_type3A_154, %cond3A_155 : i32
      scf.if %cond3A_156 {
        %add3A_217 = arith.addi %mul3A_0, %mul3A_116 : i32
        %sub3A_218 = arith.constant 2 : i32
        %sub3A_219 = arith.subi %add3A_217, %sub3A_218 : i32
        %dma_wait3A_220 = arith.constant 0 : i32
        %dma_wait3A_221 = tpu.memref_slice %arg4[%sub3A_219, %mul3A_2, %dma_wait3A_220] : memref<384x512x512xf32, #tpu.memory_space<hbm>> -> memref<1x32x512xf32, #tpu.memory_space<hbm>>
        %dma_wait3A_222 = tpu.memref_squeeze %dma_wait3A_221 : memref<1x32x512xf32, #tpu.memory_space<hbm>> -> memref<32x512xf32, #tpu.memory_space<hbm>>
        %dma_wait3A_223 = arith.constant 0 : i32
        %dma_wait3A_224 = tpu.memref_slice %arg4[%sub3A_219, %mul3A_2, %dma_wait3A_223] : memref<384x512x512xf32, #tpu.memory_space<hbm>> -> memref<1x32x512xf32, #tpu.memory_space<hbm>>
        %dma_wait3A_225 = tpu.memref_squeeze %dma_wait3A_224 : memref<1x32x512xf32, #tpu.memory_space<hbm>> -> memref<32x512xf32, #tpu.memory_space<hbm>>
        tpu.wait_dma2 semaphore(%arg20 : memref<!tpu.dma_semaphore, #tpu.memory_space<semaphore_mem>>) src(%arg14 : memref<32x512xf32, #tpu.memory_space<vmem>>) dst(%dma_wait3A_225 : memref<32x512xf32, #tpu.memory_space<hbm>>)
      } else {
      }
      %ge3A_157 = arith.constant 1 : i32
      %ge3A_158 = arith.cmpi sge, %mul3A_116, %ge3A_157 : i32
      %convert_element_type3A_159 = arith.extui %ge3A_158 : i1 to i32
      %cond3A_160 = arith.constant 0 : i32
      %cond3A_161 = arith.cmpi ne, %convert_element_type3A_159, %cond3A_160 : i32
      scf.if %cond3A_161 {
        %scan3A_217 = arith.constant 0 : i32
        %scan3A_218 = arith.constant 0 : i32
        %scan3A_219 = arith.constant 32 : i32
        %scan3A_220 = arith.addi %scan3A_218, %scan3A_219 : i32
        %scan3A_221 = arith.constant 1 : i32
        scf.for %scan3A_232 = %scan3A_218 to %scan3A_220 step %scan3A_221  : i32 {
          %mul3A_233 = arith.constant 512 : i32
          %mul3A_234 = arith.muli %scan3A_232, %mul3A_233 : i32
          %add3A_235 = arith.constant 0 : i32
          %add3A_236 = arith.addi %mul3A_234, %add3A_235 : i32
          %get3A = arith.index_cast %add3A_236 : i32 to index
          %get3A_237 = tpu.vector_load %arg13[%get3A] {strides = array<i32>} : memref<16384xf32, #tpu.memory_space<vmem>>, vector<16xf32>,
          %get3A_238 = vector.shape_cast %get3A_237 : vector<16xf32> to vector<16xf32>
          %mul3A_239 = arith.constant 512 : i32
          %mul3A_240 = arith.muli %scan3A_232, %mul3A_239 : i32
          %add3A_241 = arith.constant 16 : i32
          %add3A_242 = arith.addi %mul3A_240, %add3A_241 : i32
          %get3A_243 = arith.index_cast %add3A_242 : i32 to index
          %get3A_244 = tpu.vector_load %arg13[%get3A_243] {strides = array<i32>} : memref<16384xf32, #tpu.memory_space<vmem>>, vector<16xf32>,
          %get3A_245 = vector.shape_cast %get3A_244 : vector<16xf32> to vector<16xf32>
          %mul3A_246 = arith.constant 512 : i32
          %mul3A_247 = arith.muli %scan3A_232, %mul3A_246 : i32
          %add3A_248 = arith.constant 32 : i32
          %add3A_249 = arith.addi %mul3A_247, %add3A_248 : i32
          %get3A_250 = arith.index_cast %add3A_249 : i32 to index
          %get3A_251 = tpu.vector_load %arg13[%get3A_250] {strides = array<i32>} : memref<16384xf32, #tpu.memory_space<vmem>>, vector<16xf32>,
          %get3A_252 = vector.shape_cast %get3A_251 : vector<16xf32> to vector<16xf32>
          %mul3A_253 = arith.constant 512 : i32
          %mul3A_254 = arith.muli %scan3A_232, %mul3A_253 : i32
          %add3A_255 = arith.constant 48 : i32
          %add3A_256 = arith.addi %mul3A_254, %add3A_255 : i32
          %get3A_257 = arith.index_cast %add3A_256 : i32 to index
          %get3A_258 = tpu.vector_load %arg13[%get3A_257] {strides = array<i32>} : memref<16384xf32, #tpu.memory_space<vmem>>, vector<16xf32>,
          %get3A_259 = vector.shape_cast %get3A_258 : vector<16xf32> to vector<16xf32>
          %mul3A_260 = arith.constant 512 : i32
          %mul3A_261 = arith.muli %scan3A_232, %mul3A_260 : i32
          %add3A_262 = arith.constant 64 : i32
          %add3A_263 = arith.addi %mul3A_261, %add3A_262 : i32
          %get3A_264 = arith.index_cast %add3A_263 : i32 to index
          %get3A_265 = tpu.vector_load %arg13[%get3A_264] {strides = array<i32>} : memref<16384xf32, #tpu.memory_space<vmem>>, vector<16xf32>,
          %get3A_266 = vector.shape_cast %get3A_265 : vector<16xf32> to vector<16xf32>
          %mul3A_267 = arith.constant 512 : i32
          %mul3A_268 = arith.muli %scan3A_232, %mul3A_267 : i32
          %add3A_269 = arith.constant 80 : i32
          %add3A_270 = arith.addi %mul3A_268, %add3A_269 : i32
          %get3A_271 = arith.index_cast %add3A_270 : i32 to index
          %get3A_272 = tpu.vector_load %arg13[%get3A_271] {strides = array<i32>} : memref<16384xf32, #tpu.memory_space<vmem>>, vector<16xf32>,
          %get3A_273 = vector.shape_cast %get3A_272 : vector<16xf32> to vector<16xf32>
          %mul3A_274 = arith.constant 512 : i32
          %mul3A_275 = arith.muli %scan3A_232, %mul3A_274 : i32
          %add3A_276 = arith.constant 96 : i32
          %add3A_277 = arith.addi %mul3A_275, %add3A_276 : i32
          %get3A_278 = arith.index_cast %add3A_277 : i32 to index
          %get3A_279 = tpu.vector_load %arg13[%get3A_278] {strides = array<i32>} : memref<16384xf32, #tpu.memory_space<vmem>>, vector<16xf32>,
          %get3A_280 = vector.shape_cast %get3A_279 : vector<16xf32> to vector<16xf32>
          %mul3A_281 = arith.constant 512 : i32
          %mul3A_282 = arith.muli %scan3A_232, %mul3A_281 : i32
          %add3A_283 = arith.constant 112 : i32
          %add3A_284 = arith.addi %mul3A_282, %add3A_283 : i32
          %get3A_285 = arith.index_cast %add3A_284 : i32 to index
          %get3A_286 = tpu.vector_load %arg13[%get3A_285] {strides = array<i32>} : memref<16384xf32, #tpu.memory_space<vmem>>, vector<16xf32>,
          %get3A_287 = vector.shape_cast %get3A_286 : vector<16xf32> to vector<16xf32>
          %mul3A_288 = arith.constant 512 : i32
          %mul3A_289 = arith.muli %scan3A_232, %mul3A_288 : i32
          %add3A_290 = arith.constant 128 : i32
          %add3A_291 = arith.addi %mul3A_289, %add3A_290 : i32
          %get3A_292 = arith.index_cast %add3A_291 : i32 to index
          %get3A_293 = tpu.vector_load %arg13[%get3A_292] {strides = array<i32>} : memref<16384xf32, #tpu.memory_space<vmem>>, vector<16xf32>,
          %get3A_294 = vector.shape_cast %get3A_293 : vector<16xf32> to vector<16xf32>
          %mul3A_295 = arith.constant 512 : i32
          %mul3A_296 = arith.muli %scan3A_232, %mul3A_295 : i32
          %add3A_297 = arith.constant 144 : i32
          %add3A_298 = arith.addi %mul3A_296, %add3A_297 : i32
          %get3A_299 = arith.index_cast %add3A_298 : i32 to index
          %get3A_300 = tpu.vector_load %arg13[%get3A_299] {strides = array<i32>} : memref<16384xf32, #tpu.memory_space<vmem>>, vector<16xf32>,
          %get3A_301 = vector.shape_cast %get3A_300 : vector<16xf32> to vector<16xf32>
          %mul3A_302 = arith.constant 512 : i32
          %mul3A_303 = arith.muli %scan3A_232, %mul3A_302 : i32
          %add3A_304 = arith.constant 160 : i32
          %add3A_305 = arith.addi %mul3A_303, %add3A_304 : i32
          %get3A_306 = arith.index_cast %add3A_305 : i32 to index
          %get3A_307 = tpu.vector_load %arg13[%get3A_306] {strides = array<i32>} : memref<16384xf32, #tpu.memory_space<vmem>>, vector<16xf32>,
          %get3A_308 = vector.shape_cast %get3A_307 : vector<16xf32> to vector<16xf32>
          %mul3A_309 = arith.constant 512 : i32
          %mul3A_310 = arith.muli %scan3A_232, %mul3A_309 : i32
          %add3A_311 = arith.constant 176 : i32
          %add3A_312 = arith.addi %mul3A_310, %add3A_311 : i32
          %get3A_313 = arith.index_cast %add3A_312 : i32 to index
          %get3A_314 = tpu.vector_load %arg13[%get3A_313] {strides = array<i32>} : memref<16384xf32, #tpu.memory_space<vmem>>, vector<16xf32>,
          %get3A_315 = vector.shape_cast %get3A_314 : vector<16xf32> to vector<16xf32>
          %mul3A_316 = arith.constant 512 : i32
          %mul3A_317 = arith.muli %scan3A_232, %mul3A_316 : i32
          %add3A_318 = arith.constant 192 : i32
          %add3A_319 = arith.addi %mul3A_317, %add3A_318 : i32
          %get3A_320 = arith.index_cast %add3A_319 : i32 to index
          %get3A_321 = tpu.vector_load %arg13[%get3A_320] {strides = array<i32>} : memref<16384xf32, #tpu.memory_space<vmem>>, vector<16xf32>,
          %get3A_322 = vector.shape_cast %get3A_321 : vector<16xf32> to vector<16xf32>
          %mul3A_323 = arith.constant 512 : i32
          %mul3A_324 = arith.muli %scan3A_232, %mul3A_323 : i32
          %add3A_325 = arith.constant 208 : i32
          %add3A_326 = arith.addi %mul3A_324, %add3A_325 : i32
          %get3A_327 = arith.index_cast %add3A_326 : i32 to index
          %get3A_328 = tpu.vector_load %arg13[%get3A_327] {strides = array<i32>} : memref<16384xf32, #tpu.memory_space<vmem>>, vector<16xf32>,
          %get3A_329 = vector.shape_cast %get3A_328 : vector<16xf32> to vector<16xf32>
          %mul3A_330 = arith.constant 512 : i32
          %mul3A_331 = arith.muli %scan3A_232, %mul3A_330 : i32
          %add3A_332 = arith.constant 224 : i32
          %add3A_333 = arith.addi %mul3A_331, %add3A_332 : i32
          %get3A_334 = arith.index_cast %add3A_333 : i32 to index
          %get3A_335 = tpu.vector_load %arg13[%get3A_334] {strides = array<i32>} : memref<16384xf32, #tpu.memory_space<vmem>>, vector<16xf32>,
          %get3A_336 = vector.shape_cast %get3A_335 : vector<16xf32> to vector<16xf32>
          %mul3A_337 = arith.constant 512 : i32
          %mul3A_338 = arith.muli %scan3A_232, %mul3A_337 : i32
          %add3A_339 = arith.constant 240 : i32
          %add3A_340 = arith.addi %mul3A_338, %add3A_339 : i32
          %get3A_341 = arith.index_cast %add3A_340 : i32 to index
          %get3A_342 = tpu.vector_load %arg13[%get3A_341] {strides = array<i32>} : memref<16384xf32, #tpu.memory_space<vmem>>, vector<16xf32>,
          %get3A_343 = vector.shape_cast %get3A_342 : vector<16xf32> to vector<16xf32>
          %mul3A_344 = arith.constant 512 : i32
          %mul3A_345 = arith.muli %scan3A_232, %mul3A_344 : i32
          %add3A_346 = arith.constant 256 : i32
          %add3A_347 = arith.addi %mul3A_345, %add3A_346 : i32
          %get3A_348 = arith.index_cast %add3A_347 : i32 to index
          %get3A_349 = tpu.vector_load %arg13[%get3A_348] {strides = array<i32>} : memref<16384xf32, #tpu.memory_space<vmem>>, vector<16xf32>,
          %get3A_350 = vector.shape_cast %get3A_349 : vector<16xf32> to vector<16xf32>
          %mul3A_351 = arith.constant 512 : i32
          %mul3A_352 = arith.muli %scan3A_232, %mul3A_351 : i32
          %add3A_353 = arith.constant 272 : i32
          %add3A_354 = arith.addi %mul3A_352, %add3A_353 : i32
          %get3A_355 = arith.index_cast %add3A_354 : i32 to index
          %get3A_356 = tpu.vector_load %arg13[%get3A_355] {strides = array<i32>} : memref<16384xf32, #tpu.memory_space<vmem>>, vector<16xf32>,
          %get3A_357 = vector.shape_cast %get3A_356 : vector<16xf32> to vector<16xf32>
          %mul3A_358 = arith.constant 512 : i32
          %mul3A_359 = arith.muli %scan3A_232, %mul3A_358 : i32
          %add3A_360 = arith.constant 288 : i32
          %add3A_361 = arith.addi %mul3A_359, %add3A_360 : i32
          %get3A_362 = arith.index_cast %add3A_361 : i32 to index
          %get3A_363 = tpu.vector_load %arg13[%get3A_362] {strides = array<i32>} : memref<16384xf32, #tpu.memory_space<vmem>>, vector<16xf32>,
          %get3A_364 = vector.shape_cast %get3A_363 : vector<16xf32> to vector<16xf32>
          %mul3A_365 = arith.constant 512 : i32
          %mul3A_366 = arith.muli %scan3A_232, %mul3A_365 : i32
          %add3A_367 = arith.constant 304 : i32
          %add3A_368 = arith.addi %mul3A_366, %add3A_367 : i32
          %get3A_369 = arith.index_cast %add3A_368 : i32 to index
          %get3A_370 = tpu.vector_load %arg13[%get3A_369] {strides = array<i32>} : memref<16384xf32, #tpu.memory_space<vmem>>, vector<16xf32>,
          %get3A_371 = vector.shape_cast %get3A_370 : vector<16xf32> to vector<16xf32>
          %mul3A_372 = arith.constant 512 : i32
          %mul3A_373 = arith.muli %scan3A_232, %mul3A_372 : i32
          %add3A_374 = arith.constant 320 : i32
          %add3A_375 = arith.addi %mul3A_373, %add3A_374 : i32
          %get3A_376 = arith.index_cast %add3A_375 : i32 to index
          %get3A_377 = tpu.vector_load %arg13[%get3A_376] {strides = array<i32>} : memref<16384xf32, #tpu.memory_space<vmem>>, vector<16xf32>,
          %get3A_378 = vector.shape_cast %get3A_377 : vector<16xf32> to vector<16xf32>
          %mul3A_379 = arith.constant 512 : i32
          %mul3A_380 = arith.muli %scan3A_232, %mul3A_379 : i32
          %add3A_381 = arith.constant 336 : i32
          %add3A_382 = arith.addi %mul3A_380, %add3A_381 : i32
          %get3A_383 = arith.index_cast %add3A_382 : i32 to index
          %get3A_384 = tpu.vector_load %arg13[%get3A_383] {strides = array<i32>} : memref<16384xf32, #tpu.memory_space<vmem>>, vector<16xf32>,
          %get3A_385 = vector.shape_cast %get3A_384 : vector<16xf32> to vector<16xf32>
          %mul3A_386 = arith.constant 512 : i32
          %mul3A_387 = arith.muli %scan3A_232, %mul3A_386 : i32
          %add3A_388 = arith.constant 352 : i32
          %add3A_389 = arith.addi %mul3A_387, %add3A_388 : i32
          %get3A_390 = arith.index_cast %add3A_389 : i32 to index
          %get3A_391 = tpu.vector_load %arg13[%get3A_390] {strides = array<i32>} : memref<16384xf32, #tpu.memory_space<vmem>>, vector<16xf32>,
          %get3A_392 = vector.shape_cast %get3A_391 : vector<16xf32> to vector<16xf32>
          %mul3A_393 = arith.constant 512 : i32
          %mul3A_394 = arith.muli %scan3A_232, %mul3A_393 : i32
          %add3A_395 = arith.constant 368 : i32
          %add3A_396 = arith.addi %mul3A_394, %add3A_395 : i32
          %get3A_397 = arith.index_cast %add3A_396 : i32 to index
          %get3A_398 = tpu.vector_load %arg13[%get3A_397] {strides = array<i32>} : memref<16384xf32, #tpu.memory_space<vmem>>, vector<16xf32>,
          %get3A_399 = vector.shape_cast %get3A_398 : vector<16xf32> to vector<16xf32>
          %mul3A_400 = arith.constant 512 : i32
          %mul3A_401 = arith.muli %scan3A_232, %mul3A_400 : i32
          %add3A_402 = arith.constant 384 : i32
          %add3A_403 = arith.addi %mul3A_401, %add3A_402 : i32
          %get3A_404 = arith.index_cast %add3A_403 : i32 to index
          %get3A_405 = tpu.vector_load %arg13[%get3A_404] {strides = array<i32>} : memref<16384xf32, #tpu.memory_space<vmem>>, vector<16xf32>,
          %get3A_406 = vector.shape_cast %get3A_405 : vector<16xf32> to vector<16xf32>
          %mul3A_407 = arith.constant 512 : i32
          %mul3A_408 = arith.muli %scan3A_232, %mul3A_407 : i32
          %add3A_409 = arith.constant 400 : i32
          %add3A_410 = arith.addi %mul3A_408, %add3A_409 : i32
          %get3A_411 = arith.index_cast %add3A_410 : i32 to index
          %get3A_412 = tpu.vector_load %arg13[%get3A_411] {strides = array<i32>} : memref<16384xf32, #tpu.memory_space<vmem>>, vector<16xf32>,
          %get3A_413 = vector.shape_cast %get3A_412 : vector<16xf32> to vector<16xf32>
          %mul3A_414 = arith.constant 512 : i32
          %mul3A_415 = arith.muli %scan3A_232, %mul3A_414 : i32
          %add3A_416 = arith.constant 416 : i32
          %add3A_417 = arith.addi %mul3A_415, %add3A_416 : i32
          %get3A_418 = arith.index_cast %add3A_417 : i32 to index
          %get3A_419 = tpu.vector_load %arg13[%get3A_418] {strides = array<i32>} : memref<16384xf32, #tpu.memory_space<vmem>>, vector<16xf32>,
          %get3A_420 = vector.shape_cast %get3A_419 : vector<16xf32> to vector<16xf32>
          %mul3A_421 = arith.constant 512 : i32
          %mul3A_422 = arith.muli %scan3A_232, %mul3A_421 : i32
          %add3A_423 = arith.constant 432 : i32
          %add3A_424 = arith.addi %mul3A_422, %add3A_423 : i32
          %get3A_425 = arith.index_cast %add3A_424 : i32 to index
          %get3A_426 = tpu.vector_load %arg13[%get3A_425] {strides = array<i32>} : memref<16384xf32, #tpu.memory_space<vmem>>, vector<16xf32>,
          %get3A_427 = vector.shape_cast %get3A_426 : vector<16xf32> to vector<16xf32>
          %mul3A_428 = arith.constant 512 : i32
          %mul3A_429 = arith.muli %scan3A_232, %mul3A_428 : i32
          %add3A_430 = arith.constant 448 : i32
          %add3A_431 = arith.addi %mul3A_429, %add3A_430 : i32
          %get3A_432 = arith.index_cast %add3A_431 : i32 to index
          %get3A_433 = tpu.vector_load %arg13[%get3A_432] {strides = array<i32>} : memref<16384xf32, #tpu.memory_space<vmem>>, vector<16xf32>,
          %get3A_434 = vector.shape_cast %get3A_433 : vector<16xf32> to vector<16xf32>
          %mul3A_435 = arith.constant 512 : i32
          %mul3A_436 = arith.muli %scan3A_232, %mul3A_435 : i32
          %add3A_437 = arith.constant 464 : i32
          %add3A_438 = arith.addi %mul3A_436, %add3A_437 : i32
          %get3A_439 = arith.index_cast %add3A_438 : i32 to index
          %get3A_440 = tpu.vector_load %arg13[%get3A_439] {strides = array<i32>} : memref<16384xf32, #tpu.memory_space<vmem>>, vector<16xf32>,
          %get3A_441 = vector.shape_cast %get3A_440 : vector<16xf32> to vector<16xf32>
          %mul3A_442 = arith.constant 512 : i32
          %mul3A_443 = arith.muli %scan3A_232, %mul3A_442 : i32
          %add3A_444 = arith.constant 480 : i32
          %add3A_445 = arith.addi %mul3A_443, %add3A_444 : i32
          %get3A_446 = arith.index_cast %add3A_445 : i32 to index
          %get3A_447 = tpu.vector_load %arg13[%get3A_446] {strides = array<i32>} : memref<16384xf32, #tpu.memory_space<vmem>>, vector<16xf32>,
          %get3A_448 = vector.shape_cast %get3A_447 : vector<16xf32> to vector<16xf32>
          %mul3A_449 = arith.constant 512 : i32
          %mul3A_450 = arith.muli %scan3A_232, %mul3A_449 : i32
          %add3A_451 = arith.constant 496 : i32
          %add3A_452 = arith.addi %mul3A_450, %add3A_451 : i32
          %get3A_453 = arith.index_cast %add3A_452 : i32 to index
          %get3A_454 = tpu.vector_load %arg13[%get3A_453] {strides = array<i32>} : memref<16384xf32, #tpu.memory_space<vmem>>, vector<16xf32>,
          %get3A_455 = vector.shape_cast %get3A_454 : vector<16xf32> to vector<16xf32>
          %swap3A = arith.index_cast %scan3A_232 : i32 to index
          %swap3A_456 = arith.constant 0 : index
          %swap3A_457 = tpu.vector_load %arg14[%swap3A, %swap3A_456] {strides = array<i32>} : memref<32x512xf32, #tpu.memory_space<vmem>>, vector<1x16xf32>,
          %swap3A_458 = vector.shape_cast %swap3A_457 : vector<1x16xf32> to vector<16xf32>
          %swap3A_459 = vector.shape_cast %get3A_238 : vector<16xf32> to vector<1x16xf32>
          tpu.vector_store %arg14[%swap3A, %swap3A_456], %swap3A_459 {strides = array<i32>} : memref<32x512xf32, #tpu.memory_space<vmem>>, vector<1x16xf32>,
          %swap3A_460 = arith.index_cast %scan3A_232 : i32 to index
          %swap3A_461 = arith.constant 16 : index
          %swap3A_462 = tpu.vector_load %arg14[%swap3A_460, %swap3A_461] {strides = array<i32>} : memref<32x512xf32, #tpu.memory_space<vmem>>, vector<1x16xf32>,
          %swap3A_463 = vector.shape_cast %swap3A_462 : vector<1x16xf32> to vector<16xf32>
          %swap3A_464 = vector.shape_cast %get3A_245 : vector<16xf32> to vector<1x16xf32>
          tpu.vector_store %arg14[%swap3A_460, %swap3A_461], %swap3A_464 {strides = array<i32>} : memref<32x512xf32, #tpu.memory_space<vmem>>, vector<1x16xf32>,
          %swap3A_465 = arith.index_cast %scan3A_232 : i32 to index
          %swap3A_466 = arith.constant 32 : index
          %swap3A_467 = tpu.vector_load %arg14[%swap3A_465, %swap3A_466] {strides = array<i32>} : memref<32x512xf32, #tpu.memory_space<vmem>>, vector<1x16xf32>,
          %swap3A_468 = vector.shape_cast %swap3A_467 : vector<1x16xf32> to vector<16xf32>
          %swap3A_469 = vector.shape_cast %get3A_252 : vector<16xf32> to vector<1x16xf32>
          tpu.vector_store %arg14[%swap3A_465, %swap3A_466], %swap3A_469 {strides = array<i32>} : memref<32x512xf32, #tpu.memory_space<vmem>>, vector<1x16xf32>,
          %swap3A_470 = arith.index_cast %scan3A_232 : i32 to index
          %swap3A_471 = arith.constant 48 : index
          %swap3A_472 = tpu.vector_load %arg14[%swap3A_470, %swap3A_471] {strides = array<i32>} : memref<32x512xf32, #tpu.memory_space<vmem>>, vector<1x16xf32>,
          %swap3A_473 = vector.shape_cast %swap3A_472 : vector<1x16xf32> to vector<16xf32>
          %swap3A_474 = vector.shape_cast %get3A_259 : vector<16xf32> to vector<1x16xf32>
          tpu.vector_store %arg14[%swap3A_470, %swap3A_471], %swap3A_474 {strides = array<i32>} : memref<32x512xf32, #tpu.memory_space<vmem>>, vector<1x16xf32>,
          %swap3A_475 = arith.index_cast %scan3A_232 : i32 to index
          %swap3A_476 = arith.constant 64 : index
          %swap3A_477 = tpu.vector_load %arg14[%swap3A_475, %swap3A_476] {strides = array<i32>} : memref<32x512xf32, #tpu.memory_space<vmem>>, vector<1x16xf32>,
          %swap3A_478 = vector.shape_cast %swap3A_477 : vector<1x16xf32> to vector<16xf32>
          %swap3A_479 = vector.shape_cast %get3A_266 : vector<16xf32> to vector<1x16xf32>
          tpu.vector_store %arg14[%swap3A_475, %swap3A_476], %swap3A_479 {strides = array<i32>} : memref<32x512xf32, #tpu.memory_space<vmem>>, vector<1x16xf32>,
          %swap3A_480 = arith.index_cast %scan3A_232 : i32 to index
          %swap3A_481 = arith.constant 80 : index
          %swap3A_482 = tpu.vector_load %arg14[%swap3A_480, %swap3A_481] {strides = array<i32>} : memref<32x512xf32, #tpu.memory_space<vmem>>, vector<1x16xf32>,
          %swap3A_483 = vector.shape_cast %swap3A_482 : vector<1x16xf32> to vector<16xf32>
          %swap3A_484 = vector.shape_cast %get3A_273 : vector<16xf32> to vector<1x16xf32>
          tpu.vector_store %arg14[%swap3A_480, %swap3A_481], %swap3A_484 {strides = array<i32>} : memref<32x512xf32, #tpu.memory_space<vmem>>, vector<1x16xf32>,
          %swap3A_485 = arith.index_cast %scan3A_232 : i32 to index
          %swap3A_486 = arith.constant 96 : index
          %swap3A_487 = tpu.vector_load %arg14[%swap3A_485, %swap3A_486] {strides = array<i32>} : memref<32x512xf32, #tpu.memory_space<vmem>>, vector<1x16xf32>,
          %swap3A_488 = vector.shape_cast %swap3A_487 : vector<1x16xf32> to vector<16xf32>
          %swap3A_489 = vector.shape_cast %get3A_280 : vector<16xf32> to vector<1x16xf32>
          tpu.vector_store %arg14[%swap3A_485, %swap3A_486], %swap3A_489 {strides = array<i32>} : memref<32x512xf32, #tpu.memory_space<vmem>>, vector<1x16xf32>,
          %swap3A_490 = arith.index_cast %scan3A_232 : i32 to index
          %swap3A_491 = arith.constant 112 : index
          %swap3A_492 = tpu.vector_load %arg14[%swap3A_490, %swap3A_491] {strides = array<i32>} : memref<32x512xf32, #tpu.memory_space<vmem>>, vector<1x16xf32>,
          %swap3A_493 = vector.shape_cast %swap3A_492 : vector<1x16xf32> to vector<16xf32>
          %swap3A_494 = vector.shape_cast %get3A_287 : vector<16xf32> to vector<1x16xf32>
          tpu.vector_store %arg14[%swap3A_490, %swap3A_491], %swap3A_494 {strides = array<i32>} : memref<32x512xf32, #tpu.memory_space<vmem>>, vector<1x16xf32>,
          %swap3A_495 = arith.index_cast %scan3A_232 : i32 to index
          %swap3A_496 = arith.constant 128 : index
          %swap3A_497 = tpu.vector_load %arg14[%swap3A_495, %swap3A_496] {strides = array<i32>} : memref<32x512xf32, #tpu.memory_space<vmem>>, vector<1x16xf32>,
          %swap3A_498 = vector.shape_cast %swap3A_497 : vector<1x16xf32> to vector<16xf32>
          %swap3A_499 = vector.shape_cast %get3A_294 : vector<16xf32> to vector<1x16xf32>
          tpu.vector_store %arg14[%swap3A_495, %swap3A_496], %swap3A_499 {strides = array<i32>} : memref<32x512xf32, #tpu.memory_space<vmem>>, vector<1x16xf32>,
          %swap3A_500 = arith.index_cast %scan3A_232 : i32 to index
          %swap3A_501 = arith.constant 144 : index
          %swap3A_502 = tpu.vector_load %arg14[%swap3A_500, %swap3A_501] {strides = array<i32>} : memref<32x512xf32, #tpu.memory_space<vmem>>, vector<1x16xf32>,
          %swap3A_503 = vector.shape_cast %swap3A_502 : vector<1x16xf32> to vector<16xf32>
          %swap3A_504 = vector.shape_cast %get3A_301 : vector<16xf32> to vector<1x16xf32>
          tpu.vector_store %arg14[%swap3A_500, %swap3A_501], %swap3A_504 {strides = array<i32>} : memref<32x512xf32, #tpu.memory_space<vmem>>, vector<1x16xf32>,
          %swap3A_505 = arith.index_cast %scan3A_232 : i32 to index
          %swap3A_506 = arith.constant 160 : index
          %swap3A_507 = tpu.vector_load %arg14[%swap3A_505, %swap3A_506] {strides = array<i32>} : memref<32x512xf32, #tpu.memory_space<vmem>>, vector<1x16xf32>,
          %swap3A_508 = vector.shape_cast %swap3A_507 : vector<1x16xf32> to vector<16xf32>
          %swap3A_509 = vector.shape_cast %get3A_308 : vector<16xf32> to vector<1x16xf32>
          tpu.vector_store %arg14[%swap3A_505, %swap3A_506], %swap3A_509 {strides = array<i32>} : memref<32x512xf32, #tpu.memory_space<vmem>>, vector<1x16xf32>,
          %swap3A_510 = arith.index_cast %scan3A_232 : i32 to index
          %swap3A_511 = arith.constant 176 : index
          %swap3A_512 = tpu.vector_load %arg14[%swap3A_510, %swap3A_511] {strides = array<i32>} : memref<32x512xf32, #tpu.memory_space<vmem>>, vector<1x16xf32>,
          %swap3A_513 = vector.shape_cast %swap3A_512 : vector<1x16xf32> to vector<16xf32>
          %swap3A_514 = vector.shape_cast %get3A_315 : vector<16xf32> to vector<1x16xf32>
          tpu.vector_store %arg14[%swap3A_510, %swap3A_511], %swap3A_514 {strides = array<i32>} : memref<32x512xf32, #tpu.memory_space<vmem>>, vector<1x16xf32>,
          %swap3A_515 = arith.index_cast %scan3A_232 : i32 to index
          %swap3A_516 = arith.constant 192 : index
          %swap3A_517 = tpu.vector_load %arg14[%swap3A_515, %swap3A_516] {strides = array<i32>} : memref<32x512xf32, #tpu.memory_space<vmem>>, vector<1x16xf32>,
          %swap3A_518 = vector.shape_cast %swap3A_517 : vector<1x16xf32> to vector<16xf32>
          %swap3A_519 = vector.shape_cast %get3A_322 : vector<16xf32> to vector<1x16xf32>
          tpu.vector_store %arg14[%swap3A_515, %swap3A_516], %swap3A_519 {strides = array<i32>} : memref<32x512xf32, #tpu.memory_space<vmem>>, vector<1x16xf32>,
          %swap3A_520 = arith.index_cast %scan3A_232 : i32 to index
          %swap3A_521 = arith.constant 208 : index
          %swap3A_522 = tpu.vector_load %arg14[%swap3A_520, %swap3A_521] {strides = array<i32>} : memref<32x512xf32, #tpu.memory_space<vmem>>, vector<1x16xf32>,
          %swap3A_523 = vector.shape_cast %swap3A_522 : vector<1x16xf32> to vector<16xf32>
          %swap3A_524 = vector.shape_cast %get3A_329 : vector<16xf32> to vector<1x16xf32>
          tpu.vector_store %arg14[%swap3A_520, %swap3A_521], %swap3A_524 {strides = array<i32>} : memref<32x512xf32, #tpu.memory_space<vmem>>, vector<1x16xf32>,
          %swap3A_525 = arith.index_cast %scan3A_232 : i32 to index
          %swap3A_526 = arith.constant 224 : index
          %swap3A_527 = tpu.vector_load %arg14[%swap3A_525, %swap3A_526] {strides = array<i32>} : memref<32x512xf32, #tpu.memory_space<vmem>>, vector<1x16xf32>,
          %swap3A_528 = vector.shape_cast %swap3A_527 : vector<1x16xf32> to vector<16xf32>
          %swap3A_529 = vector.shape_cast %get3A_336 : vector<16xf32> to vector<1x16xf32>
          tpu.vector_store %arg14[%swap3A_525, %swap3A_526], %swap3A_529 {strides = array<i32>} : memref<32x512xf32, #tpu.memory_space<vmem>>, vector<1x16xf32>,
          %swap3A_530 = arith.index_cast %scan3A_232 : i32 to index
          %swap3A_531 = arith.constant 240 : index
          %swap3A_532 = tpu.vector_load %arg14[%swap3A_530, %swap3A_531] {strides = array<i32>} : memref<32x512xf32, #tpu.memory_space<vmem>>, vector<1x16xf32>,
          %swap3A_533 = vector.shape_cast %swap3A_532 : vector<1x16xf32> to vector<16xf32>
          %swap3A_534 = vector.shape_cast %get3A_343 : vector<16xf32> to vector<1x16xf32>
          tpu.vector_store %arg14[%swap3A_530, %swap3A_531], %swap3A_534 {strides = array<i32>} : memref<32x512xf32, #tpu.memory_space<vmem>>, vector<1x16xf32>,
          %swap3A_535 = arith.index_cast %scan3A_232 : i32 to index
          %swap3A_536 = arith.constant 256 : index
          %swap3A_537 = tpu.vector_load %arg14[%swap3A_535, %swap3A_536] {strides = array<i32>} : memref<32x512xf32, #tpu.memory_space<vmem>>, vector<1x16xf32>,
          %swap3A_538 = vector.shape_cast %swap3A_537 : vector<1x16xf32> to vector<16xf32>
          %swap3A_539 = vector.shape_cast %get3A_350 : vector<16xf32> to vector<1x16xf32>
          tpu.vector_store %arg14[%swap3A_535, %swap3A_536], %swap3A_539 {strides = array<i32>} : memref<32x512xf32, #tpu.memory_space<vmem>>, vector<1x16xf32>,
          %swap3A_540 = arith.index_cast %scan3A_232 : i32 to index
          %swap3A_541 = arith.constant 272 : index
          %swap3A_542 = tpu.vector_load %arg14[%swap3A_540, %swap3A_541] {strides = array<i32>} : memref<32x512xf32, #tpu.memory_space<vmem>>, vector<1x16xf32>,
          %swap3A_543 = vector.shape_cast %swap3A_542 : vector<1x16xf32> to vector<16xf32>
          %swap3A_544 = vector.shape_cast %get3A_357 : vector<16xf32> to vector<1x16xf32>
          tpu.vector_store %arg14[%swap3A_540, %swap3A_541], %swap3A_544 {strides = array<i32>} : memref<32x512xf32, #tpu.memory_space<vmem>>, vector<1x16xf32>,
          %swap3A_545 = arith.index_cast %scan3A_232 : i32 to index
          %swap3A_546 = arith.constant 288 : index
          %swap3A_547 = tpu.vector_load %arg14[%swap3A_545, %swap3A_546] {strides = array<i32>} : memref<32x512xf32, #tpu.memory_space<vmem>>, vector<1x16xf32>,
          %swap3A_548 = vector.shape_cast %swap3A_547 : vector<1x16xf32> to vector<16xf32>
          %swap3A_549 = vector.shape_cast %get3A_364 : vector<16xf32> to vector<1x16xf32>
          tpu.vector_store %arg14[%swap3A_545, %swap3A_546], %swap3A_549 {strides = array<i32>} : memref<32x512xf32, #tpu.memory_space<vmem>>, vector<1x16xf32>,
          %swap3A_550 = arith.index_cast %scan3A_232 : i32 to index
          %swap3A_551 = arith.constant 304 : index
          %swap3A_552 = tpu.vector_load %arg14[%swap3A_550, %swap3A_551] {strides = array<i32>} : memref<32x512xf32, #tpu.memory_space<vmem>>, vector<1x16xf32>,
          %swap3A_553 = vector.shape_cast %swap3A_552 : vector<1x16xf32> to vector<16xf32>
          %swap3A_554 = vector.shape_cast %get3A_371 : vector<16xf32> to vector<1x16xf32>
          tpu.vector_store %arg14[%swap3A_550, %swap3A_551], %swap3A_554 {strides = array<i32>} : memref<32x512xf32, #tpu.memory_space<vmem>>, vector<1x16xf32>,
          %swap3A_555 = arith.index_cast %scan3A_232 : i32 to index
          %swap3A_556 = arith.constant 320 : index
          %swap3A_557 = tpu.vector_load %arg14[%swap3A_555, %swap3A_556] {strides = array<i32>} : memref<32x512xf32, #tpu.memory_space<vmem>>, vector<1x16xf32>,
          %swap3A_558 = vector.shape_cast %swap3A_557 : vector<1x16xf32> to vector<16xf32>
          %swap3A_559 = vector.shape_cast %get3A_378 : vector<16xf32> to vector<1x16xf32>
          tpu.vector_store %arg14[%swap3A_555, %swap3A_556], %swap3A_559 {strides = array<i32>} : memref<32x512xf32, #tpu.memory_space<vmem>>, vector<1x16xf32>,
          %swap3A_560 = arith.index_cast %scan3A_232 : i32 to index
          %swap3A_561 = arith.constant 336 : index
          %swap3A_562 = tpu.vector_load %arg14[%swap3A_560, %swap3A_561] {strides = array<i32>} : memref<32x512xf32, #tpu.memory_space<vmem>>, vector<1x16xf32>,
          %swap3A_563 = vector.shape_cast %swap3A_562 : vector<1x16xf32> to vector<16xf32>
          %swap3A_564 = vector.shape_cast %get3A_385 : vector<16xf32> to vector<1x16xf32>
          tpu.vector_store %arg14[%swap3A_560, %swap3A_561], %swap3A_564 {strides = array<i32>} : memref<32x512xf32, #tpu.memory_space<vmem>>, vector<1x16xf32>,
          %swap3A_565 = arith.index_cast %scan3A_232 : i32 to index
          %swap3A_566 = arith.constant 352 : index
          %swap3A_567 = tpu.vector_load %arg14[%swap3A_565, %swap3A_566] {strides = array<i32>} : memref<32x512xf32, #tpu.memory_space<vmem>>, vector<1x16xf32>,
          %swap3A_568 = vector.shape_cast %swap3A_567 : vector<1x16xf32> to vector<16xf32>
          %swap3A_569 = vector.shape_cast %get3A_392 : vector<16xf32> to vector<1x16xf32>
          tpu.vector_store %arg14[%swap3A_565, %swap3A_566], %swap3A_569 {strides = array<i32>} : memref<32x512xf32, #tpu.memory_space<vmem>>, vector<1x16xf32>,
          %swap3A_570 = arith.index_cast %scan3A_232 : i32 to index
          %swap3A_571 = arith.constant 368 : index
          %swap3A_572 = tpu.vector_load %arg14[%swap3A_570, %swap3A_571] {strides = array<i32>} : memref<32x512xf32, #tpu.memory_space<vmem>>, vector<1x16xf32>,
          %swap3A_573 = vector.shape_cast %swap3A_572 : vector<1x16xf32> to vector<16xf32>
          %swap3A_574 = vector.shape_cast %get3A_399 : vector<16xf32> to vector<1x16xf32>
          tpu.vector_store %arg14[%swap3A_570, %swap3A_571], %swap3A_574 {strides = array<i32>} : memref<32x512xf32, #tpu.memory_space<vmem>>, vector<1x16xf32>,
          %swap3A_575 = arith.index_cast %scan3A_232 : i32 to index
          %swap3A_576 = arith.constant 384 : index
          %swap3A_577 = tpu.vector_load %arg14[%swap3A_575, %swap3A_576] {strides = array<i32>} : memref<32x512xf32, #tpu.memory_space<vmem>>, vector<1x16xf32>,
          %swap3A_578 = vector.shape_cast %swap3A_577 : vector<1x16xf32> to vector<16xf32>
          %swap3A_579 = vector.shape_cast %get3A_406 : vector<16xf32> to vector<1x16xf32>
          tpu.vector_store %arg14[%swap3A_575, %swap3A_576], %swap3A_579 {strides = array<i32>} : memref<32x512xf32, #tpu.memory_space<vmem>>, vector<1x16xf32>,
          %swap3A_580 = arith.index_cast %scan3A_232 : i32 to index
          %swap3A_581 = arith.constant 400 : index
          %swap3A_582 = tpu.vector_load %arg14[%swap3A_580, %swap3A_581] {strides = array<i32>} : memref<32x512xf32, #tpu.memory_space<vmem>>, vector<1x16xf32>,
          %swap3A_583 = vector.shape_cast %swap3A_582 : vector<1x16xf32> to vector<16xf32>
          %swap3A_584 = vector.shape_cast %get3A_413 : vector<16xf32> to vector<1x16xf32>
          tpu.vector_store %arg14[%swap3A_580, %swap3A_581], %swap3A_584 {strides = array<i32>} : memref<32x512xf32, #tpu.memory_space<vmem>>, vector<1x16xf32>,
          %swap3A_585 = arith.index_cast %scan3A_232 : i32 to index
          %swap3A_586 = arith.constant 416 : index
          %swap3A_587 = tpu.vector_load %arg14[%swap3A_585, %swap3A_586] {strides = array<i32>} : memref<32x512xf32, #tpu.memory_space<vmem>>, vector<1x16xf32>,
          %swap3A_588 = vector.shape_cast %swap3A_587 : vector<1x16xf32> to vector<16xf32>
          %swap3A_589 = vector.shape_cast %get3A_420 : vector<16xf32> to vector<1x16xf32>
          tpu.vector_store %arg14[%swap3A_585, %swap3A_586], %swap3A_589 {strides = array<i32>} : memref<32x512xf32, #tpu.memory_space<vmem>>, vector<1x16xf32>,
          %swap3A_590 = arith.index_cast %scan3A_232 : i32 to index
          %swap3A_591 = arith.constant 432 : index
          %swap3A_592 = tpu.vector_load %arg14[%swap3A_590, %swap3A_591] {strides = array<i32>} : memref<32x512xf32, #tpu.memory_space<vmem>>, vector<1x16xf32>,
          %swap3A_593 = vector.shape_cast %swap3A_592 : vector<1x16xf32> to vector<16xf32>
          %swap3A_594 = vector.shape_cast %get3A_427 : vector<16xf32> to vector<1x16xf32>
          tpu.vector_store %arg14[%swap3A_590, %swap3A_591], %swap3A_594 {strides = array<i32>} : memref<32x512xf32, #tpu.memory_space<vmem>>, vector<1x16xf32>,
          %swap3A_595 = arith.index_cast %scan3A_232 : i32 to index
          %swap3A_596 = arith.constant 448 : index
          %swap3A_597 = tpu.vector_load %arg14[%swap3A_595, %swap3A_596] {strides = array<i32>} : memref<32x512xf32, #tpu.memory_space<vmem>>, vector<1x16xf32>,
          %swap3A_598 = vector.shape_cast %swap3A_597 : vector<1x16xf32> to vector<16xf32>
          %swap3A_599 = vector.shape_cast %get3A_434 : vector<16xf32> to vector<1x16xf32>
          tpu.vector_store %arg14[%swap3A_595, %swap3A_596], %swap3A_599 {strides = array<i32>} : memref<32x512xf32, #tpu.memory_space<vmem>>, vector<1x16xf32>,
          %swap3A_600 = arith.index_cast %scan3A_232 : i32 to index
          %swap3A_601 = arith.constant 464 : index
          %swap3A_602 = tpu.vector_load %arg14[%swap3A_600, %swap3A_601] {strides = array<i32>} : memref<32x512xf32, #tpu.memory_space<vmem>>, vector<1x16xf32>,
          %swap3A_603 = vector.shape_cast %swap3A_602 : vector<1x16xf32> to vector<16xf32>
          %swap3A_604 = vector.shape_cast %get3A_441 : vector<16xf32> to vector<1x16xf32>
          tpu.vector_store %arg14[%swap3A_600, %swap3A_601], %swap3A_604 {strides = array<i32>} : memref<32x512xf32, #tpu.memory_space<vmem>>, vector<1x16xf32>,
          %swap3A_605 = arith.index_cast %scan3A_232 : i32 to index
          %swap3A_606 = arith.constant 480 : index
          %swap3A_607 = tpu.vector_load %arg14[%swap3A_605, %swap3A_606] {strides = array<i32>} : memref<32x512xf32, #tpu.memory_space<vmem>>, vector<1x16xf32>,
          %swap3A_608 = vector.shape_cast %swap3A_607 : vector<1x16xf32> to vector<16xf32>
          %swap3A_609 = vector.shape_cast %get3A_448 : vector<16xf32> to vector<1x16xf32>
          tpu.vector_store %arg14[%swap3A_605, %swap3A_606], %swap3A_609 {strides = array<i32>} : memref<32x512xf32, #tpu.memory_space<vmem>>, vector<1x16xf32>,
          %swap3A_610 = arith.index_cast %scan3A_232 : i32 to index
          %swap3A_611 = arith.constant 496 : index
          %swap3A_612 = tpu.vector_load %arg14[%swap3A_610, %swap3A_611] {strides = array<i32>} : memref<32x512xf32, #tpu.memory_space<vmem>>, vector<1x16xf32>,
          %swap3A_613 = vector.shape_cast %swap3A_612 : vector<1x16xf32> to vector<16xf32>
          %swap3A_614 = vector.shape_cast %get3A_455 : vector<16xf32> to vector<1x16xf32>
          tpu.vector_store %arg14[%swap3A_610, %swap3A_611], %swap3A_614 {strides = array<i32>} : memref<32x512xf32, #tpu.memory_space<vmem>>, vector<1x16xf32>,
        }
        %scan3A_222 = arith.constant 32 : i32
        %add3A_223 = arith.addi %mul3A_0, %mul3A_116 : i32
        %sub3A_224 = arith.constant 1 : i32
        %sub3A_225 = arith.subi %add3A_223, %sub3A_224 : i32
        %dma_start3A_226 = arith.constant 0 : i32
        %dma_start3A_227 = tpu.memref_slice %arg4[%sub3A_225, %mul3A_2, %dma_start3A_226] : memref<384x512x512xf32, #tpu.memory_space<hbm>> -> memref<1x32x512xf32, #tpu.memory_space<hbm>>
        %dma_start3A_228 = tpu.memref_squeeze %dma_start3A_227 : memref<1x32x512xf32, #tpu.memory_space<hbm>> -> memref<32x512xf32, #tpu.memory_space<hbm>>
        %dma_start3A_229 = arith.constant 0 : i32
        %dma_start3A_230 = tpu.memref_slice %arg4[%sub3A_225, %mul3A_2, %dma_start3A_229] : memref<384x512x512xf32, #tpu.memory_space<hbm>> -> memref<1x32x512xf32, #tpu.memory_space<hbm>>
        %dma_start3A_231 = tpu.memref_squeeze %dma_start3A_230 : memref<1x32x512xf32, #tpu.memory_space<hbm>> -> memref<32x512xf32, #tpu.memory_space<hbm>>
        tpu.enqueue_dma source(%arg14 : memref<32x512xf32, #tpu.memory_space<vmem>>) target(%dma_start3A_231 : memref<32x512xf32, #tpu.memory_space<hbm>>) target_semaphore(%arg20 : memref<!tpu.dma_semaphore, #tpu.memory_space<semaphore_mem>>)
      } else {
      }
      %dma_start3A_162 = tpu.memref_slice %arg15[%mul3A_4] : memref<262144xf32, #tpu.memory_space<vmem_shared>> -> memref<16384xf32, #tpu.memory_space<vmem_shared>>
      %dma_start3A_163 = tpu.memref_slice %arg15[%mul3A_4] : memref<262144xf32, #tpu.memory_space<vmem_shared>> -> memref<16384xf32, #tpu.memory_space<vmem_shared>>
      tpu.enqueue_dma source(%dma_start3A_163 : memref<16384xf32, #tpu.memory_space<vmem_shared>>) target(%arg13 : memref<16384xf32, #tpu.memory_space<vmem>>) target_semaphore(%arg19 : memref<!tpu.dma_semaphore, #tpu.memory_space<semaphore_mem>>)
      %add3A_164 = arith.constant 1 : i32
      %add3A_165 = arith.addi %mul3A_116, %add3A_164 : i32
      %add3A_166 = arith.constant 1 : i32
      %add3A_167 = arith.addi %add3A_165, %add3A_166 : i32
      %lt3A_168 = arith.constant 192 : i32
      %lt3A_169 = arith.cmpi slt, %add3A_167, %lt3A_168 : i32
      %convert_element_type3A_170 = arith.extui %lt3A_169 : i1 to i32
      %cond3A_171 = arith.constant 0 : i32
      %cond3A_172 = arith.cmpi ne, %convert_element_type3A_170, %cond3A_171 : i32
      scf.if %cond3A_172 {
        %add3A_217 = arith.constant 1 : i32
        %add3A_218 = arith.addi %add3A_165, %add3A_217 : i32
        %add3A_219 = arith.addi %mul3A_0, %add3A_218 : i32
        %dma_start3A_220 = arith.constant 0 : i32
        %dma_start3A_221 = tpu.memref_slice %arg2[%add3A_219, %mul3A_2, %dma_start3A_220] : memref<384x512x512xf32, #tpu.memory_space<hbm>> -> memref<1x32x512xf32, #tpu.memory_space<hbm>>
        %dma_start3A_222 = tpu.memref_squeeze %dma_start3A_221 : memref<1x32x512xf32, #tpu.memory_space<hbm>> -> memref<32x512xf32, #tpu.memory_space<hbm>>
        %dma_start3A_223 = arith.constant 0 : i32
        %dma_start3A_224 = tpu.memref_slice %arg2[%add3A_219, %mul3A_2, %dma_start3A_223] : memref<384x512x512xf32, #tpu.memory_space<hbm>> -> memref<1x32x512xf32, #tpu.memory_space<hbm>>
        %dma_start3A_225 = tpu.memref_squeeze %dma_start3A_224 : memref<1x32x512xf32, #tpu.memory_space<hbm>> -> memref<32x512xf32, #tpu.memory_space<hbm>>
        tpu.enqueue_dma source(%dma_start3A_225 : memref<32x512xf32, #tpu.memory_space<hbm>>) target(%arg11 : memref<32x512xf32, #tpu.memory_space<vmem>>) target_semaphore(%arg17 : memref<!tpu.dma_semaphore, #tpu.memory_space<semaphore_mem>>)
      } else {
      }
      %dma_wait3A_173 = arith.constant 0 : i32
      %dma_wait3A_174 = tpu.memref_slice %arg16[%dma_wait3A_173] : memref<262144xf32, #tpu.memory_space<vmem_shared>> -> memref<262144xf32, #tpu.memory_space<vmem_shared>>
      tpu.wait_indirect_dma semaphore(%arg21 : memref<!tpu.dma_semaphore, #tpu.memory_space<semaphore_mem>>) src(%dma_wait3A_174 : memref<262144xf32, #tpu.memory_space<vmem_shared>>) dst(%arg9 : memref<4096xf32, #tpu.memory_space<vmem>>)
      %dma_start3A_175 = arith.constant 0 : i32
      %dma_start3A_176 = tpu.memref_slice %arg16[%dma_start3A_175] : memref<262144xf32, #tpu.memory_space<vmem_shared>> -> memref<262144xf32, #tpu.memory_space<vmem_shared>>
      tpu.enqueue_indirect_dma source(%arg9 : memref<4096xf32, #tpu.memory_space<vmem>>) target(%dma_start3A_176 : memref<262144xf32, #tpu.memory_space<vmem_shared>>) offsets(%arg7 : memref<4096xi32, #tpu.memory_space<vmem>>) semaphore(%arg23 : memref<!tpu.dma_semaphore, #tpu.memory_space<semaphore_mem>>)
      %dma_wait3A_177 = arith.constant 0 : i32
      %dma_wait3A_178 = tpu.memref_slice %arg16[%dma_wait3A_177] : memref<262144xf32, #tpu.memory_space<vmem_shared>> -> memref<262144xf32, #tpu.memory_space<vmem_shared>>
      tpu.wait_indirect_dma semaphore(%arg22 : memref<!tpu.dma_semaphore, #tpu.memory_space<semaphore_mem>>) src(%dma_wait3A_178 : memref<262144xf32, #tpu.memory_space<vmem_shared>>) dst(%arg10 : memref<4096xf32, #tpu.memory_space<vmem>>)
      %dma_start3A_179 = arith.constant 0 : i32
      %dma_start3A_180 = tpu.memref_slice %arg16[%dma_start3A_179] : memref<262144xf32, #tpu.memory_space<vmem_shared>> -> memref<262144xf32, #tpu.memory_space<vmem_shared>>
      tpu.enqueue_indirect_dma source(%arg10 : memref<4096xf32, #tpu.memory_space<vmem>>) target(%dma_start3A_180 : memref<262144xf32, #tpu.memory_space<vmem_shared>>) offsets(%arg8 : memref<4096xi32, #tpu.memory_space<vmem>>) semaphore(%arg23 : memref<!tpu.dma_semaphore, #tpu.memory_space<semaphore_mem>>)
      %ge3A_181 = arith.constant 1 : i32
      %ge3A_182 = arith.cmpi sge, %add3A_165, %ge3A_181 : i32
      %convert_element_type3A_183 = arith.extui %ge3A_182 : i1 to i32
      %cond3A_184 = arith.constant 0 : i32
      %cond3A_185 = arith.cmpi ne, %convert_element_type3A_183, %cond3A_184 : i32
      scf.if %cond3A_185 {
        %dma_wait3A_217 = tpu.memref_slice %arg15[%mul3A_4] : memref<262144xf32, #tpu.memory_space<vmem_shared>> -> memref<16384xf32, #tpu.memory_space<vmem_shared>>
        %dma_wait3A_218 = tpu.memref_slice %arg15[%mul3A_4] : memref<262144xf32, #tpu.memory_space<vmem_shared>> -> memref<16384xf32, #tpu.memory_space<vmem_shared>>
        tpu.wait_dma2 semaphore(%arg19 : memref<!tpu.dma_semaphore, #tpu.memory_space<semaphore_mem>>) src(%dma_wait3A_218 : memref<16384xf32, #tpu.memory_space<vmem_shared>>) dst(%arg13 : memref<16384xf32, #tpu.memory_space<vmem>>)
      } else {
      }
      %add3A_186 = arith.constant 1 : i32
      %add3A_187 = arith.addi %add3A_165, %add3A_186 : i32
      %lt3A_188 = arith.constant 192 : i32
      %lt3A_189 = arith.cmpi slt, %add3A_187, %lt3A_188 : i32
      %convert_element_type3A_190 = arith.extui %lt3A_189 : i1 to i32
      %cond3A_191 = arith.constant 0 : i32
      %cond3A_192 = arith.cmpi ne, %convert_element_type3A_190, %cond3A_191 : i32
      scf.if %cond3A_192 {
        %add3A_217 = arith.constant 1 : i32
        %add3A_218 = arith.addi %add3A_165, %add3A_217 : i32
        %add3A_219 = arith.addi %mul3A_0, %add3A_218 : i32
        %dma_wait3A_220 = arith.constant 0 : i32
        %dma_wait3A_221 = tpu.memref_slice %arg2[%add3A_219, %mul3A_2, %dma_wait3A_220] : memref<384x512x512xf32, #tpu.memory_space<hbm>> -> memref<1x32x512xf32, #tpu.memory_space<hbm>>
        %dma_wait3A_222 = tpu.memref_squeeze %dma_wait3A_221 : memref<1x32x512xf32, #tpu.memory_space<hbm>> -> memref<32x512xf32, #tpu.memory_space<hbm>>
        %dma_wait3A_223 = arith.constant 0 : i32
        %dma_wait3A_224 = tpu.memref_slice %arg2[%add3A_219, %mul3A_2, %dma_wait3A_223] : memref<384x512x512xf32, #tpu.memory_space<hbm>> -> memref<1x32x512xf32, #tpu.memory_space<hbm>>
        %dma_wait3A_225 = tpu.memref_squeeze %dma_wait3A_224 : memref<1x32x512xf32, #tpu.memory_space<hbm>> -> memref<32x512xf32, #tpu.memory_space<hbm>>
        tpu.wait_dma2 semaphore(%arg17 : memref<!tpu.dma_semaphore, #tpu.memory_space<semaphore_mem>>) src(%dma_wait3A_225 : memref<32x512xf32, #tpu.memory_space<hbm>>) dst(%arg11 : memref<32x512xf32, #tpu.memory_space<vmem>>)
        %scan3A_226 = arith.constant 0 : i32
        %scan3A_227 = arith.constant 0 : i32
        %scan3A_228 = arith.constant 32 : i32
        %scan3A_229 = arith.addi %scan3A_227, %scan3A_228 : i32
        %scan3A_230 = arith.constant 1 : i32
        scf.for %scan3A_236 = %scan3A_227 to %scan3A_229 step %scan3A_230  : i32 {
          %get3A = arith.index_cast %scan3A_236 : i32 to index
          %get3A_237 = arith.constant 0 : index
          %get3A_238 = tpu.vector_load %arg11[%get3A, %get3A_237] {strides = array<i32>} : memref<32x512xf32, #tpu.memory_space<vmem>>, vector<1x16xf32>,
          %get3A_239 = vector.shape_cast %get3A_238 : vector<1x16xf32> to vector<16xf32>
          %get3A_240 = arith.index_cast %scan3A_236 : i32 to index
          %get3A_241 = arith.constant 16 : index
          %get3A_242 = tpu.vector_load %arg11[%get3A_240, %get3A_241] {strides = array<i32>} : memref<32x512xf32, #tpu.memory_space<vmem>>, vector<1x16xf32>,
          %get3A_243 = vector.shape_cast %get3A_242 : vector<1x16xf32> to vector<16xf32>
          %get3A_244 = arith.index_cast %scan3A_236 : i32 to index
          %get3A_245 = arith.constant 32 : index
          %get3A_246 = tpu.vector_load %arg11[%get3A_244, %get3A_245] {strides = array<i32>} : memref<32x512xf32, #tpu.memory_space<vmem>>, vector<1x16xf32>,
          %get3A_247 = vector.shape_cast %get3A_246 : vector<1x16xf32> to vector<16xf32>
          %get3A_248 = arith.index_cast %scan3A_236 : i32 to index
          %get3A_249 = arith.constant 48 : index
          %get3A_250 = tpu.vector_load %arg11[%get3A_248, %get3A_249] {strides = array<i32>} : memref<32x512xf32, #tpu.memory_space<vmem>>, vector<1x16xf32>,
          %get3A_251 = vector.shape_cast %get3A_250 : vector<1x16xf32> to vector<16xf32>
          %get3A_252 = arith.index_cast %scan3A_236 : i32 to index
          %get3A_253 = arith.constant 64 : index
          %get3A_254 = tpu.vector_load %arg11[%get3A_252, %get3A_253] {strides = array<i32>} : memref<32x512xf32, #tpu.memory_space<vmem>>, vector<1x16xf32>,
          %get3A_255 = vector.shape_cast %get3A_254 : vector<1x16xf32> to vector<16xf32>
          %get3A_256 = arith.index_cast %scan3A_236 : i32 to index
          %get3A_257 = arith.constant 80 : index
          %get3A_258 = tpu.vector_load %arg11[%get3A_256, %get3A_257] {strides = array<i32>} : memref<32x512xf32, #tpu.memory_space<vmem>>, vector<1x16xf32>,
          %get3A_259 = vector.shape_cast %get3A_258 : vector<1x16xf32> to vector<16xf32>
          %get3A_260 = arith.index_cast %scan3A_236 : i32 to index
          %get3A_261 = arith.constant 96 : index
          %get3A_262 = tpu.vector_load %arg11[%get3A_260, %get3A_261] {strides = array<i32>} : memref<32x512xf32, #tpu.memory_space<vmem>>, vector<1x16xf32>,
          %get3A_263 = vector.shape_cast %get3A_262 : vector<1x16xf32> to vector<16xf32>
          %get3A_264 = arith.index_cast %scan3A_236 : i32 to index
          %get3A_265 = arith.constant 112 : index
          %get3A_266 = tpu.vector_load %arg11[%get3A_264, %get3A_265] {strides = array<i32>} : memref<32x512xf32, #tpu.memory_space<vmem>>, vector<1x16xf32>,
          %get3A_267 = vector.shape_cast %get3A_266 : vector<1x16xf32> to vector<16xf32>
          %get3A_268 = arith.index_cast %scan3A_236 : i32 to index
          %get3A_269 = arith.constant 128 : index
          %get3A_270 = tpu.vector_load %arg11[%get3A_268, %get3A_269] {strides = array<i32>} : memref<32x512xf32, #tpu.memory_space<vmem>>, vector<1x16xf32>,
          %get3A_271 = vector.shape_cast %get3A_270 : vector<1x16xf32> to vector<16xf32>
          %get3A_272 = arith.index_cast %scan3A_236 : i32 to index
          %get3A_273 = arith.constant 144 : index
          %get3A_274 = tpu.vector_load %arg11[%get3A_272, %get3A_273] {strides = array<i32>} : memref<32x512xf32, #tpu.memory_space<vmem>>, vector<1x16xf32>,
          %get3A_275 = vector.shape_cast %get3A_274 : vector<1x16xf32> to vector<16xf32>
          %get3A_276 = arith.index_cast %scan3A_236 : i32 to index
          %get3A_277 = arith.constant 160 : index
          %get3A_278 = tpu.vector_load %arg11[%get3A_276, %get3A_277] {strides = array<i32>} : memref<32x512xf32, #tpu.memory_space<vmem>>, vector<1x16xf32>,
          %get3A_279 = vector.shape_cast %get3A_278 : vector<1x16xf32> to vector<16xf32>
          %get3A_280 = arith.index_cast %scan3A_236 : i32 to index
          %get3A_281 = arith.constant 176 : index
          %get3A_282 = tpu.vector_load %arg11[%get3A_280, %get3A_281] {strides = array<i32>} : memref<32x512xf32, #tpu.memory_space<vmem>>, vector<1x16xf32>,
          %get3A_283 = vector.shape_cast %get3A_282 : vector<1x16xf32> to vector<16xf32>
          %get3A_284 = arith.index_cast %scan3A_236 : i32 to index
          %get3A_285 = arith.constant 192 : index
          %get3A_286 = tpu.vector_load %arg11[%get3A_284, %get3A_285] {strides = array<i32>} : memref<32x512xf32, #tpu.memory_space<vmem>>, vector<1x16xf32>,
          %get3A_287 = vector.shape_cast %get3A_286 : vector<1x16xf32> to vector<16xf32>
          %get3A_288 = arith.index_cast %scan3A_236 : i32 to index
          %get3A_289 = arith.constant 208 : index
          %get3A_290 = tpu.vector_load %arg11[%get3A_288, %get3A_289] {strides = array<i32>} : memref<32x512xf32, #tpu.memory_space<vmem>>, vector<1x16xf32>,
          %get3A_291 = vector.shape_cast %get3A_290 : vector<1x16xf32> to vector<16xf32>
          %get3A_292 = arith.index_cast %scan3A_236 : i32 to index
          %get3A_293 = arith.constant 224 : index
          %get3A_294 = tpu.vector_load %arg11[%get3A_292, %get3A_293] {strides = array<i32>} : memref<32x512xf32, #tpu.memory_space<vmem>>, vector<1x16xf32>,
          %get3A_295 = vector.shape_cast %get3A_294 : vector<1x16xf32> to vector<16xf32>
          %get3A_296 = arith.index_cast %scan3A_236 : i32 to index
          %get3A_297 = arith.constant 240 : index
          %get3A_298 = tpu.vector_load %arg11[%get3A_296, %get3A_297] {strides = array<i32>} : memref<32x512xf32, #tpu.memory_space<vmem>>, vector<1x16xf32>,
          %get3A_299 = vector.shape_cast %get3A_298 : vector<1x16xf32> to vector<16xf32>
          %get3A_300 = arith.index_cast %scan3A_236 : i32 to index
          %get3A_301 = arith.constant 256 : index
          %get3A_302 = tpu.vector_load %arg11[%get3A_300, %get3A_301] {strides = array<i32>} : memref<32x512xf32, #tpu.memory_space<vmem>>, vector<1x16xf32>,
          %get3A_303 = vector.shape_cast %get3A_302 : vector<1x16xf32> to vector<16xf32>
          %get3A_304 = arith.index_cast %scan3A_236 : i32 to index
          %get3A_305 = arith.constant 272 : index
          %get3A_306 = tpu.vector_load %arg11[%get3A_304, %get3A_305] {strides = array<i32>} : memref<32x512xf32, #tpu.memory_space<vmem>>, vector<1x16xf32>,
          %get3A_307 = vector.shape_cast %get3A_306 : vector<1x16xf32> to vector<16xf32>
          %get3A_308 = arith.index_cast %scan3A_236 : i32 to index
          %get3A_309 = arith.constant 288 : index
          %get3A_310 = tpu.vector_load %arg11[%get3A_308, %get3A_309] {strides = array<i32>} : memref<32x512xf32, #tpu.memory_space<vmem>>, vector<1x16xf32>,
          %get3A_311 = vector.shape_cast %get3A_310 : vector<1x16xf32> to vector<16xf32>
          %get3A_312 = arith.index_cast %scan3A_236 : i32 to index
          %get3A_313 = arith.constant 304 : index
          %get3A_314 = tpu.vector_load %arg11[%get3A_312, %get3A_313] {strides = array<i32>} : memref<32x512xf32, #tpu.memory_space<vmem>>, vector<1x16xf32>,
          %get3A_315 = vector.shape_cast %get3A_314 : vector<1x16xf32> to vector<16xf32>
          %get3A_316 = arith.index_cast %scan3A_236 : i32 to index
          %get3A_317 = arith.constant 320 : index
          %get3A_318 = tpu.vector_load %arg11[%get3A_316, %get3A_317] {strides = array<i32>} : memref<32x512xf32, #tpu.memory_space<vmem>>, vector<1x16xf32>,
          %get3A_319 = vector.shape_cast %get3A_318 : vector<1x16xf32> to vector<16xf32>
          %get3A_320 = arith.index_cast %scan3A_236 : i32 to index
          %get3A_321 = arith.constant 336 : index
          %get3A_322 = tpu.vector_load %arg11[%get3A_320, %get3A_321] {strides = array<i32>} : memref<32x512xf32, #tpu.memory_space<vmem>>, vector<1x16xf32>,
          %get3A_323 = vector.shape_cast %get3A_322 : vector<1x16xf32> to vector<16xf32>
          %get3A_324 = arith.index_cast %scan3A_236 : i32 to index
          %get3A_325 = arith.constant 352 : index
          %get3A_326 = tpu.vector_load %arg11[%get3A_324, %get3A_325] {strides = array<i32>} : memref<32x512xf32, #tpu.memory_space<vmem>>, vector<1x16xf32>,
          %get3A_327 = vector.shape_cast %get3A_326 : vector<1x16xf32> to vector<16xf32>
          %get3A_328 = arith.index_cast %scan3A_236 : i32 to index
          %get3A_329 = arith.constant 368 : index
          %get3A_330 = tpu.vector_load %arg11[%get3A_328, %get3A_329] {strides = array<i32>} : memref<32x512xf32, #tpu.memory_space<vmem>>, vector<1x16xf32>,
          %get3A_331 = vector.shape_cast %get3A_330 : vector<1x16xf32> to vector<16xf32>
          %get3A_332 = arith.index_cast %scan3A_236 : i32 to index
          %get3A_333 = arith.constant 384 : index
          %get3A_334 = tpu.vector_load %arg11[%get3A_332, %get3A_333] {strides = array<i32>} : memref<32x512xf32, #tpu.memory_space<vmem>>, vector<1x16xf32>,
          %get3A_335 = vector.shape_cast %get3A_334 : vector<1x16xf32> to vector<16xf32>
          %get3A_336 = arith.index_cast %scan3A_236 : i32 to index
          %get3A_337 = arith.constant 400 : index
          %get3A_338 = tpu.vector_load %arg11[%get3A_336, %get3A_337] {strides = array<i32>} : memref<32x512xf32, #tpu.memory_space<vmem>>, vector<1x16xf32>,
          %get3A_339 = vector.shape_cast %get3A_338 : vector<1x16xf32> to vector<16xf32>
          %get3A_340 = arith.index_cast %scan3A_236 : i32 to index
          %get3A_341 = arith.constant 416 : index
          %get3A_342 = tpu.vector_load %arg11[%get3A_340, %get3A_341] {strides = array<i32>} : memref<32x512xf32, #tpu.memory_space<vmem>>, vector<1x16xf32>,
          %get3A_343 = vector.shape_cast %get3A_342 : vector<1x16xf32> to vector<16xf32>
          %get3A_344 = arith.index_cast %scan3A_236 : i32 to index
          %get3A_345 = arith.constant 432 : index
          %get3A_346 = tpu.vector_load %arg11[%get3A_344, %get3A_345] {strides = array<i32>} : memref<32x512xf32, #tpu.memory_space<vmem>>, vector<1x16xf32>,
          %get3A_347 = vector.shape_cast %get3A_346 : vector<1x16xf32> to vector<16xf32>
          %get3A_348 = arith.index_cast %scan3A_236 : i32 to index
          %get3A_349 = arith.constant 448 : index
          %get3A_350 = tpu.vector_load %arg11[%get3A_348, %get3A_349] {strides = array<i32>} : memref<32x512xf32, #tpu.memory_space<vmem>>, vector<1x16xf32>,
          %get3A_351 = vector.shape_cast %get3A_350 : vector<1x16xf32> to vector<16xf32>
          %get3A_352 = arith.index_cast %scan3A_236 : i32 to index
          %get3A_353 = arith.constant 464 : index
          %get3A_354 = tpu.vector_load %arg11[%get3A_352, %get3A_353] {strides = array<i32>} : memref<32x512xf32, #tpu.memory_space<vmem>>, vector<1x16xf32>,
          %get3A_355 = vector.shape_cast %get3A_354 : vector<1x16xf32> to vector<16xf32>
          %get3A_356 = arith.index_cast %scan3A_236 : i32 to index
          %get3A_357 = arith.constant 480 : index
          %get3A_358 = tpu.vector_load %arg11[%get3A_356, %get3A_357] {strides = array<i32>} : memref<32x512xf32, #tpu.memory_space<vmem>>, vector<1x16xf32>,
          %get3A_359 = vector.shape_cast %get3A_358 : vector<1x16xf32> to vector<16xf32>
          %get3A_360 = arith.index_cast %scan3A_236 : i32 to index
          %get3A_361 = arith.constant 496 : index
          %get3A_362 = tpu.vector_load %arg11[%get3A_360, %get3A_361] {strides = array<i32>} : memref<32x512xf32, #tpu.memory_space<vmem>>, vector<1x16xf32>,
          %get3A_363 = vector.shape_cast %get3A_362 : vector<1x16xf32> to vector<16xf32>
          %mul3A_364 = arith.constant 512 : i32
          %mul3A_365 = arith.muli %scan3A_236, %mul3A_364 : i32
          %add3A_366 = arith.constant 0 : i32
          %add3A_367 = arith.addi %mul3A_365, %add3A_366 : i32
          %swap3A = arith.index_cast %add3A_367 : i32 to index
          %swap3A_368 = tpu.vector_load %arg12[%swap3A] {strides = array<i32>} : memref<16384xf32, #tpu.memory_space<vmem>>, vector<16xf32>,
          %swap3A_369 = vector.shape_cast %swap3A_368 : vector<16xf32> to vector<16xf32>
          %swap3A_370 = vector.shape_cast %get3A_239 : vector<16xf32> to vector<16xf32>
          tpu.vector_store %arg12[%swap3A], %swap3A_370 {strides = array<i32>} : memref<16384xf32, #tpu.memory_space<vmem>>, vector<16xf32>,
          %mul3A_371 = arith.constant 512 : i32
          %mul3A_372 = arith.muli %scan3A_236, %mul3A_371 : i32
          %add3A_373 = arith.constant 16 : i32
          %add3A_374 = arith.addi %mul3A_372, %add3A_373 : i32
          %swap3A_375 = arith.index_cast %add3A_374 : i32 to index
          %swap3A_376 = tpu.vector_load %arg12[%swap3A_375] {strides = array<i32>} : memref<16384xf32, #tpu.memory_space<vmem>>, vector<16xf32>,
          %swap3A_377 = vector.shape_cast %swap3A_376 : vector<16xf32> to vector<16xf32>
          %swap3A_378 = vector.shape_cast %get3A_243 : vector<16xf32> to vector<16xf32>
          tpu.vector_store %arg12[%swap3A_375], %swap3A_378 {strides = array<i32>} : memref<16384xf32, #tpu.memory_space<vmem>>, vector<16xf32>,
          %mul3A_379 = arith.constant 512 : i32
          %mul3A_380 = arith.muli %scan3A_236, %mul3A_379 : i32
          %add3A_381 = arith.constant 32 : i32
          %add3A_382 = arith.addi %mul3A_380, %add3A_381 : i32
          %swap3A_383 = arith.index_cast %add3A_382 : i32 to index
          %swap3A_384 = tpu.vector_load %arg12[%swap3A_383] {strides = array<i32>} : memref<16384xf32, #tpu.memory_space<vmem>>, vector<16xf32>,
          %swap3A_385 = vector.shape_cast %swap3A_384 : vector<16xf32> to vector<16xf32>
          %swap3A_386 = vector.shape_cast %get3A_247 : vector<16xf32> to vector<16xf32>
          tpu.vector_store %arg12[%swap3A_383], %swap3A_386 {strides = array<i32>} : memref<16384xf32, #tpu.memory_space<vmem>>, vector<16xf32>,
          %mul3A_387 = arith.constant 512 : i32
          %mul3A_388 = arith.muli %scan3A_236, %mul3A_387 : i32
          %add3A_389 = arith.constant 48 : i32
          %add3A_390 = arith.addi %mul3A_388, %add3A_389 : i32
          %swap3A_391 = arith.index_cast %add3A_390 : i32 to index
          %swap3A_392 = tpu.vector_load %arg12[%swap3A_391] {strides = array<i32>} : memref<16384xf32, #tpu.memory_space<vmem>>, vector<16xf32>,
          %swap3A_393 = vector.shape_cast %swap3A_392 : vector<16xf32> to vector<16xf32>
          %swap3A_394 = vector.shape_cast %get3A_251 : vector<16xf32> to vector<16xf32>
          tpu.vector_store %arg12[%swap3A_391], %swap3A_394 {strides = array<i32>} : memref<16384xf32, #tpu.memory_space<vmem>>, vector<16xf32>,
          %mul3A_395 = arith.constant 512 : i32
          %mul3A_396 = arith.muli %scan3A_236, %mul3A_395 : i32
          %add3A_397 = arith.constant 64 : i32
          %add3A_398 = arith.addi %mul3A_396, %add3A_397 : i32
          %swap3A_399 = arith.index_cast %add3A_398 : i32 to index
          %swap3A_400 = tpu.vector_load %arg12[%swap3A_399] {strides = array<i32>} : memref<16384xf32, #tpu.memory_space<vmem>>, vector<16xf32>,
          %swap3A_401 = vector.shape_cast %swap3A_400 : vector<16xf32> to vector<16xf32>
          %swap3A_402 = vector.shape_cast %get3A_255 : vector<16xf32> to vector<16xf32>
          tpu.vector_store %arg12[%swap3A_399], %swap3A_402 {strides = array<i32>} : memref<16384xf32, #tpu.memory_space<vmem>>, vector<16xf32>,
          %mul3A_403 = arith.constant 512 : i32
          %mul3A_404 = arith.muli %scan3A_236, %mul3A_403 : i32
          %add3A_405 = arith.constant 80 : i32
          %add3A_406 = arith.addi %mul3A_404, %add3A_405 : i32
          %swap3A_407 = arith.index_cast %add3A_406 : i32 to index
          %swap3A_408 = tpu.vector_load %arg12[%swap3A_407] {strides = array<i32>} : memref<16384xf32, #tpu.memory_space<vmem>>, vector<16xf32>,
          %swap3A_409 = vector.shape_cast %swap3A_408 : vector<16xf32> to vector<16xf32>
          %swap3A_410 = vector.shape_cast %get3A_259 : vector<16xf32> to vector<16xf32>
          tpu.vector_store %arg12[%swap3A_407], %swap3A_410 {strides = array<i32>} : memref<16384xf32, #tpu.memory_space<vmem>>, vector<16xf32>,
          %mul3A_411 = arith.constant 512 : i32
          %mul3A_412 = arith.muli %scan3A_236, %mul3A_411 : i32
          %add3A_413 = arith.constant 96 : i32
          %add3A_414 = arith.addi %mul3A_412, %add3A_413 : i32
          %swap3A_415 = arith.index_cast %add3A_414 : i32 to index
          %swap3A_416 = tpu.vector_load %arg12[%swap3A_415] {strides = array<i32>} : memref<16384xf32, #tpu.memory_space<vmem>>, vector<16xf32>,
          %swap3A_417 = vector.shape_cast %swap3A_416 : vector<16xf32> to vector<16xf32>
          %swap3A_418 = vector.shape_cast %get3A_263 : vector<16xf32> to vector<16xf32>
          tpu.vector_store %arg12[%swap3A_415], %swap3A_418 {strides = array<i32>} : memref<16384xf32, #tpu.memory_space<vmem>>, vector<16xf32>,
          %mul3A_419 = arith.constant 512 : i32
          %mul3A_420 = arith.muli %scan3A_236, %mul3A_419 : i32
          %add3A_421 = arith.constant 112 : i32
          %add3A_422 = arith.addi %mul3A_420, %add3A_421 : i32
          %swap3A_423 = arith.index_cast %add3A_422 : i32 to index
          %swap3A_424 = tpu.vector_load %arg12[%swap3A_423] {strides = array<i32>} : memref<16384xf32, #tpu.memory_space<vmem>>, vector<16xf32>,
          %swap3A_425 = vector.shape_cast %swap3A_424 : vector<16xf32> to vector<16xf32>
          %swap3A_426 = vector.shape_cast %get3A_267 : vector<16xf32> to vector<16xf32>
          tpu.vector_store %arg12[%swap3A_423], %swap3A_426 {strides = array<i32>} : memref<16384xf32, #tpu.memory_space<vmem>>, vector<16xf32>,
          %mul3A_427 = arith.constant 512 : i32
          %mul3A_428 = arith.muli %scan3A_236, %mul3A_427 : i32
          %add3A_429 = arith.constant 128 : i32
          %add3A_430 = arith.addi %mul3A_428, %add3A_429 : i32
          %swap3A_431 = arith.index_cast %add3A_430 : i32 to index
          %swap3A_432 = tpu.vector_load %arg12[%swap3A_431] {strides = array<i32>} : memref<16384xf32, #tpu.memory_space<vmem>>, vector<16xf32>,
          %swap3A_433 = vector.shape_cast %swap3A_432 : vector<16xf32> to vector<16xf32>
          %swap3A_434 = vector.shape_cast %get3A_271 : vector<16xf32> to vector<16xf32>
          tpu.vector_store %arg12[%swap3A_431], %swap3A_434 {strides = array<i32>} : memref<16384xf32, #tpu.memory_space<vmem>>, vector<16xf32>,
          %mul3A_435 = arith.constant 512 : i32
          %mul3A_436 = arith.muli %scan3A_236, %mul3A_435 : i32
          %add3A_437 = arith.constant 144 : i32
          %add3A_438 = arith.addi %mul3A_436, %add3A_437 : i32
          %swap3A_439 = arith.index_cast %add3A_438 : i32 to index
          %swap3A_440 = tpu.vector_load %arg12[%swap3A_439] {strides = array<i32>} : memref<16384xf32, #tpu.memory_space<vmem>>, vector<16xf32>,
          %swap3A_441 = vector.shape_cast %swap3A_440 : vector<16xf32> to vector<16xf32>
          %swap3A_442 = vector.shape_cast %get3A_275 : vector<16xf32> to vector<16xf32>
          tpu.vector_store %arg12[%swap3A_439], %swap3A_442 {strides = array<i32>} : memref<16384xf32, #tpu.memory_space<vmem>>, vector<16xf32>,
          %mul3A_443 = arith.constant 512 : i32
          %mul3A_444 = arith.muli %scan3A_236, %mul3A_443 : i32
          %add3A_445 = arith.constant 160 : i32
          %add3A_446 = arith.addi %mul3A_444, %add3A_445 : i32
          %swap3A_447 = arith.index_cast %add3A_446 : i32 to index
          %swap3A_448 = tpu.vector_load %arg12[%swap3A_447] {strides = array<i32>} : memref<16384xf32, #tpu.memory_space<vmem>>, vector<16xf32>,
          %swap3A_449 = vector.shape_cast %swap3A_448 : vector<16xf32> to vector<16xf32>
          %swap3A_450 = vector.shape_cast %get3A_279 : vector<16xf32> to vector<16xf32>
          tpu.vector_store %arg12[%swap3A_447], %swap3A_450 {strides = array<i32>} : memref<16384xf32, #tpu.memory_space<vmem>>, vector<16xf32>,
          %mul3A_451 = arith.constant 512 : i32
          %mul3A_452 = arith.muli %scan3A_236, %mul3A_451 : i32
          %add3A_453 = arith.constant 176 : i32
          %add3A_454 = arith.addi %mul3A_452, %add3A_453 : i32
          %swap3A_455 = arith.index_cast %add3A_454 : i32 to index
          %swap3A_456 = tpu.vector_load %arg12[%swap3A_455] {strides = array<i32>} : memref<16384xf32, #tpu.memory_space<vmem>>, vector<16xf32>,
          %swap3A_457 = vector.shape_cast %swap3A_456 : vector<16xf32> to vector<16xf32>
          %swap3A_458 = vector.shape_cast %get3A_283 : vector<16xf32> to vector<16xf32>
          tpu.vector_store %arg12[%swap3A_455], %swap3A_458 {strides = array<i32>} : memref<16384xf32, #tpu.memory_space<vmem>>, vector<16xf32>,
          %mul3A_459 = arith.constant 512 : i32
          %mul3A_460 = arith.muli %scan3A_236, %mul3A_459 : i32
          %add3A_461 = arith.constant 192 : i32
          %add3A_462 = arith.addi %mul3A_460, %add3A_461 : i32
          %swap3A_463 = arith.index_cast %add3A_462 : i32 to index
          %swap3A_464 = tpu.vector_load %arg12[%swap3A_463] {strides = array<i32>} : memref<16384xf32, #tpu.memory_space<vmem>>, vector<16xf32>,
          %swap3A_465 = vector.shape_cast %swap3A_464 : vector<16xf32> to vector<16xf32>
          %swap3A_466 = vector.shape_cast %get3A_287 : vector<16xf32> to vector<16xf32>
          tpu.vector_store %arg12[%swap3A_463], %swap3A_466 {strides = array<i32>} : memref<16384xf32, #tpu.memory_space<vmem>>, vector<16xf32>,
          %mul3A_467 = arith.constant 512 : i32
          %mul3A_468 = arith.muli %scan3A_236, %mul3A_467 : i32
          %add3A_469 = arith.constant 208 : i32
          %add3A_470 = arith.addi %mul3A_468, %add3A_469 : i32
          %swap3A_471 = arith.index_cast %add3A_470 : i32 to index
          %swap3A_472 = tpu.vector_load %arg12[%swap3A_471] {strides = array<i32>} : memref<16384xf32, #tpu.memory_space<vmem>>, vector<16xf32>,
          %swap3A_473 = vector.shape_cast %swap3A_472 : vector<16xf32> to vector<16xf32>
          %swap3A_474 = vector.shape_cast %get3A_291 : vector<16xf32> to vector<16xf32>
          tpu.vector_store %arg12[%swap3A_471], %swap3A_474 {strides = array<i32>} : memref<16384xf32, #tpu.memory_space<vmem>>, vector<16xf32>,
          %mul3A_475 = arith.constant 512 : i32
          %mul3A_476 = arith.muli %scan3A_236, %mul3A_475 : i32
          %add3A_477 = arith.constant 224 : i32
          %add3A_478 = arith.addi %mul3A_476, %add3A_477 : i32
          %swap3A_479 = arith.index_cast %add3A_478 : i32 to index
          %swap3A_480 = tpu.vector_load %arg12[%swap3A_479] {strides = array<i32>} : memref<16384xf32, #tpu.memory_space<vmem>>, vector<16xf32>,
          %swap3A_481 = vector.shape_cast %swap3A_480 : vector<16xf32> to vector<16xf32>
          %swap3A_482 = vector.shape_cast %get3A_295 : vector<16xf32> to vector<16xf32>
          tpu.vector_store %arg12[%swap3A_479], %swap3A_482 {strides = array<i32>} : memref<16384xf32, #tpu.memory_space<vmem>>, vector<16xf32>,
          %mul3A_483 = arith.constant 512 : i32
          %mul3A_484 = arith.muli %scan3A_236, %mul3A_483 : i32
          %add3A_485 = arith.constant 240 : i32
          %add3A_486 = arith.addi %mul3A_484, %add3A_485 : i32
          %swap3A_487 = arith.index_cast %add3A_486 : i32 to index
          %swap3A_488 = tpu.vector_load %arg12[%swap3A_487] {strides = array<i32>} : memref<16384xf32, #tpu.memory_space<vmem>>, vector<16xf32>,
          %swap3A_489 = vector.shape_cast %swap3A_488 : vector<16xf32> to vector<16xf32>
          %swap3A_490 = vector.shape_cast %get3A_299 : vector<16xf32> to vector<16xf32>
          tpu.vector_store %arg12[%swap3A_487], %swap3A_490 {strides = array<i32>} : memref<16384xf32, #tpu.memory_space<vmem>>, vector<16xf32>,
          %mul3A_491 = arith.constant 512 : i32
          %mul3A_492 = arith.muli %scan3A_236, %mul3A_491 : i32
          %add3A_493 = arith.constant 256 : i32
          %add3A_494 = arith.addi %mul3A_492, %add3A_493 : i32
          %swap3A_495 = arith.index_cast %add3A_494 : i32 to index
          %swap3A_496 = tpu.vector_load %arg12[%swap3A_495] {strides = array<i32>} : memref<16384xf32, #tpu.memory_space<vmem>>, vector<16xf32>,
          %swap3A_497 = vector.shape_cast %swap3A_496 : vector<16xf32> to vector<16xf32>
          %swap3A_498 = vector.shape_cast %get3A_303 : vector<16xf32> to vector<16xf32>
          tpu.vector_store %arg12[%swap3A_495], %swap3A_498 {strides = array<i32>} : memref<16384xf32, #tpu.memory_space<vmem>>, vector<16xf32>,
          %mul3A_499 = arith.constant 512 : i32
          %mul3A_500 = arith.muli %scan3A_236, %mul3A_499 : i32
          %add3A_501 = arith.constant 272 : i32
          %add3A_502 = arith.addi %mul3A_500, %add3A_501 : i32
          %swap3A_503 = arith.index_cast %add3A_502 : i32 to index
          %swap3A_504 = tpu.vector_load %arg12[%swap3A_503] {strides = array<i32>} : memref<16384xf32, #tpu.memory_space<vmem>>, vector<16xf32>,
          %swap3A_505 = vector.shape_cast %swap3A_504 : vector<16xf32> to vector<16xf32>
          %swap3A_506 = vector.shape_cast %get3A_307 : vector<16xf32> to vector<16xf32>
          tpu.vector_store %arg12[%swap3A_503], %swap3A_506 {strides = array<i32>} : memref<16384xf32, #tpu.memory_space<vmem>>, vector<16xf32>,
          %mul3A_507 = arith.constant 512 : i32
          %mul3A_508 = arith.muli %scan3A_236, %mul3A_507 : i32
          %add3A_509 = arith.constant 288 : i32
          %add3A_510 = arith.addi %mul3A_508, %add3A_509 : i32
          %swap3A_511 = arith.index_cast %add3A_510 : i32 to index
          %swap3A_512 = tpu.vector_load %arg12[%swap3A_511] {strides = array<i32>} : memref<16384xf32, #tpu.memory_space<vmem>>, vector<16xf32>,
          %swap3A_513 = vector.shape_cast %swap3A_512 : vector<16xf32> to vector<16xf32>
          %swap3A_514 = vector.shape_cast %get3A_311 : vector<16xf32> to vector<16xf32>
          tpu.vector_store %arg12[%swap3A_511], %swap3A_514 {strides = array<i32>} : memref<16384xf32, #tpu.memory_space<vmem>>, vector<16xf32>,
          %mul3A_515 = arith.constant 512 : i32
          %mul3A_516 = arith.muli %scan3A_236, %mul3A_515 : i32
          %add3A_517 = arith.constant 304 : i32
          %add3A_518 = arith.addi %mul3A_516, %add3A_517 : i32
          %swap3A_519 = arith.index_cast %add3A_518 : i32 to index
          %swap3A_520 = tpu.vector_load %arg12[%swap3A_519] {strides = array<i32>} : memref<16384xf32, #tpu.memory_space<vmem>>, vector<16xf32>,
          %swap3A_521 = vector.shape_cast %swap3A_520 : vector<16xf32> to vector<16xf32>
          %swap3A_522 = vector.shape_cast %get3A_315 : vector<16xf32> to vector<16xf32>
          tpu.vector_store %arg12[%swap3A_519], %swap3A_522 {strides = array<i32>} : memref<16384xf32, #tpu.memory_space<vmem>>, vector<16xf32>,
          %mul3A_523 = arith.constant 512 : i32
          %mul3A_524 = arith.muli %scan3A_236, %mul3A_523 : i32
          %add3A_525 = arith.constant 320 : i32
          %add3A_526 = arith.addi %mul3A_524, %add3A_525 : i32
          %swap3A_527 = arith.index_cast %add3A_526 : i32 to index
          %swap3A_528 = tpu.vector_load %arg12[%swap3A_527] {strides = array<i32>} : memref<16384xf32, #tpu.memory_space<vmem>>, vector<16xf32>,
          %swap3A_529 = vector.shape_cast %swap3A_528 : vector<16xf32> to vector<16xf32>
          %swap3A_530 = vector.shape_cast %get3A_319 : vector<16xf32> to vector<16xf32>
          tpu.vector_store %arg12[%swap3A_527], %swap3A_530 {strides = array<i32>} : memref<16384xf32, #tpu.memory_space<vmem>>, vector<16xf32>,
          %mul3A_531 = arith.constant 512 : i32
          %mul3A_532 = arith.muli %scan3A_236, %mul3A_531 : i32
          %add3A_533 = arith.constant 336 : i32
          %add3A_534 = arith.addi %mul3A_532, %add3A_533 : i32
          %swap3A_535 = arith.index_cast %add3A_534 : i32 to index
          %swap3A_536 = tpu.vector_load %arg12[%swap3A_535] {strides = array<i32>} : memref<16384xf32, #tpu.memory_space<vmem>>, vector<16xf32>,
          %swap3A_537 = vector.shape_cast %swap3A_536 : vector<16xf32> to vector<16xf32>
          %swap3A_538 = vector.shape_cast %get3A_323 : vector<16xf32> to vector<16xf32>
          tpu.vector_store %arg12[%swap3A_535], %swap3A_538 {strides = array<i32>} : memref<16384xf32, #tpu.memory_space<vmem>>, vector<16xf32>,
          %mul3A_539 = arith.constant 512 : i32
          %mul3A_540 = arith.muli %scan3A_236, %mul3A_539 : i32
          %add3A_541 = arith.constant 352 : i32
          %add3A_542 = arith.addi %mul3A_540, %add3A_541 : i32
          %swap3A_543 = arith.index_cast %add3A_542 : i32 to index
          %swap3A_544 = tpu.vector_load %arg12[%swap3A_543] {strides = array<i32>} : memref<16384xf32, #tpu.memory_space<vmem>>, vector<16xf32>,
          %swap3A_545 = vector.shape_cast %swap3A_544 : vector<16xf32> to vector<16xf32>
          %swap3A_546 = vector.shape_cast %get3A_327 : vector<16xf32> to vector<16xf32>
          tpu.vector_store %arg12[%swap3A_543], %swap3A_546 {strides = array<i32>} : memref<16384xf32, #tpu.memory_space<vmem>>, vector<16xf32>,
          %mul3A_547 = arith.constant 512 : i32
          %mul3A_548 = arith.muli %scan3A_236, %mul3A_547 : i32
          %add3A_549 = arith.constant 368 : i32
          %add3A_550 = arith.addi %mul3A_548, %add3A_549 : i32
          %swap3A_551 = arith.index_cast %add3A_550 : i32 to index
          %swap3A_552 = tpu.vector_load %arg12[%swap3A_551] {strides = array<i32>} : memref<16384xf32, #tpu.memory_space<vmem>>, vector<16xf32>,
          %swap3A_553 = vector.shape_cast %swap3A_552 : vector<16xf32> to vector<16xf32>
          %swap3A_554 = vector.shape_cast %get3A_331 : vector<16xf32> to vector<16xf32>
          tpu.vector_store %arg12[%swap3A_551], %swap3A_554 {strides = array<i32>} : memref<16384xf32, #tpu.memory_space<vmem>>, vector<16xf32>,
          %mul3A_555 = arith.constant 512 : i32
          %mul3A_556 = arith.muli %scan3A_236, %mul3A_555 : i32
          %add3A_557 = arith.constant 384 : i32
          %add3A_558 = arith.addi %mul3A_556, %add3A_557 : i32
          %swap3A_559 = arith.index_cast %add3A_558 : i32 to index
          %swap3A_560 = tpu.vector_load %arg12[%swap3A_559] {strides = array<i32>} : memref<16384xf32, #tpu.memory_space<vmem>>, vector<16xf32>,
          %swap3A_561 = vector.shape_cast %swap3A_560 : vector<16xf32> to vector<16xf32>
          %swap3A_562 = vector.shape_cast %get3A_335 : vector<16xf32> to vector<16xf32>
          tpu.vector_store %arg12[%swap3A_559], %swap3A_562 {strides = array<i32>} : memref<16384xf32, #tpu.memory_space<vmem>>, vector<16xf32>,
          %mul3A_563 = arith.constant 512 : i32
          %mul3A_564 = arith.muli %scan3A_236, %mul3A_563 : i32
          %add3A_565 = arith.constant 400 : i32
          %add3A_566 = arith.addi %mul3A_564, %add3A_565 : i32
          %swap3A_567 = arith.index_cast %add3A_566 : i32 to index
          %swap3A_568 = tpu.vector_load %arg12[%swap3A_567] {strides = array<i32>} : memref<16384xf32, #tpu.memory_space<vmem>>, vector<16xf32>,
          %swap3A_569 = vector.shape_cast %swap3A_568 : vector<16xf32> to vector<16xf32>
          %swap3A_570 = vector.shape_cast %get3A_339 : vector<16xf32> to vector<16xf32>
          tpu.vector_store %arg12[%swap3A_567], %swap3A_570 {strides = array<i32>} : memref<16384xf32, #tpu.memory_space<vmem>>, vector<16xf32>,
          %mul3A_571 = arith.constant 512 : i32
          %mul3A_572 = arith.muli %scan3A_236, %mul3A_571 : i32
          %add3A_573 = arith.constant 416 : i32
          %add3A_574 = arith.addi %mul3A_572, %add3A_573 : i32
          %swap3A_575 = arith.index_cast %add3A_574 : i32 to index
          %swap3A_576 = tpu.vector_load %arg12[%swap3A_575] {strides = array<i32>} : memref<16384xf32, #tpu.memory_space<vmem>>, vector<16xf32>,
          %swap3A_577 = vector.shape_cast %swap3A_576 : vector<16xf32> to vector<16xf32>
          %swap3A_578 = vector.shape_cast %get3A_343 : vector<16xf32> to vector<16xf32>
          tpu.vector_store %arg12[%swap3A_575], %swap3A_578 {strides = array<i32>} : memref<16384xf32, #tpu.memory_space<vmem>>, vector<16xf32>,
          %mul3A_579 = arith.constant 512 : i32
          %mul3A_580 = arith.muli %scan3A_236, %mul3A_579 : i32
          %add3A_581 = arith.constant 432 : i32
          %add3A_582 = arith.addi %mul3A_580, %add3A_581 : i32
          %swap3A_583 = arith.index_cast %add3A_582 : i32 to index
          %swap3A_584 = tpu.vector_load %arg12[%swap3A_583] {strides = array<i32>} : memref<16384xf32, #tpu.memory_space<vmem>>, vector<16xf32>,
          %swap3A_585 = vector.shape_cast %swap3A_584 : vector<16xf32> to vector<16xf32>
          %swap3A_586 = vector.shape_cast %get3A_347 : vector<16xf32> to vector<16xf32>
          tpu.vector_store %arg12[%swap3A_583], %swap3A_586 {strides = array<i32>} : memref<16384xf32, #tpu.memory_space<vmem>>, vector<16xf32>,
          %mul3A_587 = arith.constant 512 : i32
          %mul3A_588 = arith.muli %scan3A_236, %mul3A_587 : i32
          %add3A_589 = arith.constant 448 : i32
          %add3A_590 = arith.addi %mul3A_588, %add3A_589 : i32
          %swap3A_591 = arith.index_cast %add3A_590 : i32 to index
          %swap3A_592 = tpu.vector_load %arg12[%swap3A_591] {strides = array<i32>} : memref<16384xf32, #tpu.memory_space<vmem>>, vector<16xf32>,
          %swap3A_593 = vector.shape_cast %swap3A_592 : vector<16xf32> to vector<16xf32>
          %swap3A_594 = vector.shape_cast %get3A_351 : vector<16xf32> to vector<16xf32>
          tpu.vector_store %arg12[%swap3A_591], %swap3A_594 {strides = array<i32>} : memref<16384xf32, #tpu.memory_space<vmem>>, vector<16xf32>,
          %mul3A_595 = arith.constant 512 : i32
          %mul3A_596 = arith.muli %scan3A_236, %mul3A_595 : i32
          %add3A_597 = arith.constant 464 : i32
          %add3A_598 = arith.addi %mul3A_596, %add3A_597 : i32
          %swap3A_599 = arith.index_cast %add3A_598 : i32 to index
          %swap3A_600 = tpu.vector_load %arg12[%swap3A_599] {strides = array<i32>} : memref<16384xf32, #tpu.memory_space<vmem>>, vector<16xf32>,
          %swap3A_601 = vector.shape_cast %swap3A_600 : vector<16xf32> to vector<16xf32>
          %swap3A_602 = vector.shape_cast %get3A_355 : vector<16xf32> to vector<16xf32>
          tpu.vector_store %arg12[%swap3A_599], %swap3A_602 {strides = array<i32>} : memref<16384xf32, #tpu.memory_space<vmem>>, vector<16xf32>,
          %mul3A_603 = arith.constant 512 : i32
          %mul3A_604 = arith.muli %scan3A_236, %mul3A_603 : i32
          %add3A_605 = arith.constant 480 : i32
          %add3A_606 = arith.addi %mul3A_604, %add3A_605 : i32
          %swap3A_607 = arith.index_cast %add3A_606 : i32 to index
          %swap3A_608 = tpu.vector_load %arg12[%swap3A_607] {strides = array<i32>} : memref<16384xf32, #tpu.memory_space<vmem>>, vector<16xf32>,
          %swap3A_609 = vector.shape_cast %swap3A_608 : vector<16xf32> to vector<16xf32>
          %swap3A_610 = vector.shape_cast %get3A_359 : vector<16xf32> to vector<16xf32>
          tpu.vector_store %arg12[%swap3A_607], %swap3A_610 {strides = array<i32>} : memref<16384xf32, #tpu.memory_space<vmem>>, vector<16xf32>,
          %mul3A_611 = arith.constant 512 : i32
          %mul3A_612 = arith.muli %scan3A_236, %mul3A_611 : i32
          %add3A_613 = arith.constant 496 : i32
          %add3A_614 = arith.addi %mul3A_612, %add3A_613 : i32
          %swap3A_615 = arith.index_cast %add3A_614 : i32 to index
          %swap3A_616 = tpu.vector_load %arg12[%swap3A_615] {strides = array<i32>} : memref<16384xf32, #tpu.memory_space<vmem>>, vector<16xf32>,
          %swap3A_617 = vector.shape_cast %swap3A_616 : vector<16xf32> to vector<16xf32>
          %swap3A_618 = vector.shape_cast %get3A_363 : vector<16xf32> to vector<16xf32>
          tpu.vector_store %arg12[%swap3A_615], %swap3A_618 {strides = array<i32>} : memref<16384xf32, #tpu.memory_space<vmem>>, vector<16xf32>,
        }
        %scan3A_231 = arith.constant 32 : i32
        %dma_start3A_232 = tpu.memref_slice %arg15[%mul3A_4] : memref<262144xf32, #tpu.memory_space<vmem_shared>> -> memref<16384xf32, #tpu.memory_space<vmem_shared>>
        %dma_start3A_233 = tpu.memref_slice %arg15[%mul3A_4] : memref<262144xf32, #tpu.memory_space<vmem_shared>> -> memref<16384xf32, #tpu.memory_space<vmem_shared>>
        tpu.enqueue_dma source(%arg12 : memref<16384xf32, #tpu.memory_space<vmem>>) target(%dma_start3A_233 : memref<16384xf32, #tpu.memory_space<vmem_shared>>) target_semaphore(%arg18 : memref<!tpu.dma_semaphore, #tpu.memory_space<semaphore_mem>>)
        %dma_wait3A_234 = tpu.memref_slice %arg15[%mul3A_4] : memref<262144xf32, #tpu.memory_space<vmem_shared>> -> memref<16384xf32, #tpu.memory_space<vmem_shared>>
        %dma_wait3A_235 = tpu.memref_slice %arg15[%mul3A_4] : memref<262144xf32, #tpu.memory_space<vmem_shared>> -> memref<16384xf32, #tpu.memory_space<vmem_shared>>
        tpu.wait_dma2 semaphore(%arg18 : memref<!tpu.dma_semaphore, #tpu.memory_space<semaphore_mem>>) src(%arg12 : memref<16384xf32, #tpu.memory_space<vmem>>) dst(%dma_wait3A_235 : memref<16384xf32, #tpu.memory_space<vmem_shared>>)
      } else {
      }
      %dma_wait3A_193 = arith.constant 0 : i32
      %dma_wait3A_194 = tpu.memref_slice %arg16[%dma_wait3A_193] : memref<262144xf32, #tpu.memory_space<vmem_shared>> -> memref<262144xf32, #tpu.memory_space<vmem_shared>>
      tpu.wait_indirect_dma semaphore(%arg23 : memref<!tpu.dma_semaphore, #tpu.memory_space<semaphore_mem>>) src(%arg9 : memref<4096xf32, #tpu.memory_space<vmem>>) dst(%dma_wait3A_194 : memref<262144xf32, #tpu.memory_space<vmem_shared>>)
      %dma_wait3A_195 = arith.constant 0 : i32
      %dma_wait3A_196 = tpu.memref_slice %arg16[%dma_wait3A_195] : memref<262144xf32, #tpu.memory_space<vmem_shared>> -> memref<262144xf32, #tpu.memory_space<vmem_shared>>
      tpu.wait_indirect_dma semaphore(%arg23 : memref<!tpu.dma_semaphore, #tpu.memory_space<semaphore_mem>>) src(%arg10 : memref<4096xf32, #tpu.memory_space<vmem>>) dst(%dma_wait3A_196 : memref<262144xf32, #tpu.memory_space<vmem_shared>>)
      %barrier3A_197 = arith.constant 0 : index
      tpu.barrier barrier_id(%barrier3A_197)
      %add3A_198 = arith.constant 1 : i32
      %add3A_199 = arith.addi %add3A_165, %add3A_198 : i32
      %lt3A_200 = arith.constant 192 : i32
      %lt3A_201 = arith.cmpi slt, %add3A_199, %lt3A_200 : i32
      %convert_element_type3A_202 = arith.extui %lt3A_201 : i1 to i32
      %cond3A_203 = arith.constant 0 : i32
      %cond3A_204 = arith.cmpi ne, %convert_element_type3A_202, %cond3A_203 : i32
      scf.if %cond3A_204 {
        %dma_start3A_217 = arith.constant 0 : i32
        %dma_start3A_218 = tpu.memref_slice %arg15[%dma_start3A_217] : memref<262144xf32, #tpu.memory_space<vmem_shared>> -> memref<262144xf32, #tpu.memory_space<vmem_shared>>
        tpu.enqueue_indirect_dma source(%dma_start3A_218 : memref<262144xf32, #tpu.memory_space<vmem_shared>>) target(%arg9 : memref<4096xf32, #tpu.memory_space<vmem>>) offsets(%arg5 : memref<4096xi32, #tpu.memory_space<vmem>>) semaphore(%arg21 : memref<!tpu.dma_semaphore, #tpu.memory_space<semaphore_mem>>)
        %dma_start3A_219 = arith.constant 0 : i32
        %dma_start3A_220 = tpu.memref_slice %arg15[%dma_start3A_219] : memref<262144xf32, #tpu.memory_space<vmem_shared>> -> memref<262144xf32, #tpu.memory_space<vmem_shared>>
        tpu.enqueue_indirect_dma source(%dma_start3A_220 : memref<262144xf32, #tpu.memory_space<vmem_shared>>) target(%arg10 : memref<4096xf32, #tpu.memory_space<vmem>>) offsets(%arg6 : memref<4096xi32, #tpu.memory_space<vmem>>) semaphore(%arg22 : memref<!tpu.dma_semaphore, #tpu.memory_space<semaphore_mem>>)
      } else {
      }
      %ge3A_205 = arith.constant 2 : i32
      %ge3A_206 = arith.cmpi sge, %add3A_165, %ge3A_205 : i32
      %convert_element_type3A_207 = arith.extui %ge3A_206 : i1 to i32
      %cond3A_208 = arith.constant 0 : i32
      %cond3A_209 = arith.cmpi ne, %convert_element_type3A_207, %cond3A_208 : i32
      scf.if %cond3A_209 {
        %add3A_217 = arith.addi %mul3A_0, %add3A_165 : i32
        %sub3A_218 = arith.constant 2 : i32
        %sub3A_219 = arith.subi %add3A_217, %sub3A_218 : i32
        %dma_wait3A_220 = arith.constant 0 : i32
        %dma_wait3A_221 = tpu.memref_slice %arg4[%sub3A_219, %mul3A_2, %dma_wait3A_220] : memref<384x512x512xf32, #tpu.memory_space<hbm>> -> memref<1x32x512xf32, #tpu.memory_space<hbm>>
        %dma_wait3A_222 = tpu.memref_squeeze %dma_wait3A_221 : memref<1x32x512xf32, #tpu.memory_space<hbm>> -> memref<32x512xf32, #tpu.memory_space<hbm>>
        %dma_wait3A_223 = arith.constant 0 : i32
        %dma_wait3A_224 = tpu.memref_slice %arg4[%sub3A_219, %mul3A_2, %dma_wait3A_223] : memref<384x512x512xf32, #tpu.memory_space<hbm>> -> memref<1x32x512xf32, #tpu.memory_space<hbm>>
        %dma_wait3A_225 = tpu.memref_squeeze %dma_wait3A_224 : memref<1x32x512xf32, #tpu.memory_space<hbm>> -> memref<32x512xf32, #tpu.memory_space<hbm>>
        tpu.wait_dma2 semaphore(%arg20 : memref<!tpu.dma_semaphore, #tpu.memory_space<semaphore_mem>>) src(%arg14 : memref<32x512xf32, #tpu.memory_space<vmem>>) dst(%dma_wait3A_225 : memref<32x512xf32, #tpu.memory_space<hbm>>)
      } else {
      }
      %ge3A_210 = arith.constant 1 : i32
      %ge3A_211 = arith.cmpi sge, %add3A_165, %ge3A_210 : i32
      %convert_element_type3A_212 = arith.extui %ge3A_211 : i1 to i32
      %cond3A_213 = arith.constant 0 : i32
      %cond3A_214 = arith.cmpi ne, %convert_element_type3A_212, %cond3A_213 : i32
      scf.if %cond3A_214 {
        %scan3A_217 = arith.constant 0 : i32
        %scan3A_218 = arith.constant 0 : i32
        %scan3A_219 = arith.constant 32 : i32
        %scan3A_220 = arith.addi %scan3A_218, %scan3A_219 : i32
        %scan3A_221 = arith.constant 1 : i32
        scf.for %scan3A_232 = %scan3A_218 to %scan3A_220 step %scan3A_221  : i32 {
          %mul3A_233 = arith.constant 512 : i32
          %mul3A_234 = arith.muli %scan3A_232, %mul3A_233 : i32
          %add3A_235 = arith.constant 0 : i32
          %add3A_236 = arith.addi %mul3A_234, %add3A_235 : i32
          %get3A = arith.index_cast %add3A_236 : i32 to index
          %get3A_237 = tpu.vector_load %arg13[%get3A] {strides = array<i32>} : memref<16384xf32, #tpu.memory_space<vmem>>, vector<16xf32>,
          %get3A_238 = vector.shape_cast %get3A_237 : vector<16xf32> to vector<16xf32>
          %mul3A_239 = arith.constant 512 : i32
          %mul3A_240 = arith.muli %scan3A_232, %mul3A_239 : i32
          %add3A_241 = arith.constant 16 : i32
          %add3A_242 = arith.addi %mul3A_240, %add3A_241 : i32
          %get3A_243 = arith.index_cast %add3A_242 : i32 to index
          %get3A_244 = tpu.vector_load %arg13[%get3A_243] {strides = array<i32>} : memref<16384xf32, #tpu.memory_space<vmem>>, vector<16xf32>,
          %get3A_245 = vector.shape_cast %get3A_244 : vector<16xf32> to vector<16xf32>
          %mul3A_246 = arith.constant 512 : i32
          %mul3A_247 = arith.muli %scan3A_232, %mul3A_246 : i32
          %add3A_248 = arith.constant 32 : i32
          %add3A_249 = arith.addi %mul3A_247, %add3A_248 : i32
          %get3A_250 = arith.index_cast %add3A_249 : i32 to index
          %get3A_251 = tpu.vector_load %arg13[%get3A_250] {strides = array<i32>} : memref<16384xf32, #tpu.memory_space<vmem>>, vector<16xf32>,
          %get3A_252 = vector.shape_cast %get3A_251 : vector<16xf32> to vector<16xf32>
          %mul3A_253 = arith.constant 512 : i32
          %mul3A_254 = arith.muli %scan3A_232, %mul3A_253 : i32
          %add3A_255 = arith.constant 48 : i32
          %add3A_256 = arith.addi %mul3A_254, %add3A_255 : i32
          %get3A_257 = arith.index_cast %add3A_256 : i32 to index
          %get3A_258 = tpu.vector_load %arg13[%get3A_257] {strides = array<i32>} : memref<16384xf32, #tpu.memory_space<vmem>>, vector<16xf32>,
          %get3A_259 = vector.shape_cast %get3A_258 : vector<16xf32> to vector<16xf32>
          %mul3A_260 = arith.constant 512 : i32
          %mul3A_261 = arith.muli %scan3A_232, %mul3A_260 : i32
          %add3A_262 = arith.constant 64 : i32
          %add3A_263 = arith.addi %mul3A_261, %add3A_262 : i32
          %get3A_264 = arith.index_cast %add3A_263 : i32 to index
          %get3A_265 = tpu.vector_load %arg13[%get3A_264] {strides = array<i32>} : memref<16384xf32, #tpu.memory_space<vmem>>, vector<16xf32>,
          %get3A_266 = vector.shape_cast %get3A_265 : vector<16xf32> to vector<16xf32>
          %mul3A_267 = arith.constant 512 : i32
          %mul3A_268 = arith.muli %scan3A_232, %mul3A_267 : i32
          %add3A_269 = arith.constant 80 : i32
          %add3A_270 = arith.addi %mul3A_268, %add3A_269 : i32
          %get3A_271 = arith.index_cast %add3A_270 : i32 to index
          %get3A_272 = tpu.vector_load %arg13[%get3A_271] {strides = array<i32>} : memref<16384xf32, #tpu.memory_space<vmem>>, vector<16xf32>,
          %get3A_273 = vector.shape_cast %get3A_272 : vector<16xf32> to vector<16xf32>
          %mul3A_274 = arith.constant 512 : i32
          %mul3A_275 = arith.muli %scan3A_232, %mul3A_274 : i32
          %add3A_276 = arith.constant 96 : i32
          %add3A_277 = arith.addi %mul3A_275, %add3A_276 : i32
          %get3A_278 = arith.index_cast %add3A_277 : i32 to index
          %get3A_279 = tpu.vector_load %arg13[%get3A_278] {strides = array<i32>} : memref<16384xf32, #tpu.memory_space<vmem>>, vector<16xf32>,
          %get3A_280 = vector.shape_cast %get3A_279 : vector<16xf32> to vector<16xf32>
          %mul3A_281 = arith.constant 512 : i32
          %mul3A_282 = arith.muli %scan3A_232, %mul3A_281 : i32
          %add3A_283 = arith.constant 112 : i32
          %add3A_284 = arith.addi %mul3A_282, %add3A_283 : i32
          %get3A_285 = arith.index_cast %add3A_284 : i32 to index
          %get3A_286 = tpu.vector_load %arg13[%get3A_285] {strides = array<i32>} : memref<16384xf32, #tpu.memory_space<vmem>>, vector<16xf32>,
          %get3A_287 = vector.shape_cast %get3A_286 : vector<16xf32> to vector<16xf32>
          %mul3A_288 = arith.constant 512 : i32
          %mul3A_289 = arith.muli %scan3A_232, %mul3A_288 : i32
          %add3A_290 = arith.constant 128 : i32
          %add3A_291 = arith.addi %mul3A_289, %add3A_290 : i32
          %get3A_292 = arith.index_cast %add3A_291 : i32 to index
          %get3A_293 = tpu.vector_load %arg13[%get3A_292] {strides = array<i32>} : memref<16384xf32, #tpu.memory_space<vmem>>, vector<16xf32>,
          %get3A_294 = vector.shape_cast %get3A_293 : vector<16xf32> to vector<16xf32>
          %mul3A_295 = arith.constant 512 : i32
          %mul3A_296 = arith.muli %scan3A_232, %mul3A_295 : i32
          %add3A_297 = arith.constant 144 : i32
          %add3A_298 = arith.addi %mul3A_296, %add3A_297 : i32
          %get3A_299 = arith.index_cast %add3A_298 : i32 to index
          %get3A_300 = tpu.vector_load %arg13[%get3A_299] {strides = array<i32>} : memref<16384xf32, #tpu.memory_space<vmem>>, vector<16xf32>,
          %get3A_301 = vector.shape_cast %get3A_300 : vector<16xf32> to vector<16xf32>
          %mul3A_302 = arith.constant 512 : i32
          %mul3A_303 = arith.muli %scan3A_232, %mul3A_302 : i32
          %add3A_304 = arith.constant 160 : i32
          %add3A_305 = arith.addi %mul3A_303, %add3A_304 : i32
          %get3A_306 = arith.index_cast %add3A_305 : i32 to index
          %get3A_307 = tpu.vector_load %arg13[%get3A_306] {strides = array<i32>} : memref<16384xf32, #tpu.memory_space<vmem>>, vector<16xf32>,
          %get3A_308 = vector.shape_cast %get3A_307 : vector<16xf32> to vector<16xf32>
          %mul3A_309 = arith.constant 512 : i32
          %mul3A_310 = arith.muli %scan3A_232, %mul3A_309 : i32
          %add3A_311 = arith.constant 176 : i32
          %add3A_312 = arith.addi %mul3A_310, %add3A_311 : i32
          %get3A_313 = arith.index_cast %add3A_312 : i32 to index
          %get3A_314 = tpu.vector_load %arg13[%get3A_313] {strides = array<i32>} : memref<16384xf32, #tpu.memory_space<vmem>>, vector<16xf32>,
          %get3A_315 = vector.shape_cast %get3A_314 : vector<16xf32> to vector<16xf32>
          %mul3A_316 = arith.constant 512 : i32
          %mul3A_317 = arith.muli %scan3A_232, %mul3A_316 : i32
          %add3A_318 = arith.constant 192 : i32
          %add3A_319 = arith.addi %mul3A_317, %add3A_318 : i32
          %get3A_320 = arith.index_cast %add3A_319 : i32 to index
          %get3A_321 = tpu.vector_load %arg13[%get3A_320] {strides = array<i32>} : memref<16384xf32, #tpu.memory_space<vmem>>, vector<16xf32>,
          %get3A_322 = vector.shape_cast %get3A_321 : vector<16xf32> to vector<16xf32>
          %mul3A_323 = arith.constant 512 : i32
          %mul3A_324 = arith.muli %scan3A_232, %mul3A_323 : i32
          %add3A_325 = arith.constant 208 : i32
          %add3A_326 = arith.addi %mul3A_324, %add3A_325 : i32
          %get3A_327 = arith.index_cast %add3A_326 : i32 to index
          %get3A_328 = tpu.vector_load %arg13[%get3A_327] {strides = array<i32>} : memref<16384xf32, #tpu.memory_space<vmem>>, vector<16xf32>,
          %get3A_329 = vector.shape_cast %get3A_328 : vector<16xf32> to vector<16xf32>
          %mul3A_330 = arith.constant 512 : i32
          %mul3A_331 = arith.muli %scan3A_232, %mul3A_330 : i32
          %add3A_332 = arith.constant 224 : i32
          %add3A_333 = arith.addi %mul3A_331, %add3A_332 : i32
          %get3A_334 = arith.index_cast %add3A_333 : i32 to index
          %get3A_335 = tpu.vector_load %arg13[%get3A_334] {strides = array<i32>} : memref<16384xf32, #tpu.memory_space<vmem>>, vector<16xf32>,
          %get3A_336 = vector.shape_cast %get3A_335 : vector<16xf32> to vector<16xf32>
          %mul3A_337 = arith.constant 512 : i32
          %mul3A_338 = arith.muli %scan3A_232, %mul3A_337 : i32
          %add3A_339 = arith.constant 240 : i32
          %add3A_340 = arith.addi %mul3A_338, %add3A_339 : i32
          %get3A_341 = arith.index_cast %add3A_340 : i32 to index
          %get3A_342 = tpu.vector_load %arg13[%get3A_341] {strides = array<i32>} : memref<16384xf32, #tpu.memory_space<vmem>>, vector<16xf32>,
          %get3A_343 = vector.shape_cast %get3A_342 : vector<16xf32> to vector<16xf32>
          %mul3A_344 = arith.constant 512 : i32
          %mul3A_345 = arith.muli %scan3A_232, %mul3A_344 : i32
          %add3A_346 = arith.constant 256 : i32
          %add3A_347 = arith.addi %mul3A_345, %add3A_346 : i32
          %get3A_348 = arith.index_cast %add3A_347 : i32 to index
          %get3A_349 = tpu.vector_load %arg13[%get3A_348] {strides = array<i32>} : memref<16384xf32, #tpu.memory_space<vmem>>, vector<16xf32>,
          %get3A_350 = vector.shape_cast %get3A_349 : vector<16xf32> to vector<16xf32>
          %mul3A_351 = arith.constant 512 : i32
          %mul3A_352 = arith.muli %scan3A_232, %mul3A_351 : i32
          %add3A_353 = arith.constant 272 : i32
          %add3A_354 = arith.addi %mul3A_352, %add3A_353 : i32
          %get3A_355 = arith.index_cast %add3A_354 : i32 to index
          %get3A_356 = tpu.vector_load %arg13[%get3A_355] {strides = array<i32>} : memref<16384xf32, #tpu.memory_space<vmem>>, vector<16xf32>,
          %get3A_357 = vector.shape_cast %get3A_356 : vector<16xf32> to vector<16xf32>
          %mul3A_358 = arith.constant 512 : i32
          %mul3A_359 = arith.muli %scan3A_232, %mul3A_358 : i32
          %add3A_360 = arith.constant 288 : i32
          %add3A_361 = arith.addi %mul3A_359, %add3A_360 : i32
          %get3A_362 = arith.index_cast %add3A_361 : i32 to index
          %get3A_363 = tpu.vector_load %arg13[%get3A_362] {strides = array<i32>} : memref<16384xf32, #tpu.memory_space<vmem>>, vector<16xf32>,
          %get3A_364 = vector.shape_cast %get3A_363 : vector<16xf32> to vector<16xf32>
          %mul3A_365 = arith.constant 512 : i32
          %mul3A_366 = arith.muli %scan3A_232, %mul3A_365 : i32
          %add3A_367 = arith.constant 304 : i32
          %add3A_368 = arith.addi %mul3A_366, %add3A_367 : i32
          %get3A_369 = arith.index_cast %add3A_368 : i32 to index
          %get3A_370 = tpu.vector_load %arg13[%get3A_369] {strides = array<i32>} : memref<16384xf32, #tpu.memory_space<vmem>>, vector<16xf32>,
          %get3A_371 = vector.shape_cast %get3A_370 : vector<16xf32> to vector<16xf32>
          %mul3A_372 = arith.constant 512 : i32
          %mul3A_373 = arith.muli %scan3A_232, %mul3A_372 : i32
          %add3A_374 = arith.constant 320 : i32
          %add3A_375 = arith.addi %mul3A_373, %add3A_374 : i32
          %get3A_376 = arith.index_cast %add3A_375 : i32 to index
          %get3A_377 = tpu.vector_load %arg13[%get3A_376] {strides = array<i32>} : memref<16384xf32, #tpu.memory_space<vmem>>, vector<16xf32>,
          %get3A_378 = vector.shape_cast %get3A_377 : vector<16xf32> to vector<16xf32>
          %mul3A_379 = arith.constant 512 : i32
          %mul3A_380 = arith.muli %scan3A_232, %mul3A_379 : i32
          %add3A_381 = arith.constant 336 : i32
          %add3A_382 = arith.addi %mul3A_380, %add3A_381 : i32
          %get3A_383 = arith.index_cast %add3A_382 : i32 to index
          %get3A_384 = tpu.vector_load %arg13[%get3A_383] {strides = array<i32>} : memref<16384xf32, #tpu.memory_space<vmem>>, vector<16xf32>,
          %get3A_385 = vector.shape_cast %get3A_384 : vector<16xf32> to vector<16xf32>
          %mul3A_386 = arith.constant 512 : i32
          %mul3A_387 = arith.muli %scan3A_232, %mul3A_386 : i32
          %add3A_388 = arith.constant 352 : i32
          %add3A_389 = arith.addi %mul3A_387, %add3A_388 : i32
          %get3A_390 = arith.index_cast %add3A_389 : i32 to index
          %get3A_391 = tpu.vector_load %arg13[%get3A_390] {strides = array<i32>} : memref<16384xf32, #tpu.memory_space<vmem>>, vector<16xf32>,
          %get3A_392 = vector.shape_cast %get3A_391 : vector<16xf32> to vector<16xf32>
          %mul3A_393 = arith.constant 512 : i32
          %mul3A_394 = arith.muli %scan3A_232, %mul3A_393 : i32
          %add3A_395 = arith.constant 368 : i32
          %add3A_396 = arith.addi %mul3A_394, %add3A_395 : i32
          %get3A_397 = arith.index_cast %add3A_396 : i32 to index
          %get3A_398 = tpu.vector_load %arg13[%get3A_397] {strides = array<i32>} : memref<16384xf32, #tpu.memory_space<vmem>>, vector<16xf32>,
          %get3A_399 = vector.shape_cast %get3A_398 : vector<16xf32> to vector<16xf32>
          %mul3A_400 = arith.constant 512 : i32
          %mul3A_401 = arith.muli %scan3A_232, %mul3A_400 : i32
          %add3A_402 = arith.constant 384 : i32
          %add3A_403 = arith.addi %mul3A_401, %add3A_402 : i32
          %get3A_404 = arith.index_cast %add3A_403 : i32 to index
          %get3A_405 = tpu.vector_load %arg13[%get3A_404] {strides = array<i32>} : memref<16384xf32, #tpu.memory_space<vmem>>, vector<16xf32>,
          %get3A_406 = vector.shape_cast %get3A_405 : vector<16xf32> to vector<16xf32>
          %mul3A_407 = arith.constant 512 : i32
          %mul3A_408 = arith.muli %scan3A_232, %mul3A_407 : i32
          %add3A_409 = arith.constant 400 : i32
          %add3A_410 = arith.addi %mul3A_408, %add3A_409 : i32
          %get3A_411 = arith.index_cast %add3A_410 : i32 to index
          %get3A_412 = tpu.vector_load %arg13[%get3A_411] {strides = array<i32>} : memref<16384xf32, #tpu.memory_space<vmem>>, vector<16xf32>,
          %get3A_413 = vector.shape_cast %get3A_412 : vector<16xf32> to vector<16xf32>
          %mul3A_414 = arith.constant 512 : i32
          %mul3A_415 = arith.muli %scan3A_232, %mul3A_414 : i32
          %add3A_416 = arith.constant 416 : i32
          %add3A_417 = arith.addi %mul3A_415, %add3A_416 : i32
          %get3A_418 = arith.index_cast %add3A_417 : i32 to index
          %get3A_419 = tpu.vector_load %arg13[%get3A_418] {strides = array<i32>} : memref<16384xf32, #tpu.memory_space<vmem>>, vector<16xf32>,
          %get3A_420 = vector.shape_cast %get3A_419 : vector<16xf32> to vector<16xf32>
          %mul3A_421 = arith.constant 512 : i32
          %mul3A_422 = arith.muli %scan3A_232, %mul3A_421 : i32
          %add3A_423 = arith.constant 432 : i32
          %add3A_424 = arith.addi %mul3A_422, %add3A_423 : i32
          %get3A_425 = arith.index_cast %add3A_424 : i32 to index
          %get3A_426 = tpu.vector_load %arg13[%get3A_425] {strides = array<i32>} : memref<16384xf32, #tpu.memory_space<vmem>>, vector<16xf32>,
          %get3A_427 = vector.shape_cast %get3A_426 : vector<16xf32> to vector<16xf32>
          %mul3A_428 = arith.constant 512 : i32
          %mul3A_429 = arith.muli %scan3A_232, %mul3A_428 : i32
          %add3A_430 = arith.constant 448 : i32
          %add3A_431 = arith.addi %mul3A_429, %add3A_430 : i32
          %get3A_432 = arith.index_cast %add3A_431 : i32 to index
          %get3A_433 = tpu.vector_load %arg13[%get3A_432] {strides = array<i32>} : memref<16384xf32, #tpu.memory_space<vmem>>, vector<16xf32>,
          %get3A_434 = vector.shape_cast %get3A_433 : vector<16xf32> to vector<16xf32>
          %mul3A_435 = arith.constant 512 : i32
          %mul3A_436 = arith.muli %scan3A_232, %mul3A_435 : i32
          %add3A_437 = arith.constant 464 : i32
          %add3A_438 = arith.addi %mul3A_436, %add3A_437 : i32
          %get3A_439 = arith.index_cast %add3A_438 : i32 to index
          %get3A_440 = tpu.vector_load %arg13[%get3A_439] {strides = array<i32>} : memref<16384xf32, #tpu.memory_space<vmem>>, vector<16xf32>,
          %get3A_441 = vector.shape_cast %get3A_440 : vector<16xf32> to vector<16xf32>
          %mul3A_442 = arith.constant 512 : i32
          %mul3A_443 = arith.muli %scan3A_232, %mul3A_442 : i32
          %add3A_444 = arith.constant 480 : i32
          %add3A_445 = arith.addi %mul3A_443, %add3A_444 : i32
          %get3A_446 = arith.index_cast %add3A_445 : i32 to index
          %get3A_447 = tpu.vector_load %arg13[%get3A_446] {strides = array<i32>} : memref<16384xf32, #tpu.memory_space<vmem>>, vector<16xf32>,
          %get3A_448 = vector.shape_cast %get3A_447 : vector<16xf32> to vector<16xf32>
          %mul3A_449 = arith.constant 512 : i32
          %mul3A_450 = arith.muli %scan3A_232, %mul3A_449 : i32
          %add3A_451 = arith.constant 496 : i32
          %add3A_452 = arith.addi %mul3A_450, %add3A_451 : i32
          %get3A_453 = arith.index_cast %add3A_452 : i32 to index
          %get3A_454 = tpu.vector_load %arg13[%get3A_453] {strides = array<i32>} : memref<16384xf32, #tpu.memory_space<vmem>>, vector<16xf32>,
          %get3A_455 = vector.shape_cast %get3A_454 : vector<16xf32> to vector<16xf32>
          %swap3A = arith.index_cast %scan3A_232 : i32 to index
          %swap3A_456 = arith.constant 0 : index
          %swap3A_457 = tpu.vector_load %arg14[%swap3A, %swap3A_456] {strides = array<i32>} : memref<32x512xf32, #tpu.memory_space<vmem>>, vector<1x16xf32>,
          %swap3A_458 = vector.shape_cast %swap3A_457 : vector<1x16xf32> to vector<16xf32>
          %swap3A_459 = vector.shape_cast %get3A_238 : vector<16xf32> to vector<1x16xf32>
          tpu.vector_store %arg14[%swap3A, %swap3A_456], %swap3A_459 {strides = array<i32>} : memref<32x512xf32, #tpu.memory_space<vmem>>, vector<1x16xf32>,
          %swap3A_460 = arith.index_cast %scan3A_232 : i32 to index
          %swap3A_461 = arith.constant 16 : index
          %swap3A_462 = tpu.vector_load %arg14[%swap3A_460, %swap3A_461] {strides = array<i32>} : memref<32x512xf32, #tpu.memory_space<vmem>>, vector<1x16xf32>,
          %swap3A_463 = vector.shape_cast %swap3A_462 : vector<1x16xf32> to vector<16xf32>
          %swap3A_464 = vector.shape_cast %get3A_245 : vector<16xf32> to vector<1x16xf32>
          tpu.vector_store %arg14[%swap3A_460, %swap3A_461], %swap3A_464 {strides = array<i32>} : memref<32x512xf32, #tpu.memory_space<vmem>>, vector<1x16xf32>,
          %swap3A_465 = arith.index_cast %scan3A_232 : i32 to index
          %swap3A_466 = arith.constant 32 : index
          %swap3A_467 = tpu.vector_load %arg14[%swap3A_465, %swap3A_466] {strides = array<i32>} : memref<32x512xf32, #tpu.memory_space<vmem>>, vector<1x16xf32>,
          %swap3A_468 = vector.shape_cast %swap3A_467 : vector<1x16xf32> to vector<16xf32>
          %swap3A_469 = vector.shape_cast %get3A_252 : vector<16xf32> to vector<1x16xf32>
          tpu.vector_store %arg14[%swap3A_465, %swap3A_466], %swap3A_469 {strides = array<i32>} : memref<32x512xf32, #tpu.memory_space<vmem>>, vector<1x16xf32>,
          %swap3A_470 = arith.index_cast %scan3A_232 : i32 to index
          %swap3A_471 = arith.constant 48 : index
          %swap3A_472 = tpu.vector_load %arg14[%swap3A_470, %swap3A_471] {strides = array<i32>} : memref<32x512xf32, #tpu.memory_space<vmem>>, vector<1x16xf32>,
          %swap3A_473 = vector.shape_cast %swap3A_472 : vector<1x16xf32> to vector<16xf32>
          %swap3A_474 = vector.shape_cast %get3A_259 : vector<16xf32> to vector<1x16xf32>
          tpu.vector_store %arg14[%swap3A_470, %swap3A_471], %swap3A_474 {strides = array<i32>} : memref<32x512xf32, #tpu.memory_space<vmem>>, vector<1x16xf32>,
          %swap3A_475 = arith.index_cast %scan3A_232 : i32 to index
          %swap3A_476 = arith.constant 64 : index
          %swap3A_477 = tpu.vector_load %arg14[%swap3A_475, %swap3A_476] {strides = array<i32>} : memref<32x512xf32, #tpu.memory_space<vmem>>, vector<1x16xf32>,
          %swap3A_478 = vector.shape_cast %swap3A_477 : vector<1x16xf32> to vector<16xf32>
          %swap3A_479 = vector.shape_cast %get3A_266 : vector<16xf32> to vector<1x16xf32>
          tpu.vector_store %arg14[%swap3A_475, %swap3A_476], %swap3A_479 {strides = array<i32>} : memref<32x512xf32, #tpu.memory_space<vmem>>, vector<1x16xf32>,
          %swap3A_480 = arith.index_cast %scan3A_232 : i32 to index
          %swap3A_481 = arith.constant 80 : index
          %swap3A_482 = tpu.vector_load %arg14[%swap3A_480, %swap3A_481] {strides = array<i32>} : memref<32x512xf32, #tpu.memory_space<vmem>>, vector<1x16xf32>,
          %swap3A_483 = vector.shape_cast %swap3A_482 : vector<1x16xf32> to vector<16xf32>
          %swap3A_484 = vector.shape_cast %get3A_273 : vector<16xf32> to vector<1x16xf32>
          tpu.vector_store %arg14[%swap3A_480, %swap3A_481], %swap3A_484 {strides = array<i32>} : memref<32x512xf32, #tpu.memory_space<vmem>>, vector<1x16xf32>,
          %swap3A_485 = arith.index_cast %scan3A_232 : i32 to index
          %swap3A_486 = arith.constant 96 : index
          %swap3A_487 = tpu.vector_load %arg14[%swap3A_485, %swap3A_486] {strides = array<i32>} : memref<32x512xf32, #tpu.memory_space<vmem>>, vector<1x16xf32>,
          %swap3A_488 = vector.shape_cast %swap3A_487 : vector<1x16xf32> to vector<16xf32>
          %swap3A_489 = vector.shape_cast %get3A_280 : vector<16xf32> to vector<1x16xf32>
          tpu.vector_store %arg14[%swap3A_485, %swap3A_486], %swap3A_489 {strides = array<i32>} : memref<32x512xf32, #tpu.memory_space<vmem>>, vector<1x16xf32>,
          %swap3A_490 = arith.index_cast %scan3A_232 : i32 to index
          %swap3A_491 = arith.constant 112 : index
          %swap3A_492 = tpu.vector_load %arg14[%swap3A_490, %swap3A_491] {strides = array<i32>} : memref<32x512xf32, #tpu.memory_space<vmem>>, vector<1x16xf32>,
          %swap3A_493 = vector.shape_cast %swap3A_492 : vector<1x16xf32> to vector<16xf32>
          %swap3A_494 = vector.shape_cast %get3A_287 : vector<16xf32> to vector<1x16xf32>
          tpu.vector_store %arg14[%swap3A_490, %swap3A_491], %swap3A_494 {strides = array<i32>} : memref<32x512xf32, #tpu.memory_space<vmem>>, vector<1x16xf32>,
          %swap3A_495 = arith.index_cast %scan3A_232 : i32 to index
          %swap3A_496 = arith.constant 128 : index
          %swap3A_497 = tpu.vector_load %arg14[%swap3A_495, %swap3A_496] {strides = array<i32>} : memref<32x512xf32, #tpu.memory_space<vmem>>, vector<1x16xf32>,
          %swap3A_498 = vector.shape_cast %swap3A_497 : vector<1x16xf32> to vector<16xf32>
          %swap3A_499 = vector.shape_cast %get3A_294 : vector<16xf32> to vector<1x16xf32>
          tpu.vector_store %arg14[%swap3A_495, %swap3A_496], %swap3A_499 {strides = array<i32>} : memref<32x512xf32, #tpu.memory_space<vmem>>, vector<1x16xf32>,
          %swap3A_500 = arith.index_cast %scan3A_232 : i32 to index
          %swap3A_501 = arith.constant 144 : index
          %swap3A_502 = tpu.vector_load %arg14[%swap3A_500, %swap3A_501] {strides = array<i32>} : memref<32x512xf32, #tpu.memory_space<vmem>>, vector<1x16xf32>,
          %swap3A_503 = vector.shape_cast %swap3A_502 : vector<1x16xf32> to vector<16xf32>
          %swap3A_504 = vector.shape_cast %get3A_301 : vector<16xf32> to vector<1x16xf32>
          tpu.vector_store %arg14[%swap3A_500, %swap3A_501], %swap3A_504 {strides = array<i32>} : memref<32x512xf32, #tpu.memory_space<vmem>>, vector<1x16xf32>,
          %swap3A_505 = arith.index_cast %scan3A_232 : i32 to index
          %swap3A_506 = arith.constant 160 : index
          %swap3A_507 = tpu.vector_load %arg14[%swap3A_505, %swap3A_506] {strides = array<i32>} : memref<32x512xf32, #tpu.memory_space<vmem>>, vector<1x16xf32>,
          %swap3A_508 = vector.shape_cast %swap3A_507 : vector<1x16xf32> to vector<16xf32>
          %swap3A_509 = vector.shape_cast %get3A_308 : vector<16xf32> to vector<1x16xf32>
          tpu.vector_store %arg14[%swap3A_505, %swap3A_506], %swap3A_509 {strides = array<i32>} : memref<32x512xf32, #tpu.memory_space<vmem>>, vector<1x16xf32>,
          %swap3A_510 = arith.index_cast %scan3A_232 : i32 to index
          %swap3A_511 = arith.constant 176 : index
          %swap3A_512 = tpu.vector_load %arg14[%swap3A_510, %swap3A_511] {strides = array<i32>} : memref<32x512xf32, #tpu.memory_space<vmem>>, vector<1x16xf32>,
          %swap3A_513 = vector.shape_cast %swap3A_512 : vector<1x16xf32> to vector<16xf32>
          %swap3A_514 = vector.shape_cast %get3A_315 : vector<16xf32> to vector<1x16xf32>
          tpu.vector_store %arg14[%swap3A_510, %swap3A_511], %swap3A_514 {strides = array<i32>} : memref<32x512xf32, #tpu.memory_space<vmem>>, vector<1x16xf32>,
          %swap3A_515 = arith.index_cast %scan3A_232 : i32 to index
          %swap3A_516 = arith.constant 192 : index
          %swap3A_517 = tpu.vector_load %arg14[%swap3A_515, %swap3A_516] {strides = array<i32>} : memref<32x512xf32, #tpu.memory_space<vmem>>, vector<1x16xf32>,
          %swap3A_518 = vector.shape_cast %swap3A_517 : vector<1x16xf32> to vector<16xf32>
          %swap3A_519 = vector.shape_cast %get3A_322 : vector<16xf32> to vector<1x16xf32>
          tpu.vector_store %arg14[%swap3A_515, %swap3A_516], %swap3A_519 {strides = array<i32>} : memref<32x512xf32, #tpu.memory_space<vmem>>, vector<1x16xf32>,
          %swap3A_520 = arith.index_cast %scan3A_232 : i32 to index
          %swap3A_521 = arith.constant 208 : index
          %swap3A_522 = tpu.vector_load %arg14[%swap3A_520, %swap3A_521] {strides = array<i32>} : memref<32x512xf32, #tpu.memory_space<vmem>>, vector<1x16xf32>,
          %swap3A_523 = vector.shape_cast %swap3A_522 : vector<1x16xf32> to vector<16xf32>
          %swap3A_524 = vector.shape_cast %get3A_329 : vector<16xf32> to vector<1x16xf32>
          tpu.vector_store %arg14[%swap3A_520, %swap3A_521], %swap3A_524 {strides = array<i32>} : memref<32x512xf32, #tpu.memory_space<vmem>>, vector<1x16xf32>,
          %swap3A_525 = arith.index_cast %scan3A_232 : i32 to index
          %swap3A_526 = arith.constant 224 : index
          %swap3A_527 = tpu.vector_load %arg14[%swap3A_525, %swap3A_526] {strides = array<i32>} : memref<32x512xf32, #tpu.memory_space<vmem>>, vector<1x16xf32>,
          %swap3A_528 = vector.shape_cast %swap3A_527 : vector<1x16xf32> to vector<16xf32>
          %swap3A_529 = vector.shape_cast %get3A_336 : vector<16xf32> to vector<1x16xf32>
          tpu.vector_store %arg14[%swap3A_525, %swap3A_526], %swap3A_529 {strides = array<i32>} : memref<32x512xf32, #tpu.memory_space<vmem>>, vector<1x16xf32>,
          %swap3A_530 = arith.index_cast %scan3A_232 : i32 to index
          %swap3A_531 = arith.constant 240 : index
          %swap3A_532 = tpu.vector_load %arg14[%swap3A_530, %swap3A_531] {strides = array<i32>} : memref<32x512xf32, #tpu.memory_space<vmem>>, vector<1x16xf32>,
          %swap3A_533 = vector.shape_cast %swap3A_532 : vector<1x16xf32> to vector<16xf32>
          %swap3A_534 = vector.shape_cast %get3A_343 : vector<16xf32> to vector<1x16xf32>
          tpu.vector_store %arg14[%swap3A_530, %swap3A_531], %swap3A_534 {strides = array<i32>} : memref<32x512xf32, #tpu.memory_space<vmem>>, vector<1x16xf32>,
          %swap3A_535 = arith.index_cast %scan3A_232 : i32 to index
          %swap3A_536 = arith.constant 256 : index
          %swap3A_537 = tpu.vector_load %arg14[%swap3A_535, %swap3A_536] {strides = array<i32>} : memref<32x512xf32, #tpu.memory_space<vmem>>, vector<1x16xf32>,
          %swap3A_538 = vector.shape_cast %swap3A_537 : vector<1x16xf32> to vector<16xf32>
          %swap3A_539 = vector.shape_cast %get3A_350 : vector<16xf32> to vector<1x16xf32>
          tpu.vector_store %arg14[%swap3A_535, %swap3A_536], %swap3A_539 {strides = array<i32>} : memref<32x512xf32, #tpu.memory_space<vmem>>, vector<1x16xf32>,
          %swap3A_540 = arith.index_cast %scan3A_232 : i32 to index
          %swap3A_541 = arith.constant 272 : index
          %swap3A_542 = tpu.vector_load %arg14[%swap3A_540, %swap3A_541] {strides = array<i32>} : memref<32x512xf32, #tpu.memory_space<vmem>>, vector<1x16xf32>,
          %swap3A_543 = vector.shape_cast %swap3A_542 : vector<1x16xf32> to vector<16xf32>
          %swap3A_544 = vector.shape_cast %get3A_357 : vector<16xf32> to vector<1x16xf32>
          tpu.vector_store %arg14[%swap3A_540, %swap3A_541], %swap3A_544 {strides = array<i32>} : memref<32x512xf32, #tpu.memory_space<vmem>>, vector<1x16xf32>,
          %swap3A_545 = arith.index_cast %scan3A_232 : i32 to index
          %swap3A_546 = arith.constant 288 : index
          %swap3A_547 = tpu.vector_load %arg14[%swap3A_545, %swap3A_546] {strides = array<i32>} : memref<32x512xf32, #tpu.memory_space<vmem>>, vector<1x16xf32>,
          %swap3A_548 = vector.shape_cast %swap3A_547 : vector<1x16xf32> to vector<16xf32>
          %swap3A_549 = vector.shape_cast %get3A_364 : vector<16xf32> to vector<1x16xf32>
          tpu.vector_store %arg14[%swap3A_545, %swap3A_546], %swap3A_549 {strides = array<i32>} : memref<32x512xf32, #tpu.memory_space<vmem>>, vector<1x16xf32>,
          %swap3A_550 = arith.index_cast %scan3A_232 : i32 to index
          %swap3A_551 = arith.constant 304 : index
          %swap3A_552 = tpu.vector_load %arg14[%swap3A_550, %swap3A_551] {strides = array<i32>} : memref<32x512xf32, #tpu.memory_space<vmem>>, vector<1x16xf32>,
          %swap3A_553 = vector.shape_cast %swap3A_552 : vector<1x16xf32> to vector<16xf32>
          %swap3A_554 = vector.shape_cast %get3A_371 : vector<16xf32> to vector<1x16xf32>
          tpu.vector_store %arg14[%swap3A_550, %swap3A_551], %swap3A_554 {strides = array<i32>} : memref<32x512xf32, #tpu.memory_space<vmem>>, vector<1x16xf32>,
          %swap3A_555 = arith.index_cast %scan3A_232 : i32 to index
          %swap3A_556 = arith.constant 320 : index
          %swap3A_557 = tpu.vector_load %arg14[%swap3A_555, %swap3A_556] {strides = array<i32>} : memref<32x512xf32, #tpu.memory_space<vmem>>, vector<1x16xf32>,
          %swap3A_558 = vector.shape_cast %swap3A_557 : vector<1x16xf32> to vector<16xf32>
          %swap3A_559 = vector.shape_cast %get3A_378 : vector<16xf32> to vector<1x16xf32>
          tpu.vector_store %arg14[%swap3A_555, %swap3A_556], %swap3A_559 {strides = array<i32>} : memref<32x512xf32, #tpu.memory_space<vmem>>, vector<1x16xf32>,
          %swap3A_560 = arith.index_cast %scan3A_232 : i32 to index
          %swap3A_561 = arith.constant 336 : index
          %swap3A_562 = tpu.vector_load %arg14[%swap3A_560, %swap3A_561] {strides = array<i32>} : memref<32x512xf32, #tpu.memory_space<vmem>>, vector<1x16xf32>,
          %swap3A_563 = vector.shape_cast %swap3A_562 : vector<1x16xf32> to vector<16xf32>
          %swap3A_564 = vector.shape_cast %get3A_385 : vector<16xf32> to vector<1x16xf32>
          tpu.vector_store %arg14[%swap3A_560, %swap3A_561], %swap3A_564 {strides = array<i32>} : memref<32x512xf32, #tpu.memory_space<vmem>>, vector<1x16xf32>,
          %swap3A_565 = arith.index_cast %scan3A_232 : i32 to index
          %swap3A_566 = arith.constant 352 : index
          %swap3A_567 = tpu.vector_load %arg14[%swap3A_565, %swap3A_566] {strides = array<i32>} : memref<32x512xf32, #tpu.memory_space<vmem>>, vector<1x16xf32>,
          %swap3A_568 = vector.shape_cast %swap3A_567 : vector<1x16xf32> to vector<16xf32>
          %swap3A_569 = vector.shape_cast %get3A_392 : vector<16xf32> to vector<1x16xf32>
          tpu.vector_store %arg14[%swap3A_565, %swap3A_566], %swap3A_569 {strides = array<i32>} : memref<32x512xf32, #tpu.memory_space<vmem>>, vector<1x16xf32>,
          %swap3A_570 = arith.index_cast %scan3A_232 : i32 to index
          %swap3A_571 = arith.constant 368 : index
          %swap3A_572 = tpu.vector_load %arg14[%swap3A_570, %swap3A_571] {strides = array<i32>} : memref<32x512xf32, #tpu.memory_space<vmem>>, vector<1x16xf32>,
          %swap3A_573 = vector.shape_cast %swap3A_572 : vector<1x16xf32> to vector<16xf32>
          %swap3A_574 = vector.shape_cast %get3A_399 : vector<16xf32> to vector<1x16xf32>
          tpu.vector_store %arg14[%swap3A_570, %swap3A_571], %swap3A_574 {strides = array<i32>} : memref<32x512xf32, #tpu.memory_space<vmem>>, vector<1x16xf32>,
          %swap3A_575 = arith.index_cast %scan3A_232 : i32 to index
          %swap3A_576 = arith.constant 384 : index
          %swap3A_577 = tpu.vector_load %arg14[%swap3A_575, %swap3A_576] {strides = array<i32>} : memref<32x512xf32, #tpu.memory_space<vmem>>, vector<1x16xf32>,
          %swap3A_578 = vector.shape_cast %swap3A_577 : vector<1x16xf32> to vector<16xf32>
          %swap3A_579 = vector.shape_cast %get3A_406 : vector<16xf32> to vector<1x16xf32>
          tpu.vector_store %arg14[%swap3A_575, %swap3A_576], %swap3A_579 {strides = array<i32>} : memref<32x512xf32, #tpu.memory_space<vmem>>, vector<1x16xf32>,
          %swap3A_580 = arith.index_cast %scan3A_232 : i32 to index
          %swap3A_581 = arith.constant 400 : index
          %swap3A_582 = tpu.vector_load %arg14[%swap3A_580, %swap3A_581] {strides = array<i32>} : memref<32x512xf32, #tpu.memory_space<vmem>>, vector<1x16xf32>,
          %swap3A_583 = vector.shape_cast %swap3A_582 : vector<1x16xf32> to vector<16xf32>
          %swap3A_584 = vector.shape_cast %get3A_413 : vector<16xf32> to vector<1x16xf32>
          tpu.vector_store %arg14[%swap3A_580, %swap3A_581], %swap3A_584 {strides = array<i32>} : memref<32x512xf32, #tpu.memory_space<vmem>>, vector<1x16xf32>,
          %swap3A_585 = arith.index_cast %scan3A_232 : i32 to index
          %swap3A_586 = arith.constant 416 : index
          %swap3A_587 = tpu.vector_load %arg14[%swap3A_585, %swap3A_586] {strides = array<i32>} : memref<32x512xf32, #tpu.memory_space<vmem>>, vector<1x16xf32>,
          %swap3A_588 = vector.shape_cast %swap3A_587 : vector<1x16xf32> to vector<16xf32>
          %swap3A_589 = vector.shape_cast %get3A_420 : vector<16xf32> to vector<1x16xf32>
          tpu.vector_store %arg14[%swap3A_585, %swap3A_586], %swap3A_589 {strides = array<i32>} : memref<32x512xf32, #tpu.memory_space<vmem>>, vector<1x16xf32>,
          %swap3A_590 = arith.index_cast %scan3A_232 : i32 to index
          %swap3A_591 = arith.constant 432 : index
          %swap3A_592 = tpu.vector_load %arg14[%swap3A_590, %swap3A_591] {strides = array<i32>} : memref<32x512xf32, #tpu.memory_space<vmem>>, vector<1x16xf32>,
          %swap3A_593 = vector.shape_cast %swap3A_592 : vector<1x16xf32> to vector<16xf32>
          %swap3A_594 = vector.shape_cast %get3A_427 : vector<16xf32> to vector<1x16xf32>
          tpu.vector_store %arg14[%swap3A_590, %swap3A_591], %swap3A_594 {strides = array<i32>} : memref<32x512xf32, #tpu.memory_space<vmem>>, vector<1x16xf32>,
          %swap3A_595 = arith.index_cast %scan3A_232 : i32 to index
          %swap3A_596 = arith.constant 448 : index
          %swap3A_597 = tpu.vector_load %arg14[%swap3A_595, %swap3A_596] {strides = array<i32>} : memref<32x512xf32, #tpu.memory_space<vmem>>, vector<1x16xf32>,
          %swap3A_598 = vector.shape_cast %swap3A_597 : vector<1x16xf32> to vector<16xf32>
          %swap3A_599 = vector.shape_cast %get3A_434 : vector<16xf32> to vector<1x16xf32>
          tpu.vector_store %arg14[%swap3A_595, %swap3A_596], %swap3A_599 {strides = array<i32>} : memref<32x512xf32, #tpu.memory_space<vmem>>, vector<1x16xf32>,
          %swap3A_600 = arith.index_cast %scan3A_232 : i32 to index
          %swap3A_601 = arith.constant 464 : index
          %swap3A_602 = tpu.vector_load %arg14[%swap3A_600, %swap3A_601] {strides = array<i32>} : memref<32x512xf32, #tpu.memory_space<vmem>>, vector<1x16xf32>,
          %swap3A_603 = vector.shape_cast %swap3A_602 : vector<1x16xf32> to vector<16xf32>
          %swap3A_604 = vector.shape_cast %get3A_441 : vector<16xf32> to vector<1x16xf32>
          tpu.vector_store %arg14[%swap3A_600, %swap3A_601], %swap3A_604 {strides = array<i32>} : memref<32x512xf32, #tpu.memory_space<vmem>>, vector<1x16xf32>,
          %swap3A_605 = arith.index_cast %scan3A_232 : i32 to index
          %swap3A_606 = arith.constant 480 : index
          %swap3A_607 = tpu.vector_load %arg14[%swap3A_605, %swap3A_606] {strides = array<i32>} : memref<32x512xf32, #tpu.memory_space<vmem>>, vector<1x16xf32>,
          %swap3A_608 = vector.shape_cast %swap3A_607 : vector<1x16xf32> to vector<16xf32>
          %swap3A_609 = vector.shape_cast %get3A_448 : vector<16xf32> to vector<1x16xf32>
          tpu.vector_store %arg14[%swap3A_605, %swap3A_606], %swap3A_609 {strides = array<i32>} : memref<32x512xf32, #tpu.memory_space<vmem>>, vector<1x16xf32>,
          %swap3A_610 = arith.index_cast %scan3A_232 : i32 to index
          %swap3A_611 = arith.constant 496 : index
          %swap3A_612 = tpu.vector_load %arg14[%swap3A_610, %swap3A_611] {strides = array<i32>} : memref<32x512xf32, #tpu.memory_space<vmem>>, vector<1x16xf32>,
          %swap3A_613 = vector.shape_cast %swap3A_612 : vector<1x16xf32> to vector<16xf32>
          %swap3A_614 = vector.shape_cast %get3A_455 : vector<16xf32> to vector<1x16xf32>
          tpu.vector_store %arg14[%swap3A_610, %swap3A_611], %swap3A_614 {strides = array<i32>} : memref<32x512xf32, #tpu.memory_space<vmem>>, vector<1x16xf32>,
        }
        %scan3A_222 = arith.constant 32 : i32
        %add3A_223 = arith.addi %mul3A_0, %add3A_165 : i32
        %sub3A_224 = arith.constant 1 : i32
        %sub3A_225 = arith.subi %add3A_223, %sub3A_224 : i32
        %dma_start3A_226 = arith.constant 0 : i32
        %dma_start3A_227 = tpu.memref_slice %arg4[%sub3A_225, %mul3A_2, %dma_start3A_226] : memref<384x512x512xf32, #tpu.memory_space<hbm>> -> memref<1x32x512xf32, #tpu.memory_space<hbm>>
        %dma_start3A_228 = tpu.memref_squeeze %dma_start3A_227 : memref<1x32x512xf32, #tpu.memory_space<hbm>> -> memref<32x512xf32, #tpu.memory_space<hbm>>
        %dma_start3A_229 = arith.constant 0 : i32
        %dma_start3A_230 = tpu.memref_slice %arg4[%sub3A_225, %mul3A_2, %dma_start3A_229] : memref<384x512x512xf32, #tpu.memory_space<hbm>> -> memref<1x32x512xf32, #tpu.memory_space<hbm>>
        %dma_start3A_231 = tpu.memref_squeeze %dma_start3A_230 : memref<1x32x512xf32, #tpu.memory_space<hbm>> -> memref<32x512xf32, #tpu.memory_space<hbm>>
        tpu.enqueue_dma source(%arg14 : memref<32x512xf32, #tpu.memory_space<vmem>>) target(%dma_start3A_231 : memref<32x512xf32, #tpu.memory_space<hbm>>) target_semaphore(%arg20 : memref<!tpu.dma_semaphore, #tpu.memory_space<semaphore_mem>>)
      } else {
      }
      %dma_start3A_215 = tpu.memref_slice %arg16[%mul3A_4] : memref<262144xf32, #tpu.memory_space<vmem_shared>> -> memref<16384xf32, #tpu.memory_space<vmem_shared>>
      %dma_start3A_216 = tpu.memref_slice %arg16[%mul3A_4] : memref<262144xf32, #tpu.memory_space<vmem_shared>> -> memref<16384xf32, #tpu.memory_space<vmem_shared>>
      tpu.enqueue_dma source(%dma_start3A_216 : memref<16384xf32, #tpu.memory_space<vmem_shared>>) target(%arg13 : memref<16384xf32, #tpu.memory_space<vmem>>) target_semaphore(%arg19 : memref<!tpu.dma_semaphore, #tpu.memory_space<semaphore_mem>>)
    }
    %scan3A_76 = arith.constant 96 : i32
    %dma_wait3A_77 = tpu.memref_slice %arg16[%mul3A_4] : memref<262144xf32, #tpu.memory_space<vmem_shared>> -> memref<16384xf32, #tpu.memory_space<vmem_shared>>
    %dma_wait3A_78 = tpu.memref_slice %arg16[%mul3A_4] : memref<262144xf32, #tpu.memory_space<vmem_shared>> -> memref<16384xf32, #tpu.memory_space<vmem_shared>>
    tpu.wait_dma2 semaphore(%arg19 : memref<!tpu.dma_semaphore, #tpu.memory_space<semaphore_mem>>) src(%dma_wait3A_78 : memref<16384xf32, #tpu.memory_space<vmem_shared>>) dst(%arg13 : memref<16384xf32, #tpu.memory_space<vmem>>)
    %add3A_79 = arith.constant 192 : i32
    %add3A_80 = arith.addi %mul3A_0, %add3A_79 : i32
    %sub3A = arith.constant 2 : i32
    %sub3A_81 = arith.subi %add3A_80, %sub3A : i32
    %dma_wait3A_82 = arith.constant 0 : i32
    %dma_wait3A_83 = tpu.memref_slice %arg4[%sub3A_81, %mul3A_2, %dma_wait3A_82] : memref<384x512x512xf32, #tpu.memory_space<hbm>> -> memref<1x32x512xf32, #tpu.memory_space<hbm>>
    %dma_wait3A_84 = tpu.memref_squeeze %dma_wait3A_83 : memref<1x32x512xf32, #tpu.memory_space<hbm>> -> memref<32x512xf32, #tpu.memory_space<hbm>>
    %dma_wait3A_85 = arith.constant 0 : i32
    %dma_wait3A_86 = tpu.memref_slice %arg4[%sub3A_81, %mul3A_2, %dma_wait3A_85] : memref<384x512x512xf32, #tpu.memory_space<hbm>> -> memref<1x32x512xf32, #tpu.memory_space<hbm>>
    %dma_wait3A_87 = tpu.memref_squeeze %dma_wait3A_86 : memref<1x32x512xf32, #tpu.memory_space<hbm>> -> memref<32x512xf32, #tpu.memory_space<hbm>>
    tpu.wait_dma2 semaphore(%arg20 : memref<!tpu.dma_semaphore, #tpu.memory_space<semaphore_mem>>) src(%arg14 : memref<32x512xf32, #tpu.memory_space<vmem>>) dst(%dma_wait3A_87 : memref<32x512xf32, #tpu.memory_space<hbm>>)
    %scan3A_88 = arith.constant 0 : i32
    %scan3A_89 = arith.constant 0 : i32
    %scan3A_90 = arith.constant 32 : i32
    %scan3A_91 = arith.addi %scan3A_89, %scan3A_90 : i32
    %scan3A_92 = arith.constant 1 : i32
    scf.for %scan3A_114 = %scan3A_89 to %scan3A_91 step %scan3A_92  : i32 {
      %mul3A_115 = arith.constant 512 : i32
      %mul3A_116 = arith.muli %scan3A_114, %mul3A_115 : i32
      %add3A_117 = arith.constant 0 : i32
      %add3A_118 = arith.addi %mul3A_116, %add3A_117 : i32
      %get3A = arith.index_cast %add3A_118 : i32 to index
      %get3A_119 = tpu.vector_load %arg13[%get3A] {strides = array<i32>} : memref<16384xf32, #tpu.memory_space<vmem>>, vector<16xf32>,
      %get3A_120 = vector.shape_cast %get3A_119 : vector<16xf32> to vector<16xf32>
      %mul3A_121 = arith.constant 512 : i32
      %mul3A_122 = arith.muli %scan3A_114, %mul3A_121 : i32
      %add3A_123 = arith.constant 16 : i32
      %add3A_124 = arith.addi %mul3A_122, %add3A_123 : i32
      %get3A_125 = arith.index_cast %add3A_124 : i32 to index
      %get3A_126 = tpu.vector_load %arg13[%get3A_125] {strides = array<i32>} : memref<16384xf32, #tpu.memory_space<vmem>>, vector<16xf32>,
      %get3A_127 = vector.shape_cast %get3A_126 : vector<16xf32> to vector<16xf32>
      %mul3A_128 = arith.constant 512 : i32
      %mul3A_129 = arith.muli %scan3A_114, %mul3A_128 : i32
      %add3A_130 = arith.constant 32 : i32
      %add3A_131 = arith.addi %mul3A_129, %add3A_130 : i32
      %get3A_132 = arith.index_cast %add3A_131 : i32 to index
      %get3A_133 = tpu.vector_load %arg13[%get3A_132] {strides = array<i32>} : memref<16384xf32, #tpu.memory_space<vmem>>, vector<16xf32>,
      %get3A_134 = vector.shape_cast %get3A_133 : vector<16xf32> to vector<16xf32>
      %mul3A_135 = arith.constant 512 : i32
      %mul3A_136 = arith.muli %scan3A_114, %mul3A_135 : i32
      %add3A_137 = arith.constant 48 : i32
      %add3A_138 = arith.addi %mul3A_136, %add3A_137 : i32
      %get3A_139 = arith.index_cast %add3A_138 : i32 to index
      %get3A_140 = tpu.vector_load %arg13[%get3A_139] {strides = array<i32>} : memref<16384xf32, #tpu.memory_space<vmem>>, vector<16xf32>,
      %get3A_141 = vector.shape_cast %get3A_140 : vector<16xf32> to vector<16xf32>
      %mul3A_142 = arith.constant 512 : i32
      %mul3A_143 = arith.muli %scan3A_114, %mul3A_142 : i32
      %add3A_144 = arith.constant 64 : i32
      %add3A_145 = arith.addi %mul3A_143, %add3A_144 : i32
      %get3A_146 = arith.index_cast %add3A_145 : i32 to index
      %get3A_147 = tpu.vector_load %arg13[%get3A_146] {strides = array<i32>} : memref<16384xf32, #tpu.memory_space<vmem>>, vector<16xf32>,
      %get3A_148 = vector.shape_cast %get3A_147 : vector<16xf32> to vector<16xf32>
      %mul3A_149 = arith.constant 512 : i32
      %mul3A_150 = arith.muli %scan3A_114, %mul3A_149 : i32
      %add3A_151 = arith.constant 80 : i32
      %add3A_152 = arith.addi %mul3A_150, %add3A_151 : i32
      %get3A_153 = arith.index_cast %add3A_152 : i32 to index
      %get3A_154 = tpu.vector_load %arg13[%get3A_153] {strides = array<i32>} : memref<16384xf32, #tpu.memory_space<vmem>>, vector<16xf32>,
      %get3A_155 = vector.shape_cast %get3A_154 : vector<16xf32> to vector<16xf32>
      %mul3A_156 = arith.constant 512 : i32
      %mul3A_157 = arith.muli %scan3A_114, %mul3A_156 : i32
      %add3A_158 = arith.constant 96 : i32
      %add3A_159 = arith.addi %mul3A_157, %add3A_158 : i32
      %get3A_160 = arith.index_cast %add3A_159 : i32 to index
      %get3A_161 = tpu.vector_load %arg13[%get3A_160] {strides = array<i32>} : memref<16384xf32, #tpu.memory_space<vmem>>, vector<16xf32>,
      %get3A_162 = vector.shape_cast %get3A_161 : vector<16xf32> to vector<16xf32>
      %mul3A_163 = arith.constant 512 : i32
      %mul3A_164 = arith.muli %scan3A_114, %mul3A_163 : i32
      %add3A_165 = arith.constant 112 : i32
      %add3A_166 = arith.addi %mul3A_164, %add3A_165 : i32
      %get3A_167 = arith.index_cast %add3A_166 : i32 to index
      %get3A_168 = tpu.vector_load %arg13[%get3A_167] {strides = array<i32>} : memref<16384xf32, #tpu.memory_space<vmem>>, vector<16xf32>,
      %get3A_169 = vector.shape_cast %get3A_168 : vector<16xf32> to vector<16xf32>
      %mul3A_170 = arith.constant 512 : i32
      %mul3A_171 = arith.muli %scan3A_114, %mul3A_170 : i32
      %add3A_172 = arith.constant 128 : i32
      %add3A_173 = arith.addi %mul3A_171, %add3A_172 : i32
      %get3A_174 = arith.index_cast %add3A_173 : i32 to index
      %get3A_175 = tpu.vector_load %arg13[%get3A_174] {strides = array<i32>} : memref<16384xf32, #tpu.memory_space<vmem>>, vector<16xf32>,
      %get3A_176 = vector.shape_cast %get3A_175 : vector<16xf32> to vector<16xf32>
      %mul3A_177 = arith.constant 512 : i32
      %mul3A_178 = arith.muli %scan3A_114, %mul3A_177 : i32
      %add3A_179 = arith.constant 144 : i32
      %add3A_180 = arith.addi %mul3A_178, %add3A_179 : i32
      %get3A_181 = arith.index_cast %add3A_180 : i32 to index
      %get3A_182 = tpu.vector_load %arg13[%get3A_181] {strides = array<i32>} : memref<16384xf32, #tpu.memory_space<vmem>>, vector<16xf32>,
      %get3A_183 = vector.shape_cast %get3A_182 : vector<16xf32> to vector<16xf32>
      %mul3A_184 = arith.constant 512 : i32
      %mul3A_185 = arith.muli %scan3A_114, %mul3A_184 : i32
      %add3A_186 = arith.constant 160 : i32
      %add3A_187 = arith.addi %mul3A_185, %add3A_186 : i32
      %get3A_188 = arith.index_cast %add3A_187 : i32 to index
      %get3A_189 = tpu.vector_load %arg13[%get3A_188] {strides = array<i32>} : memref<16384xf32, #tpu.memory_space<vmem>>, vector<16xf32>,
      %get3A_190 = vector.shape_cast %get3A_189 : vector<16xf32> to vector<16xf32>
      %mul3A_191 = arith.constant 512 : i32
      %mul3A_192 = arith.muli %scan3A_114, %mul3A_191 : i32
      %add3A_193 = arith.constant 176 : i32
      %add3A_194 = arith.addi %mul3A_192, %add3A_193 : i32
      %get3A_195 = arith.index_cast %add3A_194 : i32 to index
      %get3A_196 = tpu.vector_load %arg13[%get3A_195] {strides = array<i32>} : memref<16384xf32, #tpu.memory_space<vmem>>, vector<16xf32>,
      %get3A_197 = vector.shape_cast %get3A_196 : vector<16xf32> to vector<16xf32>
      %mul3A_198 = arith.constant 512 : i32
      %mul3A_199 = arith.muli %scan3A_114, %mul3A_198 : i32
      %add3A_200 = arith.constant 192 : i32
      %add3A_201 = arith.addi %mul3A_199, %add3A_200 : i32
      %get3A_202 = arith.index_cast %add3A_201 : i32 to index
      %get3A_203 = tpu.vector_load %arg13[%get3A_202] {strides = array<i32>} : memref<16384xf32, #tpu.memory_space<vmem>>, vector<16xf32>,
      %get3A_204 = vector.shape_cast %get3A_203 : vector<16xf32> to vector<16xf32>
      %mul3A_205 = arith.constant 512 : i32
      %mul3A_206 = arith.muli %scan3A_114, %mul3A_205 : i32
      %add3A_207 = arith.constant 208 : i32
      %add3A_208 = arith.addi %mul3A_206, %add3A_207 : i32
      %get3A_209 = arith.index_cast %add3A_208 : i32 to index
      %get3A_210 = tpu.vector_load %arg13[%get3A_209] {strides = array<i32>} : memref<16384xf32, #tpu.memory_space<vmem>>, vector<16xf32>,
      %get3A_211 = vector.shape_cast %get3A_210 : vector<16xf32> to vector<16xf32>
      %mul3A_212 = arith.constant 512 : i32
      %mul3A_213 = arith.muli %scan3A_114, %mul3A_212 : i32
      %add3A_214 = arith.constant 224 : i32
      %add3A_215 = arith.addi %mul3A_213, %add3A_214 : i32
      %get3A_216 = arith.index_cast %add3A_215 : i32 to index
      %get3A_217 = tpu.vector_load %arg13[%get3A_216] {strides = array<i32>} : memref<16384xf32, #tpu.memory_space<vmem>>, vector<16xf32>,
      %get3A_218 = vector.shape_cast %get3A_217 : vector<16xf32> to vector<16xf32>
      %mul3A_219 = arith.constant 512 : i32
      %mul3A_220 = arith.muli %scan3A_114, %mul3A_219 : i32
      %add3A_221 = arith.constant 240 : i32
      %add3A_222 = arith.addi %mul3A_220, %add3A_221 : i32
      %get3A_223 = arith.index_cast %add3A_222 : i32 to index
      %get3A_224 = tpu.vector_load %arg13[%get3A_223] {strides = array<i32>} : memref<16384xf32, #tpu.memory_space<vmem>>, vector<16xf32>,
      %get3A_225 = vector.shape_cast %get3A_224 : vector<16xf32> to vector<16xf32>
      %mul3A_226 = arith.constant 512 : i32
      %mul3A_227 = arith.muli %scan3A_114, %mul3A_226 : i32
      %add3A_228 = arith.constant 256 : i32
      %add3A_229 = arith.addi %mul3A_227, %add3A_228 : i32
      %get3A_230 = arith.index_cast %add3A_229 : i32 to index
      %get3A_231 = tpu.vector_load %arg13[%get3A_230] {strides = array<i32>} : memref<16384xf32, #tpu.memory_space<vmem>>, vector<16xf32>,
      %get3A_232 = vector.shape_cast %get3A_231 : vector<16xf32> to vector<16xf32>
      %mul3A_233 = arith.constant 512 : i32
      %mul3A_234 = arith.muli %scan3A_114, %mul3A_233 : i32
      %add3A_235 = arith.constant 272 : i32
      %add3A_236 = arith.addi %mul3A_234, %add3A_235 : i32
      %get3A_237 = arith.index_cast %add3A_236 : i32 to index
      %get3A_238 = tpu.vector_load %arg13[%get3A_237] {strides = array<i32>} : memref<16384xf32, #tpu.memory_space<vmem>>, vector<16xf32>,
      %get3A_239 = vector.shape_cast %get3A_238 : vector<16xf32> to vector<16xf32>
      %mul3A_240 = arith.constant 512 : i32
      %mul3A_241 = arith.muli %scan3A_114, %mul3A_240 : i32
      %add3A_242 = arith.constant 288 : i32
      %add3A_243 = arith.addi %mul3A_241, %add3A_242 : i32
      %get3A_244 = arith.index_cast %add3A_243 : i32 to index
      %get3A_245 = tpu.vector_load %arg13[%get3A_244] {strides = array<i32>} : memref<16384xf32, #tpu.memory_space<vmem>>, vector<16xf32>,
      %get3A_246 = vector.shape_cast %get3A_245 : vector<16xf32> to vector<16xf32>
      %mul3A_247 = arith.constant 512 : i32
      %mul3A_248 = arith.muli %scan3A_114, %mul3A_247 : i32
      %add3A_249 = arith.constant 304 : i32
      %add3A_250 = arith.addi %mul3A_248, %add3A_249 : i32
      %get3A_251 = arith.index_cast %add3A_250 : i32 to index
      %get3A_252 = tpu.vector_load %arg13[%get3A_251] {strides = array<i32>} : memref<16384xf32, #tpu.memory_space<vmem>>, vector<16xf32>,
      %get3A_253 = vector.shape_cast %get3A_252 : vector<16xf32> to vector<16xf32>
      %mul3A_254 = arith.constant 512 : i32
      %mul3A_255 = arith.muli %scan3A_114, %mul3A_254 : i32
      %add3A_256 = arith.constant 320 : i32
      %add3A_257 = arith.addi %mul3A_255, %add3A_256 : i32
      %get3A_258 = arith.index_cast %add3A_257 : i32 to index
      %get3A_259 = tpu.vector_load %arg13[%get3A_258] {strides = array<i32>} : memref<16384xf32, #tpu.memory_space<vmem>>, vector<16xf32>,
      %get3A_260 = vector.shape_cast %get3A_259 : vector<16xf32> to vector<16xf32>
      %mul3A_261 = arith.constant 512 : i32
      %mul3A_262 = arith.muli %scan3A_114, %mul3A_261 : i32
      %add3A_263 = arith.constant 336 : i32
      %add3A_264 = arith.addi %mul3A_262, %add3A_263 : i32
      %get3A_265 = arith.index_cast %add3A_264 : i32 to index
      %get3A_266 = tpu.vector_load %arg13[%get3A_265] {strides = array<i32>} : memref<16384xf32, #tpu.memory_space<vmem>>, vector<16xf32>,
      %get3A_267 = vector.shape_cast %get3A_266 : vector<16xf32> to vector<16xf32>
      %mul3A_268 = arith.constant 512 : i32
      %mul3A_269 = arith.muli %scan3A_114, %mul3A_268 : i32
      %add3A_270 = arith.constant 352 : i32
      %add3A_271 = arith.addi %mul3A_269, %add3A_270 : i32
      %get3A_272 = arith.index_cast %add3A_271 : i32 to index
      %get3A_273 = tpu.vector_load %arg13[%get3A_272] {strides = array<i32>} : memref<16384xf32, #tpu.memory_space<vmem>>, vector<16xf32>,
      %get3A_274 = vector.shape_cast %get3A_273 : vector<16xf32> to vector<16xf32>
      %mul3A_275 = arith.constant 512 : i32
      %mul3A_276 = arith.muli %scan3A_114, %mul3A_275 : i32
      %add3A_277 = arith.constant 368 : i32
      %add3A_278 = arith.addi %mul3A_276, %add3A_277 : i32
      %get3A_279 = arith.index_cast %add3A_278 : i32 to index
      %get3A_280 = tpu.vector_load %arg13[%get3A_279] {strides = array<i32>} : memref<16384xf32, #tpu.memory_space<vmem>>, vector<16xf32>,
      %get3A_281 = vector.shape_cast %get3A_280 : vector<16xf32> to vector<16xf32>
      %mul3A_282 = arith.constant 512 : i32
      %mul3A_283 = arith.muli %scan3A_114, %mul3A_282 : i32
      %add3A_284 = arith.constant 384 : i32
      %add3A_285 = arith.addi %mul3A_283, %add3A_284 : i32
      %get3A_286 = arith.index_cast %add3A_285 : i32 to index
      %get3A_287 = tpu.vector_load %arg13[%get3A_286] {strides = array<i32>} : memref<16384xf32, #tpu.memory_space<vmem>>, vector<16xf32>,
      %get3A_288 = vector.shape_cast %get3A_287 : vector<16xf32> to vector<16xf32>
      %mul3A_289 = arith.constant 512 : i32
      %mul3A_290 = arith.muli %scan3A_114, %mul3A_289 : i32
      %add3A_291 = arith.constant 400 : i32
      %add3A_292 = arith.addi %mul3A_290, %add3A_291 : i32
      %get3A_293 = arith.index_cast %add3A_292 : i32 to index
      %get3A_294 = tpu.vector_load %arg13[%get3A_293] {strides = array<i32>} : memref<16384xf32, #tpu.memory_space<vmem>>, vector<16xf32>,
      %get3A_295 = vector.shape_cast %get3A_294 : vector<16xf32> to vector<16xf32>
      %mul3A_296 = arith.constant 512 : i32
      %mul3A_297 = arith.muli %scan3A_114, %mul3A_296 : i32
      %add3A_298 = arith.constant 416 : i32
      %add3A_299 = arith.addi %mul3A_297, %add3A_298 : i32
      %get3A_300 = arith.index_cast %add3A_299 : i32 to index
      %get3A_301 = tpu.vector_load %arg13[%get3A_300] {strides = array<i32>} : memref<16384xf32, #tpu.memory_space<vmem>>, vector<16xf32>,
      %get3A_302 = vector.shape_cast %get3A_301 : vector<16xf32> to vector<16xf32>
      %mul3A_303 = arith.constant 512 : i32
      %mul3A_304 = arith.muli %scan3A_114, %mul3A_303 : i32
      %add3A_305 = arith.constant 432 : i32
      %add3A_306 = arith.addi %mul3A_304, %add3A_305 : i32
      %get3A_307 = arith.index_cast %add3A_306 : i32 to index
      %get3A_308 = tpu.vector_load %arg13[%get3A_307] {strides = array<i32>} : memref<16384xf32, #tpu.memory_space<vmem>>, vector<16xf32>,
      %get3A_309 = vector.shape_cast %get3A_308 : vector<16xf32> to vector<16xf32>
      %mul3A_310 = arith.constant 512 : i32
      %mul3A_311 = arith.muli %scan3A_114, %mul3A_310 : i32
      %add3A_312 = arith.constant 448 : i32
      %add3A_313 = arith.addi %mul3A_311, %add3A_312 : i32
      %get3A_314 = arith.index_cast %add3A_313 : i32 to index
      %get3A_315 = tpu.vector_load %arg13[%get3A_314] {strides = array<i32>} : memref<16384xf32, #tpu.memory_space<vmem>>, vector<16xf32>,
      %get3A_316 = vector.shape_cast %get3A_315 : vector<16xf32> to vector<16xf32>
      %mul3A_317 = arith.constant 512 : i32
      %mul3A_318 = arith.muli %scan3A_114, %mul3A_317 : i32
      %add3A_319 = arith.constant 464 : i32
      %add3A_320 = arith.addi %mul3A_318, %add3A_319 : i32
      %get3A_321 = arith.index_cast %add3A_320 : i32 to index
      %get3A_322 = tpu.vector_load %arg13[%get3A_321] {strides = array<i32>} : memref<16384xf32, #tpu.memory_space<vmem>>, vector<16xf32>,
      %get3A_323 = vector.shape_cast %get3A_322 : vector<16xf32> to vector<16xf32>
      %mul3A_324 = arith.constant 512 : i32
      %mul3A_325 = arith.muli %scan3A_114, %mul3A_324 : i32
      %add3A_326 = arith.constant 480 : i32
      %add3A_327 = arith.addi %mul3A_325, %add3A_326 : i32
      %get3A_328 = arith.index_cast %add3A_327 : i32 to index
      %get3A_329 = tpu.vector_load %arg13[%get3A_328] {strides = array<i32>} : memref<16384xf32, #tpu.memory_space<vmem>>, vector<16xf32>,
      %get3A_330 = vector.shape_cast %get3A_329 : vector<16xf32> to vector<16xf32>
      %mul3A_331 = arith.constant 512 : i32
      %mul3A_332 = arith.muli %scan3A_114, %mul3A_331 : i32
      %add3A_333 = arith.constant 496 : i32
      %add3A_334 = arith.addi %mul3A_332, %add3A_333 : i32
      %get3A_335 = arith.index_cast %add3A_334 : i32 to index
      %get3A_336 = tpu.vector_load %arg13[%get3A_335] {strides = array<i32>} : memref<16384xf32, #tpu.memory_space<vmem>>, vector<16xf32>,
      %get3A_337 = vector.shape_cast %get3A_336 : vector<16xf32> to vector<16xf32>
      %swap3A = arith.index_cast %scan3A_114 : i32 to index
      %swap3A_338 = arith.constant 0 : index
      %swap3A_339 = tpu.vector_load %arg14[%swap3A, %swap3A_338] {strides = array<i32>} : memref<32x512xf32, #tpu.memory_space<vmem>>, vector<1x16xf32>,
      %swap3A_340 = vector.shape_cast %swap3A_339 : vector<1x16xf32> to vector<16xf32>
      %swap3A_341 = vector.shape_cast %get3A_120 : vector<16xf32> to vector<1x16xf32>
      tpu.vector_store %arg14[%swap3A, %swap3A_338], %swap3A_341 {strides = array<i32>} : memref<32x512xf32, #tpu.memory_space<vmem>>, vector<1x16xf32>,
      %swap3A_342 = arith.index_cast %scan3A_114 : i32 to index
      %swap3A_343 = arith.constant 16 : index
      %swap3A_344 = tpu.vector_load %arg14[%swap3A_342, %swap3A_343] {strides = array<i32>} : memref<32x512xf32, #tpu.memory_space<vmem>>, vector<1x16xf32>,
      %swap3A_345 = vector.shape_cast %swap3A_344 : vector<1x16xf32> to vector<16xf32>
      %swap3A_346 = vector.shape_cast %get3A_127 : vector<16xf32> to vector<1x16xf32>
      tpu.vector_store %arg14[%swap3A_342, %swap3A_343], %swap3A_346 {strides = array<i32>} : memref<32x512xf32, #tpu.memory_space<vmem>>, vector<1x16xf32>,
      %swap3A_347 = arith.index_cast %scan3A_114 : i32 to index
      %swap3A_348 = arith.constant 32 : index
      %swap3A_349 = tpu.vector_load %arg14[%swap3A_347, %swap3A_348] {strides = array<i32>} : memref<32x512xf32, #tpu.memory_space<vmem>>, vector<1x16xf32>,
      %swap3A_350 = vector.shape_cast %swap3A_349 : vector<1x16xf32> to vector<16xf32>
      %swap3A_351 = vector.shape_cast %get3A_134 : vector<16xf32> to vector<1x16xf32>
      tpu.vector_store %arg14[%swap3A_347, %swap3A_348], %swap3A_351 {strides = array<i32>} : memref<32x512xf32, #tpu.memory_space<vmem>>, vector<1x16xf32>,
      %swap3A_352 = arith.index_cast %scan3A_114 : i32 to index
      %swap3A_353 = arith.constant 48 : index
      %swap3A_354 = tpu.vector_load %arg14[%swap3A_352, %swap3A_353] {strides = array<i32>} : memref<32x512xf32, #tpu.memory_space<vmem>>, vector<1x16xf32>,
      %swap3A_355 = vector.shape_cast %swap3A_354 : vector<1x16xf32> to vector<16xf32>
      %swap3A_356 = vector.shape_cast %get3A_141 : vector<16xf32> to vector<1x16xf32>
      tpu.vector_store %arg14[%swap3A_352, %swap3A_353], %swap3A_356 {strides = array<i32>} : memref<32x512xf32, #tpu.memory_space<vmem>>, vector<1x16xf32>,
      %swap3A_357 = arith.index_cast %scan3A_114 : i32 to index
      %swap3A_358 = arith.constant 64 : index
      %swap3A_359 = tpu.vector_load %arg14[%swap3A_357, %swap3A_358] {strides = array<i32>} : memref<32x512xf32, #tpu.memory_space<vmem>>, vector<1x16xf32>,
      %swap3A_360 = vector.shape_cast %swap3A_359 : vector<1x16xf32> to vector<16xf32>
      %swap3A_361 = vector.shape_cast %get3A_148 : vector<16xf32> to vector<1x16xf32>
      tpu.vector_store %arg14[%swap3A_357, %swap3A_358], %swap3A_361 {strides = array<i32>} : memref<32x512xf32, #tpu.memory_space<vmem>>, vector<1x16xf32>,
      %swap3A_362 = arith.index_cast %scan3A_114 : i32 to index
      %swap3A_363 = arith.constant 80 : index
      %swap3A_364 = tpu.vector_load %arg14[%swap3A_362, %swap3A_363] {strides = array<i32>} : memref<32x512xf32, #tpu.memory_space<vmem>>, vector<1x16xf32>,
      %swap3A_365 = vector.shape_cast %swap3A_364 : vector<1x16xf32> to vector<16xf32>
      %swap3A_366 = vector.shape_cast %get3A_155 : vector<16xf32> to vector<1x16xf32>
      tpu.vector_store %arg14[%swap3A_362, %swap3A_363], %swap3A_366 {strides = array<i32>} : memref<32x512xf32, #tpu.memory_space<vmem>>, vector<1x16xf32>,
      %swap3A_367 = arith.index_cast %scan3A_114 : i32 to index
      %swap3A_368 = arith.constant 96 : index
      %swap3A_369 = tpu.vector_load %arg14[%swap3A_367, %swap3A_368] {strides = array<i32>} : memref<32x512xf32, #tpu.memory_space<vmem>>, vector<1x16xf32>,
      %swap3A_370 = vector.shape_cast %swap3A_369 : vector<1x16xf32> to vector<16xf32>
      %swap3A_371 = vector.shape_cast %get3A_162 : vector<16xf32> to vector<1x16xf32>
      tpu.vector_store %arg14[%swap3A_367, %swap3A_368], %swap3A_371 {strides = array<i32>} : memref<32x512xf32, #tpu.memory_space<vmem>>, vector<1x16xf32>,
      %swap3A_372 = arith.index_cast %scan3A_114 : i32 to index
      %swap3A_373 = arith.constant 112 : index
      %swap3A_374 = tpu.vector_load %arg14[%swap3A_372, %swap3A_373] {strides = array<i32>} : memref<32x512xf32, #tpu.memory_space<vmem>>, vector<1x16xf32>,
      %swap3A_375 = vector.shape_cast %swap3A_374 : vector<1x16xf32> to vector<16xf32>
      %swap3A_376 = vector.shape_cast %get3A_169 : vector<16xf32> to vector<1x16xf32>
      tpu.vector_store %arg14[%swap3A_372, %swap3A_373], %swap3A_376 {strides = array<i32>} : memref<32x512xf32, #tpu.memory_space<vmem>>, vector<1x16xf32>,
      %swap3A_377 = arith.index_cast %scan3A_114 : i32 to index
      %swap3A_378 = arith.constant 128 : index
      %swap3A_379 = tpu.vector_load %arg14[%swap3A_377, %swap3A_378] {strides = array<i32>} : memref<32x512xf32, #tpu.memory_space<vmem>>, vector<1x16xf32>,
      %swap3A_380 = vector.shape_cast %swap3A_379 : vector<1x16xf32> to vector<16xf32>
      %swap3A_381 = vector.shape_cast %get3A_176 : vector<16xf32> to vector<1x16xf32>
      tpu.vector_store %arg14[%swap3A_377, %swap3A_378], %swap3A_381 {strides = array<i32>} : memref<32x512xf32, #tpu.memory_space<vmem>>, vector<1x16xf32>,
      %swap3A_382 = arith.index_cast %scan3A_114 : i32 to index
      %swap3A_383 = arith.constant 144 : index
      %swap3A_384 = tpu.vector_load %arg14[%swap3A_382, %swap3A_383] {strides = array<i32>} : memref<32x512xf32, #tpu.memory_space<vmem>>, vector<1x16xf32>,
      %swap3A_385 = vector.shape_cast %swap3A_384 : vector<1x16xf32> to vector<16xf32>
      %swap3A_386 = vector.shape_cast %get3A_183 : vector<16xf32> to vector<1x16xf32>
      tpu.vector_store %arg14[%swap3A_382, %swap3A_383], %swap3A_386 {strides = array<i32>} : memref<32x512xf32, #tpu.memory_space<vmem>>, vector<1x16xf32>,
      %swap3A_387 = arith.index_cast %scan3A_114 : i32 to index
      %swap3A_388 = arith.constant 160 : index
      %swap3A_389 = tpu.vector_load %arg14[%swap3A_387, %swap3A_388] {strides = array<i32>} : memref<32x512xf32, #tpu.memory_space<vmem>>, vector<1x16xf32>,
      %swap3A_390 = vector.shape_cast %swap3A_389 : vector<1x16xf32> to vector<16xf32>
      %swap3A_391 = vector.shape_cast %get3A_190 : vector<16xf32> to vector<1x16xf32>
      tpu.vector_store %arg14[%swap3A_387, %swap3A_388], %swap3A_391 {strides = array<i32>} : memref<32x512xf32, #tpu.memory_space<vmem>>, vector<1x16xf32>,
      %swap3A_392 = arith.index_cast %scan3A_114 : i32 to index
      %swap3A_393 = arith.constant 176 : index
      %swap3A_394 = tpu.vector_load %arg14[%swap3A_392, %swap3A_393] {strides = array<i32>} : memref<32x512xf32, #tpu.memory_space<vmem>>, vector<1x16xf32>,
      %swap3A_395 = vector.shape_cast %swap3A_394 : vector<1x16xf32> to vector<16xf32>
      %swap3A_396 = vector.shape_cast %get3A_197 : vector<16xf32> to vector<1x16xf32>
      tpu.vector_store %arg14[%swap3A_392, %swap3A_393], %swap3A_396 {strides = array<i32>} : memref<32x512xf32, #tpu.memory_space<vmem>>, vector<1x16xf32>,
      %swap3A_397 = arith.index_cast %scan3A_114 : i32 to index
      %swap3A_398 = arith.constant 192 : index
      %swap3A_399 = tpu.vector_load %arg14[%swap3A_397, %swap3A_398] {strides = array<i32>} : memref<32x512xf32, #tpu.memory_space<vmem>>, vector<1x16xf32>,
      %swap3A_400 = vector.shape_cast %swap3A_399 : vector<1x16xf32> to vector<16xf32>
      %swap3A_401 = vector.shape_cast %get3A_204 : vector<16xf32> to vector<1x16xf32>
      tpu.vector_store %arg14[%swap3A_397, %swap3A_398], %swap3A_401 {strides = array<i32>} : memref<32x512xf32, #tpu.memory_space<vmem>>, vector<1x16xf32>,
      %swap3A_402 = arith.index_cast %scan3A_114 : i32 to index
      %swap3A_403 = arith.constant 208 : index
      %swap3A_404 = tpu.vector_load %arg14[%swap3A_402, %swap3A_403] {strides = array<i32>} : memref<32x512xf32, #tpu.memory_space<vmem>>, vector<1x16xf32>,
      %swap3A_405 = vector.shape_cast %swap3A_404 : vector<1x16xf32> to vector<16xf32>
      %swap3A_406 = vector.shape_cast %get3A_211 : vector<16xf32> to vector<1x16xf32>
      tpu.vector_store %arg14[%swap3A_402, %swap3A_403], %swap3A_406 {strides = array<i32>} : memref<32x512xf32, #tpu.memory_space<vmem>>, vector<1x16xf32>,
      %swap3A_407 = arith.index_cast %scan3A_114 : i32 to index
      %swap3A_408 = arith.constant 224 : index
      %swap3A_409 = tpu.vector_load %arg14[%swap3A_407, %swap3A_408] {strides = array<i32>} : memref<32x512xf32, #tpu.memory_space<vmem>>, vector<1x16xf32>,
      %swap3A_410 = vector.shape_cast %swap3A_409 : vector<1x16xf32> to vector<16xf32>
      %swap3A_411 = vector.shape_cast %get3A_218 : vector<16xf32> to vector<1x16xf32>
      tpu.vector_store %arg14[%swap3A_407, %swap3A_408], %swap3A_411 {strides = array<i32>} : memref<32x512xf32, #tpu.memory_space<vmem>>, vector<1x16xf32>,
      %swap3A_412 = arith.index_cast %scan3A_114 : i32 to index
      %swap3A_413 = arith.constant 240 : index
      %swap3A_414 = tpu.vector_load %arg14[%swap3A_412, %swap3A_413] {strides = array<i32>} : memref<32x512xf32, #tpu.memory_space<vmem>>, vector<1x16xf32>,
      %swap3A_415 = vector.shape_cast %swap3A_414 : vector<1x16xf32> to vector<16xf32>
      %swap3A_416 = vector.shape_cast %get3A_225 : vector<16xf32> to vector<1x16xf32>
      tpu.vector_store %arg14[%swap3A_412, %swap3A_413], %swap3A_416 {strides = array<i32>} : memref<32x512xf32, #tpu.memory_space<vmem>>, vector<1x16xf32>,
      %swap3A_417 = arith.index_cast %scan3A_114 : i32 to index
      %swap3A_418 = arith.constant 256 : index
      %swap3A_419 = tpu.vector_load %arg14[%swap3A_417, %swap3A_418] {strides = array<i32>} : memref<32x512xf32, #tpu.memory_space<vmem>>, vector<1x16xf32>,
      %swap3A_420 = vector.shape_cast %swap3A_419 : vector<1x16xf32> to vector<16xf32>
      %swap3A_421 = vector.shape_cast %get3A_232 : vector<16xf32> to vector<1x16xf32>
      tpu.vector_store %arg14[%swap3A_417, %swap3A_418], %swap3A_421 {strides = array<i32>} : memref<32x512xf32, #tpu.memory_space<vmem>>, vector<1x16xf32>,
      %swap3A_422 = arith.index_cast %scan3A_114 : i32 to index
      %swap3A_423 = arith.constant 272 : index
      %swap3A_424 = tpu.vector_load %arg14[%swap3A_422, %swap3A_423] {strides = array<i32>} : memref<32x512xf32, #tpu.memory_space<vmem>>, vector<1x16xf32>,
      %swap3A_425 = vector.shape_cast %swap3A_424 : vector<1x16xf32> to vector<16xf32>
      %swap3A_426 = vector.shape_cast %get3A_239 : vector<16xf32> to vector<1x16xf32>
      tpu.vector_store %arg14[%swap3A_422, %swap3A_423], %swap3A_426 {strides = array<i32>} : memref<32x512xf32, #tpu.memory_space<vmem>>, vector<1x16xf32>,
      %swap3A_427 = arith.index_cast %scan3A_114 : i32 to index
      %swap3A_428 = arith.constant 288 : index
      %swap3A_429 = tpu.vector_load %arg14[%swap3A_427, %swap3A_428] {strides = array<i32>} : memref<32x512xf32, #tpu.memory_space<vmem>>, vector<1x16xf32>,
      %swap3A_430 = vector.shape_cast %swap3A_429 : vector<1x16xf32> to vector<16xf32>
      %swap3A_431 = vector.shape_cast %get3A_246 : vector<16xf32> to vector<1x16xf32>
      tpu.vector_store %arg14[%swap3A_427, %swap3A_428], %swap3A_431 {strides = array<i32>} : memref<32x512xf32, #tpu.memory_space<vmem>>, vector<1x16xf32>,
      %swap3A_432 = arith.index_cast %scan3A_114 : i32 to index
      %swap3A_433 = arith.constant 304 : index
      %swap3A_434 = tpu.vector_load %arg14[%swap3A_432, %swap3A_433] {strides = array<i32>} : memref<32x512xf32, #tpu.memory_space<vmem>>, vector<1x16xf32>,
      %swap3A_435 = vector.shape_cast %swap3A_434 : vector<1x16xf32> to vector<16xf32>
      %swap3A_436 = vector.shape_cast %get3A_253 : vector<16xf32> to vector<1x16xf32>
      tpu.vector_store %arg14[%swap3A_432, %swap3A_433], %swap3A_436 {strides = array<i32>} : memref<32x512xf32, #tpu.memory_space<vmem>>, vector<1x16xf32>,
      %swap3A_437 = arith.index_cast %scan3A_114 : i32 to index
      %swap3A_438 = arith.constant 320 : index
      %swap3A_439 = tpu.vector_load %arg14[%swap3A_437, %swap3A_438] {strides = array<i32>} : memref<32x512xf32, #tpu.memory_space<vmem>>, vector<1x16xf32>,
      %swap3A_440 = vector.shape_cast %swap3A_439 : vector<1x16xf32> to vector<16xf32>
      %swap3A_441 = vector.shape_cast %get3A_260 : vector<16xf32> to vector<1x16xf32>
      tpu.vector_store %arg14[%swap3A_437, %swap3A_438], %swap3A_441 {strides = array<i32>} : memref<32x512xf32, #tpu.memory_space<vmem>>, vector<1x16xf32>,
      %swap3A_442 = arith.index_cast %scan3A_114 : i32 to index
      %swap3A_443 = arith.constant 336 : index
      %swap3A_444 = tpu.vector_load %arg14[%swap3A_442, %swap3A_443] {strides = array<i32>} : memref<32x512xf32, #tpu.memory_space<vmem>>, vector<1x16xf32>,
      %swap3A_445 = vector.shape_cast %swap3A_444 : vector<1x16xf32> to vector<16xf32>
      %swap3A_446 = vector.shape_cast %get3A_267 : vector<16xf32> to vector<1x16xf32>
      tpu.vector_store %arg14[%swap3A_442, %swap3A_443], %swap3A_446 {strides = array<i32>} : memref<32x512xf32, #tpu.memory_space<vmem>>, vector<1x16xf32>,
      %swap3A_447 = arith.index_cast %scan3A_114 : i32 to index
      %swap3A_448 = arith.constant 352 : index
      %swap3A_449 = tpu.vector_load %arg14[%swap3A_447, %swap3A_448] {strides = array<i32>} : memref<32x512xf32, #tpu.memory_space<vmem>>, vector<1x16xf32>,
      %swap3A_450 = vector.shape_cast %swap3A_449 : vector<1x16xf32> to vector<16xf32>
      %swap3A_451 = vector.shape_cast %get3A_274 : vector<16xf32> to vector<1x16xf32>
      tpu.vector_store %arg14[%swap3A_447, %swap3A_448], %swap3A_451 {strides = array<i32>} : memref<32x512xf32, #tpu.memory_space<vmem>>, vector<1x16xf32>,
      %swap3A_452 = arith.index_cast %scan3A_114 : i32 to index
      %swap3A_453 = arith.constant 368 : index
      %swap3A_454 = tpu.vector_load %arg14[%swap3A_452, %swap3A_453] {strides = array<i32>} : memref<32x512xf32, #tpu.memory_space<vmem>>, vector<1x16xf32>,
      %swap3A_455 = vector.shape_cast %swap3A_454 : vector<1x16xf32> to vector<16xf32>
      %swap3A_456 = vector.shape_cast %get3A_281 : vector<16xf32> to vector<1x16xf32>
      tpu.vector_store %arg14[%swap3A_452, %swap3A_453], %swap3A_456 {strides = array<i32>} : memref<32x512xf32, #tpu.memory_space<vmem>>, vector<1x16xf32>,
      %swap3A_457 = arith.index_cast %scan3A_114 : i32 to index
      %swap3A_458 = arith.constant 384 : index
      %swap3A_459 = tpu.vector_load %arg14[%swap3A_457, %swap3A_458] {strides = array<i32>} : memref<32x512xf32, #tpu.memory_space<vmem>>, vector<1x16xf32>,
      %swap3A_460 = vector.shape_cast %swap3A_459 : vector<1x16xf32> to vector<16xf32>
      %swap3A_461 = vector.shape_cast %get3A_288 : vector<16xf32> to vector<1x16xf32>
      tpu.vector_store %arg14[%swap3A_457, %swap3A_458], %swap3A_461 {strides = array<i32>} : memref<32x512xf32, #tpu.memory_space<vmem>>, vector<1x16xf32>,
      %swap3A_462 = arith.index_cast %scan3A_114 : i32 to index
      %swap3A_463 = arith.constant 400 : index
      %swap3A_464 = tpu.vector_load %arg14[%swap3A_462, %swap3A_463] {strides = array<i32>} : memref<32x512xf32, #tpu.memory_space<vmem>>, vector<1x16xf32>,
      %swap3A_465 = vector.shape_cast %swap3A_464 : vector<1x16xf32> to vector<16xf32>
      %swap3A_466 = vector.shape_cast %get3A_295 : vector<16xf32> to vector<1x16xf32>
      tpu.vector_store %arg14[%swap3A_462, %swap3A_463], %swap3A_466 {strides = array<i32>} : memref<32x512xf32, #tpu.memory_space<vmem>>, vector<1x16xf32>,
      %swap3A_467 = arith.index_cast %scan3A_114 : i32 to index
      %swap3A_468 = arith.constant 416 : index
      %swap3A_469 = tpu.vector_load %arg14[%swap3A_467, %swap3A_468] {strides = array<i32>} : memref<32x512xf32, #tpu.memory_space<vmem>>, vector<1x16xf32>,
      %swap3A_470 = vector.shape_cast %swap3A_469 : vector<1x16xf32> to vector<16xf32>
      %swap3A_471 = vector.shape_cast %get3A_302 : vector<16xf32> to vector<1x16xf32>
      tpu.vector_store %arg14[%swap3A_467, %swap3A_468], %swap3A_471 {strides = array<i32>} : memref<32x512xf32, #tpu.memory_space<vmem>>, vector<1x16xf32>,
      %swap3A_472 = arith.index_cast %scan3A_114 : i32 to index
      %swap3A_473 = arith.constant 432 : index
      %swap3A_474 = tpu.vector_load %arg14[%swap3A_472, %swap3A_473] {strides = array<i32>} : memref<32x512xf32, #tpu.memory_space<vmem>>, vector<1x16xf32>,
      %swap3A_475 = vector.shape_cast %swap3A_474 : vector<1x16xf32> to vector<16xf32>
      %swap3A_476 = vector.shape_cast %get3A_309 : vector<16xf32> to vector<1x16xf32>
      tpu.vector_store %arg14[%swap3A_472, %swap3A_473], %swap3A_476 {strides = array<i32>} : memref<32x512xf32, #tpu.memory_space<vmem>>, vector<1x16xf32>,
      %swap3A_477 = arith.index_cast %scan3A_114 : i32 to index
      %swap3A_478 = arith.constant 448 : index
      %swap3A_479 = tpu.vector_load %arg14[%swap3A_477, %swap3A_478] {strides = array<i32>} : memref<32x512xf32, #tpu.memory_space<vmem>>, vector<1x16xf32>,
      %swap3A_480 = vector.shape_cast %swap3A_479 : vector<1x16xf32> to vector<16xf32>
      %swap3A_481 = vector.shape_cast %get3A_316 : vector<16xf32> to vector<1x16xf32>
      tpu.vector_store %arg14[%swap3A_477, %swap3A_478], %swap3A_481 {strides = array<i32>} : memref<32x512xf32, #tpu.memory_space<vmem>>, vector<1x16xf32>,
      %swap3A_482 = arith.index_cast %scan3A_114 : i32 to index
      %swap3A_483 = arith.constant 464 : index
      %swap3A_484 = tpu.vector_load %arg14[%swap3A_482, %swap3A_483] {strides = array<i32>} : memref<32x512xf32, #tpu.memory_space<vmem>>, vector<1x16xf32>,
      %swap3A_485 = vector.shape_cast %swap3A_484 : vector<1x16xf32> to vector<16xf32>
      %swap3A_486 = vector.shape_cast %get3A_323 : vector<16xf32> to vector<1x16xf32>
      tpu.vector_store %arg14[%swap3A_482, %swap3A_483], %swap3A_486 {strides = array<i32>} : memref<32x512xf32, #tpu.memory_space<vmem>>, vector<1x16xf32>,
      %swap3A_487 = arith.index_cast %scan3A_114 : i32 to index
      %swap3A_488 = arith.constant 480 : index
      %swap3A_489 = tpu.vector_load %arg14[%swap3A_487, %swap3A_488] {strides = array<i32>} : memref<32x512xf32, #tpu.memory_space<vmem>>, vector<1x16xf32>,
      %swap3A_490 = vector.shape_cast %swap3A_489 : vector<1x16xf32> to vector<16xf32>
      %swap3A_491 = vector.shape_cast %get3A_330 : vector<16xf32> to vector<1x16xf32>
      tpu.vector_store %arg14[%swap3A_487, %swap3A_488], %swap3A_491 {strides = array<i32>} : memref<32x512xf32, #tpu.memory_space<vmem>>, vector<1x16xf32>,
      %swap3A_492 = arith.index_cast %scan3A_114 : i32 to index
      %swap3A_493 = arith.constant 496 : index
      %swap3A_494 = tpu.vector_load %arg14[%swap3A_492, %swap3A_493] {strides = array<i32>} : memref<32x512xf32, #tpu.memory_space<vmem>>, vector<1x16xf32>,
      %swap3A_495 = vector.shape_cast %swap3A_494 : vector<1x16xf32> to vector<16xf32>
      %swap3A_496 = vector.shape_cast %get3A_337 : vector<16xf32> to vector<1x16xf32>
      tpu.vector_store %arg14[%swap3A_492, %swap3A_493], %swap3A_496 {strides = array<i32>} : memref<32x512xf32, #tpu.memory_space<vmem>>, vector<1x16xf32>,
    }
    %scan3A_93 = arith.constant 32 : i32
    %add3A_94 = arith.constant 192 : i32
    %add3A_95 = arith.addi %mul3A_0, %add3A_94 : i32
    %sub3A_96 = arith.constant 1 : i32
    %sub3A_97 = arith.subi %add3A_95, %sub3A_96 : i32
    %dma_start3A_98 = arith.constant 0 : i32
    %dma_start3A_99 = tpu.memref_slice %arg4[%sub3A_97, %mul3A_2, %dma_start3A_98] : memref<384x512x512xf32, #tpu.memory_space<hbm>> -> memref<1x32x512xf32, #tpu.memory_space<hbm>>
    %dma_start3A_100 = tpu.memref_squeeze %dma_start3A_99 : memref<1x32x512xf32, #tpu.memory_space<hbm>> -> memref<32x512xf32, #tpu.memory_space<hbm>>
    %dma_start3A_101 = arith.constant 0 : i32
    %dma_start3A_102 = tpu.memref_slice %arg4[%sub3A_97, %mul3A_2, %dma_start3A_101] : memref<384x512x512xf32, #tpu.memory_space<hbm>> -> memref<1x32x512xf32, #tpu.memory_space<hbm>>
    %dma_start3A_103 = tpu.memref_squeeze %dma_start3A_102 : memref<1x32x512xf32, #tpu.memory_space<hbm>> -> memref<32x512xf32, #tpu.memory_space<hbm>>
    tpu.enqueue_dma source(%arg14 : memref<32x512xf32, #tpu.memory_space<vmem>>) target(%dma_start3A_103 : memref<32x512xf32, #tpu.memory_space<hbm>>) target_semaphore(%arg20 : memref<!tpu.dma_semaphore, #tpu.memory_space<semaphore_mem>>)
    %add3A_104 = arith.constant 192 : i32
    %add3A_105 = arith.addi %mul3A_0, %add3A_104 : i32
    %sub3A_106 = arith.constant 1 : i32
    %sub3A_107 = arith.subi %add3A_105, %sub3A_106 : i32
    %dma_wait3A_108 = arith.constant 0 : i32
    %dma_wait3A_109 = tpu.memref_slice %arg4[%sub3A_107, %mul3A_2, %dma_wait3A_108] : memref<384x512x512xf32, #tpu.memory_space<hbm>> -> memref<1x32x512xf32, #tpu.memory_space<hbm>>
    %dma_wait3A_110 = tpu.memref_squeeze %dma_wait3A_109 : memref<1x32x512xf32, #tpu.memory_space<hbm>> -> memref<32x512xf32, #tpu.memory_space<hbm>>
    %dma_wait3A_111 = arith.constant 0 : i32
    %dma_wait3A_112 = tpu.memref_slice %arg4[%sub3A_107, %mul3A_2, %dma_wait3A_111] : memref<384x512x512xf32, #tpu.memory_space<hbm>> -> memref<1x32x512xf32, #tpu.memory_space<hbm>>
    %dma_wait3A_113 = tpu.memref_squeeze %dma_wait3A_112 : memref<1x32x512xf32, #tpu.memory_space<hbm>> -> memref<32x512xf32, #tpu.memory_space<hbm>>
    tpu.wait_dma2 semaphore(%arg20 : memref<!tpu.dma_semaphore, #tpu.memory_space<semaphore_mem>>) src(%arg14 : memref<32x512xf32, #tpu.memory_space<vmem>>) dst(%dma_wait3A_113 : memref<32x512xf32, #tpu.memory_space<hbm>>)
    return
  }
}

</mosaic_0001>

<sc_bundles>
// kernel: kernel.3.cloned.1.call-start
scs
__scs_entry_jumppad:
0x0: {  	(pc) =	sbr.rel $0x88, $3  }
0x1: {  	(tag) =	ssettag $0x0;
	lr =	simm.s32 $0x1  }
0x2: {  	[smem:$0x3F9F] =	sst lr;
	_ =	strace $0xD0000000  }
0x3: {  	_ = 	snop  }
0x4: {  	_ = 	snop  }
0x5: {  	_ = 	snop  }
0x6: {  	_ = 	snop  }
0x7: {  	_ = 	snop  }
__scs_overlays_trampoline_lowered:
0x8: {  	[smem:$0x3FAE] =	sst s0  }
0x9: {  	[smem:$0x3FAF] =	sst s1  }
0xa: {  	[smem:$0x3FB0] =	sst s2  }
0xb: {  	[smem:$0x3FB1] =	sst s3  }
0xc: {  	[smem:$0x3FB2] =	sst s4  }
0xd: {  	[smem:$0x3FB3] =	sst s5  }
0xe: {  	[smem:$0x3FB4] =	sst s6  }
0xf: {  	[smem:$0x3FB5] =	sst s7  }
0x10: {  	[smem:$0x3FB6] =	sst s8  }
0x11: {  	[smem:$0x3FB7] =	sst s9;
	s0 =	simm.s32 @!p0 $0x0  }
0x12: {  	s1 =	sld [smem:$0x3F9D];
	s0 =	simm.s32 @p0 $0x1  }
0x13: {  	[smem:$0x3FB8] =	sst s0;
	s0 =	simm.s32 @!p1 $0x0  }
0x14: {  	s2 =	sld [smem:$0x3F9C];
	s0 =	simm.s32 @p1 $0x1  }
0x15: {  	[smem:$0x3FB9] =	sst s0;
	s0 =	simm.s32 @!p2 $0x0  }
0x16: {  	s3 =	sld [smem:$0x3FDB];
	s0 =	simm.s32 @p2 $0x1  }
0x17: {  	s4 =	simm.s32 $0x1BF5;
	[smem:$0x3FBB] =	sst s0  }
0x18: {  	s0 =	sld [smem:$0x3F9E];
	_ =	swait.ge [sflag:s4], $0x0  }
0x19: {  	s7 =	sld [smem:$0x3F9F]  }
0x1a: {  	s8 =	sadd.s32 $0xFFFFE003, lr  }
0x1b: {  	s9 =	sadd.s32 $0xFFFFFEF7, lr;
	s5 =	simm.s32 $0xFFFFFFFF;
	p2 =	slt.u32 s8, $0xFFFFF086  }
0x1c: {  	p1 =	slt.u32 s9, $0xF7A;
	s5 =	simm.s32 @!p2 $0x0  }
0x1d: {  	s5 =	simm.s32 @p1 $0x1;
	p0 =	seq.s32 s7, s2  }
0x1e: {  	s7 =	smul.u32 @!p0 $0xF7A, s2;
	p2 =	seq.s32 @!p0 s5, $0x0  }
0x1f: {  	s9 =	smul.u32 $0xF7A, s1;
	s8 =	simm.s32 @!p0 $0x1BF5;
	p2 =	por !p2, p0  }
0x20: {  	[sflag:s8] =	ssyncset.s32 @!p0 $0xFFFFF086;
	s6 =	sadd.s32 @!p0 s3, s7;
	s7 =	simm.s32 @!p0 $0x108  }
0x21: {  	s3 =	sadd.s32 s3, s9;
	s6 =	sadd.s32 @!p0 $0x88, s6;
	s7 =	simm.s32 @p2 $0x1082  }
0x22: {  	[simem:s7], [sflag:s8] =	dma.local @!p0 [hbm:s6], $0xF7A  }
0x23: {  	s9 =	sor.u32 $0xD0000000, s2;
	s6 =	simm.s32 $0x108;
	_ =	swait.ge @!p0 [sflag:s8], $0x0  }
0x24: {  	s3 =	sadd.s32 $0x88, s3;
	s6 =	simm.s32 @!p1 $0x1082;
	[sflag:s4] =	ssyncset.s32 $0xFFFFF086  }
0x25: {  	[simem:s6], [sflag:s4] =	dma.local [hbm:s3], $0xF7A  }
0x26: {  	[smem:$0x3F9F] =	sst s1;
	(tag) =	ssettag s2;
	_ =	strace s9  }
0x27: {  	s1 =	sld [smem:$0x3FAF]  }
0x28: {  	s2 =	sld [smem:$0x3FB0]  }
0x29: {  	s4 =	sld [smem:$0x3FB2]  }
0x2a: {  	p0 =	seq.s32 s5, $0x0;
	s5 =	sld [smem:$0x3FB3]  }
0x2b: {  	s6 =	sld [smem:$0x3FB4]  }
0x2c: {  	s7 =	sld [smem:$0x3FB5]  }
0x2d: {  	s3 =	simm.s32 $0x108;
	s8 =	sld [smem:$0x3FB6]  }
0x2e: {  	s3 =	simm.s32 @!p0 $0x1082;
	s9 =	sld [smem:$0x3FB7]  }
0x2f: {  	lr =	sadd.s32 s0, s3;
	s0 =	sld [smem:$0x3FAE]  }
0x30: {  	s3 =	sld [smem:$0x3FB1]  }
0x31: {  	[smem:$0x3FBA] =	sst s10  }
0x32: {  	s10 =	sld [smem:$0x3FB8];
	_ =	sdelay $0x3  }
0x33: {  	p0 =	seq.s32 s10, $0x1;
	s10 =	sld [smem:$0x3FBA];
	_ =	sdelay $0x3  }
0x34: {  	[smem:$0x3FBA] =	sst s10  }
0x35: {  	s10 =	sld [smem:$0x3FB9];
	_ =	sdelay $0x3  }
0x36: {  	p1 =	seq.s32 s10, $0x1;
	s10 =	sld [smem:$0x3FBA];
	_ =	sdelay $0x3  }
0x37: {  	[smem:$0x3FBA] =	sst s10  }
0x38: {  	s10 =	sld [smem:$0x3FBB]  }
0x39: {  	_ = 	snop;
	(pc) =	sbr.ind lr, $3  }
0x3a: {  	_ = 	snop  }
0x3b: {  	_ = 	snop  }
0x3c: {  	p2 =	seq.s32 s10, $0x1;
	s10 =	sld [smem:$0x3FBA]  }
0x3d: {  	_ =	shalt  }
0x3e: {  	_ =	shalt  }
0x3f: {  	_ =	shalt  }
0x40: {  	_ =	shalt  }
0x41: {  	_ =	shalt  }
0x42: {  	_ =	shalt  }
0x43: {  	_ =	shalt  }
0x44: {  	_ =	shalt  }
0x45: {  	_ =	shalt  }
0x46: {  	_ =	shalt  }
0x47: {  	_ =	shalt  }
0x48: {  	_ =	shalt  }
0x49: {  	_ =	shalt  }
0x4a: {  	_ =	shalt  }
0x4b: {  	_ =	shalt  }
0x4c: {  	_ =	shalt  }
0x4d: {  	_ =	shalt  }
0x4e: {  	_ =	shalt  }
0x4f: {  	_ =	shalt  }
0x50: {  	_ =	shalt  }
0x51: {  	_ =	shalt  }
0x52: {  	_ =	shalt  }
0x53: {  	_ =	shalt  }
0x54: {  	_ =	shalt  }
0x55: {  	_ =	shalt  }
0x56: {  	_ =	shalt  }
0x57: {  	_ =	shalt  }
0x58: {  	_ =	shalt  }
0x59: {  	_ =	shalt  }
0x5a: {  	_ =	shalt  }
0x5b: {  	_ =	shalt  }
0x5c: {  	_ =	shalt  }
0x5d: {  	_ =	shalt  }
0x5e: {  	_ =	shalt  }
0x5f: {  	_ =	shalt  }
0x60: {  	_ =	shalt  }
0x61: {  	_ =	shalt  }
0x62: {  	_ =	shalt  }
0x63: {  	_ =	shalt  }
0x64: {  	_ =	shalt  }
0x65: {  	_ =	shalt  }
0x66: {  	_ =	shalt  }
0x67: {  	_ =	shalt  }
0x68: {  	_ =	shalt  }
0x69: {  	_ =	shalt  }
0x6a: {  	_ =	shalt  }
0x6b: {  	_ =	shalt  }
0x6c: {  	_ =	shalt  }
0x6d: {  	_ =	shalt  }
0x6e: {  	_ =	shalt  }
0x6f: {  	_ =	shalt  }
0x70: {  	_ =	shalt  }
0x71: {  	_ =	shalt  }
0x72: {  	_ =	shalt  }
0x73: {  	_ =	shalt  }
0x74: {  	_ =	shalt  }
0x75: {  	_ =	shalt  }
0x76: {  	_ =	shalt  }
0x77: {  	_ =	shalt  }
0x78: {  	_ =	shalt  }
0x79: {  	_ =	shalt  }
0x7a: {  	_ =	shalt  }
0x7b: {  	_ =	shalt  }
0x7c: {  	_ =	shalt  }
0x7d: {  	_ =	shalt  }
0x7e: {  	_ =	shalt  }
0x7f: {  	_ =	shalt  }
0x80: {  	_ =	shalt  }
0x81: {  	_ =	shalt  }
0x82: {  	_ =	shalt  }
0x83: {  	_ =	shalt  }
0x84: {  	_ =	shalt  }
0x85: {  	_ =	shalt  }
0x86: {  	_ =	shalt  }
0x87: {  	_ =	shalt  }
.Lfunc_end0:
.L_simem_size_0:
called_computation_lowered:
.L_overlay_start_0:
0x88: {  	s2 =	sld [smem:$0x3FD9]  }
0x89: {  	s3 =	sld [smem:$0x3FFE];
	_ =	sdelay $0x1  }
0x8a: {  	s1 =	srdreg.scid  }
0x8b: {  	s0 =	sand.u32 $0x1, s1  }
0x8c: {  	s18 =	sshll.u32 s0, $0xA;
	s2 =	sadd.s32 s3, s2  }
0x8d: {  	s2 =	sadd.s32 s2, s18  }
0x8e: {  	[smem:$0x3FC6] =	sst s2  }
0x8f: {  	_ = 	snop  }
0x90: {  	s2 =	sld [smem:$0x3FC9]  }
0x91: {  	s19 =	sld [smem:$0x3FC8]  }
0x92: {  	s4 =	sld [smem:$0x3FD0];
	(tm) =	ssettm $0x1  }
0x93: {  	s5 =	sld [smem:$0x3FFB];
	_ =	sdelay $0x3  }
0x94: {  	_ =	strace s5  }
0x95: {  	s5 =	sld [smem:$0x3FFC];
	_ =	sdelay $0x3  }
0x96: {  	_ =	strace s5  }
0x97: {  	s5 =	sld [smem:$0x3FFD];
	_ =	sdelay $0x3  }
0x98: {  	_ =	strace s5  }
0x99: {  	_ =	strace $0x8FFFFFFF  }
0x9a: {  	s20 =	sld [smem:$0x3FDB];
	_ =	sdelay $0x1  }
0x9b: {  	s6 =	simm.s32 $_scs_section_size  }
0x9c: {  	s7 =	simm.s32 $_size__tile_overlayer_lowered;
	s8 =	simm.s32 $_tile_overlayer_lowered  }
0x9d: {  	s23 =	simm.s32 $0x1BFF;
	s22 =	sshll.u32 s8, $0x1;
	s5 =	sadd.s32 s6, s20  }
0x9e: {  	s9 =	simm.s32 $0x0;
	s21 =	sshll.u32 s7, $0x1;
	s7 =	sadd.s32 s22, s5  }
0x9f: {  	[timem:s9], [sflag:s23] =	dma.local [hbm:s7], s21  }
0xa0: {  	_ =	swait.ge [sflag:s23], s21  }
0xa1: {  	s6 =	ssub.s32 $0x0, s21;
	[sflag:s23] =	ssyncset.done $0x0  }
0xa2: {  	[sflag:s23] =	ssyncadd.s32 s6;
	_ =	sdelay $0x1  }
0xa3: {  	s24 =	simm.s32 $0x1B8B  }
0xa4: {  	_ =	swait.ge [sflag:s24], $0x1  }
0xa5: {  	[sflag:s24] =	ssyncset.done $0x0  }
0xa6: {  	s25 =	simm.s32 $0x1B8E;
	[sflag:s24] =	ssyncadd.s32 $0xFFFFFFFF  }
0xa7: {  	s26 =	simm.s32 $execute0_lowered;
	[smem:$0x3FD2] =	sst s25  }
0xa8: {  	s6 =	sshll.u32 s26, $0x1;
	_ =	strace $0x80000046;
	[dreg:$0x1] =	wrdreg $0xFFFFFFFF  }
0xa9: {  	s28 =	simm.s32 $_size_execute0_lowered;
	s5 =	sadd.s32 s5, s6;
	[dreg:$0x0] =	wrdreg $0x0  }
0xaa: {  	s6 =	sshll.u32 s28, $0x1;
	[dreg:$0x2] =	wrdreg s5  }
0xab: {  	[dreg:$0x3] =	wrdreg s6  }
0xac: {  	[dreg:$0x4] =	wrdreg $0xC0  }
0xad: {  	_ =	task [dreg:s9], $0x5FFFF  }
0xae: {  	[dreg:$0x1] =	wrdreg $0xFFFFFFFF  }
0xaf: {  	[dreg:$0x0] =	wrdreg $0x60  }
0xb0: {  	[dreg:$0x2] =	wrdreg s2  }
0xb1: {  	[dreg:$0x3] =	wrdreg s19  }
0xb2: {  	[dreg:$0x4] =	wrdreg s4  }
0xb3: {  	[dreg:$0x5] =	wrdreg $0x160000  }
0xb4: {  	[dreg:$0x6] =	wrdreg $0x1A0000  }
0xb5: {  	[dreg:$0x7] =	wrdreg $0x9  }
0xb6: {  	_ =	task.clear_ibuf [dreg:s9], $0x8FFFF;
	_ =	strace $0x90000046  }
0xb7: {  	s29 =	simm.s32 $0x9;
	_ =	strace $0x80000048  }
0xb8: {  	_ =	swait.ge [sflag:s29], $0x1  }
0xb9: {  	[sflag:s29] =	ssyncadd.s32 $0xFFFFFFFF  }
0xba: {  	_ =	strace $0x90000048  }
0xbb: {  	_ =	sfence  }
0xbc: {  	s30 =	sld [smem:$0x0];
	_ =	sdelay $0x2  }
0xbd: {  	s31 =	sshll.u32 s1, $0xD;
	s1 =	sshrl.u32 s1, $0x2  }
0xbe: {  	s3 =	sand.u32 $0x4000, s31;
	s1 =	sadd.s32 s1, s30  }
0xbf: {  	s0 =	sor.u32 s3, s0;
	s1 =	sshll.u32 s1, $0x11  }
0xc0: {  	s0 =	sor.u32 s1, s0  }
0xc1: {  	s0 =	sadd.s32 $0x8F2B, s0  }
0xc2: {  	[sflag:s0] =	ssyncadd.remote.s32 $0x1  }
0xc3: {  	_ =	sfence.sel $0xFFFF  }
0xc4: {  	[dreg:$0x0] =	wrdreg $0xFFFFFFFF;
	(pc) =	sbr.abs _section_cstart, $3  }
0xc5: {  	[dreg:$0x1] =	wrdreg $0xFFFFFFFF  }
0xc6: {  	_ =	task.clear_ibuf [dreg:s9], $0x2FFFF;
	_ =	strace $0x9FFFFFFF  }
0xc7: {  	(tm) =	ssettm $0x7FFFFFFF  }
tec
execute0_lowered:
.L_overlay_start_1:
0x0: {  	(tag) =	ssettag $0x1  }
0x1: {  	s30 =	rddreg [dreg:$0x0]  }
0x2: {  	s0 =	rddreg [dreg:$0x1]  }
0x3: {  	s9 =	rddreg [dreg:$0x2]  }
0x4: {  	s3 =	rddreg [dreg:$0x3]  }
0x5: {  	s4 =	rddreg [dreg:$0x4]  }
0x6: {  	s5 =	simm.s32 $0x0;
	s1 =	srdreg.scid;
	s7 =	stileid.u32  }
0x7: {  	s28 =	simm.s32 $0x3000;
	s15 =	simm.s32 $0x6000;
	s31 =	simm.s32 $0x1  }
0x8: {  	s29 =	simm.s32 $0x6;
	s13 =	simm.s32 $0x7;
	[smem:$0x7FF] =	sst s5  }
0x9: {  	s1 =	sand.u32 $0x1, s1;
	s19 =	sshll.u32 s7, $0x9;
	s7 =	sshll.u32 s7, $0xE  }
0xa: {  	_ =	strace $0x80000047;
	s2 =	ssub.s32 $0x2, s1;
	s8 =	smul.u32 $0x3000000, s1  }
0xb: {  	s10 =	smul.u32 $0xC0, s1;
	s14 =	sadd.s32 s7, s3;
	s6 =	sshrl.u32 s2, $0x1  }
0xc: {  	s16 =	sor.u32 $0xFFFC0000, s7;
	s17 =	sadd.s32 s7, s4;
	s2 =	ssub.s32 s2, s6  }
0xd: {  	s6 =	sadd.s32 s0, s19;
	s20 =	sor.u32 s7, s8;
	s24 =	sor.u32 $0x1, s10  }
0xe: {  	[dreg:$0x6] =	wrdreg s10;
	s25 =	sor.u32 $0x2, s10;
	s19 =	simm.s32 $0xE000  }
0xf: {  	s10 =	simm.s32 $0x4;
	s21 =	sadd.s32 $0x2000, s6;
	[dreg:$0x7] =	wrdreg s6  }
0x10: {  	s22 =	sadd.s32 $0x2100, s6;
	s23 =	sshrl.u32 s20, $0x3;
	[dreg:$0xc] =	wrdreg s24  }
0x11: {  	s6 =	sadd.s32 $0x100, s6;
	s0 =	sadd.s32 $0x2FC0000, s20;
	[dreg:$0xd] =	wrdreg s25  }
0x12: {  	s26 =	smax.u32 s2, $0x1;
	s25 =	simm.s32 $0x1000;
	[dreg:$0x8] =	wrdreg s21  }
0x13: {  	s24 =	simm.s32 $0x5000;
	s20 =	simm.s32 $0x3;
	[dreg:$0x9] =	wrdreg s22  }
0x14: {  	[dreg:$0xa] =	wrdreg s6;
	s1 =	sadd.s32 s30, s23;
	s0 =	sshrl.u32 s0, $0x3  }
0x15: {  	[dreg:$0xf] =	wrdreg s26;
	s23 =	simm.s32 $0x2000;
	s6 =	simm.s32 $0x2  }
0x16: {  	s22 =	simm.s32 $0x4000;
	[dreg:$0xb] =	wrdreg s1;
	s0 =	sadd.s32 s9, s0  }
0x17: {  	s26 =	simm.s32 $0x5;
	s1 =	simm.s32 $0x0;
	[dreg:$0xe] =	wrdreg s0  }
.LBB2_1:
0x18: {  	[dreg:$0x10] =	wrdreg s1  }
0x19: {  	s9 =	rddreg [dreg:$0x8];
	s2 =	simm.s32 $0x8  }
0x1a: {  	[tilespmem:s5], [sflag:$0x8] =	stream.linear.gather [hbm4b:s9+s5], $0x800, $0x38;
	[tilespmem:$0x1E000] =	vst v63  }
0x1b: {  	_ =	swait.ge [sflag:s2], $0x800  }
0x1c: {  	[sflag:s2] =	ssyncset.done $0x0  }
0x1d: {  	s8 =	simm.s32 $0x800;
	s0 =	rddreg [dreg:$0x7];
	[sflag:s2] =	ssyncadd.s32 $0xFFFFF800  }
0x1e: {  	[tilespmem:s8], [sflag:$0x8] =	stream.linear.gather [hbm4b:s0+s5], $0x800, $0x38;
	[tilespmem:$0x1E000] =	vst v63  }
0x1f: {  	_ =	swait.ge [sflag:s2], $0x800  }
0x20: {  	[sflag:s2] =	ssyncset.done $0x0  }
0x21: {  	[sflag:s2] =	ssyncadd.s32 $0xFFFFF800  }
0x22: {  	[tilespmem:s23], [sflag:$0x8] =	stream.linear.gather [hbm4b:s0+s5], $0x800, $0x38;
	[tilespmem:$0x1E000] =	vst v63  }
0x23: {  	_ =	swait.ge [sflag:s2], $0x800  }
0x24: {  	[sflag:s2] =	ssyncset.done $0x0  }
0x25: {  	s11 =	simm.s32 $0x2800;
	[sflag:s2] =	ssyncadd.s32 $0xFFFFF800  }
0x26: {  	[tilespmem:s11], [sflag:$0x8] =	stream.linear.gather [hbm4b:s9+s5], $0x800, $0x38;
	[tilespmem:$0x1E000] =	vst v63  }
0x27: {  	_ =	swait.ge [sflag:s2], $0x800  }
0x28: {  	[sflag:s2] =	ssyncset.done $0x0  }
0x29: {  	s12 =	rddreg [dreg:$0x9];
	[sflag:s2] =	ssyncadd.s32 $0xFFFFF800  }
0x2a: {  	[tilespmem:s25], [sflag:$0x8] =	stream.linear.gather [hbm4b:s12+s5], $0x800, $0x38;
	[tilespmem:$0x1E000] =	vst v63  }
0x2b: {  	_ =	swait.ge [sflag:s2], $0x800  }
0x2c: {  	[sflag:s2] =	ssyncset.done $0x0  }
0x2d: {  	s21 =	simm.s32 $0x1800;
	s18 =	rddreg [dreg:$0xa];
	[sflag:s2] =	ssyncadd.s32 $0xFFFFF800  }
0x2e: {  	[tilespmem:s21], [sflag:$0x8] =	stream.linear.gather [hbm4b:s18+s5], $0x800, $0x38;
	[tilespmem:$0x1E000] =	vst v63  }
0x2f: {  	_ =	swait.ge [sflag:s2], $0x800  }
0x30: {  	[sflag:s2] =	ssyncset.done $0x0  }
0x31: {  	[sflag:s2] =	ssyncadd.s32 $0xFFFFF800  }
0x32: {  	[tilespmem:s28], [sflag:$0x8] =	stream.linear.gather [hbm4b:s18+s5], $0x800, $0x38;
	[tilespmem:$0x1E000] =	vst v63  }
0x33: {  	_ =	swait.ge [sflag:s2], $0x800  }
0x34: {  	[sflag:s2] =	ssyncset.done $0x0  }
0x35: {  	s8 =	simm.s32 $0x3800;
	[sflag:s2] =	ssyncadd.s32 $0xFFFFF800  }
0x36: {  	[tilespmem:s8], [sflag:$0x8] =	stream.linear.gather [hbm4b:s12+s5], $0x800, $0x38;
	[tilespmem:$0x1E000] =	vst v63  }
0x37: {  	_ =	swait.ge [sflag:s2], $0x800  }
0x38: {  	[sflag:s2] =	ssyncset.done $0x0  }
0x39: {  	s9 =	rddreg [dreg:$0xb];
	[sflag:s2] =	ssyncadd.s32 $0xFFFFF800  }
0x3a: {  	[tilespmem:s15], [sflag:$0x1] =	stream.linear.gather [hbm4b:s9+s5], $0x4000, $0x38;
	[tilespmem:$0x1E000] =	vst v63  }
0x3b: {  	_ =	swait.ge [sflag:s31], $0x4000  }
0x3c: {  	s11 =	sand.u32 $0x3000, s5;
	s12 =	sand.u32 $0x380, s5;
	[sflag:s31] =	ssyncset.done $0x0  }
0x3d: {  	s0 =	sor.u32 s12, s11;
	[sflag:s31] =	ssyncadd.s32 $0xFFFFC000  }
0x3e: {  	v0 =	vld [tilespmem:s0+$0x6000]  }
0x3f: {  	v1 =	vld [tilespmem:s0+$0x6010]  }
0x40: {  	v2 =	vld [tilespmem:s0+$0x6020]  }
0x41: {  	v3 =	vld [tilespmem:s0+$0x6030]  }
0x42: {  	v4 =	vld [tilespmem:s0+$0x6040]  }
0x43: {  	v5 =	vld [tilespmem:s0+$0x6050]  }
0x44: {  	v6 =	vld [tilespmem:s0+$0x6060]  }
0x45: {  	v7 =	vld [tilespmem:s0+$0x6070]  }
0x46: {  	v8 =	vld [tilespmem:s0+$0x6400]  }
0x47: {  	v9 =	vld [tilespmem:s0+$0x6410]  }
0x48: {  	v10 =	vld [tilespmem:s0+$0x6420]  }
0x49: {  	v11 =	vld [tilespmem:s0+$0x6430]  }
0x4a: {  	v12 =	vld [tilespmem:s0+$0x6440]  }
0x4b: {  	v13 =	vld [tilespmem:s0+$0x6450]  }
0x4c: {  	v14 =	vld [tilespmem:s0+$0x6460]  }
0x4d: {  	v15 =	vld [tilespmem:s0+$0x6470]  }
0x4e: {  	v16 =	vld [tilespmem:s0+$0x6800]  }
0x4f: {  	v17 =	vld [tilespmem:s0+$0x6810]  }
0x50: {  	v18 =	vld [tilespmem:s0+$0x6820]  }
0x51: {  	v19 =	vld [tilespmem:s0+$0x6830]  }
0x52: {  	v20 =	vld [tilespmem:s0+$0x6840]  }
0x53: {  	v21 =	vld [tilespmem:s0+$0x6850]  }
0x54: {  	v22 =	vld [tilespmem:s0+$0x6860]  }
0x55: {  	v23 =	vld [tilespmem:s0+$0x6870]  }
0x56: {  	v24 =	vld [tilespmem:s0+$0x6C00]  }
0x57: {  	v25 =	vld [tilespmem:s0+$0x6C10]  }
0x58: {  	v26 =	vld [tilespmem:s0+$0x6C70]  }
0x59: {  	v27 =	vld [tilespmem:s0+$0x6C20]  }
0x5a: {  	v28 =	vld [tilespmem:s0+$0x6C30]  }
0x5b: {  	v29 =	vld [tilespmem:s0+$0x6C40]  }
0x5c: {  	s8 =	simm.s32 $0xA100;
	v30 =	vld [tilespmem:s0+$0x6C50]  }
0x5d: {  	v31 =	vld [tilespmem:s0+$0x6C60];
	[tilespmem:s8+$0xF0] =	vst v26  }
0x5e: {  	[tilespmem:s8+$0xFFFFFF00] =	vst v0  }
0x5f: {  	[tilespmem:s8+$0xFFFFFF10] =	vst v1  }
0x60: {  	[tilespmem:s8+$0xFFFFFF20] =	vst v2  }
0x61: {  	[tilespmem:s8+$0xFFFFFF30] =	vst v3  }
0x62: {  	[tilespmem:s8+$0xFFFFFF40] =	vst v4  }
0x63: {  	[tilespmem:s8+$0xFFFFFF50] =	vst v5  }
0x64: {  	[tilespmem:s8+$0xFFFFFF60] =	vst v6  }
0x65: {  	[tilespmem:s8+$0xFFFFFF70] =	vst v7  }
0x66: {  	[tilespmem:s8+$0xFFFFFF80] =	vst v8  }
0x67: {  	[tilespmem:s8+$0xFFFFFF90] =	vst v9  }
0x68: {  	[tilespmem:s8+$0xFFFFFFA0] =	vst v10  }
0x69: {  	[tilespmem:s8+$0xFFFFFFB0] =	vst v11  }
0x6a: {  	[tilespmem:s8+$0xFFFFFFC0] =	vst v12  }
0x6b: {  	[tilespmem:s8+$0xFFFFFFD0] =	vst v13  }
0x6c: {  	[tilespmem:s8+$0xFFFFFFE0] =	vst v14  }
0x6d: {  	[tilespmem:s8+$0xFFFFFFF0] =	vst v15  }
0x6e: {  	[tilespmem:s8+$0x0] =	vst v16  }
0x6f: {  	[tilespmem:s8+$0x10] =	vst v17  }
0x70: {  	[tilespmem:s8+$0x20] =	vst v18  }
0x71: {  	[tilespmem:s8+$0x30] =	vst v19  }
0x72: {  	[tilespmem:s8+$0x40] =	vst v20  }
0x73: {  	[tilespmem:s8+$0x50] =	vst v21  }
0x74: {  	[tilespmem:s8+$0x60] =	vst v22  }
0x75: {  	[tilespmem:s8+$0x70] =	vst v23  }
0x76: {  	[tilespmem:s8+$0x80] =	vst v24  }
0x77: {  	[tilespmem:s8+$0x90] =	vst v25  }
0x78: {  	[tilespmem:s8+$0xA0] =	vst v27  }
0x79: {  	[tilespmem:s8+$0xB0] =	vst v28  }
0x7a: {  	s18 =	simm.s32 $0x200;
	s9 =	simm.s32 $0x80;
	[tilespmem:s8+$0xC0] =	vst v29  }
0x7b: {  	s21 =	sand.u32 $0x380, s9;
	s0 =	sand.u32 $0x3000, s18;
	[tilespmem:s8+$0xD0] =	vst v30  }
0x7c: {  	s1 =	sor.u32 s21, s0;
	[tilespmem:s8+$0xE0] =	vst v31  }
0x7d: {  	v0 =	vld [tilespmem:s1+$0x6000]  }
0x7e: {  	v1 =	vld [tilespmem:s1+$0x6010]  }
0x7f: {  	v2 =	vld [tilespmem:s1+$0x6020]  }
0x80: {  	v3 =	vld [tilespmem:s1+$0x6030]  }
0x81: {  	v4 =	vld [tilespmem:s1+$0x6040]  }
0x82: {  	v5 =	vld [tilespmem:s1+$0x6050]  }
0x83: {  	v6 =	vld [tilespmem:s1+$0x6060]  }
0x84: {  	v7 =	vld [tilespmem:s1+$0x6070]  }
0x85: {  	v8 =	vld [tilespmem:s1+$0x6400]  }
0x86: {  	v9 =	vld [tilespmem:s1+$0x6410]  }
0x87: {  	v10 =	vld [tilespmem:s1+$0x6420]  }
0x88: {  	v11 =	vld [tilespmem:s1+$0x6430]  }
0x89: {  	v12 =	vld [tilespmem:s1+$0x6440]  }
0x8a: {  	v13 =	vld [tilespmem:s1+$0x6450]  }
0x8b: {  	v14 =	vld [tilespmem:s1+$0x6460]  }
0x8c: {  	v15 =	vld [tilespmem:s1+$0x6470]  }
0x8d: {  	v16 =	vld [tilespmem:s1+$0x6800]  }
0x8e: {  	v17 =	vld [tilespmem:s1+$0x6810]  }
0x8f: {  	v18 =	vld [tilespmem:s1+$0x6820]  }
0x90: {  	v19 =	vld [tilespmem:s1+$0x6830]  }
0x91: {  	v20 =	vld [tilespmem:s1+$0x6840]  }
0x92: {  	v21 =	vld [tilespmem:s1+$0x6850]  }
0x93: {  	v22 =	vld [tilespmem:s1+$0x6860]  }
0x94: {  	v23 =	vld [tilespmem:s1+$0x6870]  }
0x95: {  	s0 =	simm.s32 $0x400;
	v24 =	vld [tilespmem:s1+$0x6C00]  }
.LBB2_2:
0x96: {  	p0 =	sne.s32 s0, $0x3E00;
	v25 =	vld [tilespmem:s1+$0x6C10]  }
0x97: {  	v26 =	vld [tilespmem:s1+$0x6C70]  }
0x98: {  	v27 =	vld [tilespmem:s1+$0x6C20]  }
0x99: {  	v28 =	vld [tilespmem:s1+$0x6C30]  }
0x9a: {  	v29 =	vld [tilespmem:s1+$0x6C40]  }
0x9b: {  	s8 =	sadd.s32 $0x200, s8;
	v30 =	vld [tilespmem:s1+$0x6C50]  }
0x9c: {  	v31 =	vld [tilespmem:s1+$0x6C60];
	[tilespmem:s8+$0xF0] =	vst v26  }
0x9d: {  	[tilespmem:s8+$0xFFFFFF00] =	vst v0  }
0x9e: {  	[tilespmem:s8+$0xFFFFFF10] =	vst v1  }
0x9f: {  	[tilespmem:s8+$0xFFFFFF20] =	vst v2  }
0xa0: {  	[tilespmem:s8+$0xFFFFFF30] =	vst v3  }
0xa1: {  	[tilespmem:s8+$0xFFFFFF40] =	vst v4  }
0xa2: {  	[tilespmem:s8+$0xFFFFFF50] =	vst v5  }
0xa3: {  	[tilespmem:s8+$0xFFFFFF60] =	vst v6  }
0xa4: {  	[tilespmem:s8+$0xFFFFFF70] =	vst v7  }
0xa5: {  	[tilespmem:s8+$0xFFFFFF80] =	vst v8  }
0xa6: {  	[tilespmem:s8+$0xFFFFFF90] =	vst v9  }
0xa7: {  	[tilespmem:s8+$0xFFFFFFA0] =	vst v10  }
0xa8: {  	[tilespmem:s8+$0xFFFFFFB0] =	vst v11  }
0xa9: {  	[tilespmem:s8+$0xFFFFFFC0] =	vst v12  }
0xaa: {  	[tilespmem:s8+$0xFFFFFFD0] =	vst v13  }
0xab: {  	[tilespmem:s8+$0xFFFFFFE0] =	vst v14  }
0xac: {  	[tilespmem:s8+$0xFFFFFFF0] =	vst v15  }
0xad: {  	[tilespmem:s8+$0x0] =	vst v16  }
0xae: {  	[tilespmem:s8+$0x10] =	vst v17  }
0xaf: {  	[tilespmem:s8+$0x20] =	vst v18  }
0xb0: {  	[tilespmem:s8+$0x30] =	vst v19  }
0xb1: {  	[tilespmem:s8+$0x40] =	vst v20  }
0xb2: {  	[tilespmem:s8+$0x50] =	vst v21  }
0xb3: {  	[tilespmem:s8+$0x60] =	vst v22  }
0xb4: {  	[tilespmem:s8+$0x70] =	vst v23  }
0xb5: {  	[tilespmem:s8+$0x80] =	vst v24  }
0xb6: {  	[tilespmem:s8+$0x90] =	vst v25  }
0xb7: {  	[tilespmem:s8+$0xA0] =	vst v27  }
0xb8: {  	[tilespmem:s8+$0xB0] =	vst v28  }
0xb9: {  	s9 =	sadd.s32 $0x80, s9;
	[tilespmem:s8+$0xC0] =	vst v29  }
0xba: {  	s2 =	sand.u32 $0x380, s9;
	s1 =	sand.u32 $0x3000, s0;
	[tilespmem:s8+$0xD0] =	vst v30  }
0xbb: {  	s1 =	sor.u32 s2, s1;
	[tilespmem:s8+$0xE0] =	vst v31  }
0xbc: {  	v0 =	vld [tilespmem:s1+$0x6000]  }
0xbd: {  	v1 =	vld [tilespmem:s1+$0x6010]  }
0xbe: {  	v2 =	vld [tilespmem:s1+$0x6020]  }
0xbf: {  	v3 =	vld [tilespmem:s1+$0x6030]  }
0xc0: {  	v4 =	vld [tilespmem:s1+$0x6040]  }
0xc1: {  	v5 =	vld [tilespmem:s1+$0x6050]  }
0xc2: {  	v6 =	vld [tilespmem:s1+$0x6060]  }
0xc3: {  	v7 =	vld [tilespmem:s1+$0x6070]  }
0xc4: {  	v8 =	vld [tilespmem:s1+$0x6400]  }
0xc5: {  	v9 =	vld [tilespmem:s1+$0x6410]  }
0xc6: {  	v10 =	vld [tilespmem:s1+$0x6420]  }
0xc7: {  	v11 =	vld [tilespmem:s1+$0x6430]  }
0xc8: {  	v12 =	vld [tilespmem:s1+$0x6440]  }
0xc9: {  	v13 =	vld [tilespmem:s1+$0x6450]  }
0xca: {  	v14 =	vld [tilespmem:s1+$0x6460]  }
0xcb: {  	v15 =	vld [tilespmem:s1+$0x6470]  }
0xcc: {  	v16 =	vld [tilespmem:s1+$0x6800]  }
0xcd: {  	v17 =	vld [tilespmem:s1+$0x6810]  }
0xce: {  	v18 =	vld [tilespmem:s1+$0x6820]  }
0xcf: {  	v19 =	vld [tilespmem:s1+$0x6830]  }
.Ltmp0:
0xd0: {  	v20 =	vld [tilespmem:s1+$0x6840];
	(pc) =	sbr.rel @p0 .LBB2_2-.Ltmp0, $4  }
0xd1: {  	v21 =	vld [tilespmem:s1+$0x6850]  }
0xd2: {  	v22 =	vld [tilespmem:s1+$0x6860]  }
0xd3: {  	v23 =	vld [tilespmem:s1+$0x6870]  }
0xd4: {  	s0 =	sadd.s32 $0x200, s0;
	v24 =	vld [tilespmem:s1+$0x6C00]  }
0xd5: {  	v25 =	vld [tilespmem:s1+$0x6C10]  }
0xd6: {  	v26 =	vld [tilespmem:s1+$0x6C70]  }
0xd7: {  	v27 =	vld [tilespmem:s1+$0x6C20]  }
0xd8: {  	v28 =	vld [tilespmem:s1+$0x6C30]  }
0xd9: {  	v29 =	vld [tilespmem:s1+$0x6C40]  }
0xda: {  	v30 =	vld [tilespmem:s1+$0x6C50];
	s0 =	sadd.s32 $0x200, s8  }
0xdb: {  	v31 =	vld [tilespmem:s1+$0x6C60];
	[tilespmem:s0+$0xFFFFFF00] =	vst v0  }
0xdc: {  	[tilespmem:s0+$0xFFFFFF10] =	vst v1  }
0xdd: {  	[tilespmem:s0+$0xFFFFFF20] =	vst v2  }
0xde: {  	[tilespmem:s0+$0xFFFFFF30] =	vst v3  }
0xdf: {  	[tilespmem:s0+$0xFFFFFF40] =	vst v4  }
0xe0: {  	[tilespmem:s0+$0xFFFFFF50] =	vst v5  }
0xe1: {  	[tilespmem:s0+$0xFFFFFF60] =	vst v6  }
0xe2: {  	[tilespmem:s0+$0xFFFFFF70] =	vst v7  }
0xe3: {  	[tilespmem:s0+$0xFFFFFF80] =	vst v8  }
0xe4: {  	[tilespmem:s0+$0xFFFFFF90] =	vst v9  }
0xe5: {  	[tilespmem:s0+$0xFFFFFFA0] =	vst v10  }
0xe6: {  	[tilespmem:s0+$0xFFFFFFB0] =	vst v11  }
0xe7: {  	[tilespmem:s0+$0xFFFFFFC0] =	vst v12  }
0xe8: {  	[tilespmem:s0+$0xFFFFFFD0] =	vst v13  }
0xe9: {  	[tilespmem:s0+$0xFFFFFFE0] =	vst v14  }
0xea: {  	[tilespmem:s0+$0xFFFFFFF0] =	vst v15  }
0xeb: {  	[tilespmem:s0+$0x0] =	vst v16  }
0xec: {  	[tilespmem:s0+$0x10] =	vst v17  }
0xed: {  	[tilespmem:s0+$0x20] =	vst v18  }
0xee: {  	[tilespmem:s0+$0x30] =	vst v19  }
0xef: {  	[tilespmem:s0+$0x40] =	vst v20  }
0xf0: {  	[tilespmem:s0+$0x50] =	vst v21  }
0xf1: {  	[tilespmem:s0+$0x60] =	vst v22  }
0xf2: {  	[tilespmem:s0+$0x70] =	vst v23  }
0xf3: {  	[tilespmem:s0+$0x80] =	vst v24  }
0xf4: {  	[tilespmem:s0+$0xF0] =	vst v26  }
0xf5: {  	[tilespmem:s0+$0x90] =	vst v25  }
0xf6: {  	[tilespmem:s0+$0xA0] =	vst v27  }
0xf7: {  	[tilespmem:s0+$0xB0] =	vst v28  }
0xf8: {  	[tilespmem:s0+$0xC0] =	vst v29  }
0xf9: {  	[tilespmem:s0+$0xD0] =	vst v30  }
0xfa: {  	s21 =	simm.s32 $0xA000;
	[tilespmem:s0+$0xE0] =	vst v31  }
0xfb: {  	[spmem:s14] =	stream.linear.scatter [tilespmem:s21], [sflag:$0x2], $0x4000, $0x38;
	[tilespmem:$0x1E000] =	vst v63  }
0xfc: {  	_ =	swait.ge [sflag:s6], $0x4000  }
0xfd: {  	[sflag:s6] =	ssyncset.done $0x0  }
0xfe: {  	[sflag:s6] =	ssyncadd.s32 $0xFFFFC000  }
0xff: {  	s9 =	simm.s32 $0x0;
	[bflag:$0x0] =	sbarrier.arrive $0xFFFF  }
0x100: {  	[tilespmem:s22], [sflag:$0x5] =	stream.indirect.gather [spmem:s3], $0x1, s9, s25, $0xb8;
	[tilespmem:$0x1E000] =	vst v63  }
0x101: {  	s12 =	simm.s32 $0x0  }
0x102: {  	[tilespmem:s24], [sflag:$0x6] =	stream.indirect.gather [spmem:s3], $0x1, s25, s25, $0xb8;
	[tilespmem:$0x1E000] =	vst v63  }
.LBB2_4:
0x103: {  	s8 =	sshll.u32 s12, $0x1;
	s0 =	rddreg [dreg:$0xc]  }
0x104: {  	s0 =	sadd.s32 s8, s0  }
0x105: {  	s21 =	sshll.u32 s0, $0x12  }
0x106: {  	s0 =	sor.u32 s7, s21  }
0x107: {  	s0 =	sshrl.u32 s0, $0x3  }
0x108: {  	s0 =	sadd.s32 s30, s0  }
0x109: {  	[tilespmem:s15], [sflag:$0x1] =	stream.linear.gather [hbm4b:s0+s5], $0x4000, $0x38;
	[tilespmem:$0x1E000] =	vst v63  }
0x10a: {  	_ =	swait.ge [sflag:s26], $0x1000  }
0x10b: {  	[sflag:s26] =	ssyncset.done $0x0  }
0x10c: {  	[sflag:s26] =	ssyncadd.s32 $0xFFFFF000  }
0x10d: {  	[spmem:s3] =	stream.indirect.scatter [tilespmem:s22], [sflag:$0x7], $0x1, s23, s25, $0xb8;
	[tilespmem:$0x1E000] =	vst v63  }
0x10e: {  	_ =	swait.ge [sflag:s29], $0x1000  }
0x10f: {  	p0 =	seq.s32 s12, $0x0;
	[sflag:s29] =	ssyncset.done $0x0  }
0x110: {  	s0 =	simm.s32 @!p0 $0x3;
	[sflag:s29] =	ssyncadd.s32 $0xFFFFF000  }
0x111: {  	[spmem:s3] =	stream.indirect.scatter [tilespmem:s24], [sflag:$0x7], $0x1, s28, s25, $0xb8;
	[tilespmem:$0x1E000] =	vst v63  }
0x112: {  	_ =	swait.ge @!p0 [sflag:s0], $0x4000  }
0x113: {  	[sflag:s0] =	ssyncset.done @!p0 $0x0  }
0x114: {  	[sflag:s0] =	ssyncadd.s32 @!p0 $0xFFFFC000  }
0x115: {  	_ =	swait.ge [sflag:s31], $0x4000  }
0x116: {  	s2 =	sand.u32 $0x3000, s9;
	s1 =	sand.u32 $0x380, s9;
	[sflag:s31] =	ssyncset.done $0x0  }
0x117: {  	s0 =	sor.u32 s1, s2;
	[sflag:s31] =	ssyncadd.s32 $0xFFFFC000  }
0x118: {  	v0 =	vld [tilespmem:s0+$0x6000]  }
0x119: {  	v1 =	vld [tilespmem:s0+$0x6010]  }
0x11a: {  	v2 =	vld [tilespmem:s0+$0x6020]  }
0x11b: {  	v3 =	vld [tilespmem:s0+$0x6030]  }
0x11c: {  	v4 =	vld [tilespmem:s0+$0x6040]  }
0x11d: {  	v5 =	vld [tilespmem:s0+$0x6050]  }
0x11e: {  	v6 =	vld [tilespmem:s0+$0x6060]  }
0x11f: {  	v7 =	vld [tilespmem:s0+$0x6070]  }
0x120: {  	v8 =	vld [tilespmem:s0+$0x6400]  }
0x121: {  	v9 =	vld [tilespmem:s0+$0x6410]  }
0x122: {  	v10 =	vld [tilespmem:s0+$0x6420]  }
0x123: {  	v11 =	vld [tilespmem:s0+$0x6430]  }
0x124: {  	v12 =	vld [tilespmem:s0+$0x6440]  }
0x125: {  	v13 =	vld [tilespmem:s0+$0x6450]  }
0x126: {  	v14 =	vld [tilespmem:s0+$0x6460]  }
0x127: {  	v15 =	vld [tilespmem:s0+$0x6470]  }
0x128: {  	v16 =	vld [tilespmem:s0+$0x6800]  }
0x129: {  	v17 =	vld [tilespmem:s0+$0x6810]  }
0x12a: {  	v18 =	vld [tilespmem:s0+$0x6820]  }
0x12b: {  	v19 =	vld [tilespmem:s0+$0x6830]  }
0x12c: {  	v20 =	vld [tilespmem:s0+$0x6840]  }
0x12d: {  	v21 =	vld [tilespmem:s0+$0x6850]  }
0x12e: {  	v22 =	vld [tilespmem:s0+$0x6860]  }
0x12f: {  	v23 =	vld [tilespmem:s0+$0x6870]  }
0x130: {  	v24 =	vld [tilespmem:s0+$0x6C00]  }
0x131: {  	v25 =	vld [tilespmem:s0+$0x6C10]  }
0x132: {  	v26 =	vld [tilespmem:s0+$0x6C70]  }
0x133: {  	v27 =	vld [tilespmem:s0+$0x6C20]  }
0x134: {  	v28 =	vld [tilespmem:s0+$0x6C30]  }
0x135: {  	v29 =	vld [tilespmem:s0+$0x6C40]  }
0x136: {  	s18 =	simm.s32 $0xA100;
	v30 =	vld [tilespmem:s0+$0x6C50]  }
0x137: {  	v31 =	vld [tilespmem:s0+$0x6C60];
	[tilespmem:s18+$0xF0] =	vst v26  }
0x138: {  	[tilespmem:s18+$0xFFFFFF00] =	vst v0  }
0x139: {  	[tilespmem:s18+$0xFFFFFF10] =	vst v1  }
0x13a: {  	[tilespmem:s18+$0xFFFFFF20] =	vst v2  }
0x13b: {  	[tilespmem:s18+$0xFFFFFF30] =	vst v3  }
0x13c: {  	[tilespmem:s18+$0xFFFFFF40] =	vst v4  }
0x13d: {  	[tilespmem:s18+$0xFFFFFF50] =	vst v5  }
0x13e: {  	[tilespmem:s18+$0xFFFFFF60] =	vst v6  }
0x13f: {  	[tilespmem:s18+$0xFFFFFF70] =	vst v7  }
0x140: {  	[tilespmem:s18+$0xFFFFFF80] =	vst v8  }
0x141: {  	[tilespmem:s18+$0xFFFFFF90] =	vst v9  }
0x142: {  	[tilespmem:s18+$0xFFFFFFA0] =	vst v10  }
0x143: {  	[tilespmem:s18+$0xFFFFFFB0] =	vst v11  }
0x144: {  	[tilespmem:s18+$0xFFFFFFC0] =	vst v12  }
0x145: {  	[tilespmem:s18+$0xFFFFFFD0] =	vst v13  }
0x146: {  	[tilespmem:s18+$0xFFFFFFE0] =	vst v14  }
0x147: {  	[tilespmem:s18+$0xFFFFFFF0] =	vst v15  }
0x148: {  	[tilespmem:s18+$0x0] =	vst v16  }
0x149: {  	[tilespmem:s18+$0x10] =	vst v17  }
0x14a: {  	[tilespmem:s18+$0x20] =	vst v18  }
0x14b: {  	[tilespmem:s18+$0x30] =	vst v19  }
0x14c: {  	[tilespmem:s18+$0x40] =	vst v20  }
0x14d: {  	[tilespmem:s18+$0x50] =	vst v21  }
0x14e: {  	[tilespmem:s18+$0x60] =	vst v22  }
0x14f: {  	[tilespmem:s18+$0x70] =	vst v23  }
0x150: {  	[tilespmem:s18+$0x80] =	vst v24  }
0x151: {  	[tilespmem:s18+$0x90] =	vst v25  }
0x152: {  	[tilespmem:s18+$0xA0] =	vst v27  }
0x153: {  	[tilespmem:s18+$0xB0] =	vst v28  }
0x154: {  	s11 =	simm.s32 $0x200;
	s0 =	simm.s32 $0x80;
	[tilespmem:s18+$0xC0] =	vst v29  }
0x155: {  	s1 =	sand.u32 $0x3000, s11;
	s2 =	sand.u32 $0x380, s0;
	[tilespmem:s18+$0xD0] =	vst v30  }
0x156: {  	s1 =	sor.u32 s2, s1;
	[tilespmem:s18+$0xE0] =	vst v31  }
0x157: {  	v0 =	vld [tilespmem:s1+$0x6000]  }
0x158: {  	v1 =	vld [tilespmem:s1+$0x6010]  }
0x159: {  	v2 =	vld [tilespmem:s1+$0x6020]  }
0x15a: {  	v3 =	vld [tilespmem:s1+$0x6030]  }
0x15b: {  	v4 =	vld [tilespmem:s1+$0x6040]  }
0x15c: {  	v5 =	vld [tilespmem:s1+$0x6050]  }
0x15d: {  	v6 =	vld [tilespmem:s1+$0x6060]  }
0x15e: {  	v7 =	vld [tilespmem:s1+$0x6070]  }
0x15f: {  	v8 =	vld [tilespmem:s1+$0x6400]  }
0x160: {  	v9 =	vld [tilespmem:s1+$0x6410]  }
0x161: {  	v10 =	vld [tilespmem:s1+$0x6420]  }
0x162: {  	v11 =	vld [tilespmem:s1+$0x6430]  }
0x163: {  	v12 =	vld [tilespmem:s1+$0x6440]  }
0x164: {  	v13 =	vld [tilespmem:s1+$0x6450]  }
0x165: {  	v14 =	vld [tilespmem:s1+$0x6460]  }
0x166: {  	v15 =	vld [tilespmem:s1+$0x6470]  }
0x167: {  	v16 =	vld [tilespmem:s1+$0x6800]  }
0x168: {  	v17 =	vld [tilespmem:s1+$0x6810]  }
0x169: {  	v18 =	vld [tilespmem:s1+$0x6820]  }
0x16a: {  	v19 =	vld [tilespmem:s1+$0x6830]  }
0x16b: {  	v20 =	vld [tilespmem:s1+$0x6840]  }
0x16c: {  	v21 =	vld [tilespmem:s1+$0x6850]  }
0x16d: {  	v22 =	vld [tilespmem:s1+$0x6860]  }
0x16e: {  	v23 =	vld [tilespmem:s1+$0x6870]  }
0x16f: {  	s2 =	simm.s32 $0x400;
	v24 =	vld [tilespmem:s1+$0x6C00]  }
.LBB2_5:
0x170: {  	p1 =	sne.s32 s2, $0x3E00;
	v25 =	vld [tilespmem:s1+$0x6C10]  }
0x171: {  	v26 =	vld [tilespmem:s1+$0x6C70]  }
0x172: {  	v27 =	vld [tilespmem:s1+$0x6C20]  }
0x173: {  	v28 =	vld [tilespmem:s1+$0x6C30]  }
0x174: {  	v29 =	vld [tilespmem:s1+$0x6C40]  }
0x175: {  	s18 =	sadd.s32 $0x200, s18;
	v30 =	vld [tilespmem:s1+$0x6C50]  }
0x176: {  	v31 =	vld [tilespmem:s1+$0x6C60];
	[tilespmem:s18+$0xF0] =	vst v26  }
0x177: {  	[tilespmem:s18+$0xFFFFFF00] =	vst v0  }
0x178: {  	[tilespmem:s18+$0xFFFFFF10] =	vst v1  }
0x179: {  	[tilespmem:s18+$0xFFFFFF20] =	vst v2  }
0x17a: {  	[tilespmem:s18+$0xFFFFFF30] =	vst v3  }
0x17b: {  	[tilespmem:s18+$0xFFFFFF40] =	vst v4  }
0x17c: {  	[tilespmem:s18+$0xFFFFFF50] =	vst v5  }
0x17d: {  	[tilespmem:s18+$0xFFFFFF60] =	vst v6  }
0x17e: {  	[tilespmem:s18+$0xFFFFFF70] =	vst v7  }
0x17f: {  	[tilespmem:s18+$0xFFFFFF80] =	vst v8  }
0x180: {  	[tilespmem:s18+$0xFFFFFF90] =	vst v9  }
0x181: {  	[tilespmem:s18+$0xFFFFFFA0] =	vst v10  }
0x182: {  	[tilespmem:s18+$0xFFFFFFB0] =	vst v11  }
0x183: {  	[tilespmem:s18+$0xFFFFFFC0] =	vst v12  }
0x184: {  	[tilespmem:s18+$0xFFFFFFD0] =	vst v13  }
0x185: {  	[tilespmem:s18+$0xFFFFFFE0] =	vst v14  }
0x186: {  	[tilespmem:s18+$0xFFFFFFF0] =	vst v15  }
0x187: {  	[tilespmem:s18+$0x0] =	vst v16  }
0x188: {  	[tilespmem:s18+$0x10] =	vst v17  }
0x189: {  	[tilespmem:s18+$0x20] =	vst v18  }
0x18a: {  	[tilespmem:s18+$0x30] =	vst v19  }
0x18b: {  	[tilespmem:s18+$0x40] =	vst v20  }
0x18c: {  	[tilespmem:s18+$0x50] =	vst v21  }
0x18d: {  	[tilespmem:s18+$0x60] =	vst v22  }
0x18e: {  	[tilespmem:s18+$0x70] =	vst v23  }
0x18f: {  	[tilespmem:s18+$0x80] =	vst v24  }
0x190: {  	[tilespmem:s18+$0x90] =	vst v25  }
0x191: {  	[tilespmem:s18+$0xA0] =	vst v27  }
0x192: {  	[tilespmem:s18+$0xB0] =	vst v28  }
0x193: {  	s0 =	sadd.s32 $0x80, s0;
	[tilespmem:s18+$0xC0] =	vst v29  }
0x194: {  	s11 =	sand.u32 $0x380, s0;
	s1 =	sand.u32 $0x3000, s2;
	[tilespmem:s18+$0xD0] =	vst v30  }
0x195: {  	s1 =	sor.u32 s11, s1;
	[tilespmem:s18+$0xE0] =	vst v31  }
0x196: {  	v0 =	vld [tilespmem:s1+$0x6000]  }
0x197: {  	v1 =	vld [tilespmem:s1+$0x6010]  }
0x198: {  	v2 =	vld [tilespmem:s1+$0x6020]  }
0x199: {  	v3 =	vld [tilespmem:s1+$0x6030]  }
0x19a: {  	v4 =	vld [tilespmem:s1+$0x6040]  }
0x19b: {  	v5 =	vld [tilespmem:s1+$0x6050]  }
0x19c: {  	v6 =	vld [tilespmem:s1+$0x6060]  }
0x19d: {  	v7 =	vld [tilespmem:s1+$0x6070]  }
0x19e: {  	v8 =	vld [tilespmem:s1+$0x6400]  }
0x19f: {  	v9 =	vld [tilespmem:s1+$0x6410]  }
0x1a0: {  	v10 =	vld [tilespmem:s1+$0x6420]  }
0x1a1: {  	v11 =	vld [tilespmem:s1+$0x6430]  }
0x1a2: {  	v12 =	vld [tilespmem:s1+$0x6440]  }
0x1a3: {  	v13 =	vld [tilespmem:s1+$0x6450]  }
0x1a4: {  	v14 =	vld [tilespmem:s1+$0x6460]  }
0x1a5: {  	v15 =	vld [tilespmem:s1+$0x6470]  }
0x1a6: {  	v16 =	vld [tilespmem:s1+$0x6800]  }
0x1a7: {  	v17 =	vld [tilespmem:s1+$0x6810]  }
0x1a8: {  	v18 =	vld [tilespmem:s1+$0x6820]  }
0x1a9: {  	v19 =	vld [tilespmem:s1+$0x6830]  }
.Ltmp1:
0x1aa: {  	v20 =	vld [tilespmem:s1+$0x6840];
	(pc) =	sbr.rel @p1 .LBB2_5-.Ltmp1, $4  }
0x1ab: {  	v21 =	vld [tilespmem:s1+$0x6850]  }
0x1ac: {  	v22 =	vld [tilespmem:s1+$0x6860]  }
0x1ad: {  	v23 =	vld [tilespmem:s1+$0x6870]  }
0x1ae: {  	s2 =	sadd.s32 $0x200, s2;
	v24 =	vld [tilespmem:s1+$0x6C00]  }
0x1af: {  	v25 =	vld [tilespmem:s1+$0x6C10]  }
0x1b0: {  	v26 =	vld [tilespmem:s1+$0x6C70]  }
0x1b1: {  	v27 =	vld [tilespmem:s1+$0x6C20]  }
0x1b2: {  	v28 =	vld [tilespmem:s1+$0x6C30]  }
0x1b3: {  	v29 =	vld [tilespmem:s1+$0x6C40]  }
0x1b4: {  	v30 =	vld [tilespmem:s1+$0x6C50];
	s0 =	sadd.s32 $0x200, s18  }
0x1b5: {  	v31 =	vld [tilespmem:s1+$0x6C60];
	[tilespmem:s0+$0xFFFFFF00] =	vst v0  }
0x1b6: {  	[tilespmem:s0+$0xFFFFFF10] =	vst v1  }
0x1b7: {  	[tilespmem:s0+$0xFFFFFF20] =	vst v2  }
0x1b8: {  	[tilespmem:s0+$0xFFFFFF30] =	vst v3  }
0x1b9: {  	[tilespmem:s0+$0xFFFFFF40] =	vst v4  }
0x1ba: {  	[tilespmem:s0+$0xFFFFFF50] =	vst v5  }
0x1bb: {  	[tilespmem:s0+$0xFFFFFF60] =	vst v6  }
0x1bc: {  	[tilespmem:s0+$0xFFFFFF70] =	vst v7  }
0x1bd: {  	[tilespmem:s0+$0xFFFFFF80] =	vst v8  }
0x1be: {  	[tilespmem:s0+$0xFFFFFF90] =	vst v9  }
0x1bf: {  	[tilespmem:s0+$0xFFFFFFA0] =	vst v10  }
0x1c0: {  	[tilespmem:s0+$0xFFFFFFB0] =	vst v11  }
0x1c1: {  	[tilespmem:s0+$0xFFFFFFC0] =	vst v12  }
0x1c2: {  	[tilespmem:s0+$0xFFFFFFD0] =	vst v13  }
0x1c3: {  	[tilespmem:s0+$0xFFFFFFE0] =	vst v14  }
0x1c4: {  	[tilespmem:s0+$0xFFFFFFF0] =	vst v15  }
0x1c5: {  	[tilespmem:s0+$0x0] =	vst v16  }
0x1c6: {  	[tilespmem:s0+$0x10] =	vst v17  }
0x1c7: {  	[tilespmem:s0+$0x20] =	vst v18  }
0x1c8: {  	[tilespmem:s0+$0x30] =	vst v19  }
0x1c9: {  	[tilespmem:s0+$0x40] =	vst v20  }
0x1ca: {  	[tilespmem:s0+$0x50] =	vst v21  }
0x1cb: {  	[tilespmem:s0+$0x60] =	vst v22  }
0x1cc: {  	[tilespmem:s0+$0x70] =	vst v23  }
0x1cd: {  	[tilespmem:s0+$0x80] =	vst v24  }
0x1ce: {  	[tilespmem:s0+$0xF0] =	vst v26  }
0x1cf: {  	[tilespmem:s0+$0x90] =	vst v25  }
0x1d0: {  	[tilespmem:s0+$0xA0] =	vst v27  }
0x1d1: {  	[tilespmem:s0+$0xB0] =	vst v28  }
0x1d2: {  	[tilespmem:s0+$0xC0] =	vst v29  }
0x1d3: {  	[tilespmem:s0+$0xD0] =	vst v30  }
0x1d4: {  	s18 =	simm.s32 $0xA000;
	[tilespmem:s0+$0xE0] =	vst v31  }
0x1d5: {  	[spmem:s17] =	stream.linear.scatter [tilespmem:s18], [sflag:$0x2], $0x4000, $0x38;
	[tilespmem:$0x1E000] =	vst v63  }
0x1d6: {  	_ =	swait.ge [sflag:s6], $0x4000  }
0x1d7: {  	[sflag:s6] =	ssyncset.done $0x0  }
0x1d8: {  	[sflag:s6] =	ssyncadd.s32 $0xFFFFC000  }
0x1d9: {  	_ =	swait.ge [sflag:s13], $0x1000  }
0x1da: {  	[sflag:s13] =	ssyncset.done $0x0  }
0x1db: {  	[sflag:s13] =	ssyncadd.s32 $0xFFFFF000  }
0x1dc: {  	_ =	swait.ge [sflag:s13], $0x1000  }
0x1dd: {  	p1 =	sne.s32 s12, $0x0;
	[sflag:s13] =	ssyncset.done $0x0  }
.Ltmp2:
0x1de: {  	[sflag:s13] =	ssyncadd.s32 $0xFFFFF000;
	(pc) =	sbr.rel @!p1 .LBB2_7-.Ltmp2, $4  }
0x1df: {  	[bflag:$0x0] =	sbarrier.arrive $0xFFFF  }
0x1e0: {  	[tilespmem:s22], [sflag:$0x5] =	stream.indirect.gather [spmem:s4], $0x1, s5, s25, $0xb8;
	[tilespmem:$0x1E000] =	vst v63  }
0x1e1: {  	_ = 	snop  }
0x1e2: {  	[tilespmem:s24], [sflag:$0x6] =	stream.indirect.gather [spmem:s4], $0x1, s25, s25, $0xb8;
	[tilespmem:$0x1E000] =	vst v63  }
0x1e3: {  	_ =	swait.ge [sflag:s10], $0x4000  }
0x1e4: {  	[sflag:s10] =	ssyncset.done $0x0  }
0x1e5: {  	s18 =	simm.s32 $0xE100;
	[sflag:s10] =	ssyncadd.s32 $0xFFFFC000  }
0x1e6: {  	v27 =	vld [tilespmem:s18+$0xC0]  }
0x1e7: {  	v25 =	vld [tilespmem:s18+$0xB0]  }
0x1e8: {  	v21 =	vld [tilespmem:s18+$0xA0]  }
0x1e9: {  	v4 =	vld [tilespmem:s18+$0x90]  }
0x1ea: {  	v5 =	vld [tilespmem:s18+$0x80]  }
0x1eb: {  	v6 =	vld [tilespmem:s18+$0x70]  }
0x1ec: {  	v7 =	vld [tilespmem:s18+$0x60]  }
0x1ed: {  	v8 =	vld [tilespmem:s18+$0x50]  }
0x1ee: {  	v9 =	vld [tilespmem:s18+$0x40]  }
0x1ef: {  	v10 =	vld [tilespmem:s18+$0x30]  }
0x1f0: {  	v11 =	vld [tilespmem:s18+$0x20]  }
0x1f1: {  	v12 =	vld [tilespmem:s18+$0x10]  }
0x1f2: {  	v13 =	vld [tilespmem:s18+$0x0]  }
0x1f3: {  	v14 =	vld [tilespmem:s18+$0xFFFFFFF0]  }
0x1f4: {  	v15 =	vld [tilespmem:s18+$0xFFFFFFE0]  }
0x1f5: {  	v16 =	vld [tilespmem:s18+$0xFFFFFFD0]  }
0x1f6: {  	v17 =	vld [tilespmem:s18+$0xFFFFFFC0]  }
0x1f7: {  	v18 =	vld [tilespmem:s18+$0xFFFFFFB0]  }
0x1f8: {  	v19 =	vld [tilespmem:s18+$0xFFFFFFA0]  }
0x1f9: {  	v20 =	vld [tilespmem:s18+$0xFFFFFF90]  }
0x1fa: {  	v0 =	vld [tilespmem:s18+$0xFFFFFF80]  }
0x1fb: {  	v22 =	vld [tilespmem:s18+$0xFFFFFF60]  }
0x1fc: {  	v23 =	vld [tilespmem:s18+$0xFFFFFF50]  }
0x1fd: {  	v24 =	vld [tilespmem:s18+$0xFFFFFF40]  }
0x1fe: {  	v2 =	vld [tilespmem:s18+$0xFFFFFF30]  }
0x1ff: {  	v1 =	vld [tilespmem:s18+$0xFFFFFF20]  }
0x200: {  	v28 =	vld [tilespmem:s18+$0xFFFFFF70]  }
0x201: {  	s0 =	simm.s32 $0x0;
	v29 =	vld [tilespmem:s18+$0xF0]  }
0x202: {  	s1 =	sand.u32 $0x3000, s0;
	s2 =	sand.u32 $0x380, s0;
	v30 =	vld [tilespmem:s18+$0xE0]  }
0x203: {  	s15 =	smov.u32 s30;
	s30 =	sor.u32 s2, s1;
	v31 =	vld [tilespmem:s18+$0xD0]  }
0x204: {  	v3 =	vld [tilespmem:s18+$0xFFFFFF10];
	s11 =	sadd.s32 $0x12000, s30  }
0x205: {  	v26 =	vld [tilespmem:s18+$0xFFFFFF00];
	[tilespmem:s11+$0x70] =	vst v28  }
0x206: {  	[tilespmem:s11+$0xC70] =	vst v29  }
0x207: {  	[tilespmem:s11+$0xC60] =	vst v30  }
0x208: {  	[tilespmem:s11+$0xC50] =	vst v31  }
0x209: {  	s2 =	simm.s32 $0x200;
	[tilespmem:s11+$0xC40] =	vst v27  }
.LBB2_9:
0x20a: {  	p1 =	sne.s32 s2, $0x3E00;
	[tilespmem:s11+$0xC30] =	vst v25;
	s0 =	sadd.s32 $0x80, s0;
	s18 =	sadd.s32 $0x200, s18  }
0x20b: {  	s1 =	smov.u32 s2;
	s2 =	sadd.s32 $0x200, s2;
	[tilespmem:s11+$0xC20] =	vst v21  }
0x20c: {  	[tilespmem:s11+$0xC10] =	vst v4  }
0x20d: {  	[tilespmem:s11+$0xC00] =	vst v5  }
0x20e: {  	[tilespmem:s11+$0x870] =	vst v6  }
0x20f: {  	[tilespmem:s11+$0x860] =	vst v7  }
0x210: {  	[tilespmem:s11+$0x850] =	vst v8  }
0x211: {  	[tilespmem:s11+$0x840] =	vst v9  }
0x212: {  	[tilespmem:s11+$0x830] =	vst v10  }
0x213: {  	[tilespmem:s11+$0x820] =	vst v11  }
0x214: {  	[tilespmem:s11+$0x810] =	vst v12  }
0x215: {  	[tilespmem:s11+$0x800] =	vst v13  }
0x216: {  	[tilespmem:s11+$0x470] =	vst v14  }
0x217: {  	[tilespmem:s11+$0x460] =	vst v15  }
0x218: {  	[tilespmem:s11+$0x450] =	vst v16  }
0x219: {  	[tilespmem:s11+$0x440] =	vst v17  }
0x21a: {  	[tilespmem:s11+$0x430] =	vst v18  }
0x21b: {  	[tilespmem:s11+$0x420] =	vst v19  }
0x21c: {  	[tilespmem:s11+$0x410] =	vst v20  }
0x21d: {  	[tilespmem:s11+$0x60] =	vst v22  }
0x21e: {  	[tilespmem:s11+$0x50] =	vst v23  }
0x21f: {  	[tilespmem:s11+$0x40] =	vst v24  }
0x220: {  	[tilespmem:s30+$0x12000] =	vst v26  }
0x221: {  	[tilespmem:s11+$0x400] =	vst v0  }
0x222: {  	[tilespmem:s11+$0x30] =	vst v2  }
0x223: {  	[tilespmem:s11+$0x10] =	vst v3  }
0x224: {  	[tilespmem:s11+$0x20] =	vst v1  }
0x225: {  	v27 =	vld [tilespmem:s18+$0xC0]  }
0x226: {  	v25 =	vld [tilespmem:s18+$0xB0]  }
0x227: {  	v21 =	vld [tilespmem:s18+$0xA0]  }
0x228: {  	v4 =	vld [tilespmem:s18+$0x90]  }
0x229: {  	v5 =	vld [tilespmem:s18+$0x80]  }
0x22a: {  	v6 =	vld [tilespmem:s18+$0x70]  }
0x22b: {  	v7 =	vld [tilespmem:s18+$0x60]  }
0x22c: {  	v8 =	vld [tilespmem:s18+$0x50]  }
0x22d: {  	v9 =	vld [tilespmem:s18+$0x40]  }
0x22e: {  	v10 =	vld [tilespmem:s18+$0x30]  }
0x22f: {  	v11 =	vld [tilespmem:s18+$0x20]  }
0x230: {  	v12 =	vld [tilespmem:s18+$0x10]  }
0x231: {  	v13 =	vld [tilespmem:s18+$0x0]  }
0x232: {  	v14 =	vld [tilespmem:s18+$0xFFFFFFF0]  }
0x233: {  	v15 =	vld [tilespmem:s18+$0xFFFFFFE0]  }
0x234: {  	v16 =	vld [tilespmem:s18+$0xFFFFFFD0]  }
0x235: {  	v17 =	vld [tilespmem:s18+$0xFFFFFFC0]  }
0x236: {  	v18 =	vld [tilespmem:s18+$0xFFFFFFB0]  }
0x237: {  	v19 =	vld [tilespmem:s18+$0xFFFFFFA0]  }
0x238: {  	v20 =	vld [tilespmem:s18+$0xFFFFFF90]  }
0x239: {  	v0 =	vld [tilespmem:s18+$0xFFFFFF80]  }
0x23a: {  	v22 =	vld [tilespmem:s18+$0xFFFFFF60]  }
0x23b: {  	v23 =	vld [tilespmem:s18+$0xFFFFFF50]  }
0x23c: {  	v24 =	vld [tilespmem:s18+$0xFFFFFF40]  }
0x23d: {  	v2 =	vld [tilespmem:s18+$0xFFFFFF30]  }
0x23e: {  	v1 =	vld [tilespmem:s18+$0xFFFFFF20]  }
0x23f: {  	v3 =	vld [tilespmem:s18+$0xFFFFFF10]  }
0x240: {  	v28 =	vld [tilespmem:s18+$0xFFFFFF70]  }
0x241: {  	v29 =	vld [tilespmem:s18+$0xF0]  }
0x242: {  	s1 =	sand.u32 $0x3000, s1;
	s11 =	sand.u32 $0x380, s0;
	v30 =	vld [tilespmem:s18+$0xE0]  }
0x243: {  	s30 =	sor.u32 s11, s1;
	v31 =	vld [tilespmem:s18+$0xD0]  }
0x244: {  	s11 =	sadd.s32 $0x12000, s30;
	v26 =	vld [tilespmem:s18+$0xFFFFFF00]  }
.Ltmp3:
0x245: {  	[tilespmem:s11+$0x70] =	vst v28;
	(pc) =	sbr.rel @p1 .LBB2_9-.Ltmp3, $4  }
0x246: {  	[tilespmem:s11+$0xC70] =	vst v29  }
0x247: {  	[tilespmem:s11+$0xC60] =	vst v30  }
0x248: {  	[tilespmem:s11+$0xC50] =	vst v31  }
0x249: {  	[tilespmem:s11+$0xC40] =	vst v27  }
0x24a: {  	[tilespmem:s11+$0xC30] =	vst v25  }
0x24b: {  	[tilespmem:s11+$0xC20] =	vst v21  }
0x24c: {  	[tilespmem:s11+$0xC10] =	vst v4  }
0x24d: {  	[tilespmem:s11+$0xC00] =	vst v5  }
0x24e: {  	[tilespmem:s11+$0x870] =	vst v6  }
0x24f: {  	[tilespmem:s11+$0x860] =	vst v7  }
0x250: {  	[tilespmem:s11+$0x850] =	vst v8  }
0x251: {  	[tilespmem:s11+$0x840] =	vst v9  }
0x252: {  	[tilespmem:s11+$0x830] =	vst v10  }
0x253: {  	[tilespmem:s11+$0x820] =	vst v11  }
0x254: {  	[tilespmem:s11+$0x810] =	vst v12  }
0x255: {  	[tilespmem:s11+$0x800] =	vst v13  }
0x256: {  	[tilespmem:s11+$0x470] =	vst v14  }
0x257: {  	[tilespmem:s11+$0x460] =	vst v15  }
0x258: {  	[tilespmem:s11+$0x450] =	vst v16  }
0x259: {  	[tilespmem:s11+$0x440] =	vst v17  }
0x25a: {  	[tilespmem:s11+$0x430] =	vst v18  }
0x25b: {  	[tilespmem:s11+$0x420] =	vst v19  }
0x25c: {  	[tilespmem:s11+$0x410] =	vst v20  }
0x25d: {  	[tilespmem:s11+$0x60] =	vst v22  }
0x25e: {  	[tilespmem:s11+$0x50] =	vst v23  }
0x25f: {  	[tilespmem:s11+$0x40] =	vst v24;
	s0 =	rddreg [dreg:$0x6]  }
0x260: {  	[tilespmem:s30+$0x12000] =	vst v26;
	s0 =	sadd.s32 s0, s8  }
0x261: {  	[tilespmem:s11+$0x400] =	vst v0;
	s0 =	sshll.u32 s0, $0x12  }
0x262: {  	p2 =	seq.s32 s12, $0x5F;
	[tilespmem:s11+$0x30] =	vst v2;
	s0 =	sadd.s32 s16, s0  }
.Ltmp4:
0x263: {  	s1 =	rddreg [dreg:$0x2];
	[tilespmem:s11+$0x10] =	vst v3;
	s0 =	sshrl.u32 s0, $0x3;
	(pc) =	sbr.rel @p2 .LBB2_12-.Ltmp4, $4  }
.Ltmp5:
0x264: {  	s18 =	simm.s32 $0x12000;
	[tilespmem:s11+$0x20] =	vst v1;
	s0 =	sadd.s32 s1, s0;
	(pc) =	sbr.rel @!p2 .LBB2_11-.Ltmp5, $4  }
0x265: {  	[hbm4b:s0+s5] =	stream.linear.scatter [tilespmem:s18], [sflag:$0x4], $0x4000, $0x38;
	[tilespmem:$0x1E000] =	vst v63  }
0x266: {  	p1 =	por $0x1, $0x1;
	s30 =	smov.u32 s15;
	s15 =	simm.s32 $0x6000  }
0x267: {  	[tilespmem:s19], [sflag:$0x3] =	stream.linear.gather [spmem:s14], $0x4000, $0x38;
	[tilespmem:$0x1E000] =	vst v63  }
0x268: {  	_ = 	snop  }
.LBB2_7:
0x269: {  	[tilespmem:s19], [sflag:$0x3] =	stream.linear.gather [spmem:s14], $0x4000, $0x38;
	[tilespmem:$0x1E000] =	vst v63  }
.LBB2_11:
0x26a: {  	s0 =	rddreg [dreg:$0xd]  }
0x26b: {  	s0 =	sadd.s32 s8, s0  }
0x26c: {  	s0 =	sshll.u32 s0, $0x12  }
0x26d: {  	s0 =	sor.u32 s7, s0  }
0x26e: {  	s0 =	sshrl.u32 s0, $0x3  }
0x26f: {  	p1 =	por $0x0, $0x0;
	s0 =	sadd.s32 s30, s0  }
0x270: {  	[tilespmem:s15], [sflag:$0x1] =	stream.linear.gather [hbm4b:s0+s5], $0x4000, $0x38;
	[tilespmem:$0x1E000] =	vst v63  }
.LBB2_12:
0x271: {  	_ =	swait.ge [sflag:s26], $0x1000  }
0x272: {  	[sflag:s26] =	ssyncset.done $0x0  }
0x273: {  	[sflag:s26] =	ssyncadd.s32 $0xFFFFF000  }
0x274: {  	[spmem:s4] =	stream.indirect.scatter [tilespmem:s22], [sflag:$0x7], $0x1, s23, s25, $0xb8;
	[tilespmem:$0x1E000] =	vst v63  }
0x275: {  	_ =	swait.ge [sflag:s29], $0x1000  }
0x276: {  	[sflag:s29] =	ssyncset.done $0x0  }
.Ltmp6:
0x277: {  	[sflag:s29] =	ssyncadd.s32 $0xFFFFF000;
	(pc) =	sbr.rel @!p1 .LBB2_13-.Ltmp6, $4  }
0x278: {  	[spmem:s4] =	stream.indirect.scatter [tilespmem:s24], [sflag:$0x7], $0x1, s28, s25, $0xb8;
	[tilespmem:$0x1E000] =	vst v63  }
0x279: {  	_ =	swait.ge [sflag:s20], $0x4000  }
0x27a: {  	[sflag:s20] =	ssyncset.done $0x0  }
0x27b: {  	[sflag:s20] =	ssyncadd.s32 $0xFFFFC000  }
0x27c: {  	_ =	swait.ge [sflag:s13], $0x1000  }
0x27d: {  	[sflag:s13] =	ssyncset.done $0x0  }
0x27e: {  	[sflag:s13] =	ssyncadd.s32 $0xFFFFF000  }
.Ltmp7:
0x27f: {  	_ =	swait.ge [sflag:s13], $0x1000;
	(pc) =	sbr.rel .LBB2_16-.Ltmp7, $3  }
0x280: {  	[sflag:s13] =	ssyncset.done $0x0  }
0x281: {  	[sflag:s13] =	ssyncadd.s32 $0xFFFFF000  }
0x282: {  	[bflag:$0x0] =	sbarrier.arrive $0xFFFF;
	_ =	sdelay $0x1  }
.LBB2_13:
0x283: {  	_ =	swait.ge [sflag:s31], $0x4000;
	s0 =	simm.s32 $0x0  }
0x284: {  	[sflag:s31] =	ssyncset.done $0x0;
	s1 =	sand.u32 $0x3000, s0;
	s0 =	sand.u32 $0x380, s0  }
0x285: {  	[sflag:s31] =	ssyncadd.s32 $0xFFFFC000;
	s0 =	sor.u32 s0, s1  }
0x286: {  	v0 =	vld [tilespmem:s0+$0x6000]  }
0x287: {  	v1 =	vld [tilespmem:s0+$0x6010]  }
0x288: {  	v2 =	vld [tilespmem:s0+$0x6020]  }
0x289: {  	v3 =	vld [tilespmem:s0+$0x6030]  }
0x28a: {  	v4 =	vld [tilespmem:s0+$0x6040]  }
0x28b: {  	v5 =	vld [tilespmem:s0+$0x6050]  }
0x28c: {  	v6 =	vld [tilespmem:s0+$0x6060]  }
0x28d: {  	v7 =	vld [tilespmem:s0+$0x6070]  }
0x28e: {  	v8 =	vld [tilespmem:s0+$0x6400]  }
0x28f: {  	v9 =	vld [tilespmem:s0+$0x6410]  }
0x290: {  	v10 =	vld [tilespmem:s0+$0x6420]  }
0x291: {  	v11 =	vld [tilespmem:s0+$0x6430]  }
0x292: {  	v12 =	vld [tilespmem:s0+$0x6440]  }
0x293: {  	v13 =	vld [tilespmem:s0+$0x6450]  }
0x294: {  	v14 =	vld [tilespmem:s0+$0x6460]  }
0x295: {  	v15 =	vld [tilespmem:s0+$0x6470]  }
0x296: {  	v16 =	vld [tilespmem:s0+$0x6800]  }
0x297: {  	v17 =	vld [tilespmem:s0+$0x6810]  }
0x298: {  	v18 =	vld [tilespmem:s0+$0x6820]  }
0x299: {  	v19 =	vld [tilespmem:s0+$0x6830]  }
0x29a: {  	v20 =	vld [tilespmem:s0+$0x6840]  }
0x29b: {  	v21 =	vld [tilespmem:s0+$0x6850]  }
0x29c: {  	v22 =	vld [tilespmem:s0+$0x6860]  }
0x29d: {  	v23 =	vld [tilespmem:s0+$0x6870]  }
0x29e: {  	v24 =	vld [tilespmem:s0+$0x6C00]  }
0x29f: {  	v25 =	vld [tilespmem:s0+$0x6C10]  }
0x2a0: {  	v26 =	vld [tilespmem:s0+$0x6C70]  }
0x2a1: {  	v27 =	vld [tilespmem:s0+$0x6C20]  }
0x2a2: {  	v28 =	vld [tilespmem:s0+$0x6C30]  }
0x2a3: {  	v29 =	vld [tilespmem:s0+$0x6C40]  }
0x2a4: {  	s8 =	simm.s32 $0xA100;
	v30 =	vld [tilespmem:s0+$0x6C50]  }
0x2a5: {  	v31 =	vld [tilespmem:s0+$0x6C60];
	[tilespmem:s8+$0xF0] =	vst v26  }
0x2a6: {  	[tilespmem:s8+$0xFFFFFF00] =	vst v0  }
0x2a7: {  	[tilespmem:s8+$0xFFFFFF10] =	vst v1  }
0x2a8: {  	[tilespmem:s8+$0xFFFFFF20] =	vst v2  }
0x2a9: {  	[tilespmem:s8+$0xFFFFFF30] =	vst v3  }
0x2aa: {  	[tilespmem:s8+$0xFFFFFF40] =	vst v4  }
0x2ab: {  	[tilespmem:s8+$0xFFFFFF50] =	vst v5  }
0x2ac: {  	[tilespmem:s8+$0xFFFFFF60] =	vst v6  }
0x2ad: {  	[tilespmem:s8+$0xFFFFFF70] =	vst v7  }
0x2ae: {  	[tilespmem:s8+$0xFFFFFF80] =	vst v8  }
0x2af: {  	[tilespmem:s8+$0xFFFFFF90] =	vst v9  }
0x2b0: {  	[tilespmem:s8+$0xFFFFFFA0] =	vst v10  }
0x2b1: {  	[tilespmem:s8+$0xFFFFFFB0] =	vst v11  }
0x2b2: {  	[tilespmem:s8+$0xFFFFFFC0] =	vst v12  }
0x2b3: {  	[tilespmem:s8+$0xFFFFFFD0] =	vst v13  }
0x2b4: {  	[tilespmem:s8+$0xFFFFFFE0] =	vst v14  }
0x2b5: {  	[tilespmem:s8+$0xFFFFFFF0] =	vst v15  }
0x2b6: {  	[tilespmem:s8+$0x0] =	vst v16  }
0x2b7: {  	[tilespmem:s8+$0x10] =	vst v17  }
0x2b8: {  	[tilespmem:s8+$0x20] =	vst v18  }
0x2b9: {  	[tilespmem:s8+$0x30] =	vst v19  }
0x2ba: {  	[tilespmem:s8+$0x40] =	vst v20  }
0x2bb: {  	[tilespmem:s8+$0x50] =	vst v21  }
0x2bc: {  	[tilespmem:s8+$0x60] =	vst v22  }
0x2bd: {  	[tilespmem:s8+$0x70] =	vst v23  }
0x2be: {  	[tilespmem:s8+$0x80] =	vst v24  }
0x2bf: {  	[tilespmem:s8+$0x90] =	vst v25  }
0x2c0: {  	[tilespmem:s8+$0xA0] =	vst v27  }
0x2c1: {  	[tilespmem:s8+$0xB0] =	vst v28  }
0x2c2: {  	s18 =	simm.s32 $0x200;
	s0 =	simm.s32 $0x80;
	[tilespmem:s8+$0xC0] =	vst v29  }
0x2c3: {  	s1 =	sand.u32 $0x3000, s18;
	s2 =	sand.u32 $0x380, s0;
	[tilespmem:s8+$0xD0] =	vst v30  }
0x2c4: {  	s1 =	sor.u32 s2, s1;
	[tilespmem:s8+$0xE0] =	vst v31  }
0x2c5: {  	v0 =	vld [tilespmem:s1+$0x6000]  }
0x2c6: {  	v1 =	vld [tilespmem:s1+$0x6010]  }
0x2c7: {  	v2 =	vld [tilespmem:s1+$0x6020]  }
0x2c8: {  	v3 =	vld [tilespmem:s1+$0x6030]  }
0x2c9: {  	v4 =	vld [tilespmem:s1+$0x6040]  }
0x2ca: {  	v5 =	vld [tilespmem:s1+$0x6050]  }
0x2cb: {  	v6 =	vld [tilespmem:s1+$0x6060]  }
0x2cc: {  	v7 =	vld [tilespmem:s1+$0x6070]  }
0x2cd: {  	v8 =	vld [tilespmem:s1+$0x6400]  }
0x2ce: {  	v9 =	vld [tilespmem:s1+$0x6410]  }
0x2cf: {  	v10 =	vld [tilespmem:s1+$0x6420]  }
0x2d0: {  	v11 =	vld [tilespmem:s1+$0x6430]  }
0x2d1: {  	v12 =	vld [tilespmem:s1+$0x6440]  }
0x2d2: {  	v13 =	vld [tilespmem:s1+$0x6450]  }
0x2d3: {  	v14 =	vld [tilespmem:s1+$0x6460]  }
0x2d4: {  	v15 =	vld [tilespmem:s1+$0x6470]  }
0x2d5: {  	v16 =	vld [tilespmem:s1+$0x6800]  }
0x2d6: {  	v17 =	vld [tilespmem:s1+$0x6810]  }
0x2d7: {  	v18 =	vld [tilespmem:s1+$0x6820]  }
0x2d8: {  	v19 =	vld [tilespmem:s1+$0x6830]  }
0x2d9: {  	v20 =	vld [tilespmem:s1+$0x6840]  }
0x2da: {  	v21 =	vld [tilespmem:s1+$0x6850]  }
0x2db: {  	v22 =	vld [tilespmem:s1+$0x6860]  }
0x2dc: {  	v23 =	vld [tilespmem:s1+$0x6870]  }
0x2dd: {  	s2 =	simm.s32 $0x400;
	v24 =	vld [tilespmem:s1+$0x6C00]  }
.LBB2_14:
0x2de: {  	p1 =	seq.s32 s2, $0x3E00;
	v25 =	vld [tilespmem:s1+$0x6C10]  }
0x2df: {  	v26 =	vld [tilespmem:s1+$0x6C70]  }
0x2e0: {  	v27 =	vld [tilespmem:s1+$0x6C20]  }
0x2e1: {  	v28 =	vld [tilespmem:s1+$0x6C30]  }
0x2e2: {  	v29 =	vld [tilespmem:s1+$0x6C40]  }
0x2e3: {  	s8 =	sadd.s32 $0x200, s8;
	v30 =	vld [tilespmem:s1+$0x6C50]  }
0x2e4: {  	v31 =	vld [tilespmem:s1+$0x6C60];
	[tilespmem:s8+$0xF0] =	vst v26  }
0x2e5: {  	[tilespmem:s8+$0xFFFFFF00] =	vst v0  }
0x2e6: {  	[tilespmem:s8+$0xFFFFFF10] =	vst v1  }
0x2e7: {  	[tilespmem:s8+$0xFFFFFF20] =	vst v2  }
0x2e8: {  	[tilespmem:s8+$0xFFFFFF30] =	vst v3  }
0x2e9: {  	[tilespmem:s8+$0xFFFFFF40] =	vst v4  }
0x2ea: {  	[tilespmem:s8+$0xFFFFFF50] =	vst v5  }
0x2eb: {  	[tilespmem:s8+$0xFFFFFF60] =	vst v6  }
0x2ec: {  	[tilespmem:s8+$0xFFFFFF70] =	vst v7  }
0x2ed: {  	[tilespmem:s8+$0xFFFFFF80] =	vst v8  }
0x2ee: {  	[tilespmem:s8+$0xFFFFFF90] =	vst v9  }
0x2ef: {  	[tilespmem:s8+$0xFFFFFFA0] =	vst v10  }
0x2f0: {  	[tilespmem:s8+$0xFFFFFFB0] =	vst v11  }
0x2f1: {  	[tilespmem:s8+$0xFFFFFFC0] =	vst v12  }
0x2f2: {  	[tilespmem:s8+$0xFFFFFFD0] =	vst v13  }
0x2f3: {  	[tilespmem:s8+$0xFFFFFFE0] =	vst v14  }
0x2f4: {  	[tilespmem:s8+$0xFFFFFFF0] =	vst v15  }
0x2f5: {  	[tilespmem:s8+$0x0] =	vst v16  }
0x2f6: {  	[tilespmem:s8+$0x10] =	vst v17  }
0x2f7: {  	[tilespmem:s8+$0x20] =	vst v18  }
0x2f8: {  	[tilespmem:s8+$0x30] =	vst v19  }
0x2f9: {  	[tilespmem:s8+$0x40] =	vst v20  }
0x2fa: {  	[tilespmem:s8+$0x50] =	vst v21  }
0x2fb: {  	[tilespmem:s8+$0x60] =	vst v22  }
0x2fc: {  	[tilespmem:s8+$0x70] =	vst v23  }
0x2fd: {  	[tilespmem:s8+$0x80] =	vst v24  }
0x2fe: {  	[tilespmem:s8+$0x90] =	vst v25  }
0x2ff: {  	[tilespmem:s8+$0xA0] =	vst v27  }
0x300: {  	[tilespmem:s8+$0xB0] =	vst v28  }
0x301: {  	s0 =	sadd.s32 $0x80, s0;
	[tilespmem:s8+$0xC0] =	vst v29  }
0x302: {  	s11 =	sand.u32 $0x380, s0;
	s1 =	sand.u32 $0x3000, s2;
	[tilespmem:s8+$0xD0] =	vst v30  }
0x303: {  	s1 =	sor.u32 s11, s1;
	[tilespmem:s8+$0xE0] =	vst v31  }
0x304: {  	v0 =	vld [tilespmem:s1+$0x6000]  }
0x305: {  	v1 =	vld [tilespmem:s1+$0x6010]  }
0x306: {  	v2 =	vld [tilespmem:s1+$0x6020]  }
0x307: {  	v3 =	vld [tilespmem:s1+$0x6030]  }
0x308: {  	v4 =	vld [tilespmem:s1+$0x6040]  }
0x309: {  	v5 =	vld [tilespmem:s1+$0x6050]  }
0x30a: {  	v6 =	vld [tilespmem:s1+$0x6060]  }
0x30b: {  	v7 =	vld [tilespmem:s1+$0x6070]  }
0x30c: {  	v8 =	vld [tilespmem:s1+$0x6400]  }
0x30d: {  	v9 =	vld [tilespmem:s1+$0x6410]  }
0x30e: {  	v10 =	vld [tilespmem:s1+$0x6420]  }
0x30f: {  	v11 =	vld [tilespmem:s1+$0x6430]  }
0x310: {  	v12 =	vld [tilespmem:s1+$0x6440]  }
0x311: {  	v13 =	vld [tilespmem:s1+$0x6450]  }
0x312: {  	v14 =	vld [tilespmem:s1+$0x6460]  }
0x313: {  	v15 =	vld [tilespmem:s1+$0x6470]  }
0x314: {  	v16 =	vld [tilespmem:s1+$0x6800]  }
0x315: {  	v17 =	vld [tilespmem:s1+$0x6810]  }
0x316: {  	v18 =	vld [tilespmem:s1+$0x6820]  }
0x317: {  	v19 =	vld [tilespmem:s1+$0x6830]  }
.Ltmp8:
0x318: {  	v20 =	vld [tilespmem:s1+$0x6840];
	(pc) =	sbr.rel @!p1 .LBB2_14-.Ltmp8, $4  }
0x319: {  	v21 =	vld [tilespmem:s1+$0x6850]  }
0x31a: {  	v22 =	vld [tilespmem:s1+$0x6860]  }
0x31b: {  	v23 =	vld [tilespmem:s1+$0x6870]  }
0x31c: {  	s2 =	sadd.s32 $0x200, s2;
	v24 =	vld [tilespmem:s1+$0x6C00]  }
0x31d: {  	v25 =	vld [tilespmem:s1+$0x6C10]  }
0x31e: {  	v26 =	vld [tilespmem:s1+$0x6C70]  }
0x31f: {  	v27 =	vld [tilespmem:s1+$0x6C20]  }
0x320: {  	v28 =	vld [tilespmem:s1+$0x6C30]  }
0x321: {  	v29 =	vld [tilespmem:s1+$0x6C40]  }
0x322: {  	v30 =	vld [tilespmem:s1+$0x6C50];
	s0 =	sadd.s32 $0x200, s8  }
0x323: {  	v31 =	vld [tilespmem:s1+$0x6C60];
	[tilespmem:s0+$0xFFFFFF00] =	vst v0  }
0x324: {  	[tilespmem:s0+$0xFFFFFF10] =	vst v1  }
0x325: {  	[tilespmem:s0+$0xFFFFFF20] =	vst v2  }
0x326: {  	[tilespmem:s0+$0xFFFFFF30] =	vst v3  }
0x327: {  	[tilespmem:s0+$0xFFFFFF40] =	vst v4  }
0x328: {  	[tilespmem:s0+$0xFFFFFF50] =	vst v5  }
0x329: {  	[tilespmem:s0+$0xFFFFFF60] =	vst v6  }
0x32a: {  	[tilespmem:s0+$0xFFFFFF70] =	vst v7  }
0x32b: {  	[tilespmem:s0+$0xFFFFFF80] =	vst v8  }
0x32c: {  	[tilespmem:s0+$0xFFFFFF90] =	vst v9  }
0x32d: {  	[tilespmem:s0+$0xFFFFFFA0] =	vst v10  }
0x32e: {  	[tilespmem:s0+$0xFFFFFFB0] =	vst v11  }
0x32f: {  	[tilespmem:s0+$0xFFFFFFC0] =	vst v12  }
0x330: {  	[tilespmem:s0+$0xFFFFFFD0] =	vst v13  }
0x331: {  	[tilespmem:s0+$0xFFFFFFE0] =	vst v14  }
0x332: {  	[tilespmem:s0+$0xFFFFFFF0] =	vst v15  }
0x333: {  	[tilespmem:s0+$0x0] =	vst v16  }
0x334: {  	[tilespmem:s0+$0x10] =	vst v17  }
0x335: {  	[tilespmem:s0+$0x20] =	vst v18  }
0x336: {  	[tilespmem:s0+$0x30] =	vst v19  }
0x337: {  	[tilespmem:s0+$0x40] =	vst v20  }
0x338: {  	[tilespmem:s0+$0x50] =	vst v21  }
0x339: {  	[tilespmem:s0+$0x60] =	vst v22  }
0x33a: {  	[tilespmem:s0+$0x70] =	vst v23  }
0x33b: {  	[tilespmem:s0+$0x80] =	vst v24  }
0x33c: {  	[tilespmem:s0+$0xF0] =	vst v26  }
0x33d: {  	[tilespmem:s0+$0x90] =	vst v25  }
0x33e: {  	[tilespmem:s0+$0xA0] =	vst v27  }
0x33f: {  	[tilespmem:s0+$0xB0] =	vst v28  }
0x340: {  	[tilespmem:s0+$0xC0] =	vst v29  }
0x341: {  	[tilespmem:s0+$0xD0] =	vst v30  }
0x342: {  	s18 =	simm.s32 $0xA000;
	[tilespmem:s0+$0xE0] =	vst v31  }
0x343: {  	[spmem:s14] =	stream.linear.scatter [tilespmem:s18], [sflag:$0x2], $0x4000, $0x38;
	[tilespmem:$0x1E000] =	vst v63  }
0x344: {  	_ =	swait.ge [sflag:s6], $0x4000  }
0x345: {  	[sflag:s6] =	ssyncset.done $0x0  }
0x346: {  	[sflag:s6] =	ssyncadd.s32 $0xFFFFC000  }
0x347: {  	_ =	swait.ge [sflag:s13], $0x1000  }
0x348: {  	[sflag:s13] =	ssyncset.done $0x0  }
0x349: {  	[sflag:s13] =	ssyncadd.s32 $0xFFFFF000  }
0x34a: {  	_ =	swait.ge [sflag:s13], $0x1000  }
0x34b: {  	[sflag:s13] =	ssyncset.done $0x0  }
.Ltmp9:
0x34c: {  	[sflag:s13] =	ssyncadd.s32 $0xFFFFF000;
	(pc) =	sbr.rel @p0 .LBB2_17-.Ltmp9, $4  }
0x34d: {  	[bflag:$0x0] =	sbarrier.arrive $0xFFFF  }
0x34e: {  	[tilespmem:s22], [sflag:$0x5] =	stream.indirect.gather [spmem:s3], $0x1, s5, s25, $0xb8;
	[tilespmem:$0x1E000] =	vst v63  }
0x34f: {  	_ = 	snop  }
0x350: {  	[tilespmem:s24], [sflag:$0x6] =	stream.indirect.gather [spmem:s3], $0x1, s25, s25, $0xb8;
	[tilespmem:$0x1E000] =	vst v63  }
.LBB2_16:
0x351: {  	_ =	swait.ge [sflag:s10], $0x4000  }
0x352: {  	[sflag:s10] =	ssyncset.done $0x0  }
0x353: {  	[sflag:s10] =	ssyncadd.s32 $0xFFFFC000  }
.LBB2_17:
0x354: {  	s8 =	simm.s32 $0xE100  }
0x355: {  	v27 =	vld [tilespmem:s8+$0xC0]  }
0x356: {  	v25 =	vld [tilespmem:s8+$0xB0]  }
0x357: {  	v21 =	vld [tilespmem:s8+$0xA0]  }
0x358: {  	v4 =	vld [tilespmem:s8+$0x90]  }
0x359: {  	v5 =	vld [tilespmem:s8+$0x80]  }
0x35a: {  	v6 =	vld [tilespmem:s8+$0x70]  }
0x35b: {  	v7 =	vld [tilespmem:s8+$0x60]  }
0x35c: {  	v8 =	vld [tilespmem:s8+$0x50]  }
0x35d: {  	v9 =	vld [tilespmem:s8+$0x40]  }
0x35e: {  	v10 =	vld [tilespmem:s8+$0x30]  }
0x35f: {  	v11 =	vld [tilespmem:s8+$0x20]  }
0x360: {  	v12 =	vld [tilespmem:s8+$0x10]  }
0x361: {  	v13 =	vld [tilespmem:s8+$0x0]  }
0x362: {  	v14 =	vld [tilespmem:s8+$0xFFFFFFF0]  }
0x363: {  	v15 =	vld [tilespmem:s8+$0xFFFFFFE0]  }
0x364: {  	v16 =	vld [tilespmem:s8+$0xFFFFFFD0]  }
0x365: {  	v17 =	vld [tilespmem:s8+$0xFFFFFFC0]  }
0x366: {  	v18 =	vld [tilespmem:s8+$0xFFFFFFB0]  }
0x367: {  	v19 =	vld [tilespmem:s8+$0xFFFFFFA0]  }
0x368: {  	v20 =	vld [tilespmem:s8+$0xFFFFFF90]  }
0x369: {  	v0 =	vld [tilespmem:s8+$0xFFFFFF80]  }
0x36a: {  	v22 =	vld [tilespmem:s8+$0xFFFFFF60]  }
0x36b: {  	v23 =	vld [tilespmem:s8+$0xFFFFFF50]  }
0x36c: {  	v24 =	vld [tilespmem:s8+$0xFFFFFF40]  }
0x36d: {  	v2 =	vld [tilespmem:s8+$0xFFFFFF30]  }
0x36e: {  	v1 =	vld [tilespmem:s8+$0xFFFFFF20]  }
0x36f: {  	v28 =	vld [tilespmem:s8+$0xFFFFFF70]  }
0x370: {  	s0 =	simm.s32 $0x0;
	v29 =	vld [tilespmem:s8+$0xF0]  }
0x371: {  	v30 =	vld [tilespmem:s8+$0xE0];
	s1 =	sand.u32 $0x3000, s0;
	s2 =	sand.u32 $0x380, s0  }
0x372: {  	v31 =	vld [tilespmem:s8+$0xD0];
	s18 =	sor.u32 s2, s1  }
0x373: {  	v3 =	vld [tilespmem:s8+$0xFFFFFF10];
	s11 =	sadd.s32 $0x12000, s18  }
0x374: {  	v26 =	vld [tilespmem:s8+$0xFFFFFF00];
	[tilespmem:s11+$0x70] =	vst v28  }
0x375: {  	[tilespmem:s11+$0xC70] =	vst v29  }
0x376: {  	[tilespmem:s11+$0xC60] =	vst v30  }
0x377: {  	[tilespmem:s11+$0xC50] =	vst v31  }
0x378: {  	s2 =	simm.s32 $0x200;
	[tilespmem:s11+$0xC40] =	vst v27  }
.LBB2_18:
0x379: {  	p0 =	sne.s32 s2, $0x3E00;
	[tilespmem:s11+$0xC30] =	vst v25;
	s0 =	sadd.s32 $0x80, s0;
	s8 =	sadd.s32 $0x200, s8  }
0x37a: {  	s1 =	smov.u32 s2;
	s2 =	sadd.s32 $0x200, s2;
	[tilespmem:s11+$0xC20] =	vst v21  }
0x37b: {  	[tilespmem:s11+$0xC10] =	vst v4  }
0x37c: {  	[tilespmem:s11+$0xC00] =	vst v5  }
0x37d: {  	[tilespmem:s11+$0x870] =	vst v6  }
0x37e: {  	[tilespmem:s11+$0x860] =	vst v7  }
0x37f: {  	[tilespmem:s11+$0x850] =	vst v8  }
0x380: {  	[tilespmem:s11+$0x840] =	vst v9  }
0x381: {  	[tilespmem:s11+$0x830] =	vst v10  }
0x382: {  	[tilespmem:s11+$0x820] =	vst v11  }
0x383: {  	[tilespmem:s11+$0x810] =	vst v12  }
0x384: {  	[tilespmem:s11+$0x800] =	vst v13  }
0x385: {  	[tilespmem:s11+$0x470] =	vst v14  }
0x386: {  	[tilespmem:s11+$0x460] =	vst v15  }
0x387: {  	[tilespmem:s11+$0x450] =	vst v16  }
0x388: {  	[tilespmem:s11+$0x440] =	vst v17  }
0x389: {  	[tilespmem:s11+$0x430] =	vst v18  }
0x38a: {  	[tilespmem:s11+$0x420] =	vst v19  }
0x38b: {  	[tilespmem:s11+$0x410] =	vst v20  }
0x38c: {  	[tilespmem:s11+$0x60] =	vst v22  }
0x38d: {  	[tilespmem:s11+$0x50] =	vst v23  }
0x38e: {  	[tilespmem:s11+$0x40] =	vst v24  }
0x38f: {  	[tilespmem:s18+$0x12000] =	vst v26  }
0x390: {  	[tilespmem:s11+$0x400] =	vst v0  }
0x391: {  	[tilespmem:s11+$0x30] =	vst v2  }
0x392: {  	[tilespmem:s11+$0x10] =	vst v3  }
0x393: {  	[tilespmem:s11+$0x20] =	vst v1  }
0x394: {  	v27 =	vld [tilespmem:s8+$0xC0]  }
0x395: {  	v25 =	vld [tilespmem:s8+$0xB0]  }
0x396: {  	v21 =	vld [tilespmem:s8+$0xA0]  }
0x397: {  	v4 =	vld [tilespmem:s8+$0x90]  }
0x398: {  	v5 =	vld [tilespmem:s8+$0x80]  }
0x399: {  	v6 =	vld [tilespmem:s8+$0x70]  }
0x39a: {  	v7 =	vld [tilespmem:s8+$0x60]  }
0x39b: {  	v8 =	vld [tilespmem:s8+$0x50]  }
0x39c: {  	v9 =	vld [tilespmem:s8+$0x40]  }
0x39d: {  	v10 =	vld [tilespmem:s8+$0x30]  }
0x39e: {  	v11 =	vld [tilespmem:s8+$0x20]  }
0x39f: {  	v12 =	vld [tilespmem:s8+$0x10]  }
0x3a0: {  	v13 =	vld [tilespmem:s8+$0x0]  }
0x3a1: {  	v14 =	vld [tilespmem:s8+$0xFFFFFFF0]  }
0x3a2: {  	v15 =	vld [tilespmem:s8+$0xFFFFFFE0]  }
0x3a3: {  	v16 =	vld [tilespmem:s8+$0xFFFFFFD0]  }
0x3a4: {  	v17 =	vld [tilespmem:s8+$0xFFFFFFC0]  }
0x3a5: {  	v18 =	vld [tilespmem:s8+$0xFFFFFFB0]  }
0x3a6: {  	v19 =	vld [tilespmem:s8+$0xFFFFFFA0]  }
0x3a7: {  	v20 =	vld [tilespmem:s8+$0xFFFFFF90]  }
0x3a8: {  	v0 =	vld [tilespmem:s8+$0xFFFFFF80]  }
0x3a9: {  	v22 =	vld [tilespmem:s8+$0xFFFFFF60]  }
0x3aa: {  	v23 =	vld [tilespmem:s8+$0xFFFFFF50]  }
0x3ab: {  	v24 =	vld [tilespmem:s8+$0xFFFFFF40]  }
0x3ac: {  	v2 =	vld [tilespmem:s8+$0xFFFFFF30]  }
0x3ad: {  	v1 =	vld [tilespmem:s8+$0xFFFFFF20]  }
0x3ae: {  	v3 =	vld [tilespmem:s8+$0xFFFFFF10]  }
0x3af: {  	v28 =	vld [tilespmem:s8+$0xFFFFFF70]  }
0x3b0: {  	v29 =	vld [tilespmem:s8+$0xF0]  }
0x3b1: {  	s1 =	sand.u32 $0x3000, s1;
	s11 =	sand.u32 $0x380, s0;
	v30 =	vld [tilespmem:s8+$0xE0]  }
0x3b2: {  	s18 =	sor.u32 s11, s1;
	v31 =	vld [tilespmem:s8+$0xD0]  }
0x3b3: {  	s11 =	sadd.s32 $0x12000, s18;
	v26 =	vld [tilespmem:s8+$0xFFFFFF00]  }
.Ltmp10:
0x3b4: {  	[tilespmem:s11+$0x70] =	vst v28;
	(pc) =	sbr.rel @p0 .LBB2_18-.Ltmp10, $4  }
0x3b5: {  	[tilespmem:s11+$0xC70] =	vst v29  }
0x3b6: {  	[tilespmem:s11+$0xC60] =	vst v30  }
0x3b7: {  	[tilespmem:s11+$0xC50] =	vst v31  }
0x3b8: {  	[tilespmem:s11+$0xC40] =	vst v27  }
0x3b9: {  	[tilespmem:s11+$0xC30] =	vst v25  }
0x3ba: {  	[tilespmem:s11+$0xC20] =	vst v21  }
0x3bb: {  	[tilespmem:s11+$0xC10] =	vst v4  }
0x3bc: {  	[tilespmem:s11+$0xC00] =	vst v5  }
0x3bd: {  	[tilespmem:s11+$0x870] =	vst v6  }
0x3be: {  	[tilespmem:s11+$0x860] =	vst v7  }
0x3bf: {  	[tilespmem:s11+$0x850] =	vst v8  }
0x3c0: {  	[tilespmem:s11+$0x840] =	vst v9  }
0x3c1: {  	[tilespmem:s11+$0x830] =	vst v10  }
0x3c2: {  	[tilespmem:s11+$0x820] =	vst v11  }
0x3c3: {  	[tilespmem:s11+$0x810] =	vst v12  }
0x3c4: {  	[tilespmem:s11+$0x800] =	vst v13  }
0x3c5: {  	[tilespmem:s11+$0x470] =	vst v14  }
0x3c6: {  	[tilespmem:s11+$0x460] =	vst v15  }
0x3c7: {  	[tilespmem:s11+$0x450] =	vst v16  }
0x3c8: {  	[tilespmem:s11+$0x440] =	vst v17  }
0x3c9: {  	[tilespmem:s11+$0x430] =	vst v18  }
0x3ca: {  	[tilespmem:s11+$0x420] =	vst v19  }
0x3cb: {  	[tilespmem:s11+$0x410] =	vst v20  }
0x3cc: {  	[tilespmem:s11+$0x60] =	vst v22  }
0x3cd: {  	[tilespmem:s11+$0x50] =	vst v23  }
0x3ce: {  	[tilespmem:s11+$0x40] =	vst v24  }
0x3cf: {  	[tilespmem:s18+$0x12000] =	vst v26  }
0x3d0: {  	[tilespmem:s11+$0x400] =	vst v0;
	s12 =	sadd.s32 $0x1, s12  }
0x3d1: {  	s0 =	sadd.s32 s16, s21;
	[tilespmem:s11+$0x30] =	vst v2;
	p0 =	sne.s32 s12, $0x60  }
.Ltmp11:
0x3d2: {  	s1 =	rddreg [dreg:$0x2];
	[tilespmem:s11+$0x10] =	vst v3;
	s0 =	sshrl.u32 s0, $0x3;
	(pc) =	sbr.rel @p0 .LBB2_4-.Ltmp11, $4  }
0x3d3: {  	s21 =	simm.s32 $0x12000;
	[tilespmem:s11+$0x20] =	vst v1;
	s0 =	sadd.s32 s1, s0  }
0x3d4: {  	[hbm4b:s0+s5] =	stream.linear.scatter [tilespmem:s21], [sflag:$0x4], $0x4000, $0x38;
	[tilespmem:$0x1E000] =	vst v63  }
0x3d5: {  	_ = 	snop  }
0x3d6: {  	[tilespmem:s19], [sflag:$0x3] =	stream.linear.gather [spmem:s17], $0x4000, $0x38;
	[tilespmem:$0x1E000] =	vst v63  }
0x3d7: {  	_ =	swait.ge [sflag:s20], $0x4000  }
0x3d8: {  	[sflag:s20] =	ssyncset.done $0x0  }
0x3d9: {  	[sflag:s20] =	ssyncadd.s32 $0xFFFFC000  }
0x3da: {  	_ =	swait.ge [sflag:s10], $0x4000  }
0x3db: {  	[sflag:s10] =	ssyncset.done $0x0  }
0x3dc: {  	s8 =	simm.s32 $0xE100;
	[sflag:s10] =	ssyncadd.s32 $0xFFFFC000  }
0x3dd: {  	v27 =	vld [tilespmem:s8+$0xC0]  }
0x3de: {  	v25 =	vld [tilespmem:s8+$0xB0]  }
0x3df: {  	v21 =	vld [tilespmem:s8+$0xA0]  }
0x3e0: {  	v3 =	vld [tilespmem:s8+$0x90]  }
0x3e1: {  	v4 =	vld [tilespmem:s8+$0x80]  }
0x3e2: {  	v5 =	vld [tilespmem:s8+$0x70]  }
0x3e3: {  	v6 =	vld [tilespmem:s8+$0x60]  }
0x3e4: {  	v7 =	vld [tilespmem:s8+$0x50]  }
0x3e5: {  	v8 =	vld [tilespmem:s8+$0x40]  }
0x3e6: {  	v9 =	vld [tilespmem:s8+$0x30]  }
0x3e7: {  	v10 =	vld [tilespmem:s8+$0x20]  }
0x3e8: {  	v11 =	vld [tilespmem:s8+$0x10]  }
0x3e9: {  	v12 =	vld [tilespmem:s8+$0x0]  }
0x3ea: {  	v13 =	vld [tilespmem:s8+$0xFFFFFFF0]  }
0x3eb: {  	v14 =	vld [tilespmem:s8+$0xFFFFFFE0]  }
0x3ec: {  	v15 =	vld [tilespmem:s8+$0xFFFFFFD0]  }
0x3ed: {  	v16 =	vld [tilespmem:s8+$0xFFFFFFC0]  }
0x3ee: {  	v17 =	vld [tilespmem:s8+$0xFFFFFFB0]  }
0x3ef: {  	v18 =	vld [tilespmem:s8+$0xFFFFFFA0]  }
0x3f0: {  	v19 =	vld [tilespmem:s8+$0xFFFFFF90]  }
0x3f1: {  	v0 =	vld [tilespmem:s8+$0xFFFFFF80]  }
0x3f2: {  	v22 =	vld [tilespmem:s8+$0xFFFFFF60]  }
0x3f3: {  	v23 =	vld [tilespmem:s8+$0xFFFFFF50]  }
0x3f4: {  	v24 =	vld [tilespmem:s8+$0xFFFFFF40]  }
0x3f5: {  	v2 =	vld [tilespmem:s8+$0xFFFFFF30]  }
0x3f6: {  	v1 =	vld [tilespmem:s8+$0xFFFFFF20]  }
0x3f7: {  	v28 =	vld [tilespmem:s8+$0xFFFFFF70]  }
0x3f8: {  	s0 =	simm.s32 $0x0;
	v29 =	vld [tilespmem:s8+$0xF0]  }
0x3f9: {  	s1 =	sand.u32 $0x3000, s0;
	s2 =	sand.u32 $0x380, s0;
	v30 =	vld [tilespmem:s8+$0xE0]  }
0x3fa: {  	s11 =	sor.u32 s2, s1;
	v31 =	vld [tilespmem:s8+$0xD0]  }
0x3fb: {  	s9 =	sadd.s32 $0x12000, s11;
	v20 =	vld [tilespmem:s8+$0xFFFFFF10]  }
0x3fc: {  	v26 =	vld [tilespmem:s8+$0xFFFFFF00];
	[tilespmem:s9+$0x70] =	vst v28  }
0x3fd: {  	[tilespmem:s9+$0xC70] =	vst v29  }
0x3fe: {  	[tilespmem:s9+$0xC60] =	vst v30  }
0x3ff: {  	[tilespmem:s9+$0xC50] =	vst v31  }
0x400: {  	s2 =	simm.s32 $0x200;
	[tilespmem:s9+$0xC40] =	vst v27  }
.LBB2_21:
0x401: {  	p0 =	sne.s32 s2, $0x3E00;
	[tilespmem:s9+$0xC30] =	vst v25;
	s0 =	sadd.s32 $0x80, s0;
	s8 =	sadd.s32 $0x200, s8  }
0x402: {  	s1 =	smov.u32 s2;
	s2 =	sadd.s32 $0x200, s2;
	[tilespmem:s9+$0xC20] =	vst v21  }
0x403: {  	[tilespmem:s9+$0xC10] =	vst v3  }
0x404: {  	[tilespmem:s9+$0xC00] =	vst v4  }
0x405: {  	[tilespmem:s9+$0x870] =	vst v5  }
0x406: {  	[tilespmem:s9+$0x860] =	vst v6  }
0x407: {  	[tilespmem:s9+$0x850] =	vst v7  }
0x408: {  	[tilespmem:s9+$0x840] =	vst v8  }
0x409: {  	[tilespmem:s9+$0x830] =	vst v9  }
0x40a: {  	[tilespmem:s9+$0x820] =	vst v10  }
0x40b: {  	[tilespmem:s9+$0x810] =	vst v11  }
0x40c: {  	[tilespmem:s9+$0x800] =	vst v12  }
0x40d: {  	[tilespmem:s9+$0x470] =	vst v13  }
0x40e: {  	[tilespmem:s9+$0x460] =	vst v14  }
0x40f: {  	[tilespmem:s9+$0x450] =	vst v15  }
0x410: {  	[tilespmem:s9+$0x440] =	vst v16  }
0x411: {  	[tilespmem:s9+$0x430] =	vst v17  }
0x412: {  	[tilespmem:s9+$0x420] =	vst v18  }
0x413: {  	[tilespmem:s9+$0x410] =	vst v19  }
0x414: {  	[tilespmem:s9+$0x60] =	vst v22  }
0x415: {  	[tilespmem:s9+$0x50] =	vst v23  }
0x416: {  	[tilespmem:s9+$0x40] =	vst v24  }
0x417: {  	[tilespmem:s11+$0x12000] =	vst v26  }
0x418: {  	[tilespmem:s9+$0x400] =	vst v0  }
0x419: {  	[tilespmem:s9+$0x30] =	vst v2  }
0x41a: {  	[tilespmem:s9+$0x10] =	vst v20  }
0x41b: {  	[tilespmem:s9+$0x20] =	vst v1  }
0x41c: {  	v27 =	vld [tilespmem:s8+$0xC0]  }
0x41d: {  	v25 =	vld [tilespmem:s8+$0xB0]  }
0x41e: {  	v21 =	vld [tilespmem:s8+$0xA0]  }
0x41f: {  	v3 =	vld [tilespmem:s8+$0x90]  }
0x420: {  	v4 =	vld [tilespmem:s8+$0x80]  }
0x421: {  	v5 =	vld [tilespmem:s8+$0x70]  }
0x422: {  	v6 =	vld [tilespmem:s8+$0x60]  }
0x423: {  	v7 =	vld [tilespmem:s8+$0x50]  }
0x424: {  	v8 =	vld [tilespmem:s8+$0x40]  }
0x425: {  	v9 =	vld [tilespmem:s8+$0x30]  }
0x426: {  	v10 =	vld [tilespmem:s8+$0x20]  }
0x427: {  	v11 =	vld [tilespmem:s8+$0x10]  }
0x428: {  	v12 =	vld [tilespmem:s8+$0x0]  }
0x429: {  	v13 =	vld [tilespmem:s8+$0xFFFFFFF0]  }
0x42a: {  	v14 =	vld [tilespmem:s8+$0xFFFFFFE0]  }
0x42b: {  	v15 =	vld [tilespmem:s8+$0xFFFFFFD0]  }
0x42c: {  	v16 =	vld [tilespmem:s8+$0xFFFFFFC0]  }
0x42d: {  	v17 =	vld [tilespmem:s8+$0xFFFFFFB0]  }
0x42e: {  	v18 =	vld [tilespmem:s8+$0xFFFFFFA0]  }
0x42f: {  	v19 =	vld [tilespmem:s8+$0xFFFFFF90]  }
0x430: {  	v0 =	vld [tilespmem:s8+$0xFFFFFF80]  }
0x431: {  	v22 =	vld [tilespmem:s8+$0xFFFFFF60]  }
0x432: {  	v23 =	vld [tilespmem:s8+$0xFFFFFF50]  }
0x433: {  	v24 =	vld [tilespmem:s8+$0xFFFFFF40]  }
0x434: {  	v2 =	vld [tilespmem:s8+$0xFFFFFF30]  }
0x435: {  	v1 =	vld [tilespmem:s8+$0xFFFFFF20]  }
0x436: {  	v20 =	vld [tilespmem:s8+$0xFFFFFF10]  }
0x437: {  	v28 =	vld [tilespmem:s8+$0xFFFFFF70]  }
0x438: {  	v29 =	vld [tilespmem:s8+$0xF0]  }
0x439: {  	s1 =	sand.u32 $0x3000, s1;
	s9 =	sand.u32 $0x380, s0;
	v30 =	vld [tilespmem:s8+$0xE0]  }
0x43a: {  	s11 =	sor.u32 s9, s1;
	v31 =	vld [tilespmem:s8+$0xD0]  }
0x43b: {  	s9 =	sadd.s32 $0x12000, s11;
	v26 =	vld [tilespmem:s8+$0xFFFFFF00]  }
.Ltmp12:
0x43c: {  	[tilespmem:s9+$0x70] =	vst v28;
	(pc) =	sbr.rel @p0 .LBB2_21-.Ltmp12, $4  }
0x43d: {  	[tilespmem:s9+$0xC70] =	vst v29  }
0x43e: {  	[tilespmem:s9+$0xC60] =	vst v30  }
0x43f: {  	[tilespmem:s9+$0xC50] =	vst v31  }
0x440: {  	[tilespmem:s9+$0xC40] =	vst v27  }
0x441: {  	[tilespmem:s9+$0xC30] =	vst v25  }
0x442: {  	[tilespmem:s9+$0xC20] =	vst v21  }
0x443: {  	[tilespmem:s9+$0xC10] =	vst v3  }
0x444: {  	[tilespmem:s9+$0xC00] =	vst v4  }
0x445: {  	[tilespmem:s9+$0x870] =	vst v5  }
0x446: {  	[tilespmem:s9+$0x860] =	vst v6  }
0x447: {  	[tilespmem:s9+$0x850] =	vst v7  }
0x448: {  	[tilespmem:s9+$0x840] =	vst v8  }
0x449: {  	[tilespmem:s9+$0x830] =	vst v9  }
0x44a: {  	[tilespmem:s9+$0x820] =	vst v10  }
0x44b: {  	[tilespmem:s9+$0x810] =	vst v11  }
0x44c: {  	[tilespmem:s9+$0x800] =	vst v12  }
0x44d: {  	[tilespmem:s9+$0x470] =	vst v13  }
0x44e: {  	[tilespmem:s9+$0x460] =	vst v14  }
0x44f: {  	[tilespmem:s9+$0x450] =	vst v15  }
0x450: {  	[tilespmem:s9+$0x440] =	vst v16  }
0x451: {  	[tilespmem:s9+$0x430] =	vst v17  }
0x452: {  	[tilespmem:s9+$0x420] =	vst v18  }
0x453: {  	[tilespmem:s9+$0x410] =	vst v19  }
0x454: {  	[tilespmem:s9+$0x60] =	vst v22  }
0x455: {  	[tilespmem:s9+$0x50] =	vst v23  }
0x456: {  	[tilespmem:s9+$0x40] =	vst v24  }
0x457: {  	[tilespmem:s11+$0x12000] =	vst v26  }
0x458: {  	[tilespmem:s9+$0x400] =	vst v0  }
0x459: {  	[tilespmem:s9+$0x30] =	vst v2  }
0x45a: {  	[tilespmem:s9+$0x10] =	vst v20  }
0x45b: {  	s0 =	rddreg [dreg:$0xe];
	s1 =	simm.s32 $0x12000;
	[tilespmem:s9+$0x20] =	vst v1  }
0x45c: {  	[hbm4b:s0+s5] =	stream.linear.scatter [tilespmem:s1], [sflag:$0x4], $0x4000, $0x38;
	[tilespmem:$0x1E000] =	vst v63  }
0x45d: {  	_ =	swait.ge [sflag:s10], $0x4000  }
0x45e: {  	s18 =	rddreg [dreg:$0x10]  }
0x45f: {  	s21 =	rddreg [dreg:$0xf];
	s1 =	sadd.s32 $0x1, s18  }
0x460: {  	p0 =	sne.s32 s1, s21  }
.Ltmp13:
0x461: {  	_ = 	snop;
	(pc) =	sbr.rel @p0 .LBB2_1-.Ltmp13, $3  }
0x462: {  	_ =	sdelay $0x1  }
0x463: {  	[sflag:s10] =	ssyncset.done $0x0  }
0x464: {  	[sflag:s10] =	ssyncadd.s32 $0xFFFFC000  }
0x465: {  	_ =	sfence.sel $0x180000  }
0x466: {  	[bflag:$0x0] =	sbarrier.arrive $0xFFFF  }
0x467: {  	_ =	strace $0x90000047  }
0x468: {  	s0 =	stileid.u32;
	[bflag:$0x2] =	sbarrier.arrive $0xFFFF  }
0x469: {  	p0 =	sne.s32 s0, $0x0;
	s0 =	rddreg [dreg:$0x5]  }
0x46a: {  	s0 =	sadd.s32 @!p0 $0x100000, s0  }
0x46b: {  	[sflag:s0] =	ssyncadd.tile.s32 @!p0 $0x1;
	_ =	shalt  }
.Lfunc_end2:
_tile_overlayer_lowered:
.L_overlay_start_2:
0x46c: {  	(tag) =	ssettag $0x2  }
0x46d: {  	s0 =	rddreg [dreg:$0x0];
	s2 =	stileid.u32  }
0x46e: {  	s1 =	rddreg [dreg:$0x1];
	p0 =	sne.s32 s2, $0x0  }
0x46f: {  	s3 =	rddreg [dreg:$0x2];
	[bflag:$0x3] =	sbarrier.arrive $0xFFFF;
	s2 =	simm.s32 @!p0 $0x1C08  }
0x470: {  	[timem:s3], [sflag:s2] =	dma.local @!p0 [hbm:s0], s1  }
0x471: {  	s0 =	simm.s32 @!p0 $0x8  }
0x472: {  	_ =	swait.ge @!p0 [sflag:s0], s1  }
0x473: {  	s1 =	ssub.s32 @!p0 $0x0, s1;
	[sflag:s0] =	ssyncset.done @!p0 $0x0  }
0x474: {  	[sflag:s0] =	ssyncadd.s32 @!p0 s1  }
0x475: {  	[bflag:$0x3] =	sbarrier.arrive $0xFFFF  }
0x476: {  	_ =	shalt  }

</sc_bundles>
